<compile_context>
chip_gen: v7x
topology: tpu7x:2x2x1
jax: 0.10.2.dev20260603
libtpu: 0.0.44.dev20260713+nightly
codegen_flags: <defaults>
</compile_context>

<pallas_src>
import jax
import jax.numpy as jnp
from jax import lax
from jax.experimental import pallas as pl
from jax.experimental.pallas import tpu as pltpu
from jax.experimental.pallas import tpu_sc as plsc

NC = 2
NS = 16
NW = NC * NS
LANES = 16
CHUNK = 128
NBUF = 8
NRING = 2 * NBUF
SWIN = 16


def _sc_edge_pass(n_pad, d, k_chunks, with_gather):
    mesh = plsc.VectorSubcoreMesh(core_axis_name="c", subcore_axis_name="s")
    rps = n_pad // NS
    prow = rps * d // 128

    def body(*refs):
        if with_gather:
            (hs_hbm, ei_hbm, out_hbm, src_v, dst_v, rows_v, acc, tbl,
             pk16, pk128, ld_sem, ld_sem2, ld_sem3), gsems = refs[:13], refs[13:]
        else:
            (ei_hbm, out_hbm, dst_v, rows_v, acc,
             pk16, pk128, ld_sem, sem) = refs
        c = lax.axis_index("c")
        s = lax.axis_index("s")
        wid = s * NC + c
        zbuf = rows_v.at[0] if with_gather else rows_v

        pltpu.async_copy(ei_hbm.at[1, pl.ds(wid * k_chunks, k_chunks)],
                         dst_v, ld_sem)
        if with_gather:
            pltpu.async_copy(ei_hbm.at[0, pl.ds(wid * k_chunks, k_chunks)],
                             src_v, ld_sem2)
            pltpu.async_copy(hs_hbm.at[pl.ds(s * prow, prow)], pk128,
                             ld_sem3)

        @pl.loop(0, CHUNK)
        def _(i):
            for j in range(d // LANES):
                zbuf.at[i, pl.ds(j * LANES, LANES)][...] = jnp.zeros(
                    (LANES,), jnp.float32)

        @pl.loop(0, rps // CHUNK)
        def _(t):
            pltpu.sync_copy(zbuf, acc.at[pl.ds(s * rps + t * CHUNK, CHUNK)])

        if not with_gather:
            @pl.loop(0, CHUNK)
            def _(i):
                for j in range(d // LANES):
                    rows_v.at[i, pl.ds(j * LANES, LANES)][...] = jnp.full(
                        (LANES,), 1.0, jnp.float32)

        pltpu.make_async_copy(
            ei_hbm.at[1, pl.ds(wid * k_chunks, k_chunks)], dst_v,
            ld_sem).wait()
        if with_gather:
            pltpu.make_async_copy(
                ei_hbm.at[0, pl.ds(wid * k_chunks, k_chunks)], src_v,
                ld_sem2).wait()
            pltpu.make_async_copy(
                hs_hbm.at[pl.ds(s * prow, prow)], pk128, ld_sem3).wait()

            @pl.loop(0, prow)
            def _(r):
                for cc in range(128 // LANES):
                    pk16.at[r * (128 // LANES) + cc][...] = (
                        pk128.at[r, pl.ds(cc * LANES, LANES)][...])

            pltpu.sync_copy(pk16, tbl.at[pl.ds(s * rps, rps)])
        plsc.subcore_barrier()

        if with_gather:
            for b in range(NBUF):
                pltpu.async_copy(tbl.at[src_v.at[b]], rows_v.at[b], gsems[b])

            @pl.loop(0, k_chunks, step=NBUF)
            def _(k):
                for b in range(NBUF):
                    pltpu.make_async_copy(
                        tbl.at[src_v.at[b]], rows_v.at[b], gsems[b]).wait()
                    pltpu.sync_copy(rows_v.at[b], acc.at[dst_v.at[k + b]],
                                    add=True)
                    nxt = k + b + NBUF

                    @pl.when(nxt < k_chunks)
                    def _():
                        pltpu.async_copy(
                            tbl.at[src_v.at[nxt]], rows_v.at[b], gsems[b])
        else:
            @pl.loop(0, k_chunks)
            def _(k):
                pltpu.async_copy(rows_v, acc.at[dst_v.at[k]], sem, add=True)

                @pl.when(k >= SWIN)
                def _():
                    pltpu.make_async_copy(
                        rows_v, acc.at[dst_v.at[k]], sem).wait()

            @pl.loop(0, SWIN)
            def _(k):
                pltpu.make_async_copy(rows_v, acc.at[dst_v.at[0]], sem).wait()

        plsc.subcore_barrier()
        pltpu.sync_copy(acc.at[pl.ds(s * rps, rps)], pk16)

        @pl.loop(0, prow)
        def _(r):
            for cc in range(128 // LANES):
                pk128.at[r, pl.ds(cc * LANES, LANES)][...] = (
                    pk16.at[r * (128 // LANES) + cc][...])

        pltpu.sync_copy(pk128, out_hbm.at[c, pl.ds(s * prow, prow)])

    if with_gather:
        scratch = [
            pltpu.VMEM((k_chunks, CHUNK), jnp.int32),
            pltpu.VMEM((k_chunks, CHUNK), jnp.int32),
            pltpu.VMEM((NBUF, CHUNK, d), jnp.float32),
            pltpu.VMEM_SHARED((n_pad, d), jnp.float32),
            pltpu.VMEM_SHARED((n_pad, d), jnp.float32),
            pltpu.VMEM((n_pad // NS, d), jnp.float32),
            pltpu.VMEM((n_pad * d // 128 // NS, 128), jnp.float32),
            pltpu.SemaphoreType.DMA,
            pltpu.SemaphoreType.DMA,
            pltpu.SemaphoreType.DMA,
        ] + [pltpu.SemaphoreType.DMA] * NBUF
    else:
        scratch = [
            pltpu.VMEM((k_chunks, CHUNK), jnp.int32),
            pltpu.VMEM((CHUNK, d), jnp.float32),
            pltpu.VMEM_SHARED((n_pad, d), jnp.float32),
            pltpu.VMEM((n_pad // NS, d), jnp.float32),
            pltpu.VMEM((n_pad * d // 128 // NS, 128), jnp.float32),
            pltpu.SemaphoreType.DMA,
            pltpu.SemaphoreType.DMA,
        ]

    return pl.kernel(
        body,
        out_type=jax.ShapeDtypeStruct((NC, n_pad * d // 128, 128),
                                       jnp.float32),
        mesh=mesh,
        scratch_types=scratch,
        compiler_params=pltpu.CompilerParams(use_tc_tiling_on_sc=False),
    )


def _tc_matmul_packed(xr, wbd, prows):
    nr = xr.shape[0]

    def mm(x_ref, w_ref, o_ref):
        h1p = jnp.dot(x_ref[...], w_ref[...],
                      preferred_element_type=jnp.float32)
        o_ref[...] = jnp.pad(h1p, ((0, prows - nr), (0, 0)))

    out = jax.ShapeDtypeStruct((prows, 128), jnp.float32)
    return pl.pallas_call(mm, out_shape=out)(xr, wbd)


def _tc_final(pre, w2, b2):
    n = pre.shape[0]
    d_out = w2.shape[1]

    def body(pre_ref, w2_ref, b2_ref, o_ref):
        z = jnp.dot(pre_ref[...], w2_ref[...],
                    preferred_element_type=jnp.float32) + b2_ref[...][None, :]
        m = jnp.max(z, axis=1, keepdims=True)
        zm = z - m
        lse = jnp.log(jnp.sum(jnp.exp(zm), axis=1, keepdims=True))
        o_ref[...] = zm - lse

    out = jax.ShapeDtypeStruct((n, d_out), jnp.float32)
    return pl.pallas_call(body, out_shape=out)(pre, w2, b2)


def kernel(x, edge_index, W1, b1, W2, b2):
    n, d_in = x.shape
    d_hid = W1.shape[1]
    e = edge_index.shape[1]

    n_pad = -(-(n + 1) // (NS * CHUNK)) * (NS * CHUNK)
    kc = -(-e // (NW * CHUNK))
    k_chunks = -(-kc // NRING) * NRING
    e_pad = k_chunks * NW * CHUNK

    ei = jnp.pad(edge_index, ((0, 0), (0, e_pad - e)), constant_values=n)
    ei = ei.reshape(2, NW * k_chunks, CHUNK)

    degp = _sc_edge_pass(n_pad, LANES, k_chunks, with_gather=False)(ei)
    xr = x.reshape(n // 8, 8 * d_in)
    w1bd = jnp.kron(jnp.eye(8, dtype=W1.dtype), W1)
    h1p = _tc_matmul_packed(xr, w1bd, n_pad * d_hid // 128)

    dis16 = lax.rsqrt(degp[0] + degp[1] + 1.0)
    h1s = h1p * dis16
    b1t = jnp.tile(b1, 128 // d_hid)[None, :]

    p1 = _sc_edge_pass(n_pad, d_hid, k_chunks, with_gather=True)(h1s, ei)
    g = jnp.maximum((p1[0] + p1[1] + h1s) * dis16 + b1t, 0.0) * dis16
    p2 = _sc_edge_pass(n_pad, d_hid, k_chunks, with_gather=True)(g, ei)
    prep = (p2[0] + p2[1] + g) * dis16
    pre = prep.reshape(n_pad, d_hid)[:n]
    return _tc_final(pre, W2, b2)

# --- scband reference (transcript-rebuilt; emitter-appended) ---
"""Pipeline reference for scband-gcn-1838246003236 (READ-ONLY COPY).

The authoritative reference and input builder live on the scoring server;
editing this copy changes nothing except your own understanding.
"""

import jax, jax.numpy as jnp
import numpy as np

N = 10000
E = 320000
D_IN = 128
D_HID = 16
D_OUT = 40


def _gcn_conv(x, edge_index, W, b, n):
    # PyG GCNConv: add self-loops, symmetric degree normalization, linear transform, scatter-add aggregate
    src = edge_index[0]
    dst = edge_index[1]
    loop = jnp.arange(n, dtype=src.dtype)
    src = jnp.concatenate([src, loop])
    dst = jnp.concatenate([dst, loop])
    deg = jnp.zeros((n,), dtype=x.dtype).at[dst].add(1.0)
    deg_inv_sqrt = jnp.where(deg > 0, jax.lax.rsqrt(jnp.maximum(deg, 1e-12)), 0.0)
    norm = deg_inv_sqrt[src] * deg_inv_sqrt[dst]
    h = x @ W
    msg = jnp.take(h, src, axis=0) * norm[:, None]
    out = jnp.zeros((n, h.shape[1]), dtype=h.dtype).at[dst].add(msg)
    return out + b


def setup_inputs(seed: int = 0):
    key = jax.random.key(seed)
    ks = jax.random.split(key, 6)
    x = jax.random.normal(ks[0], (N, D_IN), dtype=jnp.float32)
    edge_index = jax.random.randint(ks[1], (2, E), 0, N, dtype=jnp.int32)
    W1 = jax.random.normal(ks[2], (D_IN, D_HID), dtype=jnp.float32) * (1.0 / np.sqrt(D_IN))
    b1 = jnp.zeros((D_HID,), dtype=jnp.float32)
    W2 = jax.random.normal(ks[3], (D_HID, D_OUT), dtype=jnp.float32) * (1.0 / np.sqrt(D_HID))
    b2 = jnp.zeros((D_OUT,), dtype=jnp.float32)
    return {"x": x, "edge_index": edge_index, "W1": W1, "b1": b1, "W2": W2, "b2": b2}


def reference(x, edge_index, W1, b1, W2, b2):
    n = x.shape[0]
    h = _gcn_conv(x, edge_index, W1, b1, n)
    h = jax.nn.relu(h)
    # dropout is identity in eval mode (training=False)
    out = _gcn_conv(h, edge_index, W2, b2, n)
    return jax.nn.log_softmax(out, axis=1)

if __name__ == "__main__":
    import jax
    _d = setup_inputs()
    print(jax.jit(kernel)(*tuple(_d.values())))

</pallas_src>

<mosaic_0001>
#map = affine_map<(d0, d1) -> (0, 0, 0)>
module attributes {stable_mosaic.version = 14 : i64} {
  func.func @body(%arg0: i32, %arg1: i32, %arg2: memref<2x2560x128xi32, #tpu.memory_space<hbm>>, %arg3: memref<2x1280x128xf32, #tpu.memory_space<hbm>>, %arg4: memref<80x128xi32, #tpu.memory_space<vmem>>, %arg5: memref<128x16xf32, #tpu.memory_space<vmem>>, %arg6: memref<10240x16xf32, #tpu.memory_space<vmem_shared>>, %arg7: memref<640x16xf32, #tpu.memory_space<vmem>>, %arg8: memref<80x128xf32, #tpu.memory_space<vmem>>, %arg9: memref<!tpu.dma_semaphore, #tpu.memory_space<semaphore_mem>>, %arg10: memref<!tpu.dma_semaphore, #tpu.memory_space<semaphore_mem>>) attributes {dimension_semantics = [#tpu.dimension_semantics<core_parallel>, #tpu.dimension_semantics<subcore_parallel>], iteration_bounds = array<i64: 2, 16>, scalar_prefetch = 0 : i64, scratch_operands = 7 : i64, tpu.core_type = #tpu.core_type<sc_vector_subcore>, window_params = [{transform_indices = #map}, {transform_indices = #map}]} {
    %mul3A = arith.constant 2 : i32
    %mul3A_0 = arith.muli %arg1, %mul3A : i32
    %add3A = arith.addi %mul3A_0, %arg0 : i32
    %mul3A_1 = arith.constant 80 : i32
    %mul3A_2 = arith.muli %add3A, %mul3A_1 : i32
    %dma_start3A = arith.constant 1 : i32
    %dma_start3A_3 = arith.constant 0 : i32
    %dma_start3A_4 = tpu.memref_slice %arg2[%dma_start3A, %mul3A_2, %dma_start3A_3] : memref<2x2560x128xi32, #tpu.memory_space<hbm>> -> memref<1x80x128xi32, #tpu.memory_space<hbm>>
    %dma_start3A_5 = tpu.memref_squeeze %dma_start3A_4 : memref<1x80x128xi32, #tpu.memory_space<hbm>> -> memref<80x128xi32, #tpu.memory_space<hbm>>
    %dma_start3A_6 = arith.constant 0 : i32
    %dma_start3A_7 = tpu.memref_slice %arg2[%dma_start3A, %mul3A_2, %dma_start3A_6] : memref<2x2560x128xi32, #tpu.memory_space<hbm>> -> memref<1x80x128xi32, #tpu.memory_space<hbm>>
    %dma_start3A_8 = tpu.memref_squeeze %dma_start3A_7 : memref<1x80x128xi32, #tpu.memory_space<hbm>> -> memref<80x128xi32, #tpu.memory_space<hbm>>
    tpu.enqueue_dma source(%dma_start3A_8 : memref<80x128xi32, #tpu.memory_space<hbm>>) target(%arg4 : memref<80x128xi32, #tpu.memory_space<vmem>>) target_semaphore(%arg9 : memref<!tpu.dma_semaphore, #tpu.memory_space<semaphore_mem>>)
    %scan3A = arith.constant 0 : i32
    %scan3A_9 = arith.constant 128 : i32
    %scan3A_10 = arith.addi %scan3A, %scan3A_9 : i32
    %scan3A_11 = arith.constant 1 : i32
    scf.for %scan3A_51 = %scan3A to %scan3A_10 step %scan3A_11  : i32 {
      %mul3A_52 = arith.constant 1 : i32
      %mul3A_53 = arith.muli %scan3A_51, %mul3A_52 : i32
      %add3A_54 = arith.constant 0 : i32
      %add3A_55 = arith.addi %add3A_54, %mul3A_53 : i32
      %broadcast_in_dim3A = arith.constant 0.000000e+00 : f32
      %broadcast_in_dim3A_56 = vector.broadcast %broadcast_in_dim3A : f32 to vector<16xf32>
      %swap3A = arith.index_cast %add3A_55 : i32 to index
      %swap3A_57 = arith.constant 0 : index
      %swap3A_58 = tpu.vector_load %arg5[%swap3A, %swap3A_57] {strides = array<i32>} : memref<128x16xf32, #tpu.memory_space<vmem>>, vector<1x16xf32>,
      %swap3A_59 = vector.shape_cast %swap3A_58 : vector<1x16xf32> to vector<16xf32>
      %swap3A_60 = vector.shape_cast %broadcast_in_dim3A_56 : vector<16xf32> to vector<1x16xf32>
      tpu.vector_store %arg5[%swap3A, %swap3A_57], %swap3A_60 {strides = array<i32>} : memref<128x16xf32, #tpu.memory_space<vmem>>, vector<1x16xf32>,
    }
    %scan3A_12 = arith.constant 128 : i32
    %scan3A_13 = arith.constant 0 : i32
    %scan3A_14 = arith.constant 5 : i32
    %scan3A_15 = arith.addi %scan3A_13, %scan3A_14 : i32
    %scan3A_16 = arith.constant 1 : i32
    scf.for %scan3A_51 = %scan3A_13 to %scan3A_15 step %scan3A_16  : i32 {
      %mul3A_52 = arith.constant 1 : i32
      %mul3A_53 = arith.muli %scan3A_51, %mul3A_52 : i32
      %add3A_54 = arith.constant 0 : i32
      %add3A_55 = arith.addi %add3A_54, %mul3A_53 : i32
      %mul3A_56 = arith.constant 640 : i32
      %mul3A_57 = arith.muli %arg1, %mul3A_56 : i32
      %mul3A_58 = arith.constant 128 : i32
      %mul3A_59 = arith.muli %add3A_55, %mul3A_58 : i32
      %add3A_60 = arith.addi %mul3A_57, %mul3A_59 : i32
      "tpu.region"() ({
        %run_scoped3A = tpu.sem_alloc : memref<!tpu.dma_semaphore, #tpu.memory_space<semaphore_mem>>
        %dma_start3A_61 = arith.constant 0 : i32
        %dma_start3A_62 = tpu.memref_slice %arg6[%add3A_60, %dma_start3A_61] : memref<10240x16xf32, #tpu.memory_space<vmem_shared>> -> memref<128x16xf32, #tpu.memory_space<vmem_shared>>
        %dma_start3A_63 = arith.constant 0 : i32
        %dma_start3A_64 = tpu.memref_slice %arg6[%add3A_60, %dma_start3A_63] : memref<10240x16xf32, #tpu.memory_space<vmem_shared>> -> memref<128x16xf32, #tpu.memory_space<vmem_shared>>
        tpu.enqueue_dma source(%arg5 : memref<128x16xf32, #tpu.memory_space<vmem>>) target(%dma_start3A_64 : memref<128x16xf32, #tpu.memory_space<vmem_shared>>) target_semaphore(%run_scoped3A : memref<!tpu.dma_semaphore, #tpu.memory_space<semaphore_mem>>)
        %dma_wait3A_65 = arith.constant 0 : i32
        %dma_wait3A_66 = tpu.memref_slice %arg6[%add3A_60, %dma_wait3A_65] : memref<10240x16xf32, #tpu.memory_space<vmem_shared>> -> memref<128x16xf32, #tpu.memory_space<vmem_shared>>
        %dma_wait3A_67 = arith.constant 0 : i32
        %dma_wait3A_68 = tpu.memref_slice %arg6[%add3A_60, %dma_wait3A_67] : memref<10240x16xf32, #tpu.memory_space<vmem_shared>> -> memref<128x16xf32, #tpu.memory_space<vmem_shared>>
        tpu.wait_dma2 semaphore(%run_scoped3A : memref<!tpu.dma_semaphore, #tpu.memory_space<semaphore_mem>>) src(%arg5 : memref<128x16xf32, #tpu.memory_space<vmem>>) dst(%dma_wait3A_68 : memref<128x16xf32, #tpu.memory_space<vmem_shared>>)
        tpu.yield
      }) : () -> ()
    }
    %scan3A_17 = arith.constant 5 : i32
    %scan3A_18 = arith.constant 0 : i32
    %scan3A_19 = arith.constant 128 : i32
    %scan3A_20 = arith.addi %scan3A_18, %scan3A_19 : i32
    %scan3A_21 = arith.constant 1 : i32
    scf.for %scan3A_51 = %scan3A_18 to %scan3A_20 step %scan3A_21  : i32 {
      %mul3A_52 = arith.constant 1 : i32
      %mul3A_53 = arith.muli %scan3A_51, %mul3A_52 : i32
      %add3A_54 = arith.constant 0 : i32
      %add3A_55 = arith.addi %add3A_54, %mul3A_53 : i32
      %broadcast_in_dim3A = arith.constant 1.000000e+00 : f32
      %broadcast_in_dim3A_56 = vector.broadcast %broadcast_in_dim3A : f32 to vector<16xf32>
      %swap3A = arith.index_cast %add3A_55 : i32 to index
      %swap3A_57 = arith.constant 0 : index
      %swap3A_58 = tpu.vector_load %arg5[%swap3A, %swap3A_57] {strides = array<i32>} : memref<128x16xf32, #tpu.memory_space<vmem>>, vector<1x16xf32>,
      %swap3A_59 = vector.shape_cast %swap3A_58 : vector<1x16xf32> to vector<16xf32>
      %swap3A_60 = vector.shape_cast %broadcast_in_dim3A_56 : vector<16xf32> to vector<1x16xf32>
      tpu.vector_store %arg5[%swap3A, %swap3A_57], %swap3A_60 {strides = array<i32>} : memref<128x16xf32, #tpu.memory_space<vmem>>, vector<1x16xf32>,
    }
    %scan3A_22 = arith.constant 128 : i32
    %mul3A_23 = arith.constant 80 : i32
    %mul3A_24 = arith.muli %add3A, %mul3A_23 : i32
    %dma_wait3A = arith.constant 1 : i32
    %dma_wait3A_25 = arith.constant 0 : i32
    %dma_wait3A_26 = tpu.memref_slice %arg2[%dma_wait3A, %mul3A_24, %dma_wait3A_25] : memref<2x2560x128xi32, #tpu.memory_space<hbm>> -> memref<1x80x128xi32, #tpu.memory_space<hbm>>
    %dma_wait3A_27 = tpu.memref_squeeze %dma_wait3A_26 : memref<1x80x128xi32, #tpu.memory_space<hbm>> -> memref<80x128xi32, #tpu.memory_space<hbm>>
    %dma_wait3A_28 = arith.constant 0 : i32
    %dma_wait3A_29 = tpu.memref_slice %arg2[%dma_wait3A, %mul3A_24, %dma_wait3A_28] : memref<2x2560x128xi32, #tpu.memory_space<hbm>> -> memref<1x80x128xi32, #tpu.memory_space<hbm>>
    %dma_wait3A_30 = tpu.memref_squeeze %dma_wait3A_29 : memref<1x80x128xi32, #tpu.memory_space<hbm>> -> memref<80x128xi32, #tpu.memory_space<hbm>>
    tpu.wait_dma2 semaphore(%arg9 : memref<!tpu.dma_semaphore, #tpu.memory_space<semaphore_mem>>) src(%dma_wait3A_30 : memref<80x128xi32, #tpu.memory_space<hbm>>) dst(%arg4 : memref<80x128xi32, #tpu.memory_space<vmem>>)
    %barrier3A = arith.constant 0 : index
    tpu.barrier barrier_id(%barrier3A)
    %scan3A_31 = arith.constant 0 : i32
    %scan3A_32 = arith.constant 80 : i32
    %scan3A_33 = arith.addi %scan3A_31, %scan3A_32 : i32
    %scan3A_34 = arith.constant 1 : i32
    scf.for %scan3A_51 = %scan3A_31 to %scan3A_33 step %scan3A_34  : i32 {
      %mul3A_52 = arith.constant 1 : i32
      %mul3A_53 = arith.muli %scan3A_51, %mul3A_52 : i32
      %add3A_54 = arith.constant 0 : i32
      %add3A_55 = arith.addi %add3A_54, %mul3A_53 : i32
      %dma_start3A_56 = arith.constant 0 : i32
      %dma_start3A_57 = tpu.memref_slice %arg4[%add3A_55, %dma_start3A_56] : memref<80x128xi32, #tpu.memory_space<vmem>> -> memref<1x128xi32, #tpu.memory_space<vmem>>
      %dma_start3A_58 = tpu.memref_squeeze %dma_start3A_57 : memref<1x128xi32, #tpu.memory_space<vmem>> -> memref<128xi32, #tpu.memory_space<vmem>>
      %dma_start3A_59 = arith.constant 0 : i32
      %dma_start3A_60 = arith.constant 0 : i32
      %dma_start3A_61 = tpu.memref_slice %arg6[%dma_start3A_59, %dma_start3A_60] : memref<10240x16xf32, #tpu.memory_space<vmem_shared>> -> memref<10240x16xf32, #tpu.memory_space<vmem_shared>>
      tpu.enqueue_indirect_dma source(%arg5 : memref<128x16xf32, #tpu.memory_space<vmem>>) target(%dma_start3A_61 : memref<10240x16xf32, #tpu.memory_space<vmem_shared>>) offsets(%dma_start3A_58 : memref<128xi32, #tpu.memory_space<vmem>>) semaphore(%arg10 : memref<!tpu.dma_semaphore, #tpu.memory_space<semaphore_mem>>) {add = true}
      %ge3A = arith.constant 16 : i32
      %ge3A_62 = arith.cmpi sge, %add3A_55, %ge3A : i32
      %convert_element_type3A = arith.extui %ge3A_62 : i1 to i32
      %cond3A = arith.constant 0 : i32
      %cond3A_63 = arith.cmpi ne, %convert_element_type3A, %cond3A : i32
      scf.if %cond3A_63 {
        %dma_wait3A_64 = arith.constant 0 : i32
        %dma_wait3A_65 = tpu.memref_slice %arg4[%add3A_55, %dma_wait3A_64] : memref<80x128xi32, #tpu.memory_space<vmem>> -> memref<1x128xi32, #tpu.memory_space<vmem>>
        %dma_wait3A_66 = tpu.memref_squeeze %dma_wait3A_65 : memref<1x128xi32, #tpu.memory_space<vmem>> -> memref<128xi32, #tpu.memory_space<vmem>>
        %dma_wait3A_67 = arith.constant 0 : i32
        %dma_wait3A_68 = arith.constant 0 : i32
        %dma_wait3A_69 = tpu.memref_slice %arg6[%dma_wait3A_67, %dma_wait3A_68] : memref<10240x16xf32, #tpu.memory_space<vmem_shared>> -> memref<10240x16xf32, #tpu.memory_space<vmem_shared>>
        tpu.wait_indirect_dma semaphore(%arg10 : memref<!tpu.dma_semaphore, #tpu.memory_space<semaphore_mem>>) src(%arg5 : memref<128x16xf32, #tpu.memory_space<vmem>>) dst(%dma_wait3A_69 : memref<10240x16xf32, #tpu.memory_space<vmem_shared>>)
      } else {
      }
    }
    %scan3A_35 = arith.constant 80 : i32
    %scan3A_36 = arith.constant 0 : i32
    %scan3A_37 = arith.constant 16 : i32
    %scan3A_38 = arith.addi %scan3A_36, %scan3A_37 : i32
    %scan3A_39 = arith.constant 1 : i32
    scf.for %scan3A_51 = %scan3A_36 to %scan3A_38 step %scan3A_39  : i32 {
      %mul3A_52 = arith.constant 1 : i32
      %mul3A_53 = arith.muli %scan3A_51, %mul3A_52 : i32
      %add3A_54 = arith.constant 0 : i32
      %add3A_55 = arith.addi %add3A_54, %mul3A_53 : i32
      %dma_wait3A_56 = arith.constant 0 : i32
      %dma_wait3A_57 = arith.constant 0 : i32
      %dma_wait3A_58 = tpu.memref_slice %arg4[%dma_wait3A_56, %dma_wait3A_57] : memref<80x128xi32, #tpu.memory_space<vmem>> -> memref<1x128xi32, #tpu.memory_space<vmem>>
      %dma_wait3A_59 = tpu.memref_squeeze %dma_wait3A_58 : memref<1x128xi32, #tpu.memory_space<vmem>> -> memref<128xi32, #tpu.memory_space<vmem>>
      %dma_wait3A_60 = arith.constant 0 : i32
      %dma_wait3A_61 = arith.constant 0 : i32
      %dma_wait3A_62 = tpu.memref_slice %arg6[%dma_wait3A_60, %dma_wait3A_61] : memref<10240x16xf32, #tpu.memory_space<vmem_shared>> -> memref<10240x16xf32, #tpu.memory_space<vmem_shared>>
      tpu.wait_indirect_dma semaphore(%arg10 : memref<!tpu.dma_semaphore, #tpu.memory_space<semaphore_mem>>) src(%arg5 : memref<128x16xf32, #tpu.memory_space<vmem>>) dst(%dma_wait3A_62 : memref<10240x16xf32, #tpu.memory_space<vmem_shared>>)
    }
    %scan3A_40 = arith.constant 16 : i32
    %barrier3A_41 = arith.constant 0 : index
    tpu.barrier barrier_id(%barrier3A_41)
    %mul3A_42 = arith.constant 640 : i32
    %mul3A_43 = arith.muli %arg1, %mul3A_42 : i32
    "tpu.region"() ({
      %run_scoped3A = tpu.sem_alloc : memref<!tpu.dma_semaphore, #tpu.memory_space<semaphore_mem>>
      %dma_start3A_51 = arith.constant 0 : i32
      %dma_start3A_52 = tpu.memref_slice %arg6[%mul3A_43, %dma_start3A_51] : memref<10240x16xf32, #tpu.memory_space<vmem_shared>> -> memref<640x16xf32, #tpu.memory_space<vmem_shared>>
      %dma_start3A_53 = arith.constant 0 : i32
      %dma_start3A_54 = tpu.memref_slice %arg6[%mul3A_43, %dma_start3A_53] : memref<10240x16xf32, #tpu.memory_space<vmem_shared>> -> memref<640x16xf32, #tpu.memory_space<vmem_shared>>
      tpu.enqueue_dma source(%dma_start3A_54 : memref<640x16xf32, #tpu.memory_space<vmem_shared>>) target(%arg7 : memref<640x16xf32, #tpu.memory_space<vmem>>) target_semaphore(%run_scoped3A : memref<!tpu.dma_semaphore, #tpu.memory_space<semaphore_mem>>)
      %dma_wait3A_55 = arith.constant 0 : i32
      %dma_wait3A_56 = tpu.memref_slice %arg6[%mul3A_43, %dma_wait3A_55] : memref<10240x16xf32, #tpu.memory_space<vmem_shared>> -> memref<640x16xf32, #tpu.memory_space<vmem_shared>>
      %dma_wait3A_57 = arith.constant 0 : i32
      %dma_wait3A_58 = tpu.memref_slice %arg6[%mul3A_43, %dma_wait3A_57] : memref<10240x16xf32, #tpu.memory_space<vmem_shared>> -> memref<640x16xf32, #tpu.memory_space<vmem_shared>>
      tpu.wait_dma2 semaphore(%run_scoped3A : memref<!tpu.dma_semaphore, #tpu.memory_space<semaphore_mem>>) src(%dma_wait3A_58 : memref<640x16xf32, #tpu.memory_space<vmem_shared>>) dst(%arg7 : memref<640x16xf32, #tpu.memory_space<vmem>>)
      tpu.yield
    }) : () -> ()
    %scan3A_44 = arith.constant 0 : i32
    %scan3A_45 = arith.constant 80 : i32
    %scan3A_46 = arith.addi %scan3A_44, %scan3A_45 : i32
    %scan3A_47 = arith.constant 1 : i32
    scf.for %scan3A_51 = %scan3A_44 to %scan3A_46 step %scan3A_47  : i32 {
      %mul3A_52 = arith.constant 1 : i32
      %mul3A_53 = arith.muli %scan3A_51, %mul3A_52 : i32
      %add3A_54 = arith.constant 0 : i32
      %add3A_55 = arith.addi %add3A_54, %mul3A_53 : i32
      %mul3A_56 = arith.constant 8 : i32
      %mul3A_57 = arith.muli %add3A_55, %mul3A_56 : i32
      %add3A_58 = arith.constant 0 : i32
      %add3A_59 = arith.addi %mul3A_57, %add3A_58 : i32
      %get3A = arith.index_cast %add3A_59 : i32 to index
      %get3A_60 = arith.constant 0 : index
      %get3A_61 = tpu.vector_load %arg7[%get3A, %get3A_60] {strides = array<i32>} : memref<640x16xf32, #tpu.memory_space<vmem>>, vector<1x16xf32>,
      %get3A_62 = vector.shape_cast %get3A_61 : vector<1x16xf32> to vector<16xf32>
      %swap3A = arith.index_cast %add3A_55 : i32 to index
      %swap3A_63 = arith.constant 0 : index
      %swap3A_64 = tpu.vector_load %arg8[%swap3A, %swap3A_63] {strides = array<i32>} : memref<80x128xf32, #tpu.memory_space<vmem>>, vector<1x16xf32>,
      %swap3A_65 = vector.shape_cast %swap3A_64 : vector<1x16xf32> to vector<16xf32>
      %swap3A_66 = vector.shape_cast %get3A_62 : vector<16xf32> to vector<1x16xf32>
      tpu.vector_store %arg8[%swap3A, %swap3A_63], %swap3A_66 {strides = array<i32>} : memref<80x128xf32, #tpu.memory_space<vmem>>, vector<1x16xf32>,
      %mul3A_67 = arith.constant 8 : i32
      %mul3A_68 = arith.muli %add3A_55, %mul3A_67 : i32
      %add3A_69 = arith.constant 1 : i32
      %add3A_70 = arith.addi %mul3A_68, %add3A_69 : i32
      %get3A_71 = arith.index_cast %add3A_70 : i32 to index
      %get3A_72 = arith.constant 0 : index
      %get3A_73 = tpu.vector_load %arg7[%get3A_71, %get3A_72] {strides = array<i32>} : memref<640x16xf32, #tpu.memory_space<vmem>>, vector<1x16xf32>,
      %get3A_74 = vector.shape_cast %get3A_73 : vector<1x16xf32> to vector<16xf32>
      %swap3A_75 = arith.index_cast %add3A_55 : i32 to index
      %swap3A_76 = arith.constant 16 : index
      %swap3A_77 = tpu.vector_load %arg8[%swap3A_75, %swap3A_76] {strides = array<i32>} : memref<80x128xf32, #tpu.memory_space<vmem>>, vector<1x16xf32>,
      %swap3A_78 = vector.shape_cast %swap3A_77 : vector<1x16xf32> to vector<16xf32>
      %swap3A_79 = vector.shape_cast %get3A_74 : vector<16xf32> to vector<1x16xf32>
      tpu.vector_store %arg8[%swap3A_75, %swap3A_76], %swap3A_79 {strides = array<i32>} : memref<80x128xf32, #tpu.memory_space<vmem>>, vector<1x16xf32>,
      %mul3A_80 = arith.constant 8 : i32
      %mul3A_81 = arith.muli %add3A_55, %mul3A_80 : i32
      %add3A_82 = arith.constant 2 : i32
      %add3A_83 = arith.addi %mul3A_81, %add3A_82 : i32
      %get3A_84 = arith.index_cast %add3A_83 : i32 to index
      %get3A_85 = arith.constant 0 : index
      %get3A_86 = tpu.vector_load %arg7[%get3A_84, %get3A_85] {strides = array<i32>} : memref<640x16xf32, #tpu.memory_space<vmem>>, vector<1x16xf32>,
      %get3A_87 = vector.shape_cast %get3A_86 : vector<1x16xf32> to vector<16xf32>
      %swap3A_88 = arith.index_cast %add3A_55 : i32 to index
      %swap3A_89 = arith.constant 32 : index
      %swap3A_90 = tpu.vector_load %arg8[%swap3A_88, %swap3A_89] {strides = array<i32>} : memref<80x128xf32, #tpu.memory_space<vmem>>, vector<1x16xf32>,
      %swap3A_91 = vector.shape_cast %swap3A_90 : vector<1x16xf32> to vector<16xf32>
      %swap3A_92 = vector.shape_cast %get3A_87 : vector<16xf32> to vector<1x16xf32>
      tpu.vector_store %arg8[%swap3A_88, %swap3A_89], %swap3A_92 {strides = array<i32>} : memref<80x128xf32, #tpu.memory_space<vmem>>, vector<1x16xf32>,
      %mul3A_93 = arith.constant 8 : i32
      %mul3A_94 = arith.muli %add3A_55, %mul3A_93 : i32
      %add3A_95 = arith.constant 3 : i32
      %add3A_96 = arith.addi %mul3A_94, %add3A_95 : i32
      %get3A_97 = arith.index_cast %add3A_96 : i32 to index
      %get3A_98 = arith.constant 0 : index
      %get3A_99 = tpu.vector_load %arg7[%get3A_97, %get3A_98] {strides = array<i32>} : memref<640x16xf32, #tpu.memory_space<vmem>>, vector<1x16xf32>,
      %get3A_100 = vector.shape_cast %get3A_99 : vector<1x16xf32> to vector<16xf32>
      %swap3A_101 = arith.index_cast %add3A_55 : i32 to index
      %swap3A_102 = arith.constant 48 : index
      %swap3A_103 = tpu.vector_load %arg8[%swap3A_101, %swap3A_102] {strides = array<i32>} : memref<80x128xf32, #tpu.memory_space<vmem>>, vector<1x16xf32>,
      %swap3A_104 = vector.shape_cast %swap3A_103 : vector<1x16xf32> to vector<16xf32>
      %swap3A_105 = vector.shape_cast %get3A_100 : vector<16xf32> to vector<1x16xf32>
      tpu.vector_store %arg8[%swap3A_101, %swap3A_102], %swap3A_105 {strides = array<i32>} : memref<80x128xf32, #tpu.memory_space<vmem>>, vector<1x16xf32>,
      %mul3A_106 = arith.constant 8 : i32
      %mul3A_107 = arith.muli %add3A_55, %mul3A_106 : i32
      %add3A_108 = arith.constant 4 : i32
      %add3A_109 = arith.addi %mul3A_107, %add3A_108 : i32
      %get3A_110 = arith.index_cast %add3A_109 : i32 to index
      %get3A_111 = arith.constant 0 : index
      %get3A_112 = tpu.vector_load %arg7[%get3A_110, %get3A_111] {strides = array<i32>} : memref<640x16xf32, #tpu.memory_space<vmem>>, vector<1x16xf32>,
      %get3A_113 = vector.shape_cast %get3A_112 : vector<1x16xf32> to vector<16xf32>
      %swap3A_114 = arith.index_cast %add3A_55 : i32 to index
      %swap3A_115 = arith.constant 64 : index
      %swap3A_116 = tpu.vector_load %arg8[%swap3A_114, %swap3A_115] {strides = array<i32>} : memref<80x128xf32, #tpu.memory_space<vmem>>, vector<1x16xf32>,
      %swap3A_117 = vector.shape_cast %swap3A_116 : vector<1x16xf32> to vector<16xf32>
      %swap3A_118 = vector.shape_cast %get3A_113 : vector<16xf32> to vector<1x16xf32>
      tpu.vector_store %arg8[%swap3A_114, %swap3A_115], %swap3A_118 {strides = array<i32>} : memref<80x128xf32, #tpu.memory_space<vmem>>, vector<1x16xf32>,
      %mul3A_119 = arith.constant 8 : i32
      %mul3A_120 = arith.muli %add3A_55, %mul3A_119 : i32
      %add3A_121 = arith.constant 5 : i32
      %add3A_122 = arith.addi %mul3A_120, %add3A_121 : i32
      %get3A_123 = arith.index_cast %add3A_122 : i32 to index
      %get3A_124 = arith.constant 0 : index
      %get3A_125 = tpu.vector_load %arg7[%get3A_123, %get3A_124] {strides = array<i32>} : memref<640x16xf32, #tpu.memory_space<vmem>>, vector<1x16xf32>,
      %get3A_126 = vector.shape_cast %get3A_125 : vector<1x16xf32> to vector<16xf32>
      %swap3A_127 = arith.index_cast %add3A_55 : i32 to index
      %swap3A_128 = arith.constant 80 : index
      %swap3A_129 = tpu.vector_load %arg8[%swap3A_127, %swap3A_128] {strides = array<i32>} : memref<80x128xf32, #tpu.memory_space<vmem>>, vector<1x16xf32>,
      %swap3A_130 = vector.shape_cast %swap3A_129 : vector<1x16xf32> to vector<16xf32>
      %swap3A_131 = vector.shape_cast %get3A_126 : vector<16xf32> to vector<1x16xf32>
      tpu.vector_store %arg8[%swap3A_127, %swap3A_128], %swap3A_131 {strides = array<i32>} : memref<80x128xf32, #tpu.memory_space<vmem>>, vector<1x16xf32>,
      %mul3A_132 = arith.constant 8 : i32
      %mul3A_133 = arith.muli %add3A_55, %mul3A_132 : i32
      %add3A_134 = arith.constant 6 : i32
      %add3A_135 = arith.addi %mul3A_133, %add3A_134 : i32
      %get3A_136 = arith.index_cast %add3A_135 : i32 to index
      %get3A_137 = arith.constant 0 : index
      %get3A_138 = tpu.vector_load %arg7[%get3A_136, %get3A_137] {strides = array<i32>} : memref<640x16xf32, #tpu.memory_space<vmem>>, vector<1x16xf32>,
      %get3A_139 = vector.shape_cast %get3A_138 : vector<1x16xf32> to vector<16xf32>
      %swap3A_140 = arith.index_cast %add3A_55 : i32 to index
      %swap3A_141 = arith.constant 96 : index
      %swap3A_142 = tpu.vector_load %arg8[%swap3A_140, %swap3A_141] {strides = array<i32>} : memref<80x128xf32, #tpu.memory_space<vmem>>, vector<1x16xf32>,
      %swap3A_143 = vector.shape_cast %swap3A_142 : vector<1x16xf32> to vector<16xf32>
      %swap3A_144 = vector.shape_cast %get3A_139 : vector<16xf32> to vector<1x16xf32>
      tpu.vector_store %arg8[%swap3A_140, %swap3A_141], %swap3A_144 {strides = array<i32>} : memref<80x128xf32, #tpu.memory_space<vmem>>, vector<1x16xf32>,
      %mul3A_145 = arith.constant 8 : i32
      %mul3A_146 = arith.muli %add3A_55, %mul3A_145 : i32
      %add3A_147 = arith.constant 7 : i32
      %add3A_148 = arith.addi %mul3A_146, %add3A_147 : i32
      %get3A_149 = arith.index_cast %add3A_148 : i32 to index
      %get3A_150 = arith.constant 0 : index
      %get3A_151 = tpu.vector_load %arg7[%get3A_149, %get3A_150] {strides = array<i32>} : memref<640x16xf32, #tpu.memory_space<vmem>>, vector<1x16xf32>,
      %get3A_152 = vector.shape_cast %get3A_151 : vector<1x16xf32> to vector<16xf32>
      %swap3A_153 = arith.index_cast %add3A_55 : i32 to index
      %swap3A_154 = arith.constant 112 : index
      %swap3A_155 = tpu.vector_load %arg8[%swap3A_153, %swap3A_154] {strides = array<i32>} : memref<80x128xf32, #tpu.memory_space<vmem>>, vector<1x16xf32>,
      %swap3A_156 = vector.shape_cast %swap3A_155 : vector<1x16xf32> to vector<16xf32>
      %swap3A_157 = vector.shape_cast %get3A_152 : vector<16xf32> to vector<1x16xf32>
      tpu.vector_store %arg8[%swap3A_153, %swap3A_154], %swap3A_157 {strides = array<i32>} : memref<80x128xf32, #tpu.memory_space<vmem>>, vector<1x16xf32>,
    }
    %scan3A_48 = arith.constant 80 : i32
    %mul3A_49 = arith.constant 80 : i32
    %mul3A_50 = arith.muli %arg1, %mul3A_49 : i32
    "tpu.region"() ({
      %run_scoped3A = tpu.sem_alloc : memref<!tpu.dma_semaphore, #tpu.memory_space<semaphore_mem>>
      %dma_start3A_51 = arith.constant 0 : i32
      %dma_start3A_52 = tpu.memref_slice %arg3[%arg0, %mul3A_50, %dma_start3A_51] : memref<2x1280x128xf32, #tpu.memory_space<hbm>> -> memref<1x80x128xf32, #tpu.memory_space<hbm>>
      %dma_start3A_53 = tpu.memref_squeeze %dma_start3A_52 : memref<1x80x128xf32, #tpu.memory_space<hbm>> -> memref<80x128xf32, #tpu.memory_space<hbm>>
      %dma_start3A_54 = arith.constant 0 : i32
      %dma_start3A_55 = tpu.memref_slice %arg3[%arg0, %mul3A_50, %dma_start3A_54] : memref<2x1280x128xf32, #tpu.memory_space<hbm>> -> memref<1x80x128xf32, #tpu.memory_space<hbm>>
      %dma_start3A_56 = tpu.memref_squeeze %dma_start3A_55 : memref<1x80x128xf32, #tpu.memory_space<hbm>> -> memref<80x128xf32, #tpu.memory_space<hbm>>
      tpu.enqueue_dma source(%arg8 : memref<80x128xf32, #tpu.memory_space<vmem>>) target(%dma_start3A_56 : memref<80x128xf32, #tpu.memory_space<hbm>>) target_semaphore(%run_scoped3A : memref<!tpu.dma_semaphore, #tpu.memory_space<semaphore_mem>>)
      %dma_wait3A_57 = arith.constant 0 : i32
      %dma_wait3A_58 = tpu.memref_slice %arg3[%arg0, %mul3A_50, %dma_wait3A_57] : memref<2x1280x128xf32, #tpu.memory_space<hbm>> -> memref<1x80x128xf32, #tpu.memory_space<hbm>>
      %dma_wait3A_59 = tpu.memref_squeeze %dma_wait3A_58 : memref<1x80x128xf32, #tpu.memory_space<hbm>> -> memref<80x128xf32, #tpu.memory_space<hbm>>
      %dma_wait3A_60 = arith.constant 0 : i32
      %dma_wait3A_61 = tpu.memref_slice %arg3[%arg0, %mul3A_50, %dma_wait3A_60] : memref<2x1280x128xf32, #tpu.memory_space<hbm>> -> memref<1x80x128xf32, #tpu.memory_space<hbm>>
      %dma_wait3A_62 = tpu.memref_squeeze %dma_wait3A_61 : memref<1x80x128xf32, #tpu.memory_space<hbm>> -> memref<80x128xf32, #tpu.memory_space<hbm>>
      tpu.wait_dma2 semaphore(%run_scoped3A : memref<!tpu.dma_semaphore, #tpu.memory_space<semaphore_mem>>) src(%arg8 : memref<80x128xf32, #tpu.memory_space<vmem>>) dst(%dma_wait3A_62 : memref<80x128xf32, #tpu.memory_space<hbm>>)
      tpu.yield
    }) : () -> ()
    return
  }
}

#map = affine_map<(d0, d1) -> (0, 0)>
#map1 = affine_map<(d0, d1) -> (0, 0, 0)>
module attributes {stable_mosaic.version = 14 : i64} {
  func.func @body(%arg0: i32, %arg1: i32, %arg2: memref<1280x128xf32, #tpu.memory_space<hbm>>, %arg3: memref<2x2560x128xi32, #tpu.memory_space<hbm>>, %arg4: memref<2x1280x128xf32, #tpu.memory_space<hbm>>, %arg5: memref<80x128xi32, #tpu.memory_space<vmem>>, %arg6: memref<80x128xi32, #tpu.memory_space<vmem>>, %arg7: memref<8x128x16xf32, #tpu.memory_space<vmem>>, %arg8: memref<10240x16xf32, #tpu.memory_space<vmem_shared>>, %arg9: memref<10240x16xf32, #tpu.memory_space<vmem_shared>>, %arg10: memref<640x16xf32, #tpu.memory_space<vmem>>, %arg11: memref<80x128xf32, #tpu.memory_space<vmem>>, %arg12: memref<!tpu.dma_semaphore, #tpu.memory_space<semaphore_mem>>, %arg13: memref<!tpu.dma_semaphore, #tpu.memory_space<semaphore_mem>>, %arg14: memref<!tpu.dma_semaphore, #tpu.memory_space<semaphore_mem>>, %arg15: memref<!tpu.dma_semaphore, #tpu.memory_space<semaphore_mem>>, %arg16: memref<!tpu.dma_semaphore, #tpu.memory_space<semaphore_mem>>, %arg17: memref<!tpu.dma_semaphore, #tpu.memory_space<semaphore_mem>>, %arg18: memref<!tpu.dma_semaphore, #tpu.memory_space<semaphore_mem>>, %arg19: memref<!tpu.dma_semaphore, #tpu.memory_space<semaphore_mem>>, %arg20: memref<!tpu.dma_semaphore, #tpu.memory_space<semaphore_mem>>, %arg21: memref<!tpu.dma_semaphore, #tpu.memory_space<semaphore_mem>>, %arg22: memref<!tpu.dma_semaphore, #tpu.memory_space<semaphore_mem>>) attributes {dimension_semantics = [#tpu.dimension_semantics<core_parallel>, #tpu.dimension_semantics<subcore_parallel>], iteration_bounds = array<i64: 2, 16>, scalar_prefetch = 0 : i64, scratch_operands = 18 : i64, tpu.core_type = #tpu.core_type<sc_vector_subcore>, window_params = [{transform_indices = #map}, {transform_indices = #map1}, {transform_indices = #map1}]} {
    %mul3A = arith.constant 2 : i32
    %mul3A_0 = arith.muli %arg1, %mul3A : i32
    %add3A = arith.addi %mul3A_0, %arg0 : i32
    %mul3A_1 = arith.constant 80 : i32
    %mul3A_2 = arith.muli %add3A, %mul3A_1 : i32
    %dma_start3A = arith.constant 1 : i32
    %dma_start3A_3 = arith.constant 0 : i32
    %dma_start3A_4 = tpu.memref_slice %arg3[%dma_start3A, %mul3A_2, %dma_start3A_3] : memref<2x2560x128xi32, #tpu.memory_space<hbm>> -> memref<1x80x128xi32, #tpu.memory_space<hbm>>
    %dma_start3A_5 = tpu.memref_squeeze %dma_start3A_4 : memref<1x80x128xi32, #tpu.memory_space<hbm>> -> memref<80x128xi32, #tpu.memory_space<hbm>>
    %dma_start3A_6 = arith.constant 0 : i32
    %dma_start3A_7 = tpu.memref_slice %arg3[%dma_start3A, %mul3A_2, %dma_start3A_6] : memref<2x2560x128xi32, #tpu.memory_space<hbm>> -> memref<1x80x128xi32, #tpu.memory_space<hbm>>
    %dma_start3A_8 = tpu.memref_squeeze %dma_start3A_7 : memref<1x80x128xi32, #tpu.memory_space<hbm>> -> memref<80x128xi32, #tpu.memory_space<hbm>>
    tpu.enqueue_dma source(%dma_start3A_8 : memref<80x128xi32, #tpu.memory_space<hbm>>) target(%arg6 : memref<80x128xi32, #tpu.memory_space<vmem>>) target_semaphore(%arg12 : memref<!tpu.dma_semaphore, #tpu.memory_space<semaphore_mem>>)
    %mul3A_9 = arith.constant 80 : i32
    %mul3A_10 = arith.muli %add3A, %mul3A_9 : i32
    %dma_start3A_11 = arith.constant 0 : i32
    %dma_start3A_12 = arith.constant 0 : i32
    %dma_start3A_13 = tpu.memref_slice %arg3[%dma_start3A_11, %mul3A_10, %dma_start3A_12] : memref<2x2560x128xi32, #tpu.memory_space<hbm>> -> memref<1x80x128xi32, #tpu.memory_space<hbm>>
    %dma_start3A_14 = tpu.memref_squeeze %dma_start3A_13 : memref<1x80x128xi32, #tpu.memory_space<hbm>> -> memref<80x128xi32, #tpu.memory_space<hbm>>
    %dma_start3A_15 = arith.constant 0 : i32
    %dma_start3A_16 = tpu.memref_slice %arg3[%dma_start3A_11, %mul3A_10, %dma_start3A_15] : memref<2x2560x128xi32, #tpu.memory_space<hbm>> -> memref<1x80x128xi32, #tpu.memory_space<hbm>>
    %dma_start3A_17 = tpu.memref_squeeze %dma_start3A_16 : memref<1x80x128xi32, #tpu.memory_space<hbm>> -> memref<80x128xi32, #tpu.memory_space<hbm>>
    tpu.enqueue_dma source(%dma_start3A_17 : memref<80x128xi32, #tpu.memory_space<hbm>>) target(%arg5 : memref<80x128xi32, #tpu.memory_space<vmem>>) target_semaphore(%arg13 : memref<!tpu.dma_semaphore, #tpu.memory_space<semaphore_mem>>)
    %mul3A_18 = arith.constant 80 : i32
    %mul3A_19 = arith.muli %arg1, %mul3A_18 : i32
    %dma_start3A_20 = arith.constant 0 : i32
    %dma_start3A_21 = tpu.memref_slice %arg2[%mul3A_19, %dma_start3A_20] : memref<1280x128xf32, #tpu.memory_space<hbm>> -> memref<80x128xf32, #tpu.memory_space<hbm>>
    %dma_start3A_22 = arith.constant 0 : i32
    %dma_start3A_23 = tpu.memref_slice %arg2[%mul3A_19, %dma_start3A_22] : memref<1280x128xf32, #tpu.memory_space<hbm>> -> memref<80x128xf32, #tpu.memory_space<hbm>>
    tpu.enqueue_dma source(%dma_start3A_23 : memref<80x128xf32, #tpu.memory_space<hbm>>) target(%arg11 : memref<80x128xf32, #tpu.memory_space<vmem>>) target_semaphore(%arg14 : memref<!tpu.dma_semaphore, #tpu.memory_space<semaphore_mem>>)
    %scan3A = arith.constant 0 : i32
    %scan3A_24 = arith.constant 0 : i32
    %scan3A_25 = arith.constant 128 : i32
    %scan3A_26 = arith.addi %scan3A_24, %scan3A_25 : i32
    %scan3A_27 = arith.constant 1 : i32
    scf.for %scan3A_176 = %scan3A_24 to %scan3A_26 step %scan3A_27  : i32 {
      %mul3A_177 = arith.constant 1 : i32
      %mul3A_178 = arith.muli %scan3A_176, %mul3A_177 : i32
      %add3A_179 = arith.constant 0 : i32
      %add3A_180 = arith.addi %add3A_179, %mul3A_178 : i32
      %broadcast_in_dim3A = arith.constant 0.000000e+00 : f32
      %broadcast_in_dim3A_181 = vector.broadcast %broadcast_in_dim3A : f32 to vector<16xf32>
      %swap3A = arith.constant 0 : i32
      %swap3A_182 = arith.constant 0 : i32
      %swap3A_183 = tpu.memref_slice %arg7[%scan3A, %swap3A, %swap3A_182] : memref<8x128x16xf32, #tpu.memory_space<vmem>> -> memref<1x128x16xf32, #tpu.memory_space<vmem>>
      %swap3A_184 = tpu.memref_squeeze %swap3A_183 : memref<1x128x16xf32, #tpu.memory_space<vmem>> -> memref<128x16xf32, #tpu.memory_space<vmem>>
      %swap3A_185 = arith.index_cast %add3A_180 : i32 to index
      %swap3A_186 = arith.constant 0 : index
      %swap3A_187 = tpu.vector_load %swap3A_184[%swap3A_185, %swap3A_186] {strides = array<i32>} : memref<128x16xf32, #tpu.memory_space<vmem>>, vector<1x16xf32>,
      %swap3A_188 = vector.shape_cast %swap3A_187 : vector<1x16xf32> to vector<16xf32>
      %swap3A_189 = vector.shape_cast %broadcast_in_dim3A_181 : vector<16xf32> to vector<1x16xf32>
      tpu.vector_store %swap3A_184[%swap3A_185, %swap3A_186], %swap3A_189 {strides = array<i32>} : memref<128x16xf32, #tpu.memory_space<vmem>>, vector<1x16xf32>,
    }
    %scan3A_28 = arith.constant 128 : i32
    %scan3A_29 = arith.constant 0 : i32
    %scan3A_30 = arith.constant 0 : i32
    %scan3A_31 = arith.constant 5 : i32
    %scan3A_32 = arith.addi %scan3A_30, %scan3A_31 : i32
    %scan3A_33 = arith.constant 1 : i32
    scf.for %scan3A_176 = %scan3A_30 to %scan3A_32 step %scan3A_33  : i32 {
      %mul3A_177 = arith.constant 1 : i32
      %mul3A_178 = arith.muli %scan3A_176, %mul3A_177 : i32
      %add3A_179 = arith.constant 0 : i32
      %add3A_180 = arith.addi %add3A_179, %mul3A_178 : i32
      %mul3A_181 = arith.constant 640 : i32
      %mul3A_182 = arith.muli %arg1, %mul3A_181 : i32
      %mul3A_183 = arith.constant 128 : i32
      %mul3A_184 = arith.muli %add3A_180, %mul3A_183 : i32
      %add3A_185 = arith.addi %mul3A_182, %mul3A_184 : i32
      "tpu.region"() ({
        %run_scoped3A = tpu.sem_alloc : memref<!tpu.dma_semaphore, #tpu.memory_space<semaphore_mem>>
        %dma_start3A_186 = arith.constant 0 : i32
        %dma_start3A_187 = arith.constant 0 : i32
        %dma_start3A_188 = tpu.memref_slice %arg7[%scan3A_29, %dma_start3A_186, %dma_start3A_187] : memref<8x128x16xf32, #tpu.memory_space<vmem>> -> memref<1x128x16xf32, #tpu.memory_space<vmem>>
        %dma_start3A_189 = tpu.memref_squeeze %dma_start3A_188 : memref<1x128x16xf32, #tpu.memory_space<vmem>> -> memref<128x16xf32, #tpu.memory_space<vmem>>
        %dma_start3A_190 = arith.constant 0 : i32
        %dma_start3A_191 = tpu.memref_slice %arg8[%add3A_185, %dma_start3A_190] : memref<10240x16xf32, #tpu.memory_space<vmem_shared>> -> memref<128x16xf32, #tpu.memory_space<vmem_shared>>
        %dma_start3A_192 = arith.constant 0 : i32
        %dma_start3A_193 = tpu.memref_slice %arg8[%add3A_185, %dma_start3A_192] : memref<10240x16xf32, #tpu.memory_space<vmem_shared>> -> memref<128x16xf32, #tpu.memory_space<vmem_shared>>
        %dma_start3A_194 = arith.constant 0 : i32
        %dma_start3A_195 = arith.constant 0 : i32
        %dma_start3A_196 = tpu.memref_slice %arg7[%scan3A_29, %dma_start3A_194, %dma_start3A_195] : memref<8x128x16xf32, #tpu.memory_space<vmem>> -> memref<1x128x16xf32, #tpu.memory_space<vmem>>
        %dma_start3A_197 = tpu.memref_squeeze %dma_start3A_196 : memref<1x128x16xf32, #tpu.memory_space<vmem>> -> memref<128x16xf32, #tpu.memory_space<vmem>>
        tpu.enqueue_dma source(%dma_start3A_197 : memref<128x16xf32, #tpu.memory_space<vmem>>) target(%dma_start3A_193 : memref<128x16xf32, #tpu.memory_space<vmem_shared>>) target_semaphore(%run_scoped3A : memref<!tpu.dma_semaphore, #tpu.memory_space<semaphore_mem>>)
        %dma_wait3A_198 = arith.constant 0 : i32
        %dma_wait3A_199 = arith.constant 0 : i32
        %dma_wait3A_200 = tpu.memref_slice %arg7[%scan3A_29, %dma_wait3A_198, %dma_wait3A_199] : memref<8x128x16xf32, #tpu.memory_space<vmem>> -> memref<1x128x16xf32, #tpu.memory_space<vmem>>
        %dma_wait3A_201 = tpu.memref_squeeze %dma_wait3A_200 : memref<1x128x16xf32, #tpu.memory_space<vmem>> -> memref<128x16xf32, #tpu.memory_space<vmem>>
        %dma_wait3A_202 = arith.constant 0 : i32
        %dma_wait3A_203 = tpu.memref_slice %arg8[%add3A_185, %dma_wait3A_202] : memref<10240x16xf32, #tpu.memory_space<vmem_shared>> -> memref<128x16xf32, #tpu.memory_space<vmem_shared>>
        %dma_wait3A_204 = arith.constant 0 : i32
        %dma_wait3A_205 = tpu.memref_slice %arg8[%add3A_185, %dma_wait3A_204] : memref<10240x16xf32, #tpu.memory_space<vmem_shared>> -> memref<128x16xf32, #tpu.memory_space<vmem_shared>>
        %dma_wait3A_206 = arith.constant 0 : i32
        %dma_wait3A_207 = arith.constant 0 : i32
        %dma_wait3A_208 = tpu.memref_slice %arg7[%scan3A_29, %dma_wait3A_206, %dma_wait3A_207] : memref<8x128x16xf32, #tpu.memory_space<vmem>> -> memref<1x128x16xf32, #tpu.memory_space<vmem>>
        %dma_wait3A_209 = tpu.memref_squeeze %dma_wait3A_208 : memref<1x128x16xf32, #tpu.memory_space<vmem>> -> memref<128x16xf32, #tpu.memory_space<vmem>>
        tpu.wait_dma2 semaphore(%run_scoped3A : memref<!tpu.dma_semaphore, #tpu.memory_space<semaphore_mem>>) src(%dma_wait3A_209 : memref<128x16xf32, #tpu.memory_space<vmem>>) dst(%dma_wait3A_205 : memref<128x16xf32, #tpu.memory_space<vmem_shared>>)
        tpu.yield
      }) : () -> ()
    }
    %scan3A_34 = arith.constant 5 : i32
    %mul3A_35 = arith.constant 80 : i32
    %mul3A_36 = arith.muli %add3A, %mul3A_35 : i32
    %dma_wait3A = arith.constant 1 : i32
    %dma_wait3A_37 = arith.constant 0 : i32
    %dma_wait3A_38 = tpu.memref_slice %arg3[%dma_wait3A, %mul3A_36, %dma_wait3A_37] : memref<2x2560x128xi32, #tpu.memory_space<hbm>> -> memref<1x80x128xi32, #tpu.memory_space<hbm>>
    %dma_wait3A_39 = tpu.memref_squeeze %dma_wait3A_38 : memref<1x80x128xi32, #tpu.memory_space<hbm>> -> memref<80x128xi32, #tpu.memory_space<hbm>>
    %dma_wait3A_40 = arith.constant 0 : i32
    %dma_wait3A_41 = tpu.memref_slice %arg3[%dma_wait3A, %mul3A_36, %dma_wait3A_40] : memref<2x2560x128xi32, #tpu.memory_space<hbm>> -> memref<1x80x128xi32, #tpu.memory_space<hbm>>
    %dma_wait3A_42 = tpu.memref_squeeze %dma_wait3A_41 : memref<1x80x128xi32, #tpu.memory_space<hbm>> -> memref<80x128xi32, #tpu.memory_space<hbm>>
    tpu.wait_dma2 semaphore(%arg12 : memref<!tpu.dma_semaphore, #tpu.memory_space<semaphore_mem>>) src(%dma_wait3A_42 : memref<80x128xi32, #tpu.memory_space<hbm>>) dst(%arg6 : memref<80x128xi32, #tpu.memory_space<vmem>>)
    %mul3A_43 = arith.constant 80 : i32
    %mul3A_44 = arith.muli %add3A, %mul3A_43 : i32
    %dma_wait3A_45 = arith.constant 0 : i32
    %dma_wait3A_46 = arith.constant 0 : i32
    %dma_wait3A_47 = tpu.memref_slice %arg3[%dma_wait3A_45, %mul3A_44, %dma_wait3A_46] : memref<2x2560x128xi32, #tpu.memory_space<hbm>> -> memref<1x80x128xi32, #tpu.memory_space<hbm>>
    %dma_wait3A_48 = tpu.memref_squeeze %dma_wait3A_47 : memref<1x80x128xi32, #tpu.memory_space<hbm>> -> memref<80x128xi32, #tpu.memory_space<hbm>>
    %dma_wait3A_49 = arith.constant 0 : i32
    %dma_wait3A_50 = tpu.memref_slice %arg3[%dma_wait3A_45, %mul3A_44, %dma_wait3A_49] : memref<2x2560x128xi32, #tpu.memory_space<hbm>> -> memref<1x80x128xi32, #tpu.memory_space<hbm>>
    %dma_wait3A_51 = tpu.memref_squeeze %dma_wait3A_50 : memref<1x80x128xi32, #tpu.memory_space<hbm>> -> memref<80x128xi32, #tpu.memory_space<hbm>>
    tpu.wait_dma2 semaphore(%arg13 : memref<!tpu.dma_semaphore, #tpu.memory_space<semaphore_mem>>) src(%dma_wait3A_51 : memref<80x128xi32, #tpu.memory_space<hbm>>) dst(%arg5 : memref<80x128xi32, #tpu.memory_space<vmem>>)
    %mul3A_52 = arith.constant 80 : i32
    %mul3A_53 = arith.muli %arg1, %mul3A_52 : i32
    %dma_wait3A_54 = arith.constant 0 : i32
    %dma_wait3A_55 = tpu.memref_slice %arg2[%mul3A_53, %dma_wait3A_54] : memref<1280x128xf32, #tpu.memory_space<hbm>> -> memref<80x128xf32, #tpu.memory_space<hbm>>
    %dma_wait3A_56 = arith.constant 0 : i32
    %dma_wait3A_57 = tpu.memref_slice %arg2[%mul3A_53, %dma_wait3A_56] : memref<1280x128xf32, #tpu.memory_space<hbm>> -> memref<80x128xf32, #tpu.memory_space<hbm>>
    tpu.wait_dma2 semaphore(%arg14 : memref<!tpu.dma_semaphore, #tpu.memory_space<semaphore_mem>>) src(%dma_wait3A_57 : memref<80x128xf32, #tpu.memory_space<hbm>>) dst(%arg11 : memref<80x128xf32, #tpu.memory_space<vmem>>)
    %scan3A_58 = arith.constant 0 : i32
    %scan3A_59 = arith.constant 80 : i32
    %scan3A_60 = arith.addi %scan3A_58, %scan3A_59 : i32
    %scan3A_61 = arith.constant 1 : i32
    scf.for %scan3A_176 = %scan3A_58 to %scan3A_60 step %scan3A_61  : i32 {
      %mul3A_177 = arith.constant 1 : i32
      %mul3A_178 = arith.muli %scan3A_176, %mul3A_177 : i32
      %add3A_179 = arith.constant 0 : i32
      %add3A_180 = arith.addi %add3A_179, %mul3A_178 : i32
      %get3A = arith.index_cast %add3A_180 : i32 to index
      %get3A_181 = arith.constant 0 : index
      %get3A_182 = tpu.vector_load %arg11[%get3A, %get3A_181] {strides = array<i32>} : memref<80x128xf32, #tpu.memory_space<vmem>>, vector<1x16xf32>,
      %get3A_183 = vector.shape_cast %get3A_182 : vector<1x16xf32> to vector<16xf32>
      %mul3A_184 = arith.constant 8 : i32
      %mul3A_185 = arith.muli %add3A_180, %mul3A_184 : i32
      %add3A_186 = arith.constant 0 : i32
      %add3A_187 = arith.addi %mul3A_185, %add3A_186 : i32
      %swap3A = arith.index_cast %add3A_187 : i32 to index
      %swap3A_188 = arith.constant 0 : index
      %swap3A_189 = tpu.vector_load %arg10[%swap3A, %swap3A_188] {strides = array<i32>} : memref<640x16xf32, #tpu.memory_space<vmem>>, vector<1x16xf32>,
      %swap3A_190 = vector.shape_cast %swap3A_189 : vector<1x16xf32> to vector<16xf32>
      %swap3A_191 = vector.shape_cast %get3A_183 : vector<16xf32> to vector<1x16xf32>
      tpu.vector_store %arg10[%swap3A, %swap3A_188], %swap3A_191 {strides = array<i32>} : memref<640x16xf32, #tpu.memory_space<vmem>>, vector<1x16xf32>,
      %get3A_192 = arith.index_cast %add3A_180 : i32 to index
      %get3A_193 = arith.constant 16 : index
      %get3A_194 = tpu.vector_load %arg11[%get3A_192, %get3A_193] {strides = array<i32>} : memref<80x128xf32, #tpu.memory_space<vmem>>, vector<1x16xf32>,
      %get3A_195 = vector.shape_cast %get3A_194 : vector<1x16xf32> to vector<16xf32>
      %mul3A_196 = arith.constant 8 : i32
      %mul3A_197 = arith.muli %add3A_180, %mul3A_196 : i32
      %add3A_198 = arith.constant 1 : i32
      %add3A_199 = arith.addi %mul3A_197, %add3A_198 : i32
      %swap3A_200 = arith.index_cast %add3A_199 : i32 to index
      %swap3A_201 = arith.constant 0 : index
      %swap3A_202 = tpu.vector_load %arg10[%swap3A_200, %swap3A_201] {strides = array<i32>} : memref<640x16xf32, #tpu.memory_space<vmem>>, vector<1x16xf32>,
      %swap3A_203 = vector.shape_cast %swap3A_202 : vector<1x16xf32> to vector<16xf32>
      %swap3A_204 = vector.shape_cast %get3A_195 : vector<16xf32> to vector<1x16xf32>
      tpu.vector_store %arg10[%swap3A_200, %swap3A_201], %swap3A_204 {strides = array<i32>} : memref<640x16xf32, #tpu.memory_space<vmem>>, vector<1x16xf32>,
      %get3A_205 = arith.index_cast %add3A_180 : i32 to index
      %get3A_206 = arith.constant 32 : index
      %get3A_207 = tpu.vector_load %arg11[%get3A_205, %get3A_206] {strides = array<i32>} : memref<80x128xf32, #tpu.memory_space<vmem>>, vector<1x16xf32>,
      %get3A_208 = vector.shape_cast %get3A_207 : vector<1x16xf32> to vector<16xf32>
      %mul3A_209 = arith.constant 8 : i32
      %mul3A_210 = arith.muli %add3A_180, %mul3A_209 : i32
      %add3A_211 = arith.constant 2 : i32
      %add3A_212 = arith.addi %mul3A_210, %add3A_211 : i32
      %swap3A_213 = arith.index_cast %add3A_212 : i32 to index
      %swap3A_214 = arith.constant 0 : index
      %swap3A_215 = tpu.vector_load %arg10[%swap3A_213, %swap3A_214] {strides = array<i32>} : memref<640x16xf32, #tpu.memory_space<vmem>>, vector<1x16xf32>,
      %swap3A_216 = vector.shape_cast %swap3A_215 : vector<1x16xf32> to vector<16xf32>
      %swap3A_217 = vector.shape_cast %get3A_208 : vector<16xf32> to vector<1x16xf32>
      tpu.vector_store %arg10[%swap3A_213, %swap3A_214], %swap3A_217 {strides = array<i32>} : memref<640x16xf32, #tpu.memory_space<vmem>>, vector<1x16xf32>,
      %get3A_218 = arith.index_cast %add3A_180 : i32 to index
      %get3A_219 = arith.constant 48 : index
      %get3A_220 = tpu.vector_load %arg11[%get3A_218, %get3A_219] {strides = array<i32>} : memref<80x128xf32, #tpu.memory_space<vmem>>, vector<1x16xf32>,
      %get3A_221 = vector.shape_cast %get3A_220 : vector<1x16xf32> to vector<16xf32>
      %mul3A_222 = arith.constant 8 : i32
      %mul3A_223 = arith.muli %add3A_180, %mul3A_222 : i32
      %add3A_224 = arith.constant 3 : i32
      %add3A_225 = arith.addi %mul3A_223, %add3A_224 : i32
      %swap3A_226 = arith.index_cast %add3A_225 : i32 to index
      %swap3A_227 = arith.constant 0 : index
      %swap3A_228 = tpu.vector_load %arg10[%swap3A_226, %swap3A_227] {strides = array<i32>} : memref<640x16xf32, #tpu.memory_space<vmem>>, vector<1x16xf32>,
      %swap3A_229 = vector.shape_cast %swap3A_228 : vector<1x16xf32> to vector<16xf32>
      %swap3A_230 = vector.shape_cast %get3A_221 : vector<16xf32> to vector<1x16xf32>
      tpu.vector_store %arg10[%swap3A_226, %swap3A_227], %swap3A_230 {strides = array<i32>} : memref<640x16xf32, #tpu.memory_space<vmem>>, vector<1x16xf32>,
      %get3A_231 = arith.index_cast %add3A_180 : i32 to index
      %get3A_232 = arith.constant 64 : index
      %get3A_233 = tpu.vector_load %arg11[%get3A_231, %get3A_232] {strides = array<i32>} : memref<80x128xf32, #tpu.memory_space<vmem>>, vector<1x16xf32>,
      %get3A_234 = vector.shape_cast %get3A_233 : vector<1x16xf32> to vector<16xf32>
      %mul3A_235 = arith.constant 8 : i32
      %mul3A_236 = arith.muli %add3A_180, %mul3A_235 : i32
      %add3A_237 = arith.constant 4 : i32
      %add3A_238 = arith.addi %mul3A_236, %add3A_237 : i32
      %swap3A_239 = arith.index_cast %add3A_238 : i32 to index
      %swap3A_240 = arith.constant 0 : index
      %swap3A_241 = tpu.vector_load %arg10[%swap3A_239, %swap3A_240] {strides = array<i32>} : memref<640x16xf32, #tpu.memory_space<vmem>>, vector<1x16xf32>,
      %swap3A_242 = vector.shape_cast %swap3A_241 : vector<1x16xf32> to vector<16xf32>
      %swap3A_243 = vector.shape_cast %get3A_234 : vector<16xf32> to vector<1x16xf32>
      tpu.vector_store %arg10[%swap3A_239, %swap3A_240], %swap3A_243 {strides = array<i32>} : memref<640x16xf32, #tpu.memory_space<vmem>>, vector<1x16xf32>,
      %get3A_244 = arith.index_cast %add3A_180 : i32 to index
      %get3A_245 = arith.constant 80 : index
      %get3A_246 = tpu.vector_load %arg11[%get3A_244, %get3A_245] {strides = array<i32>} : memref<80x128xf32, #tpu.memory_space<vmem>>, vector<1x16xf32>,
      %get3A_247 = vector.shape_cast %get3A_246 : vector<1x16xf32> to vector<16xf32>
      %mul3A_248 = arith.constant 8 : i32
      %mul3A_249 = arith.muli %add3A_180, %mul3A_248 : i32
      %add3A_250 = arith.constant 5 : i32
      %add3A_251 = arith.addi %mul3A_249, %add3A_250 : i32
      %swap3A_252 = arith.index_cast %add3A_251 : i32 to index
      %swap3A_253 = arith.constant 0 : index
      %swap3A_254 = tpu.vector_load %arg10[%swap3A_252, %swap3A_253] {strides = array<i32>} : memref<640x16xf32, #tpu.memory_space<vmem>>, vector<1x16xf32>,
      %swap3A_255 = vector.shape_cast %swap3A_254 : vector<1x16xf32> to vector<16xf32>
      %swap3A_256 = vector.shape_cast %get3A_247 : vector<16xf32> to vector<1x16xf32>
      tpu.vector_store %arg10[%swap3A_252, %swap3A_253], %swap3A_256 {strides = array<i32>} : memref<640x16xf32, #tpu.memory_space<vmem>>, vector<1x16xf32>,
      %get3A_257 = arith.index_cast %add3A_180 : i32 to index
      %get3A_258 = arith.constant 96 : index
      %get3A_259 = tpu.vector_load %arg11[%get3A_257, %get3A_258] {strides = array<i32>} : memref<80x128xf32, #tpu.memory_space<vmem>>, vector<1x16xf32>,
      %get3A_260 = vector.shape_cast %get3A_259 : vector<1x16xf32> to vector<16xf32>
      %mul3A_261 = arith.constant 8 : i32
      %mul3A_262 = arith.muli %add3A_180, %mul3A_261 : i32
      %add3A_263 = arith.constant 6 : i32
      %add3A_264 = arith.addi %mul3A_262, %add3A_263 : i32
      %swap3A_265 = arith.index_cast %add3A_264 : i32 to index
      %swap3A_266 = arith.constant 0 : index
      %swap3A_267 = tpu.vector_load %arg10[%swap3A_265, %swap3A_266] {strides = array<i32>} : memref<640x16xf32, #tpu.memory_space<vmem>>, vector<1x16xf32>,
      %swap3A_268 = vector.shape_cast %swap3A_267 : vector<1x16xf32> to vector<16xf32>
      %swap3A_269 = vector.shape_cast %get3A_260 : vector<16xf32> to vector<1x16xf32>
      tpu.vector_store %arg10[%swap3A_265, %swap3A_266], %swap3A_269 {strides = array<i32>} : memref<640x16xf32, #tpu.memory_space<vmem>>, vector<1x16xf32>,
      %get3A_270 = arith.index_cast %add3A_180 : i32 to index
      %get3A_271 = arith.constant 112 : index
      %get3A_272 = tpu.vector_load %arg11[%get3A_270, %get3A_271] {strides = array<i32>} : memref<80x128xf32, #tpu.memory_space<vmem>>, vector<1x16xf32>,
      %get3A_273 = vector.shape_cast %get3A_272 : vector<1x16xf32> to vector<16xf32>
      %mul3A_274 = arith.constant 8 : i32
      %mul3A_275 = arith.muli %add3A_180, %mul3A_274 : i32
      %add3A_276 = arith.constant 7 : i32
      %add3A_277 = arith.addi %mul3A_275, %add3A_276 : i32
      %swap3A_278 = arith.index_cast %add3A_277 : i32 to index
      %swap3A_279 = arith.constant 0 : index
      %swap3A_280 = tpu.vector_load %arg10[%swap3A_278, %swap3A_279] {strides = array<i32>} : memref<640x16xf32, #tpu.memory_space<vmem>>, vector<1x16xf32>,
      %swap3A_281 = vector.shape_cast %swap3A_280 : vector<1x16xf32> to vector<16xf32>
      %swap3A_282 = vector.shape_cast %get3A_273 : vector<16xf32> to vector<1x16xf32>
      tpu.vector_store %arg10[%swap3A_278, %swap3A_279], %swap3A_282 {strides = array<i32>} : memref<640x16xf32, #tpu.memory_space<vmem>>, vector<1x16xf32>,
    }
    %scan3A_62 = arith.constant 80 : i32
    %mul3A_63 = arith.constant 640 : i32
    %mul3A_64 = arith.muli %arg1, %mul3A_63 : i32
    "tpu.region"() ({
      %run_scoped3A = tpu.sem_alloc : memref<!tpu.dma_semaphore, #tpu.memory_space<semaphore_mem>>
      %dma_start3A_176 = arith.constant 0 : i32
      %dma_start3A_177 = tpu.memref_slice %arg9[%mul3A_64, %dma_start3A_176] : memref<10240x16xf32, #tpu.memory_space<vmem_shared>> -> memref<640x16xf32, #tpu.memory_space<vmem_shared>>
      %dma_start3A_178 = arith.constant 0 : i32
      %dma_start3A_179 = tpu.memref_slice %arg9[%mul3A_64, %dma_start3A_178] : memref<10240x16xf32, #tpu.memory_space<vmem_shared>> -> memref<640x16xf32, #tpu.memory_space<vmem_shared>>
      tpu.enqueue_dma source(%arg10 : memref<640x16xf32, #tpu.memory_space<vmem>>) target(%dma_start3A_179 : memref<640x16xf32, #tpu.memory_space<vmem_shared>>) target_semaphore(%run_scoped3A : memref<!tpu.dma_semaphore, #tpu.memory_space<semaphore_mem>>)
      %dma_wait3A_180 = arith.constant 0 : i32
      %dma_wait3A_181 = tpu.memref_slice %arg9[%mul3A_64, %dma_wait3A_180] : memref<10240x16xf32, #tpu.memory_space<vmem_shared>> -> memref<640x16xf32, #tpu.memory_space<vmem_shared>>
      %dma_wait3A_182 = arith.constant 0 : i32
      %dma_wait3A_183 = tpu.memref_slice %arg9[%mul3A_64, %dma_wait3A_182] : memref<10240x16xf32, #tpu.memory_space<vmem_shared>> -> memref<640x16xf32, #tpu.memory_space<vmem_shared>>
      tpu.wait_dma2 semaphore(%run_scoped3A : memref<!tpu.dma_semaphore, #tpu.memory_space<semaphore_mem>>) src(%arg10 : memref<640x16xf32, #tpu.memory_space<vmem>>) dst(%dma_wait3A_183 : memref<640x16xf32, #tpu.memory_space<vmem_shared>>)
      tpu.yield
    }) : () -> ()
    %barrier3A = arith.constant 0 : index
    tpu.barrier barrier_id(%barrier3A)
    %dma_start3A_65 = arith.constant 0 : i32
    %dma_start3A_66 = arith.constant 0 : i32
    %dma_start3A_67 = arith.constant 0 : i32
    %dma_start3A_68 = arith.constant 0 : i32
    %dma_start3A_69 = tpu.memref_slice %arg7[%dma_start3A_66, %dma_start3A_67, %dma_start3A_68] : memref<8x128x16xf32, #tpu.memory_space<vmem>> -> memref<1x128x16xf32, #tpu.memory_space<vmem>>
    %dma_start3A_70 = tpu.memref_squeeze %dma_start3A_69 : memref<1x128x16xf32, #tpu.memory_space<vmem>> -> memref<128x16xf32, #tpu.memory_space<vmem>>
    %dma_start3A_71 = arith.constant 0 : i32
    %dma_start3A_72 = tpu.memref_slice %arg5[%dma_start3A_65, %dma_start3A_71] : memref<80x128xi32, #tpu.memory_space<vmem>> -> memref<1x128xi32, #tpu.memory_space<vmem>>
    %dma_start3A_73 = tpu.memref_squeeze %dma_start3A_72 : memref<1x128xi32, #tpu.memory_space<vmem>> -> memref<128xi32, #tpu.memory_space<vmem>>
    %dma_start3A_74 = arith.constant 0 : i32
    %dma_start3A_75 = arith.constant 0 : i32
    %dma_start3A_76 = tpu.memref_slice %arg9[%dma_start3A_74, %dma_start3A_75] : memref<10240x16xf32, #tpu.memory_space<vmem_shared>> -> memref<10240x16xf32, #tpu.memory_space<vmem_shared>>
    tpu.enqueue_indirect_dma source(%dma_start3A_76 : memref<10240x16xf32, #tpu.memory_space<vmem_shared>>) target(%dma_start3A_70 : memref<128x16xf32, #tpu.memory_space<vmem>>) offsets(%dma_start3A_73 : memref<128xi32, #tpu.memory_space<vmem>>) semaphore(%arg15 : memref<!tpu.dma_semaphore, #tpu.memory_space<semaphore_mem>>)
    %dma_start3A_77 = arith.constant 1 : i32
    %dma_start3A_78 = arith.constant 1 : i32
    %dma_start3A_79 = arith.constant 0 : i32
    %dma_start3A_80 = arith.constant 0 : i32
    %dma_start3A_81 = tpu.memref_slice %arg7[%dma_start3A_78, %dma_start3A_79, %dma_start3A_80] : memref<8x128x16xf32, #tpu.memory_space<vmem>> -> memref<1x128x16xf32, #tpu.memory_space<vmem>>
    %dma_start3A_82 = tpu.memref_squeeze %dma_start3A_81 : memref<1x128x16xf32, #tpu.memory_space<vmem>> -> memref<128x16xf32, #tpu.memory_space<vmem>>
    %dma_start3A_83 = arith.constant 0 : i32
    %dma_start3A_84 = tpu.memref_slice %arg5[%dma_start3A_77, %dma_start3A_83] : memref<80x128xi32, #tpu.memory_space<vmem>> -> memref<1x128xi32, #tpu.memory_space<vmem>>
    %dma_start3A_85 = tpu.memref_squeeze %dma_start3A_84 : memref<1x128xi32, #tpu.memory_space<vmem>> -> memref<128xi32, #tpu.memory_space<vmem>>
    %dma_start3A_86 = arith.constant 0 : i32
    %dma_start3A_87 = arith.constant 0 : i32
    %dma_start3A_88 = tpu.memref_slice %arg9[%dma_start3A_86, %dma_start3A_87] : memref<10240x16xf32, #tpu.memory_space<vmem_shared>> -> memref<10240x16xf32, #tpu.memory_space<vmem_shared>>
    tpu.enqueue_indirect_dma source(%dma_start3A_88 : memref<10240x16xf32, #tpu.memory_space<vmem_shared>>) target(%dma_start3A_82 : memref<128x16xf32, #tpu.memory_space<vmem>>) offsets(%dma_start3A_85 : memref<128xi32, #tpu.memory_space<vmem>>) semaphore(%arg16 : memref<!tpu.dma_semaphore, #tpu.memory_space<semaphore_mem>>)
    %dma_start3A_89 = arith.constant 2 : i32
    %dma_start3A_90 = arith.constant 2 : i32
    %dma_start3A_91 = arith.constant 0 : i32
    %dma_start3A_92 = arith.constant 0 : i32
    %dma_start3A_93 = tpu.memref_slice %arg7[%dma_start3A_90, %dma_start3A_91, %dma_start3A_92] : memref<8x128x16xf32, #tpu.memory_space<vmem>> -> memref<1x128x16xf32, #tpu.memory_space<vmem>>
    %dma_start3A_94 = tpu.memref_squeeze %dma_start3A_93 : memref<1x128x16xf32, #tpu.memory_space<vmem>> -> memref<128x16xf32, #tpu.memory_space<vmem>>
    %dma_start3A_95 = arith.constant 0 : i32
    %dma_start3A_96 = tpu.memref_slice %arg5[%dma_start3A_89, %dma_start3A_95] : memref<80x128xi32, #tpu.memory_space<vmem>> -> memref<1x128xi32, #tpu.memory_space<vmem>>
    %dma_start3A_97 = tpu.memref_squeeze %dma_start3A_96 : memref<1x128xi32, #tpu.memory_space<vmem>> -> memref<128xi32, #tpu.memory_space<vmem>>
    %dma_start3A_98 = arith.constant 0 : i32
    %dma_start3A_99 = arith.constant 0 : i32
    %dma_start3A_100 = tpu.memref_slice %arg9[%dma_start3A_98, %dma_start3A_99] : memref<10240x16xf32, #tpu.memory_space<vmem_shared>> -> memref<10240x16xf32, #tpu.memory_space<vmem_shared>>
    tpu.enqueue_indirect_dma source(%dma_start3A_100 : memref<10240x16xf32, #tpu.memory_space<vmem_shared>>) target(%dma_start3A_94 : memref<128x16xf32, #tpu.memory_space<vmem>>) offsets(%dma_start3A_97 : memref<128xi32, #tpu.memory_space<vmem>>) semaphore(%arg17 : memref<!tpu.dma_semaphore, #tpu.memory_space<semaphore_mem>>)
    %dma_start3A_101 = arith.constant 3 : i32
    %dma_start3A_102 = arith.constant 3 : i32
    %dma_start3A_103 = arith.constant 0 : i32
    %dma_start3A_104 = arith.constant 0 : i32
    %dma_start3A_105 = tpu.memref_slice %arg7[%dma_start3A_102, %dma_start3A_103, %dma_start3A_104] : memref<8x128x16xf32, #tpu.memory_space<vmem>> -> memref<1x128x16xf32, #tpu.memory_space<vmem>>
    %dma_start3A_106 = tpu.memref_squeeze %dma_start3A_105 : memref<1x128x16xf32, #tpu.memory_space<vmem>> -> memref<128x16xf32, #tpu.memory_space<vmem>>
    %dma_start3A_107 = arith.constant 0 : i32
    %dma_start3A_108 = tpu.memref_slice %arg5[%dma_start3A_101, %dma_start3A_107] : memref<80x128xi32, #tpu.memory_space<vmem>> -> memref<1x128xi32, #tpu.memory_space<vmem>>
    %dma_start3A_109 = tpu.memref_squeeze %dma_start3A_108 : memref<1x128xi32, #tpu.memory_space<vmem>> -> memref<128xi32, #tpu.memory_space<vmem>>
    %dma_start3A_110 = arith.constant 0 : i32
    %dma_start3A_111 = arith.constant 0 : i32
    %dma_start3A_112 = tpu.memref_slice %arg9[%dma_start3A_110, %dma_start3A_111] : memref<10240x16xf32, #tpu.memory_space<vmem_shared>> -> memref<10240x16xf32, #tpu.memory_space<vmem_shared>>
    tpu.enqueue_indirect_dma source(%dma_start3A_112 : memref<10240x16xf32, #tpu.memory_space<vmem_shared>>) target(%dma_start3A_106 : memref<128x16xf32, #tpu.memory_space<vmem>>) offsets(%dma_start3A_109 : memref<128xi32, #tpu.memory_space<vmem>>) semaphore(%arg18 : memref<!tpu.dma_semaphore, #tpu.memory_space<semaphore_mem>>)
    %dma_start3A_113 = arith.constant 4 : i32
    %dma_start3A_114 = arith.constant 4 : i32
    %dma_start3A_115 = arith.constant 0 : i32
    %dma_start3A_116 = arith.constant 0 : i32
    %dma_start3A_117 = tpu.memref_slice %arg7[%dma_start3A_114, %dma_start3A_115, %dma_start3A_116] : memref<8x128x16xf32, #tpu.memory_space<vmem>> -> memref<1x128x16xf32, #tpu.memory_space<vmem>>
    %dma_start3A_118 = tpu.memref_squeeze %dma_start3A_117 : memref<1x128x16xf32, #tpu.memory_space<vmem>> -> memref<128x16xf32, #tpu.memory_space<vmem>>
    %dma_start3A_119 = arith.constant 0 : i32
    %dma_start3A_120 = tpu.memref_slice %arg5[%dma_start3A_113, %dma_start3A_119] : memref<80x128xi32, #tpu.memory_space<vmem>> -> memref<1x128xi32, #tpu.memory_space<vmem>>
    %dma_start3A_121 = tpu.memref_squeeze %dma_start3A_120 : memref<1x128xi32, #tpu.memory_space<vmem>> -> memref<128xi32, #tpu.memory_space<vmem>>
    %dma_start3A_122 = arith.constant 0 : i32
    %dma_start3A_123 = arith.constant 0 : i32
    %dma_start3A_124 = tpu.memref_slice %arg9[%dma_start3A_122, %dma_start3A_123] : memref<10240x16xf32, #tpu.memory_space<vmem_shared>> -> memref<10240x16xf32, #tpu.memory_space<vmem_shared>>
    tpu.enqueue_indirect_dma source(%dma_start3A_124 : memref<10240x16xf32, #tpu.memory_space<vmem_shared>>) target(%dma_start3A_118 : memref<128x16xf32, #tpu.memory_space<vmem>>) offsets(%dma_start3A_121 : memref<128xi32, #tpu.memory_space<vmem>>) semaphore(%arg19 : memref<!tpu.dma_semaphore, #tpu.memory_space<semaphore_mem>>)
    %dma_start3A_125 = arith.constant 5 : i32
    %dma_start3A_126 = arith.constant 5 : i32
    %dma_start3A_127 = arith.constant 0 : i32
    %dma_start3A_128 = arith.constant 0 : i32
    %dma_start3A_129 = tpu.memref_slice %arg7[%dma_start3A_126, %dma_start3A_127, %dma_start3A_128] : memref<8x128x16xf32, #tpu.memory_space<vmem>> -> memref<1x128x16xf32, #tpu.memory_space<vmem>>
    %dma_start3A_130 = tpu.memref_squeeze %dma_start3A_129 : memref<1x128x16xf32, #tpu.memory_space<vmem>> -> memref<128x16xf32, #tpu.memory_space<vmem>>
    %dma_start3A_131 = arith.constant 0 : i32
    %dma_start3A_132 = tpu.memref_slice %arg5[%dma_start3A_125, %dma_start3A_131] : memref<80x128xi32, #tpu.memory_space<vmem>> -> memref<1x128xi32, #tpu.memory_space<vmem>>
    %dma_start3A_133 = tpu.memref_squeeze %dma_start3A_132 : memref<1x128xi32, #tpu.memory_space<vmem>> -> memref<128xi32, #tpu.memory_space<vmem>>
    %dma_start3A_134 = arith.constant 0 : i32
    %dma_start3A_135 = arith.constant 0 : i32
    %dma_start3A_136 = tpu.memref_slice %arg9[%dma_start3A_134, %dma_start3A_135] : memref<10240x16xf32, #tpu.memory_space<vmem_shared>> -> memref<10240x16xf32, #tpu.memory_space<vmem_shared>>
    tpu.enqueue_indirect_dma source(%dma_start3A_136 : memref<10240x16xf32, #tpu.memory_space<vmem_shared>>) target(%dma_start3A_130 : memref<128x16xf32, #tpu.memory_space<vmem>>) offsets(%dma_start3A_133 : memref<128xi32, #tpu.memory_space<vmem>>) semaphore(%arg20 : memref<!tpu.dma_semaphore, #tpu.memory_space<semaphore_mem>>)
    %dma_start3A_137 = arith.constant 6 : i32
    %dma_start3A_138 = arith.constant 6 : i32
    %dma_start3A_139 = arith.constant 0 : i32
    %dma_start3A_140 = arith.constant 0 : i32
    %dma_start3A_141 = tpu.memref_slice %arg7[%dma_start3A_138, %dma_start3A_139, %dma_start3A_140] : memref<8x128x16xf32, #tpu.memory_space<vmem>> -> memref<1x128x16xf32, #tpu.memory_space<vmem>>
    %dma_start3A_142 = tpu.memref_squeeze %dma_start3A_141 : memref<1x128x16xf32, #tpu.memory_space<vmem>> -> memref<128x16xf32, #tpu.memory_space<vmem>>
    %dma_start3A_143 = arith.constant 0 : i32
    %dma_start3A_144 = tpu.memref_slice %arg5[%dma_start3A_137, %dma_start3A_143] : memref<80x128xi32, #tpu.memory_space<vmem>> -> memref<1x128xi32, #tpu.memory_space<vmem>>
    %dma_start3A_145 = tpu.memref_squeeze %dma_start3A_144 : memref<1x128xi32, #tpu.memory_space<vmem>> -> memref<128xi32, #tpu.memory_space<vmem>>
    %dma_start3A_146 = arith.constant 0 : i32
    %dma_start3A_147 = arith.constant 0 : i32
    %dma_start3A_148 = tpu.memref_slice %arg9[%dma_start3A_146, %dma_start3A_147] : memref<10240x16xf32, #tpu.memory_space<vmem_shared>> -> memref<10240x16xf32, #tpu.memory_space<vmem_shared>>
    tpu.enqueue_indirect_dma source(%dma_start3A_148 : memref<10240x16xf32, #tpu.memory_space<vmem_shared>>) target(%dma_start3A_142 : memref<128x16xf32, #tpu.memory_space<vmem>>) offsets(%dma_start3A_145 : memref<128xi32, #tpu.memory_space<vmem>>) semaphore(%arg21 : memref<!tpu.dma_semaphore, #tpu.memory_space<semaphore_mem>>)
    %dma_start3A_149 = arith.constant 7 : i32
    %dma_start3A_150 = arith.constant 7 : i32
    %dma_start3A_151 = arith.constant 0 : i32
    %dma_start3A_152 = arith.constant 0 : i32
    %dma_start3A_153 = tpu.memref_slice %arg7[%dma_start3A_150, %dma_start3A_151, %dma_start3A_152] : memref<8x128x16xf32, #tpu.memory_space<vmem>> -> memref<1x128x16xf32, #tpu.memory_space<vmem>>
    %dma_start3A_154 = tpu.memref_squeeze %dma_start3A_153 : memref<1x128x16xf32, #tpu.memory_space<vmem>> -> memref<128x16xf32, #tpu.memory_space<vmem>>
    %dma_start3A_155 = arith.constant 0 : i32
    %dma_start3A_156 = tpu.memref_slice %arg5[%dma_start3A_149, %dma_start3A_155] : memref<80x128xi32, #tpu.memory_space<vmem>> -> memref<1x128xi32, #tpu.memory_space<vmem>>
    %dma_start3A_157 = tpu.memref_squeeze %dma_start3A_156 : memref<1x128xi32, #tpu.memory_space<vmem>> -> memref<128xi32, #tpu.memory_space<vmem>>
    %dma_start3A_158 = arith.constant 0 : i32
    %dma_start3A_159 = arith.constant 0 : i32
    %dma_start3A_160 = tpu.memref_slice %arg9[%dma_start3A_158, %dma_start3A_159] : memref<10240x16xf32, #tpu.memory_space<vmem_shared>> -> memref<10240x16xf32, #tpu.memory_space<vmem_shared>>
    tpu.enqueue_indirect_dma source(%dma_start3A_160 : memref<10240x16xf32, #tpu.memory_space<vmem_shared>>) target(%dma_start3A_154 : memref<128x16xf32, #tpu.memory_space<vmem>>) offsets(%dma_start3A_157 : memref<128xi32, #tpu.memory_space<vmem>>) semaphore(%arg22 : memref<!tpu.dma_semaphore, #tpu.memory_space<semaphore_mem>>)
    %scan3A_161 = arith.constant 0 : i32
    %scan3A_162 = arith.constant 10 : i32
    %scan3A_163 = arith.addi %scan3A_161, %scan3A_162 : i32
    %scan3A_164 = arith.constant 1 : i32
    scf.for %scan3A_176 = %scan3A_161 to %scan3A_163 step %scan3A_164  : i32 {
      %mul3A_177 = arith.constant 8 : i32
      %mul3A_178 = arith.muli %scan3A_176, %mul3A_177 : i32
      %add3A_179 = arith.constant 0 : i32
      %add3A_180 = arith.addi %add3A_179, %mul3A_178 : i32
      %dma_wait3A_181 = arith.constant 0 : i32
      %dma_wait3A_182 = arith.constant 0 : i32
      %dma_wait3A_183 = arith.constant 0 : i32
      %dma_wait3A_184 = arith.constant 0 : i32
      %dma_wait3A_185 = tpu.memref_slice %arg7[%dma_wait3A_182, %dma_wait3A_183, %dma_wait3A_184] : memref<8x128x16xf32, #tpu.memory_space<vmem>> -> memref<1x128x16xf32, #tpu.memory_space<vmem>>
      %dma_wait3A_186 = tpu.memref_squeeze %dma_wait3A_185 : memref<1x128x16xf32, #tpu.memory_space<vmem>> -> memref<128x16xf32, #tpu.memory_space<vmem>>
      %dma_wait3A_187 = arith.constant 0 : i32
      %dma_wait3A_188 = tpu.memref_slice %arg5[%dma_wait3A_181, %dma_wait3A_187] : memref<80x128xi32, #tpu.memory_space<vmem>> -> memref<1x128xi32, #tpu.memory_space<vmem>>
      %dma_wait3A_189 = tpu.memref_squeeze %dma_wait3A_188 : memref<1x128xi32, #tpu.memory_space<vmem>> -> memref<128xi32, #tpu.memory_space<vmem>>
      %dma_wait3A_190 = arith.constant 0 : i32
      %dma_wait3A_191 = arith.constant 0 : i32
      %dma_wait3A_192 = tpu.memref_slice %arg9[%dma_wait3A_190, %dma_wait3A_191] : memref<10240x16xf32, #tpu.memory_space<vmem_shared>> -> memref<10240x16xf32, #tpu.memory_space<vmem_shared>>
      tpu.wait_indirect_dma semaphore(%arg15 : memref<!tpu.dma_semaphore, #tpu.memory_space<semaphore_mem>>) src(%dma_wait3A_192 : memref<10240x16xf32, #tpu.memory_space<vmem_shared>>) dst(%dma_wait3A_186 : memref<128x16xf32, #tpu.memory_space<vmem>>)
      %add3A_193 = arith.constant 0 : i32
      %add3A_194 = arith.addi %add3A_180, %add3A_193 : i32
      %run_scoped3A = arith.constant 0 : i32
      "tpu.region"() ({
        %run_scoped3A_369 = tpu.sem_alloc : memref<!tpu.dma_semaphore, #tpu.memory_space<semaphore_mem>>
        %dma_start3A_370 = arith.constant 0 : i32
        %dma_start3A_371 = arith.constant 0 : i32
        %dma_start3A_372 = tpu.memref_slice %arg7[%run_scoped3A, %dma_start3A_370, %dma_start3A_371] : memref<8x128x16xf32, #tpu.memory_space<vmem>> -> memref<1x128x16xf32, #tpu.memory_space<vmem>>
        %dma_start3A_373 = tpu.memref_squeeze %dma_start3A_372 : memref<1x128x16xf32, #tpu.memory_space<vmem>> -> memref<128x16xf32, #tpu.memory_space<vmem>>
        %dma_start3A_374 = arith.constant 0 : i32
        %dma_start3A_375 = tpu.memref_slice %arg6[%add3A_194, %dma_start3A_374] : memref<80x128xi32, #tpu.memory_space<vmem>> -> memref<1x128xi32, #tpu.memory_space<vmem>>
        %dma_start3A_376 = tpu.memref_squeeze %dma_start3A_375 : memref<1x128xi32, #tpu.memory_space<vmem>> -> memref<128xi32, #tpu.memory_space<vmem>>
        %dma_start3A_377 = arith.constant 0 : i32
        %dma_start3A_378 = arith.constant 0 : i32
        %dma_start3A_379 = tpu.memref_slice %arg8[%dma_start3A_377, %dma_start3A_378] : memref<10240x16xf32, #tpu.memory_space<vmem_shared>> -> memref<10240x16xf32, #tpu.memory_space<vmem_shared>>
        tpu.enqueue_indirect_dma source(%dma_start3A_373 : memref<128x16xf32, #tpu.memory_space<vmem>>) target(%dma_start3A_379 : memref<10240x16xf32, #tpu.memory_space<vmem_shared>>) offsets(%dma_start3A_376 : memref<128xi32, #tpu.memory_space<vmem>>) semaphore(%run_scoped3A_369 : memref<!tpu.dma_semaphore, #tpu.memory_space<semaphore_mem>>) {add = true}
        %dma_wait3A_380 = arith.constant 0 : i32
        %dma_wait3A_381 = arith.constant 0 : i32
        %dma_wait3A_382 = tpu.memref_slice %arg7[%run_scoped3A, %dma_wait3A_380, %dma_wait3A_381] : memref<8x128x16xf32, #tpu.memory_space<vmem>> -> memref<1x128x16xf32, #tpu.memory_space<vmem>>
        %dma_wait3A_383 = tpu.memref_squeeze %dma_wait3A_382 : memref<1x128x16xf32, #tpu.memory_space<vmem>> -> memref<128x16xf32, #tpu.memory_space<vmem>>
        %dma_wait3A_384 = arith.constant 0 : i32
        %dma_wait3A_385 = tpu.memref_slice %arg6[%add3A_194, %dma_wait3A_384] : memref<80x128xi32, #tpu.memory_space<vmem>> -> memref<1x128xi32, #tpu.memory_space<vmem>>
        %dma_wait3A_386 = tpu.memref_squeeze %dma_wait3A_385 : memref<1x128xi32, #tpu.memory_space<vmem>> -> memref<128xi32, #tpu.memory_space<vmem>>
        %dma_wait3A_387 = arith.constant 0 : i32
        %dma_wait3A_388 = arith.constant 0 : i32
        %dma_wait3A_389 = tpu.memref_slice %arg8[%dma_wait3A_387, %dma_wait3A_388] : memref<10240x16xf32, #tpu.memory_space<vmem_shared>> -> memref<10240x16xf32, #tpu.memory_space<vmem_shared>>
        tpu.wait_indirect_dma semaphore(%run_scoped3A_369 : memref<!tpu.dma_semaphore, #tpu.memory_space<semaphore_mem>>) src(%dma_wait3A_383 : memref<128x16xf32, #tpu.memory_space<vmem>>) dst(%dma_wait3A_389 : memref<10240x16xf32, #tpu.memory_space<vmem_shared>>)
        tpu.yield
      }) : () -> ()
      %add3A_195 = arith.constant 0 : i32
      %add3A_196 = arith.addi %add3A_180, %add3A_195 : i32
      %add3A_197 = arith.constant 8 : i32
      %add3A_198 = arith.addi %add3A_196, %add3A_197 : i32
      %lt3A = arith.constant 80 : i32
      %lt3A_199 = arith.cmpi slt, %add3A_198, %lt3A : i32
      %convert_element_type3A = arith.extui %lt3A_199 : i1 to i32
      %cond3A = arith.constant 0 : i32
      %cond3A_200 = arith.cmpi ne, %convert_element_type3A, %cond3A : i32
      scf.if %cond3A_200 {
        %dma_start3A_369 = arith.constant 0 : i32
        %dma_start3A_370 = arith.constant 0 : i32
        %dma_start3A_371 = arith.constant 0 : i32
        %dma_start3A_372 = tpu.memref_slice %arg7[%dma_start3A_369, %dma_start3A_370, %dma_start3A_371] : memref<8x128x16xf32, #tpu.memory_space<vmem>> -> memref<1x128x16xf32, #tpu.memory_space<vmem>>
        %dma_start3A_373 = tpu.memref_squeeze %dma_start3A_372 : memref<1x128x16xf32, #tpu.memory_space<vmem>> -> memref<128x16xf32, #tpu.memory_space<vmem>>
        %dma_start3A_374 = arith.constant 0 : i32
        %dma_start3A_375 = tpu.memref_slice %arg5[%add3A_198, %dma_start3A_374] : memref<80x128xi32, #tpu.memory_space<vmem>> -> memref<1x128xi32, #tpu.memory_space<vmem>>
        %dma_start3A_376 = tpu.memref_squeeze %dma_start3A_375 : memref<1x128xi32, #tpu.memory_space<vmem>> -> memref<128xi32, #tpu.memory_space<vmem>>
        %dma_start3A_377 = arith.constant 0 : i32
        %dma_start3A_378 = arith.constant 0 : i32
        %dma_start3A_379 = tpu.memref_slice %arg9[%dma_start3A_377, %dma_start3A_378] : memref<10240x16xf32, #tpu.memory_space<vmem_shared>> -> memref<10240x16xf32, #tpu.memory_space<vmem_shared>>
        tpu.enqueue_indirect_dma source(%dma_start3A_379 : memref<10240x16xf32, #tpu.memory_space<vmem_shared>>) target(%dma_start3A_373 : memref<128x16xf32, #tpu.memory_space<vmem>>) offsets(%dma_start3A_376 : memref<128xi32, #tpu.memory_space<vmem>>) semaphore(%arg15 : memref<!tpu.dma_semaphore, #tpu.memory_space<semaphore_mem>>)
      } else {
      }
      %dma_wait3A_201 = arith.constant 1 : i32
      %dma_wait3A_202 = arith.constant 1 : i32
      %dma_wait3A_203 = arith.constant 0 : i32
      %dma_wait3A_204 = arith.constant 0 : i32
      %dma_wait3A_205 = tpu.memref_slice %arg7[%dma_wait3A_202, %dma_wait3A_203, %dma_wait3A_204] : memref<8x128x16xf32, #tpu.memory_space<vmem>> -> memref<1x128x16xf32, #tpu.memory_space<vmem>>
      %dma_wait3A_206 = tpu.memref_squeeze %dma_wait3A_205 : memref<1x128x16xf32, #tpu.memory_space<vmem>> -> memref<128x16xf32, #tpu.memory_space<vmem>>
      %dma_wait3A_207 = arith.constant 0 : i32
      %dma_wait3A_208 = tpu.memref_slice %arg5[%dma_wait3A_201, %dma_wait3A_207] : memref<80x128xi32, #tpu.memory_space<vmem>> -> memref<1x128xi32, #tpu.memory_space<vmem>>
      %dma_wait3A_209 = tpu.memref_squeeze %dma_wait3A_208 : memref<1x128xi32, #tpu.memory_space<vmem>> -> memref<128xi32, #tpu.memory_space<vmem>>
      %dma_wait3A_210 = arith.constant 0 : i32
      %dma_wait3A_211 = arith.constant 0 : i32
      %dma_wait3A_212 = tpu.memref_slice %arg9[%dma_wait3A_210, %dma_wait3A_211] : memref<10240x16xf32, #tpu.memory_space<vmem_shared>> -> memref<10240x16xf32, #tpu.memory_space<vmem_shared>>
      tpu.wait_indirect_dma semaphore(%arg16 : memref<!tpu.dma_semaphore, #tpu.memory_space<semaphore_mem>>) src(%dma_wait3A_212 : memref<10240x16xf32, #tpu.memory_space<vmem_shared>>) dst(%dma_wait3A_206 : memref<128x16xf32, #tpu.memory_space<vmem>>)
      %add3A_213 = arith.constant 1 : i32
      %add3A_214 = arith.addi %add3A_180, %add3A_213 : i32
      %run_scoped3A_215 = arith.constant 1 : i32
      "tpu.region"() ({
        %run_scoped3A_369 = tpu.sem_alloc : memref<!tpu.dma_semaphore, #tpu.memory_space<semaphore_mem>>
        %dma_start3A_370 = arith.constant 0 : i32
        %dma_start3A_371 = arith.constant 0 : i32
        %dma_start3A_372 = tpu.memref_slice %arg7[%run_scoped3A_215, %dma_start3A_370, %dma_start3A_371] : memref<8x128x16xf32, #tpu.memory_space<vmem>> -> memref<1x128x16xf32, #tpu.memory_space<vmem>>
        %dma_start3A_373 = tpu.memref_squeeze %dma_start3A_372 : memref<1x128x16xf32, #tpu.memory_space<vmem>> -> memref<128x16xf32, #tpu.memory_space<vmem>>
        %dma_start3A_374 = arith.constant 0 : i32
        %dma_start3A_375 = tpu.memref_slice %arg6[%add3A_214, %dma_start3A_374] : memref<80x128xi32, #tpu.memory_space<vmem>> -> memref<1x128xi32, #tpu.memory_space<vmem>>
        %dma_start3A_376 = tpu.memref_squeeze %dma_start3A_375 : memref<1x128xi32, #tpu.memory_space<vmem>> -> memref<128xi32, #tpu.memory_space<vmem>>
        %dma_start3A_377 = arith.constant 0 : i32
        %dma_start3A_378 = arith.constant 0 : i32
        %dma_start3A_379 = tpu.memref_slice %arg8[%dma_start3A_377, %dma_start3A_378] : memref<10240x16xf32, #tpu.memory_space<vmem_shared>> -> memref<10240x16xf32, #tpu.memory_space<vmem_shared>>
        tpu.enqueue_indirect_dma source(%dma_start3A_373 : memref<128x16xf32, #tpu.memory_space<vmem>>) target(%dma_start3A_379 : memref<10240x16xf32, #tpu.memory_space<vmem_shared>>) offsets(%dma_start3A_376 : memref<128xi32, #tpu.memory_space<vmem>>) semaphore(%run_scoped3A_369 : memref<!tpu.dma_semaphore, #tpu.memory_space<semaphore_mem>>) {add = true}
        %dma_wait3A_380 = arith.constant 0 : i32
        %dma_wait3A_381 = arith.constant 0 : i32
        %dma_wait3A_382 = tpu.memref_slice %arg7[%run_scoped3A_215, %dma_wait3A_380, %dma_wait3A_381] : memref<8x128x16xf32, #tpu.memory_space<vmem>> -> memref<1x128x16xf32, #tpu.memory_space<vmem>>
        %dma_wait3A_383 = tpu.memref_squeeze %dma_wait3A_382 : memref<1x128x16xf32, #tpu.memory_space<vmem>> -> memref<128x16xf32, #tpu.memory_space<vmem>>
        %dma_wait3A_384 = arith.constant 0 : i32
        %dma_wait3A_385 = tpu.memref_slice %arg6[%add3A_214, %dma_wait3A_384] : memref<80x128xi32, #tpu.memory_space<vmem>> -> memref<1x128xi32, #tpu.memory_space<vmem>>
        %dma_wait3A_386 = tpu.memref_squeeze %dma_wait3A_385 : memref<1x128xi32, #tpu.memory_space<vmem>> -> memref<128xi32, #tpu.memory_space<vmem>>
        %dma_wait3A_387 = arith.constant 0 : i32
        %dma_wait3A_388 = arith.constant 0 : i32
        %dma_wait3A_389 = tpu.memref_slice %arg8[%dma_wait3A_387, %dma_wait3A_388] : memref<10240x16xf32, #tpu.memory_space<vmem_shared>> -> memref<10240x16xf32, #tpu.memory_space<vmem_shared>>
        tpu.wait_indirect_dma semaphore(%run_scoped3A_369 : memref<!tpu.dma_semaphore, #tpu.memory_space<semaphore_mem>>) src(%dma_wait3A_383 : memref<128x16xf32, #tpu.memory_space<vmem>>) dst(%dma_wait3A_389 : memref<10240x16xf32, #tpu.memory_space<vmem_shared>>)
        tpu.yield
      }) : () -> ()
      %add3A_216 = arith.constant 1 : i32
      %add3A_217 = arith.addi %add3A_180, %add3A_216 : i32
      %add3A_218 = arith.constant 8 : i32
      %add3A_219 = arith.addi %add3A_217, %add3A_218 : i32
      %lt3A_220 = arith.constant 80 : i32
      %lt3A_221 = arith.cmpi slt, %add3A_219, %lt3A_220 : i32
      %convert_element_type3A_222 = arith.extui %lt3A_221 : i1 to i32
      %cond3A_223 = arith.constant 0 : i32
      %cond3A_224 = arith.cmpi ne, %convert_element_type3A_222, %cond3A_223 : i32
      scf.if %cond3A_224 {
        %dma_start3A_369 = arith.constant 1 : i32
        %dma_start3A_370 = arith.constant 0 : i32
        %dma_start3A_371 = arith.constant 0 : i32
        %dma_start3A_372 = tpu.memref_slice %arg7[%dma_start3A_369, %dma_start3A_370, %dma_start3A_371] : memref<8x128x16xf32, #tpu.memory_space<vmem>> -> memref<1x128x16xf32, #tpu.memory_space<vmem>>
        %dma_start3A_373 = tpu.memref_squeeze %dma_start3A_372 : memref<1x128x16xf32, #tpu.memory_space<vmem>> -> memref<128x16xf32, #tpu.memory_space<vmem>>
        %dma_start3A_374 = arith.constant 0 : i32
        %dma_start3A_375 = tpu.memref_slice %arg5[%add3A_219, %dma_start3A_374] : memref<80x128xi32, #tpu.memory_space<vmem>> -> memref<1x128xi32, #tpu.memory_space<vmem>>
        %dma_start3A_376 = tpu.memref_squeeze %dma_start3A_375 : memref<1x128xi32, #tpu.memory_space<vmem>> -> memref<128xi32, #tpu.memory_space<vmem>>
        %dma_start3A_377 = arith.constant 0 : i32
        %dma_start3A_378 = arith.constant 0 : i32
        %dma_start3A_379 = tpu.memref_slice %arg9[%dma_start3A_377, %dma_start3A_378] : memref<10240x16xf32, #tpu.memory_space<vmem_shared>> -> memref<10240x16xf32, #tpu.memory_space<vmem_shared>>
        tpu.enqueue_indirect_dma source(%dma_start3A_379 : memref<10240x16xf32, #tpu.memory_space<vmem_shared>>) target(%dma_start3A_373 : memref<128x16xf32, #tpu.memory_space<vmem>>) offsets(%dma_start3A_376 : memref<128xi32, #tpu.memory_space<vmem>>) semaphore(%arg16 : memref<!tpu.dma_semaphore, #tpu.memory_space<semaphore_mem>>)
      } else {
      }
      %dma_wait3A_225 = arith.constant 2 : i32
      %dma_wait3A_226 = arith.constant 2 : i32
      %dma_wait3A_227 = arith.constant 0 : i32
      %dma_wait3A_228 = arith.constant 0 : i32
      %dma_wait3A_229 = tpu.memref_slice %arg7[%dma_wait3A_226, %dma_wait3A_227, %dma_wait3A_228] : memref<8x128x16xf32, #tpu.memory_space<vmem>> -> memref<1x128x16xf32, #tpu.memory_space<vmem>>
      %dma_wait3A_230 = tpu.memref_squeeze %dma_wait3A_229 : memref<1x128x16xf32, #tpu.memory_space<vmem>> -> memref<128x16xf32, #tpu.memory_space<vmem>>
      %dma_wait3A_231 = arith.constant 0 : i32
      %dma_wait3A_232 = tpu.memref_slice %arg5[%dma_wait3A_225, %dma_wait3A_231] : memref<80x128xi32, #tpu.memory_space<vmem>> -> memref<1x128xi32, #tpu.memory_space<vmem>>
      %dma_wait3A_233 = tpu.memref_squeeze %dma_wait3A_232 : memref<1x128xi32, #tpu.memory_space<vmem>> -> memref<128xi32, #tpu.memory_space<vmem>>
      %dma_wait3A_234 = arith.constant 0 : i32
      %dma_wait3A_235 = arith.constant 0 : i32
      %dma_wait3A_236 = tpu.memref_slice %arg9[%dma_wait3A_234, %dma_wait3A_235] : memref<10240x16xf32, #tpu.memory_space<vmem_shared>> -> memref<10240x16xf32, #tpu.memory_space<vmem_shared>>
      tpu.wait_indirect_dma semaphore(%arg17 : memref<!tpu.dma_semaphore, #tpu.memory_space<semaphore_mem>>) src(%dma_wait3A_236 : memref<10240x16xf32, #tpu.memory_space<vmem_shared>>) dst(%dma_wait3A_230 : memref<128x16xf32, #tpu.memory_space<vmem>>)
      %add3A_237 = arith.constant 2 : i32
      %add3A_238 = arith.addi %add3A_180, %add3A_237 : i32
      %run_scoped3A_239 = arith.constant 2 : i32
      "tpu.region"() ({
        %run_scoped3A_369 = tpu.sem_alloc : memref<!tpu.dma_semaphore, #tpu.memory_space<semaphore_mem>>
        %dma_start3A_370 = arith.constant 0 : i32
        %dma_start3A_371 = arith.constant 0 : i32
        %dma_start3A_372 = tpu.memref_slice %arg7[%run_scoped3A_239, %dma_start3A_370, %dma_start3A_371] : memref<8x128x16xf32, #tpu.memory_space<vmem>> -> memref<1x128x16xf32, #tpu.memory_space<vmem>>
        %dma_start3A_373 = tpu.memref_squeeze %dma_start3A_372 : memref<1x128x16xf32, #tpu.memory_space<vmem>> -> memref<128x16xf32, #tpu.memory_space<vmem>>
        %dma_start3A_374 = arith.constant 0 : i32
        %dma_start3A_375 = tpu.memref_slice %arg6[%add3A_238, %dma_start3A_374] : memref<80x128xi32, #tpu.memory_space<vmem>> -> memref<1x128xi32, #tpu.memory_space<vmem>>
        %dma_start3A_376 = tpu.memref_squeeze %dma_start3A_375 : memref<1x128xi32, #tpu.memory_space<vmem>> -> memref<128xi32, #tpu.memory_space<vmem>>
        %dma_start3A_377 = arith.constant 0 : i32
        %dma_start3A_378 = arith.constant 0 : i32
        %dma_start3A_379 = tpu.memref_slice %arg8[%dma_start3A_377, %dma_start3A_378] : memref<10240x16xf32, #tpu.memory_space<vmem_shared>> -> memref<10240x16xf32, #tpu.memory_space<vmem_shared>>
        tpu.enqueue_indirect_dma source(%dma_start3A_373 : memref<128x16xf32, #tpu.memory_space<vmem>>) target(%dma_start3A_379 : memref<10240x16xf32, #tpu.memory_space<vmem_shared>>) offsets(%dma_start3A_376 : memref<128xi32, #tpu.memory_space<vmem>>) semaphore(%run_scoped3A_369 : memref<!tpu.dma_semaphore, #tpu.memory_space<semaphore_mem>>) {add = true}
        %dma_wait3A_380 = arith.constant 0 : i32
        %dma_wait3A_381 = arith.constant 0 : i32
        %dma_wait3A_382 = tpu.memref_slice %arg7[%run_scoped3A_239, %dma_wait3A_380, %dma_wait3A_381] : memref<8x128x16xf32, #tpu.memory_space<vmem>> -> memref<1x128x16xf32, #tpu.memory_space<vmem>>
        %dma_wait3A_383 = tpu.memref_squeeze %dma_wait3A_382 : memref<1x128x16xf32, #tpu.memory_space<vmem>> -> memref<128x16xf32, #tpu.memory_space<vmem>>
        %dma_wait3A_384 = arith.constant 0 : i32
        %dma_wait3A_385 = tpu.memref_slice %arg6[%add3A_238, %dma_wait3A_384] : memref<80x128xi32, #tpu.memory_space<vmem>> -> memref<1x128xi32, #tpu.memory_space<vmem>>
        %dma_wait3A_386 = tpu.memref_squeeze %dma_wait3A_385 : memref<1x128xi32, #tpu.memory_space<vmem>> -> memref<128xi32, #tpu.memory_space<vmem>>
        %dma_wait3A_387 = arith.constant 0 : i32
        %dma_wait3A_388 = arith.constant 0 : i32
        %dma_wait3A_389 = tpu.memref_slice %arg8[%dma_wait3A_387, %dma_wait3A_388] : memref<10240x16xf32, #tpu.memory_space<vmem_shared>> -> memref<10240x16xf32, #tpu.memory_space<vmem_shared>>
        tpu.wait_indirect_dma semaphore(%run_scoped3A_369 : memref<!tpu.dma_semaphore, #tpu.memory_space<semaphore_mem>>) src(%dma_wait3A_383 : memref<128x16xf32, #tpu.memory_space<vmem>>) dst(%dma_wait3A_389 : memref<10240x16xf32, #tpu.memory_space<vmem_shared>>)
        tpu.yield
      }) : () -> ()
      %add3A_240 = arith.constant 2 : i32
      %add3A_241 = arith.addi %add3A_180, %add3A_240 : i32
      %add3A_242 = arith.constant 8 : i32
      %add3A_243 = arith.addi %add3A_241, %add3A_242 : i32
      %lt3A_244 = arith.constant 80 : i32
      %lt3A_245 = arith.cmpi slt, %add3A_243, %lt3A_244 : i32
      %convert_element_type3A_246 = arith.extui %lt3A_245 : i1 to i32
      %cond3A_247 = arith.constant 0 : i32
      %cond3A_248 = arith.cmpi ne, %convert_element_type3A_246, %cond3A_247 : i32
      scf.if %cond3A_248 {
        %dma_start3A_369 = arith.constant 2 : i32
        %dma_start3A_370 = arith.constant 0 : i32
        %dma_start3A_371 = arith.constant 0 : i32
        %dma_start3A_372 = tpu.memref_slice %arg7[%dma_start3A_369, %dma_start3A_370, %dma_start3A_371] : memref<8x128x16xf32, #tpu.memory_space<vmem>> -> memref<1x128x16xf32, #tpu.memory_space<vmem>>
        %dma_start3A_373 = tpu.memref_squeeze %dma_start3A_372 : memref<1x128x16xf32, #tpu.memory_space<vmem>> -> memref<128x16xf32, #tpu.memory_space<vmem>>
        %dma_start3A_374 = arith.constant 0 : i32
        %dma_start3A_375 = tpu.memref_slice %arg5[%add3A_243, %dma_start3A_374] : memref<80x128xi32, #tpu.memory_space<vmem>> -> memref<1x128xi32, #tpu.memory_space<vmem>>
        %dma_start3A_376 = tpu.memref_squeeze %dma_start3A_375 : memref<1x128xi32, #tpu.memory_space<vmem>> -> memref<128xi32, #tpu.memory_space<vmem>>
        %dma_start3A_377 = arith.constant 0 : i32
        %dma_start3A_378 = arith.constant 0 : i32
        %dma_start3A_379 = tpu.memref_slice %arg9[%dma_start3A_377, %dma_start3A_378] : memref<10240x16xf32, #tpu.memory_space<vmem_shared>> -> memref<10240x16xf32, #tpu.memory_space<vmem_shared>>
        tpu.enqueue_indirect_dma source(%dma_start3A_379 : memref<10240x16xf32, #tpu.memory_space<vmem_shared>>) target(%dma_start3A_373 : memref<128x16xf32, #tpu.memory_space<vmem>>) offsets(%dma_start3A_376 : memref<128xi32, #tpu.memory_space<vmem>>) semaphore(%arg17 : memref<!tpu.dma_semaphore, #tpu.memory_space<semaphore_mem>>)
      } else {
      }
      %dma_wait3A_249 = arith.constant 3 : i32
      %dma_wait3A_250 = arith.constant 3 : i32
      %dma_wait3A_251 = arith.constant 0 : i32
      %dma_wait3A_252 = arith.constant 0 : i32
      %dma_wait3A_253 = tpu.memref_slice %arg7[%dma_wait3A_250, %dma_wait3A_251, %dma_wait3A_252] : memref<8x128x16xf32, #tpu.memory_space<vmem>> -> memref<1x128x16xf32, #tpu.memory_space<vmem>>
      %dma_wait3A_254 = tpu.memref_squeeze %dma_wait3A_253 : memref<1x128x16xf32, #tpu.memory_space<vmem>> -> memref<128x16xf32, #tpu.memory_space<vmem>>
      %dma_wait3A_255 = arith.constant 0 : i32
      %dma_wait3A_256 = tpu.memref_slice %arg5[%dma_wait3A_249, %dma_wait3A_255] : memref<80x128xi32, #tpu.memory_space<vmem>> -> memref<1x128xi32, #tpu.memory_space<vmem>>
      %dma_wait3A_257 = tpu.memref_squeeze %dma_wait3A_256 : memref<1x128xi32, #tpu.memory_space<vmem>> -> memref<128xi32, #tpu.memory_space<vmem>>
      %dma_wait3A_258 = arith.constant 0 : i32
      %dma_wait3A_259 = arith.constant 0 : i32
      %dma_wait3A_260 = tpu.memref_slice %arg9[%dma_wait3A_258, %dma_wait3A_259] : memref<10240x16xf32, #tpu.memory_space<vmem_shared>> -> memref<10240x16xf32, #tpu.memory_space<vmem_shared>>
      tpu.wait_indirect_dma semaphore(%arg18 : memref<!tpu.dma_semaphore, #tpu.memory_space<semaphore_mem>>) src(%dma_wait3A_260 : memref<10240x16xf32, #tpu.memory_space<vmem_shared>>) dst(%dma_wait3A_254 : memref<128x16xf32, #tpu.memory_space<vmem>>)
      %add3A_261 = arith.constant 3 : i32
      %add3A_262 = arith.addi %add3A_180, %add3A_261 : i32
      %run_scoped3A_263 = arith.constant 3 : i32
      "tpu.region"() ({
        %run_scoped3A_369 = tpu.sem_alloc : memref<!tpu.dma_semaphore, #tpu.memory_space<semaphore_mem>>
        %dma_start3A_370 = arith.constant 0 : i32
        %dma_start3A_371 = arith.constant 0 : i32
        %dma_start3A_372 = tpu.memref_slice %arg7[%run_scoped3A_263, %dma_start3A_370, %dma_start3A_371] : memref<8x128x16xf32, #tpu.memory_space<vmem>> -> memref<1x128x16xf32, #tpu.memory_space<vmem>>
        %dma_start3A_373 = tpu.memref_squeeze %dma_start3A_372 : memref<1x128x16xf32, #tpu.memory_space<vmem>> -> memref<128x16xf32, #tpu.memory_space<vmem>>
        %dma_start3A_374 = arith.constant 0 : i32
        %dma_start3A_375 = tpu.memref_slice %arg6[%add3A_262, %dma_start3A_374] : memref<80x128xi32, #tpu.memory_space<vmem>> -> memref<1x128xi32, #tpu.memory_space<vmem>>
        %dma_start3A_376 = tpu.memref_squeeze %dma_start3A_375 : memref<1x128xi32, #tpu.memory_space<vmem>> -> memref<128xi32, #tpu.memory_space<vmem>>
        %dma_start3A_377 = arith.constant 0 : i32
        %dma_start3A_378 = arith.constant 0 : i32
        %dma_start3A_379 = tpu.memref_slice %arg8[%dma_start3A_377, %dma_start3A_378] : memref<10240x16xf32, #tpu.memory_space<vmem_shared>> -> memref<10240x16xf32, #tpu.memory_space<vmem_shared>>
        tpu.enqueue_indirect_dma source(%dma_start3A_373 : memref<128x16xf32, #tpu.memory_space<vmem>>) target(%dma_start3A_379 : memref<10240x16xf32, #tpu.memory_space<vmem_shared>>) offsets(%dma_start3A_376 : memref<128xi32, #tpu.memory_space<vmem>>) semaphore(%run_scoped3A_369 : memref<!tpu.dma_semaphore, #tpu.memory_space<semaphore_mem>>) {add = true}
        %dma_wait3A_380 = arith.constant 0 : i32
        %dma_wait3A_381 = arith.constant 0 : i32
        %dma_wait3A_382 = tpu.memref_slice %arg7[%run_scoped3A_263, %dma_wait3A_380, %dma_wait3A_381] : memref<8x128x16xf32, #tpu.memory_space<vmem>> -> memref<1x128x16xf32, #tpu.memory_space<vmem>>
        %dma_wait3A_383 = tpu.memref_squeeze %dma_wait3A_382 : memref<1x128x16xf32, #tpu.memory_space<vmem>> -> memref<128x16xf32, #tpu.memory_space<vmem>>
        %dma_wait3A_384 = arith.constant 0 : i32
        %dma_wait3A_385 = tpu.memref_slice %arg6[%add3A_262, %dma_wait3A_384] : memref<80x128xi32, #tpu.memory_space<vmem>> -> memref<1x128xi32, #tpu.memory_space<vmem>>
        %dma_wait3A_386 = tpu.memref_squeeze %dma_wait3A_385 : memref<1x128xi32, #tpu.memory_space<vmem>> -> memref<128xi32, #tpu.memory_space<vmem>>
        %dma_wait3A_387 = arith.constant 0 : i32
        %dma_wait3A_388 = arith.constant 0 : i32
        %dma_wait3A_389 = tpu.memref_slice %arg8[%dma_wait3A_387, %dma_wait3A_388] : memref<10240x16xf32, #tpu.memory_space<vmem_shared>> -> memref<10240x16xf32, #tpu.memory_space<vmem_shared>>
        tpu.wait_indirect_dma semaphore(%run_scoped3A_369 : memref<!tpu.dma_semaphore, #tpu.memory_space<semaphore_mem>>) src(%dma_wait3A_383 : memref<128x16xf32, #tpu.memory_space<vmem>>) dst(%dma_wait3A_389 : memref<10240x16xf32, #tpu.memory_space<vmem_shared>>)
        tpu.yield
      }) : () -> ()
      %add3A_264 = arith.constant 3 : i32
      %add3A_265 = arith.addi %add3A_180, %add3A_264 : i32
      %add3A_266 = arith.constant 8 : i32
      %add3A_267 = arith.addi %add3A_265, %add3A_266 : i32
      %lt3A_268 = arith.constant 80 : i32
      %lt3A_269 = arith.cmpi slt, %add3A_267, %lt3A_268 : i32
      %convert_element_type3A_270 = arith.extui %lt3A_269 : i1 to i32
      %cond3A_271 = arith.constant 0 : i32
      %cond3A_272 = arith.cmpi ne, %convert_element_type3A_270, %cond3A_271 : i32
      scf.if %cond3A_272 {
        %dma_start3A_369 = arith.constant 3 : i32
        %dma_start3A_370 = arith.constant 0 : i32
        %dma_start3A_371 = arith.constant 0 : i32
        %dma_start3A_372 = tpu.memref_slice %arg7[%dma_start3A_369, %dma_start3A_370, %dma_start3A_371] : memref<8x128x16xf32, #tpu.memory_space<vmem>> -> memref<1x128x16xf32, #tpu.memory_space<vmem>>
        %dma_start3A_373 = tpu.memref_squeeze %dma_start3A_372 : memref<1x128x16xf32, #tpu.memory_space<vmem>> -> memref<128x16xf32, #tpu.memory_space<vmem>>
        %dma_start3A_374 = arith.constant 0 : i32
        %dma_start3A_375 = tpu.memref_slice %arg5[%add3A_267, %dma_start3A_374] : memref<80x128xi32, #tpu.memory_space<vmem>> -> memref<1x128xi32, #tpu.memory_space<vmem>>
        %dma_start3A_376 = tpu.memref_squeeze %dma_start3A_375 : memref<1x128xi32, #tpu.memory_space<vmem>> -> memref<128xi32, #tpu.memory_space<vmem>>
        %dma_start3A_377 = arith.constant 0 : i32
        %dma_start3A_378 = arith.constant 0 : i32
        %dma_start3A_379 = tpu.memref_slice %arg9[%dma_start3A_377, %dma_start3A_378] : memref<10240x16xf32, #tpu.memory_space<vmem_shared>> -> memref<10240x16xf32, #tpu.memory_space<vmem_shared>>
        tpu.enqueue_indirect_dma source(%dma_start3A_379 : memref<10240x16xf32, #tpu.memory_space<vmem_shared>>) target(%dma_start3A_373 : memref<128x16xf32, #tpu.memory_space<vmem>>) offsets(%dma_start3A_376 : memref<128xi32, #tpu.memory_space<vmem>>) semaphore(%arg18 : memref<!tpu.dma_semaphore, #tpu.memory_space<semaphore_mem>>)
      } else {
      }
      %dma_wait3A_273 = arith.constant 4 : i32
      %dma_wait3A_274 = arith.constant 4 : i32
      %dma_wait3A_275 = arith.constant 0 : i32
      %dma_wait3A_276 = arith.constant 0 : i32
      %dma_wait3A_277 = tpu.memref_slice %arg7[%dma_wait3A_274, %dma_wait3A_275, %dma_wait3A_276] : memref<8x128x16xf32, #tpu.memory_space<vmem>> -> memref<1x128x16xf32, #tpu.memory_space<vmem>>
      %dma_wait3A_278 = tpu.memref_squeeze %dma_wait3A_277 : memref<1x128x16xf32, #tpu.memory_space<vmem>> -> memref<128x16xf32, #tpu.memory_space<vmem>>
      %dma_wait3A_279 = arith.constant 0 : i32
      %dma_wait3A_280 = tpu.memref_slice %arg5[%dma_wait3A_273, %dma_wait3A_279] : memref<80x128xi32, #tpu.memory_space<vmem>> -> memref<1x128xi32, #tpu.memory_space<vmem>>
      %dma_wait3A_281 = tpu.memref_squeeze %dma_wait3A_280 : memref<1x128xi32, #tpu.memory_space<vmem>> -> memref<128xi32, #tpu.memory_space<vmem>>
      %dma_wait3A_282 = arith.constant 0 : i32
      %dma_wait3A_283 = arith.constant 0 : i32
      %dma_wait3A_284 = tpu.memref_slice %arg9[%dma_wait3A_282, %dma_wait3A_283] : memref<10240x16xf32, #tpu.memory_space<vmem_shared>> -> memref<10240x16xf32, #tpu.memory_space<vmem_shared>>
      tpu.wait_indirect_dma semaphore(%arg19 : memref<!tpu.dma_semaphore, #tpu.memory_space<semaphore_mem>>) src(%dma_wait3A_284 : memref<10240x16xf32, #tpu.memory_space<vmem_shared>>) dst(%dma_wait3A_278 : memref<128x16xf32, #tpu.memory_space<vmem>>)
      %add3A_285 = arith.constant 4 : i32
      %add3A_286 = arith.addi %add3A_180, %add3A_285 : i32
      %run_scoped3A_287 = arith.constant 4 : i32
      "tpu.region"() ({
        %run_scoped3A_369 = tpu.sem_alloc : memref<!tpu.dma_semaphore, #tpu.memory_space<semaphore_mem>>
        %dma_start3A_370 = arith.constant 0 : i32
        %dma_start3A_371 = arith.constant 0 : i32
        %dma_start3A_372 = tpu.memref_slice %arg7[%run_scoped3A_287, %dma_start3A_370, %dma_start3A_371] : memref<8x128x16xf32, #tpu.memory_space<vmem>> -> memref<1x128x16xf32, #tpu.memory_space<vmem>>
        %dma_start3A_373 = tpu.memref_squeeze %dma_start3A_372 : memref<1x128x16xf32, #tpu.memory_space<vmem>> -> memref<128x16xf32, #tpu.memory_space<vmem>>
        %dma_start3A_374 = arith.constant 0 : i32
        %dma_start3A_375 = tpu.memref_slice %arg6[%add3A_286, %dma_start3A_374] : memref<80x128xi32, #tpu.memory_space<vmem>> -> memref<1x128xi32, #tpu.memory_space<vmem>>
        %dma_start3A_376 = tpu.memref_squeeze %dma_start3A_375 : memref<1x128xi32, #tpu.memory_space<vmem>> -> memref<128xi32, #tpu.memory_space<vmem>>
        %dma_start3A_377 = arith.constant 0 : i32
        %dma_start3A_378 = arith.constant 0 : i32
        %dma_start3A_379 = tpu.memref_slice %arg8[%dma_start3A_377, %dma_start3A_378] : memref<10240x16xf32, #tpu.memory_space<vmem_shared>> -> memref<10240x16xf32, #tpu.memory_space<vmem_shared>>
        tpu.enqueue_indirect_dma source(%dma_start3A_373 : memref<128x16xf32, #tpu.memory_space<vmem>>) target(%dma_start3A_379 : memref<10240x16xf32, #tpu.memory_space<vmem_shared>>) offsets(%dma_start3A_376 : memref<128xi32, #tpu.memory_space<vmem>>) semaphore(%run_scoped3A_369 : memref<!tpu.dma_semaphore, #tpu.memory_space<semaphore_mem>>) {add = true}
        %dma_wait3A_380 = arith.constant 0 : i32
        %dma_wait3A_381 = arith.constant 0 : i32
        %dma_wait3A_382 = tpu.memref_slice %arg7[%run_scoped3A_287, %dma_wait3A_380, %dma_wait3A_381] : memref<8x128x16xf32, #tpu.memory_space<vmem>> -> memref<1x128x16xf32, #tpu.memory_space<vmem>>
        %dma_wait3A_383 = tpu.memref_squeeze %dma_wait3A_382 : memref<1x128x16xf32, #tpu.memory_space<vmem>> -> memref<128x16xf32, #tpu.memory_space<vmem>>
        %dma_wait3A_384 = arith.constant 0 : i32
        %dma_wait3A_385 = tpu.memref_slice %arg6[%add3A_286, %dma_wait3A_384] : memref<80x128xi32, #tpu.memory_space<vmem>> -> memref<1x128xi32, #tpu.memory_space<vmem>>
        %dma_wait3A_386 = tpu.memref_squeeze %dma_wait3A_385 : memref<1x128xi32, #tpu.memory_space<vmem>> -> memref<128xi32, #tpu.memory_space<vmem>>
        %dma_wait3A_387 = arith.constant 0 : i32
        %dma_wait3A_388 = arith.constant 0 : i32
        %dma_wait3A_389 = tpu.memref_slice %arg8[%dma_wait3A_387, %dma_wait3A_388] : memref<10240x16xf32, #tpu.memory_space<vmem_shared>> -> memref<10240x16xf32, #tpu.memory_space<vmem_shared>>
        tpu.wait_indirect_dma semaphore(%run_scoped3A_369 : memref<!tpu.dma_semaphore, #tpu.memory_space<semaphore_mem>>) src(%dma_wait3A_383 : memref<128x16xf32, #tpu.memory_space<vmem>>) dst(%dma_wait3A_389 : memref<10240x16xf32, #tpu.memory_space<vmem_shared>>)
        tpu.yield
      }) : () -> ()
      %add3A_288 = arith.constant 4 : i32
      %add3A_289 = arith.addi %add3A_180, %add3A_288 : i32
      %add3A_290 = arith.constant 8 : i32
      %add3A_291 = arith.addi %add3A_289, %add3A_290 : i32
      %lt3A_292 = arith.constant 80 : i32
      %lt3A_293 = arith.cmpi slt, %add3A_291, %lt3A_292 : i32
      %convert_element_type3A_294 = arith.extui %lt3A_293 : i1 to i32
      %cond3A_295 = arith.constant 0 : i32
      %cond3A_296 = arith.cmpi ne, %convert_element_type3A_294, %cond3A_295 : i32
      scf.if %cond3A_296 {
        %dma_start3A_369 = arith.constant 4 : i32
        %dma_start3A_370 = arith.constant 0 : i32
        %dma_start3A_371 = arith.constant 0 : i32
        %dma_start3A_372 = tpu.memref_slice %arg7[%dma_start3A_369, %dma_start3A_370, %dma_start3A_371] : memref<8x128x16xf32, #tpu.memory_space<vmem>> -> memref<1x128x16xf32, #tpu.memory_space<vmem>>
        %dma_start3A_373 = tpu.memref_squeeze %dma_start3A_372 : memref<1x128x16xf32, #tpu.memory_space<vmem>> -> memref<128x16xf32, #tpu.memory_space<vmem>>
        %dma_start3A_374 = arith.constant 0 : i32
        %dma_start3A_375 = tpu.memref_slice %arg5[%add3A_291, %dma_start3A_374] : memref<80x128xi32, #tpu.memory_space<vmem>> -> memref<1x128xi32, #tpu.memory_space<vmem>>
        %dma_start3A_376 = tpu.memref_squeeze %dma_start3A_375 : memref<1x128xi32, #tpu.memory_space<vmem>> -> memref<128xi32, #tpu.memory_space<vmem>>
        %dma_start3A_377 = arith.constant 0 : i32
        %dma_start3A_378 = arith.constant 0 : i32
        %dma_start3A_379 = tpu.memref_slice %arg9[%dma_start3A_377, %dma_start3A_378] : memref<10240x16xf32, #tpu.memory_space<vmem_shared>> -> memref<10240x16xf32, #tpu.memory_space<vmem_shared>>
        tpu.enqueue_indirect_dma source(%dma_start3A_379 : memref<10240x16xf32, #tpu.memory_space<vmem_shared>>) target(%dma_start3A_373 : memref<128x16xf32, #tpu.memory_space<vmem>>) offsets(%dma_start3A_376 : memref<128xi32, #tpu.memory_space<vmem>>) semaphore(%arg19 : memref<!tpu.dma_semaphore, #tpu.memory_space<semaphore_mem>>)
      } else {
      }
      %dma_wait3A_297 = arith.constant 5 : i32
      %dma_wait3A_298 = arith.constant 5 : i32
      %dma_wait3A_299 = arith.constant 0 : i32
      %dma_wait3A_300 = arith.constant 0 : i32
      %dma_wait3A_301 = tpu.memref_slice %arg7[%dma_wait3A_298, %dma_wait3A_299, %dma_wait3A_300] : memref<8x128x16xf32, #tpu.memory_space<vmem>> -> memref<1x128x16xf32, #tpu.memory_space<vmem>>
      %dma_wait3A_302 = tpu.memref_squeeze %dma_wait3A_301 : memref<1x128x16xf32, #tpu.memory_space<vmem>> -> memref<128x16xf32, #tpu.memory_space<vmem>>
      %dma_wait3A_303 = arith.constant 0 : i32
      %dma_wait3A_304 = tpu.memref_slice %arg5[%dma_wait3A_297, %dma_wait3A_303] : memref<80x128xi32, #tpu.memory_space<vmem>> -> memref<1x128xi32, #tpu.memory_space<vmem>>
      %dma_wait3A_305 = tpu.memref_squeeze %dma_wait3A_304 : memref<1x128xi32, #tpu.memory_space<vmem>> -> memref<128xi32, #tpu.memory_space<vmem>>
      %dma_wait3A_306 = arith.constant 0 : i32
      %dma_wait3A_307 = arith.constant 0 : i32
      %dma_wait3A_308 = tpu.memref_slice %arg9[%dma_wait3A_306, %dma_wait3A_307] : memref<10240x16xf32, #tpu.memory_space<vmem_shared>> -> memref<10240x16xf32, #tpu.memory_space<vmem_shared>>
      tpu.wait_indirect_dma semaphore(%arg20 : memref<!tpu.dma_semaphore, #tpu.memory_space<semaphore_mem>>) src(%dma_wait3A_308 : memref<10240x16xf32, #tpu.memory_space<vmem_shared>>) dst(%dma_wait3A_302 : memref<128x16xf32, #tpu.memory_space<vmem>>)
      %add3A_309 = arith.constant 5 : i32
      %add3A_310 = arith.addi %add3A_180, %add3A_309 : i32
      %run_scoped3A_311 = arith.constant 5 : i32
      "tpu.region"() ({
        %run_scoped3A_369 = tpu.sem_alloc : memref<!tpu.dma_semaphore, #tpu.memory_space<semaphore_mem>>
        %dma_start3A_370 = arith.constant 0 : i32
        %dma_start3A_371 = arith.constant 0 : i32
        %dma_start3A_372 = tpu.memref_slice %arg7[%run_scoped3A_311, %dma_start3A_370, %dma_start3A_371] : memref<8x128x16xf32, #tpu.memory_space<vmem>> -> memref<1x128x16xf32, #tpu.memory_space<vmem>>
        %dma_start3A_373 = tpu.memref_squeeze %dma_start3A_372 : memref<1x128x16xf32, #tpu.memory_space<vmem>> -> memref<128x16xf32, #tpu.memory_space<vmem>>
        %dma_start3A_374 = arith.constant 0 : i32
        %dma_start3A_375 = tpu.memref_slice %arg6[%add3A_310, %dma_start3A_374] : memref<80x128xi32, #tpu.memory_space<vmem>> -> memref<1x128xi32, #tpu.memory_space<vmem>>
        %dma_start3A_376 = tpu.memref_squeeze %dma_start3A_375 : memref<1x128xi32, #tpu.memory_space<vmem>> -> memref<128xi32, #tpu.memory_space<vmem>>
        %dma_start3A_377 = arith.constant 0 : i32
        %dma_start3A_378 = arith.constant 0 : i32
        %dma_start3A_379 = tpu.memref_slice %arg8[%dma_start3A_377, %dma_start3A_378] : memref<10240x16xf32, #tpu.memory_space<vmem_shared>> -> memref<10240x16xf32, #tpu.memory_space<vmem_shared>>
        tpu.enqueue_indirect_dma source(%dma_start3A_373 : memref<128x16xf32, #tpu.memory_space<vmem>>) target(%dma_start3A_379 : memref<10240x16xf32, #tpu.memory_space<vmem_shared>>) offsets(%dma_start3A_376 : memref<128xi32, #tpu.memory_space<vmem>>) semaphore(%run_scoped3A_369 : memref<!tpu.dma_semaphore, #tpu.memory_space<semaphore_mem>>) {add = true}
        %dma_wait3A_380 = arith.constant 0 : i32
        %dma_wait3A_381 = arith.constant 0 : i32
        %dma_wait3A_382 = tpu.memref_slice %arg7[%run_scoped3A_311, %dma_wait3A_380, %dma_wait3A_381] : memref<8x128x16xf32, #tpu.memory_space<vmem>> -> memref<1x128x16xf32, #tpu.memory_space<vmem>>
        %dma_wait3A_383 = tpu.memref_squeeze %dma_wait3A_382 : memref<1x128x16xf32, #tpu.memory_space<vmem>> -> memref<128x16xf32, #tpu.memory_space<vmem>>
        %dma_wait3A_384 = arith.constant 0 : i32
        %dma_wait3A_385 = tpu.memref_slice %arg6[%add3A_310, %dma_wait3A_384] : memref<80x128xi32, #tpu.memory_space<vmem>> -> memref<1x128xi32, #tpu.memory_space<vmem>>
        %dma_wait3A_386 = tpu.memref_squeeze %dma_wait3A_385 : memref<1x128xi32, #tpu.memory_space<vmem>> -> memref<128xi32, #tpu.memory_space<vmem>>
        %dma_wait3A_387 = arith.constant 0 : i32
        %dma_wait3A_388 = arith.constant 0 : i32
        %dma_wait3A_389 = tpu.memref_slice %arg8[%dma_wait3A_387, %dma_wait3A_388] : memref<10240x16xf32, #tpu.memory_space<vmem_shared>> -> memref<10240x16xf32, #tpu.memory_space<vmem_shared>>
        tpu.wait_indirect_dma semaphore(%run_scoped3A_369 : memref<!tpu.dma_semaphore, #tpu.memory_space<semaphore_mem>>) src(%dma_wait3A_383 : memref<128x16xf32, #tpu.memory_space<vmem>>) dst(%dma_wait3A_389 : memref<10240x16xf32, #tpu.memory_space<vmem_shared>>)
        tpu.yield
      }) : () -> ()
      %add3A_312 = arith.constant 5 : i32
      %add3A_313 = arith.addi %add3A_180, %add3A_312 : i32
      %add3A_314 = arith.constant 8 : i32
      %add3A_315 = arith.addi %add3A_313, %add3A_314 : i32
      %lt3A_316 = arith.constant 80 : i32
      %lt3A_317 = arith.cmpi slt, %add3A_315, %lt3A_316 : i32
      %convert_element_type3A_318 = arith.extui %lt3A_317 : i1 to i32
      %cond3A_319 = arith.constant 0 : i32
      %cond3A_320 = arith.cmpi ne, %convert_element_type3A_318, %cond3A_319 : i32
      scf.if %cond3A_320 {
        %dma_start3A_369 = arith.constant 5 : i32
        %dma_start3A_370 = arith.constant 0 : i32
        %dma_start3A_371 = arith.constant 0 : i32
        %dma_start3A_372 = tpu.memref_slice %arg7[%dma_start3A_369, %dma_start3A_370, %dma_start3A_371] : memref<8x128x16xf32, #tpu.memory_space<vmem>> -> memref<1x128x16xf32, #tpu.memory_space<vmem>>
        %dma_start3A_373 = tpu.memref_squeeze %dma_start3A_372 : memref<1x128x16xf32, #tpu.memory_space<vmem>> -> memref<128x16xf32, #tpu.memory_space<vmem>>
        %dma_start3A_374 = arith.constant 0 : i32
        %dma_start3A_375 = tpu.memref_slice %arg5[%add3A_315, %dma_start3A_374] : memref<80x128xi32, #tpu.memory_space<vmem>> -> memref<1x128xi32, #tpu.memory_space<vmem>>
        %dma_start3A_376 = tpu.memref_squeeze %dma_start3A_375 : memref<1x128xi32, #tpu.memory_space<vmem>> -> memref<128xi32, #tpu.memory_space<vmem>>
        %dma_start3A_377 = arith.constant 0 : i32
        %dma_start3A_378 = arith.constant 0 : i32
        %dma_start3A_379 = tpu.memref_slice %arg9[%dma_start3A_377, %dma_start3A_378] : memref<10240x16xf32, #tpu.memory_space<vmem_shared>> -> memref<10240x16xf32, #tpu.memory_space<vmem_shared>>
        tpu.enqueue_indirect_dma source(%dma_start3A_379 : memref<10240x16xf32, #tpu.memory_space<vmem_shared>>) target(%dma_start3A_373 : memref<128x16xf32, #tpu.memory_space<vmem>>) offsets(%dma_start3A_376 : memref<128xi32, #tpu.memory_space<vmem>>) semaphore(%arg20 : memref<!tpu.dma_semaphore, #tpu.memory_space<semaphore_mem>>)
      } else {
      }
      %dma_wait3A_321 = arith.constant 6 : i32
      %dma_wait3A_322 = arith.constant 6 : i32
      %dma_wait3A_323 = arith.constant 0 : i32
      %dma_wait3A_324 = arith.constant 0 : i32
      %dma_wait3A_325 = tpu.memref_slice %arg7[%dma_wait3A_322, %dma_wait3A_323, %dma_wait3A_324] : memref<8x128x16xf32, #tpu.memory_space<vmem>> -> memref<1x128x16xf32, #tpu.memory_space<vmem>>
      %dma_wait3A_326 = tpu.memref_squeeze %dma_wait3A_325 : memref<1x128x16xf32, #tpu.memory_space<vmem>> -> memref<128x16xf32, #tpu.memory_space<vmem>>
      %dma_wait3A_327 = arith.constant 0 : i32
      %dma_wait3A_328 = tpu.memref_slice %arg5[%dma_wait3A_321, %dma_wait3A_327] : memref<80x128xi32, #tpu.memory_space<vmem>> -> memref<1x128xi32, #tpu.memory_space<vmem>>
      %dma_wait3A_329 = tpu.memref_squeeze %dma_wait3A_328 : memref<1x128xi32, #tpu.memory_space<vmem>> -> memref<128xi32, #tpu.memory_space<vmem>>
      %dma_wait3A_330 = arith.constant 0 : i32
      %dma_wait3A_331 = arith.constant 0 : i32
      %dma_wait3A_332 = tpu.memref_slice %arg9[%dma_wait3A_330, %dma_wait3A_331] : memref<10240x16xf32, #tpu.memory_space<vmem_shared>> -> memref<10240x16xf32, #tpu.memory_space<vmem_shared>>
      tpu.wait_indirect_dma semaphore(%arg21 : memref<!tpu.dma_semaphore, #tpu.memory_space<semaphore_mem>>) src(%dma_wait3A_332 : memref<10240x16xf32, #tpu.memory_space<vmem_shared>>) dst(%dma_wait3A_326 : memref<128x16xf32, #tpu.memory_space<vmem>>)
      %add3A_333 = arith.constant 6 : i32
      %add3A_334 = arith.addi %add3A_180, %add3A_333 : i32
      %run_scoped3A_335 = arith.constant 6 : i32
      "tpu.region"() ({
        %run_scoped3A_369 = tpu.sem_alloc : memref<!tpu.dma_semaphore, #tpu.memory_space<semaphore_mem>>
        %dma_start3A_370 = arith.constant 0 : i32
        %dma_start3A_371 = arith.constant 0 : i32
        %dma_start3A_372 = tpu.memref_slice %arg7[%run_scoped3A_335, %dma_start3A_370, %dma_start3A_371] : memref<8x128x16xf32, #tpu.memory_space<vmem>> -> memref<1x128x16xf32, #tpu.memory_space<vmem>>
        %dma_start3A_373 = tpu.memref_squeeze %dma_start3A_372 : memref<1x128x16xf32, #tpu.memory_space<vmem>> -> memref<128x16xf32, #tpu.memory_space<vmem>>
        %dma_start3A_374 = arith.constant 0 : i32
        %dma_start3A_375 = tpu.memref_slice %arg6[%add3A_334, %dma_start3A_374] : memref<80x128xi32, #tpu.memory_space<vmem>> -> memref<1x128xi32, #tpu.memory_space<vmem>>
        %dma_start3A_376 = tpu.memref_squeeze %dma_start3A_375 : memref<1x128xi32, #tpu.memory_space<vmem>> -> memref<128xi32, #tpu.memory_space<vmem>>
        %dma_start3A_377 = arith.constant 0 : i32
        %dma_start3A_378 = arith.constant 0 : i32
        %dma_start3A_379 = tpu.memref_slice %arg8[%dma_start3A_377, %dma_start3A_378] : memref<10240x16xf32, #tpu.memory_space<vmem_shared>> -> memref<10240x16xf32, #tpu.memory_space<vmem_shared>>
        tpu.enqueue_indirect_dma source(%dma_start3A_373 : memref<128x16xf32, #tpu.memory_space<vmem>>) target(%dma_start3A_379 : memref<10240x16xf32, #tpu.memory_space<vmem_shared>>) offsets(%dma_start3A_376 : memref<128xi32, #tpu.memory_space<vmem>>) semaphore(%run_scoped3A_369 : memref<!tpu.dma_semaphore, #tpu.memory_space<semaphore_mem>>) {add = true}
        %dma_wait3A_380 = arith.constant 0 : i32
        %dma_wait3A_381 = arith.constant 0 : i32
        %dma_wait3A_382 = tpu.memref_slice %arg7[%run_scoped3A_335, %dma_wait3A_380, %dma_wait3A_381] : memref<8x128x16xf32, #tpu.memory_space<vmem>> -> memref<1x128x16xf32, #tpu.memory_space<vmem>>
        %dma_wait3A_383 = tpu.memref_squeeze %dma_wait3A_382 : memref<1x128x16xf32, #tpu.memory_space<vmem>> -> memref<128x16xf32, #tpu.memory_space<vmem>>
        %dma_wait3A_384 = arith.constant 0 : i32
        %dma_wait3A_385 = tpu.memref_slice %arg6[%add3A_334, %dma_wait3A_384] : memref<80x128xi32, #tpu.memory_space<vmem>> -> memref<1x128xi32, #tpu.memory_space<vmem>>
        %dma_wait3A_386 = tpu.memref_squeeze %dma_wait3A_385 : memref<1x128xi32, #tpu.memory_space<vmem>> -> memref<128xi32, #tpu.memory_space<vmem>>
        %dma_wait3A_387 = arith.constant 0 : i32
        %dma_wait3A_388 = arith.constant 0 : i32
        %dma_wait3A_389 = tpu.memref_slice %arg8[%dma_wait3A_387, %dma_wait3A_388] : memref<10240x16xf32, #tpu.memory_space<vmem_shared>> -> memref<10240x16xf32, #tpu.memory_space<vmem_shared>>
        tpu.wait_indirect_dma semaphore(%run_scoped3A_369 : memref<!tpu.dma_semaphore, #tpu.memory_space<semaphore_mem>>) src(%dma_wait3A_383 : memref<128x16xf32, #tpu.memory_space<vmem>>) dst(%dma_wait3A_389 : memref<10240x16xf32, #tpu.memory_space<vmem_shared>>)
        tpu.yield
      }) : () -> ()
      %add3A_336 = arith.constant 6 : i32
      %add3A_337 = arith.addi %add3A_180, %add3A_336 : i32
      %add3A_338 = arith.constant 8 : i32
      %add3A_339 = arith.addi %add3A_337, %add3A_338 : i32
      %lt3A_340 = arith.constant 80 : i32
      %lt3A_341 = arith.cmpi slt, %add3A_339, %lt3A_340 : i32
      %convert_element_type3A_342 = arith.extui %lt3A_341 : i1 to i32
      %cond3A_343 = arith.constant 0 : i32
      %cond3A_344 = arith.cmpi ne, %convert_element_type3A_342, %cond3A_343 : i32
      scf.if %cond3A_344 {
        %dma_start3A_369 = arith.constant 6 : i32
        %dma_start3A_370 = arith.constant 0 : i32
        %dma_start3A_371 = arith.constant 0 : i32
        %dma_start3A_372 = tpu.memref_slice %arg7[%dma_start3A_369, %dma_start3A_370, %dma_start3A_371] : memref<8x128x16xf32, #tpu.memory_space<vmem>> -> memref<1x128x16xf32, #tpu.memory_space<vmem>>
        %dma_start3A_373 = tpu.memref_squeeze %dma_start3A_372 : memref<1x128x16xf32, #tpu.memory_space<vmem>> -> memref<128x16xf32, #tpu.memory_space<vmem>>
        %dma_start3A_374 = arith.constant 0 : i32
        %dma_start3A_375 = tpu.memref_slice %arg5[%add3A_339, %dma_start3A_374] : memref<80x128xi32, #tpu.memory_space<vmem>> -> memref<1x128xi32, #tpu.memory_space<vmem>>
        %dma_start3A_376 = tpu.memref_squeeze %dma_start3A_375 : memref<1x128xi32, #tpu.memory_space<vmem>> -> memref<128xi32, #tpu.memory_space<vmem>>
        %dma_start3A_377 = arith.constant 0 : i32
        %dma_start3A_378 = arith.constant 0 : i32
        %dma_start3A_379 = tpu.memref_slice %arg9[%dma_start3A_377, %dma_start3A_378] : memref<10240x16xf32, #tpu.memory_space<vmem_shared>> -> memref<10240x16xf32, #tpu.memory_space<vmem_shared>>
        tpu.enqueue_indirect_dma source(%dma_start3A_379 : memref<10240x16xf32, #tpu.memory_space<vmem_shared>>) target(%dma_start3A_373 : memref<128x16xf32, #tpu.memory_space<vmem>>) offsets(%dma_start3A_376 : memref<128xi32, #tpu.memory_space<vmem>>) semaphore(%arg21 : memref<!tpu.dma_semaphore, #tpu.memory_space<semaphore_mem>>)
      } else {
      }
      %dma_wait3A_345 = arith.constant 7 : i32
      %dma_wait3A_346 = arith.constant 7 : i32
      %dma_wait3A_347 = arith.constant 0 : i32
      %dma_wait3A_348 = arith.constant 0 : i32
      %dma_wait3A_349 = tpu.memref_slice %arg7[%dma_wait3A_346, %dma_wait3A_347, %dma_wait3A_348] : memref<8x128x16xf32, #tpu.memory_space<vmem>> -> memref<1x128x16xf32, #tpu.memory_space<vmem>>
      %dma_wait3A_350 = tpu.memref_squeeze %dma_wait3A_349 : memref<1x128x16xf32, #tpu.memory_space<vmem>> -> memref<128x16xf32, #tpu.memory_space<vmem>>
      %dma_wait3A_351 = arith.constant 0 : i32
      %dma_wait3A_352 = tpu.memref_slice %arg5[%dma_wait3A_345, %dma_wait3A_351] : memref<80x128xi32, #tpu.memory_space<vmem>> -> memref<1x128xi32, #tpu.memory_space<vmem>>
      %dma_wait3A_353 = tpu.memref_squeeze %dma_wait3A_352 : memref<1x128xi32, #tpu.memory_space<vmem>> -> memref<128xi32, #tpu.memory_space<vmem>>
      %dma_wait3A_354 = arith.constant 0 : i32
      %dma_wait3A_355 = arith.constant 0 : i32
      %dma_wait3A_356 = tpu.memref_slice %arg9[%dma_wait3A_354, %dma_wait3A_355] : memref<10240x16xf32, #tpu.memory_space<vmem_shared>> -> memref<10240x16xf32, #tpu.memory_space<vmem_shared>>
      tpu.wait_indirect_dma semaphore(%arg22 : memref<!tpu.dma_semaphore, #tpu.memory_space<semaphore_mem>>) src(%dma_wait3A_356 : memref<10240x16xf32, #tpu.memory_space<vmem_shared>>) dst(%dma_wait3A_350 : memref<128x16xf32, #tpu.memory_space<vmem>>)
      %add3A_357 = arith.constant 7 : i32
      %add3A_358 = arith.addi %add3A_180, %add3A_357 : i32
      %run_scoped3A_359 = arith.constant 7 : i32
      "tpu.region"() ({
        %run_scoped3A_369 = tpu.sem_alloc : memref<!tpu.dma_semaphore, #tpu.memory_space<semaphore_mem>>
        %dma_start3A_370 = arith.constant 0 : i32
        %dma_start3A_371 = arith.constant 0 : i32
        %dma_start3A_372 = tpu.memref_slice %arg7[%run_scoped3A_359, %dma_start3A_370, %dma_start3A_371] : memref<8x128x16xf32, #tpu.memory_space<vmem>> -> memref<1x128x16xf32, #tpu.memory_space<vmem>>
        %dma_start3A_373 = tpu.memref_squeeze %dma_start3A_372 : memref<1x128x16xf32, #tpu.memory_space<vmem>> -> memref<128x16xf32, #tpu.memory_space<vmem>>
        %dma_start3A_374 = arith.constant 0 : i32
        %dma_start3A_375 = tpu.memref_slice %arg6[%add3A_358, %dma_start3A_374] : memref<80x128xi32, #tpu.memory_space<vmem>> -> memref<1x128xi32, #tpu.memory_space<vmem>>
        %dma_start3A_376 = tpu.memref_squeeze %dma_start3A_375 : memref<1x128xi32, #tpu.memory_space<vmem>> -> memref<128xi32, #tpu.memory_space<vmem>>
        %dma_start3A_377 = arith.constant 0 : i32
        %dma_start3A_378 = arith.constant 0 : i32
        %dma_start3A_379 = tpu.memref_slice %arg8[%dma_start3A_377, %dma_start3A_378] : memref<10240x16xf32, #tpu.memory_space<vmem_shared>> -> memref<10240x16xf32, #tpu.memory_space<vmem_shared>>
        tpu.enqueue_indirect_dma source(%dma_start3A_373 : memref<128x16xf32, #tpu.memory_space<vmem>>) target(%dma_start3A_379 : memref<10240x16xf32, #tpu.memory_space<vmem_shared>>) offsets(%dma_start3A_376 : memref<128xi32, #tpu.memory_space<vmem>>) semaphore(%run_scoped3A_369 : memref<!tpu.dma_semaphore, #tpu.memory_space<semaphore_mem>>) {add = true}
        %dma_wait3A_380 = arith.constant 0 : i32
        %dma_wait3A_381 = arith.constant 0 : i32
        %dma_wait3A_382 = tpu.memref_slice %arg7[%run_scoped3A_359, %dma_wait3A_380, %dma_wait3A_381] : memref<8x128x16xf32, #tpu.memory_space<vmem>> -> memref<1x128x16xf32, #tpu.memory_space<vmem>>
        %dma_wait3A_383 = tpu.memref_squeeze %dma_wait3A_382 : memref<1x128x16xf32, #tpu.memory_space<vmem>> -> memref<128x16xf32, #tpu.memory_space<vmem>>
        %dma_wait3A_384 = arith.constant 0 : i32
        %dma_wait3A_385 = tpu.memref_slice %arg6[%add3A_358, %dma_wait3A_384] : memref<80x128xi32, #tpu.memory_space<vmem>> -> memref<1x128xi32, #tpu.memory_space<vmem>>
        %dma_wait3A_386 = tpu.memref_squeeze %dma_wait3A_385 : memref<1x128xi32, #tpu.memory_space<vmem>> -> memref<128xi32, #tpu.memory_space<vmem>>
        %dma_wait3A_387 = arith.constant 0 : i32
        %dma_wait3A_388 = arith.constant 0 : i32
        %dma_wait3A_389 = tpu.memref_slice %arg8[%dma_wait3A_387, %dma_wait3A_388] : memref<10240x16xf32, #tpu.memory_space<vmem_shared>> -> memref<10240x16xf32, #tpu.memory_space<vmem_shared>>
        tpu.wait_indirect_dma semaphore(%run_scoped3A_369 : memref<!tpu.dma_semaphore, #tpu.memory_space<semaphore_mem>>) src(%dma_wait3A_383 : memref<128x16xf32, #tpu.memory_space<vmem>>) dst(%dma_wait3A_389 : memref<10240x16xf32, #tpu.memory_space<vmem_shared>>)
        tpu.yield
      }) : () -> ()
      %add3A_360 = arith.constant 7 : i32
      %add3A_361 = arith.addi %add3A_180, %add3A_360 : i32
      %add3A_362 = arith.constant 8 : i32
      %add3A_363 = arith.addi %add3A_361, %add3A_362 : i32
      %lt3A_364 = arith.constant 80 : i32
      %lt3A_365 = arith.cmpi slt, %add3A_363, %lt3A_364 : i32
      %convert_element_type3A_366 = arith.extui %lt3A_365 : i1 to i32
      %cond3A_367 = arith.constant 0 : i32
      %cond3A_368 = arith.cmpi ne, %convert_element_type3A_366, %cond3A_367 : i32
      scf.if %cond3A_368 {
        %dma_start3A_369 = arith.constant 7 : i32
        %dma_start3A_370 = arith.constant 0 : i32
        %dma_start3A_371 = arith.constant 0 : i32
        %dma_start3A_372 = tpu.memref_slice %arg7[%dma_start3A_369, %dma_start3A_370, %dma_start3A_371] : memref<8x128x16xf32, #tpu.memory_space<vmem>> -> memref<1x128x16xf32, #tpu.memory_space<vmem>>
        %dma_start3A_373 = tpu.memref_squeeze %dma_start3A_372 : memref<1x128x16xf32, #tpu.memory_space<vmem>> -> memref<128x16xf32, #tpu.memory_space<vmem>>
        %dma_start3A_374 = arith.constant 0 : i32
        %dma_start3A_375 = tpu.memref_slice %arg5[%add3A_363, %dma_start3A_374] : memref<80x128xi32, #tpu.memory_space<vmem>> -> memref<1x128xi32, #tpu.memory_space<vmem>>
        %dma_start3A_376 = tpu.memref_squeeze %dma_start3A_375 : memref<1x128xi32, #tpu.memory_space<vmem>> -> memref<128xi32, #tpu.memory_space<vmem>>
        %dma_start3A_377 = arith.constant 0 : i32
        %dma_start3A_378 = arith.constant 0 : i32
        %dma_start3A_379 = tpu.memref_slice %arg9[%dma_start3A_377, %dma_start3A_378] : memref<10240x16xf32, #tpu.memory_space<vmem_shared>> -> memref<10240x16xf32, #tpu.memory_space<vmem_shared>>
        tpu.enqueue_indirect_dma source(%dma_start3A_379 : memref<10240x16xf32, #tpu.memory_space<vmem_shared>>) target(%dma_start3A_373 : memref<128x16xf32, #tpu.memory_space<vmem>>) offsets(%dma_start3A_376 : memref<128xi32, #tpu.memory_space<vmem>>) semaphore(%arg22 : memref<!tpu.dma_semaphore, #tpu.memory_space<semaphore_mem>>)
      } else {
      }
    }
    %scan3A_165 = arith.constant 10 : i32
    %barrier3A_166 = arith.constant 0 : index
    tpu.barrier barrier_id(%barrier3A_166)
    %mul3A_167 = arith.constant 640 : i32
    %mul3A_168 = arith.muli %arg1, %mul3A_167 : i32
    "tpu.region"() ({
      %run_scoped3A = tpu.sem_alloc : memref<!tpu.dma_semaphore, #tpu.memory_space<semaphore_mem>>
      %dma_start3A_176 = arith.constant 0 : i32
      %dma_start3A_177 = tpu.memref_slice %arg8[%mul3A_168, %dma_start3A_176] : memref<10240x16xf32, #tpu.memory_space<vmem_shared>> -> memref<640x16xf32, #tpu.memory_space<vmem_shared>>
      %dma_start3A_178 = arith.constant 0 : i32
      %dma_start3A_179 = tpu.memref_slice %arg8[%mul3A_168, %dma_start3A_178] : memref<10240x16xf32, #tpu.memory_space<vmem_shared>> -> memref<640x16xf32, #tpu.memory_space<vmem_shared>>
      tpu.enqueue_dma source(%dma_start3A_179 : memref<640x16xf32, #tpu.memory_space<vmem_shared>>) target(%arg10 : memref<640x16xf32, #tpu.memory_space<vmem>>) target_semaphore(%run_scoped3A : memref<!tpu.dma_semaphore, #tpu.memory_space<semaphore_mem>>)
      %dma_wait3A_180 = arith.constant 0 : i32
      %dma_wait3A_181 = tpu.memref_slice %arg8[%mul3A_168, %dma_wait3A_180] : memref<10240x16xf32, #tpu.memory_space<vmem_shared>> -> memref<640x16xf32, #tpu.memory_space<vmem_shared>>
      %dma_wait3A_182 = arith.constant 0 : i32
      %dma_wait3A_183 = tpu.memref_slice %arg8[%mul3A_168, %dma_wait3A_182] : memref<10240x16xf32, #tpu.memory_space<vmem_shared>> -> memref<640x16xf32, #tpu.memory_space<vmem_shared>>
      tpu.wait_dma2 semaphore(%run_scoped3A : memref<!tpu.dma_semaphore, #tpu.memory_space<semaphore_mem>>) src(%dma_wait3A_183 : memref<640x16xf32, #tpu.memory_space<vmem_shared>>) dst(%arg10 : memref<640x16xf32, #tpu.memory_space<vmem>>)
      tpu.yield
    }) : () -> ()
    %scan3A_169 = arith.constant 0 : i32
    %scan3A_170 = arith.constant 80 : i32
    %scan3A_171 = arith.addi %scan3A_169, %scan3A_170 : i32
    %scan3A_172 = arith.constant 1 : i32
    scf.for %scan3A_176 = %scan3A_169 to %scan3A_171 step %scan3A_172  : i32 {
      %mul3A_177 = arith.constant 1 : i32
      %mul3A_178 = arith.muli %scan3A_176, %mul3A_177 : i32
      %add3A_179 = arith.constant 0 : i32
      %add3A_180 = arith.addi %add3A_179, %mul3A_178 : i32
      %mul3A_181 = arith.constant 8 : i32
      %mul3A_182 = arith.muli %add3A_180, %mul3A_181 : i32
      %add3A_183 = arith.constant 0 : i32
      %add3A_184 = arith.addi %mul3A_182, %add3A_183 : i32
      %get3A = arith.index_cast %add3A_184 : i32 to index
      %get3A_185 = arith.constant 0 : index
      %get3A_186 = tpu.vector_load %arg10[%get3A, %get3A_185] {strides = array<i32>} : memref<640x16xf32, #tpu.memory_space<vmem>>, vector<1x16xf32>,
      %get3A_187 = vector.shape_cast %get3A_186 : vector<1x16xf32> to vector<16xf32>
      %swap3A = arith.index_cast %add3A_180 : i32 to index
      %swap3A_188 = arith.constant 0 : index
      %swap3A_189 = tpu.vector_load %arg11[%swap3A, %swap3A_188] {strides = array<i32>} : memref<80x128xf32, #tpu.memory_space<vmem>>, vector<1x16xf32>,
      %swap3A_190 = vector.shape_cast %swap3A_189 : vector<1x16xf32> to vector<16xf32>
      %swap3A_191 = vector.shape_cast %get3A_187 : vector<16xf32> to vector<1x16xf32>
      tpu.vector_store %arg11[%swap3A, %swap3A_188], %swap3A_191 {strides = array<i32>} : memref<80x128xf32, #tpu.memory_space<vmem>>, vector<1x16xf32>,
      %mul3A_192 = arith.constant 8 : i32
      %mul3A_193 = arith.muli %add3A_180, %mul3A_192 : i32
      %add3A_194 = arith.constant 1 : i32
      %add3A_195 = arith.addi %mul3A_193, %add3A_194 : i32
      %get3A_196 = arith.index_cast %add3A_195 : i32 to index
      %get3A_197 = arith.constant 0 : index
      %get3A_198 = tpu.vector_load %arg10[%get3A_196, %get3A_197] {strides = array<i32>} : memref<640x16xf32, #tpu.memory_space<vmem>>, vector<1x16xf32>,
      %get3A_199 = vector.shape_cast %get3A_198 : vector<1x16xf32> to vector<16xf32>
      %swap3A_200 = arith.index_cast %add3A_180 : i32 to index
      %swap3A_201 = arith.constant 16 : index
      %swap3A_202 = tpu.vector_load %arg11[%swap3A_200, %swap3A_201] {strides = array<i32>} : memref<80x128xf32, #tpu.memory_space<vmem>>, vector<1x16xf32>,
      %swap3A_203 = vector.shape_cast %swap3A_202 : vector<1x16xf32> to vector<16xf32>
      %swap3A_204 = vector.shape_cast %get3A_199 : vector<16xf32> to vector<1x16xf32>
      tpu.vector_store %arg11[%swap3A_200, %swap3A_201], %swap3A_204 {strides = array<i32>} : memref<80x128xf32, #tpu.memory_space<vmem>>, vector<1x16xf32>,
      %mul3A_205 = arith.constant 8 : i32
      %mul3A_206 = arith.muli %add3A_180, %mul3A_205 : i32
      %add3A_207 = arith.constant 2 : i32
      %add3A_208 = arith.addi %mul3A_206, %add3A_207 : i32
      %get3A_209 = arith.index_cast %add3A_208 : i32 to index
      %get3A_210 = arith.constant 0 : index
      %get3A_211 = tpu.vector_load %arg10[%get3A_209, %get3A_210] {strides = array<i32>} : memref<640x16xf32, #tpu.memory_space<vmem>>, vector<1x16xf32>,
      %get3A_212 = vector.shape_cast %get3A_211 : vector<1x16xf32> to vector<16xf32>
      %swap3A_213 = arith.index_cast %add3A_180 : i32 to index
      %swap3A_214 = arith.constant 32 : index
      %swap3A_215 = tpu.vector_load %arg11[%swap3A_213, %swap3A_214] {strides = array<i32>} : memref<80x128xf32, #tpu.memory_space<vmem>>, vector<1x16xf32>,
      %swap3A_216 = vector.shape_cast %swap3A_215 : vector<1x16xf32> to vector<16xf32>
      %swap3A_217 = vector.shape_cast %get3A_212 : vector<16xf32> to vector<1x16xf32>
      tpu.vector_store %arg11[%swap3A_213, %swap3A_214], %swap3A_217 {strides = array<i32>} : memref<80x128xf32, #tpu.memory_space<vmem>>, vector<1x16xf32>,
      %mul3A_218 = arith.constant 8 : i32
      %mul3A_219 = arith.muli %add3A_180, %mul3A_218 : i32
      %add3A_220 = arith.constant 3 : i32
      %add3A_221 = arith.addi %mul3A_219, %add3A_220 : i32
      %get3A_222 = arith.index_cast %add3A_221 : i32 to index
      %get3A_223 = arith.constant 0 : index
      %get3A_224 = tpu.vector_load %arg10[%get3A_222, %get3A_223] {strides = array<i32>} : memref<640x16xf32, #tpu.memory_space<vmem>>, vector<1x16xf32>,
      %get3A_225 = vector.shape_cast %get3A_224 : vector<1x16xf32> to vector<16xf32>
      %swap3A_226 = arith.index_cast %add3A_180 : i32 to index
      %swap3A_227 = arith.constant 48 : index
      %swap3A_228 = tpu.vector_load %arg11[%swap3A_226, %swap3A_227] {strides = array<i32>} : memref<80x128xf32, #tpu.memory_space<vmem>>, vector<1x16xf32>,
      %swap3A_229 = vector.shape_cast %swap3A_228 : vector<1x16xf32> to vector<16xf32>
      %swap3A_230 = vector.shape_cast %get3A_225 : vector<16xf32> to vector<1x16xf32>
      tpu.vector_store %arg11[%swap3A_226, %swap3A_227], %swap3A_230 {strides = array<i32>} : memref<80x128xf32, #tpu.memory_space<vmem>>, vector<1x16xf32>,
      %mul3A_231 = arith.constant 8 : i32
      %mul3A_232 = arith.muli %add3A_180, %mul3A_231 : i32
      %add3A_233 = arith.constant 4 : i32
      %add3A_234 = arith.addi %mul3A_232, %add3A_233 : i32
      %get3A_235 = arith.index_cast %add3A_234 : i32 to index
      %get3A_236 = arith.constant 0 : index
      %get3A_237 = tpu.vector_load %arg10[%get3A_235, %get3A_236] {strides = array<i32>} : memref<640x16xf32, #tpu.memory_space<vmem>>, vector<1x16xf32>,
      %get3A_238 = vector.shape_cast %get3A_237 : vector<1x16xf32> to vector<16xf32>
      %swap3A_239 = arith.index_cast %add3A_180 : i32 to index
      %swap3A_240 = arith.constant 64 : index
      %swap3A_241 = tpu.vector_load %arg11[%swap3A_239, %swap3A_240] {strides = array<i32>} : memref<80x128xf32, #tpu.memory_space<vmem>>, vector<1x16xf32>,
      %swap3A_242 = vector.shape_cast %swap3A_241 : vector<1x16xf32> to vector<16xf32>
      %swap3A_243 = vector.shape_cast %get3A_238 : vector<16xf32> to vector<1x16xf32>
      tpu.vector_store %arg11[%swap3A_239, %swap3A_240], %swap3A_243 {strides = array<i32>} : memref<80x128xf32, #tpu.memory_space<vmem>>, vector<1x16xf32>,
      %mul3A_244 = arith.constant 8 : i32
      %mul3A_245 = arith.muli %add3A_180, %mul3A_244 : i32
      %add3A_246 = arith.constant 5 : i32
      %add3A_247 = arith.addi %mul3A_245, %add3A_246 : i32
      %get3A_248 = arith.index_cast %add3A_247 : i32 to index
      %get3A_249 = arith.constant 0 : index
      %get3A_250 = tpu.vector_load %arg10[%get3A_248, %get3A_249] {strides = array<i32>} : memref<640x16xf32, #tpu.memory_space<vmem>>, vector<1x16xf32>,
      %get3A_251 = vector.shape_cast %get3A_250 : vector<1x16xf32> to vector<16xf32>
      %swap3A_252 = arith.index_cast %add3A_180 : i32 to index
      %swap3A_253 = arith.constant 80 : index
      %swap3A_254 = tpu.vector_load %arg11[%swap3A_252, %swap3A_253] {strides = array<i32>} : memref<80x128xf32, #tpu.memory_space<vmem>>, vector<1x16xf32>,
      %swap3A_255 = vector.shape_cast %swap3A_254 : vector<1x16xf32> to vector<16xf32>
      %swap3A_256 = vector.shape_cast %get3A_251 : vector<16xf32> to vector<1x16xf32>
      tpu.vector_store %arg11[%swap3A_252, %swap3A_253], %swap3A_256 {strides = array<i32>} : memref<80x128xf32, #tpu.memory_space<vmem>>, vector<1x16xf32>,
      %mul3A_257 = arith.constant 8 : i32
      %mul3A_258 = arith.muli %add3A_180, %mul3A_257 : i32
      %add3A_259 = arith.constant 6 : i32
      %add3A_260 = arith.addi %mul3A_258, %add3A_259 : i32
      %get3A_261 = arith.index_cast %add3A_260 : i32 to index
      %get3A_262 = arith.constant 0 : index
      %get3A_263 = tpu.vector_load %arg10[%get3A_261, %get3A_262] {strides = array<i32>} : memref<640x16xf32, #tpu.memory_space<vmem>>, vector<1x16xf32>,
      %get3A_264 = vector.shape_cast %get3A_263 : vector<1x16xf32> to vector<16xf32>
      %swap3A_265 = arith.index_cast %add3A_180 : i32 to index
      %swap3A_266 = arith.constant 96 : index
      %swap3A_267 = tpu.vector_load %arg11[%swap3A_265, %swap3A_266] {strides = array<i32>} : memref<80x128xf32, #tpu.memory_space<vmem>>, vector<1x16xf32>,
      %swap3A_268 = vector.shape_cast %swap3A_267 : vector<1x16xf32> to vector<16xf32>
      %swap3A_269 = vector.shape_cast %get3A_264 : vector<16xf32> to vector<1x16xf32>
      tpu.vector_store %arg11[%swap3A_265, %swap3A_266], %swap3A_269 {strides = array<i32>} : memref<80x128xf32, #tpu.memory_space<vmem>>, vector<1x16xf32>,
      %mul3A_270 = arith.constant 8 : i32
      %mul3A_271 = arith.muli %add3A_180, %mul3A_270 : i32
      %add3A_272 = arith.constant 7 : i32
      %add3A_273 = arith.addi %mul3A_271, %add3A_272 : i32
      %get3A_274 = arith.index_cast %add3A_273 : i32 to index
      %get3A_275 = arith.constant 0 : index
      %get3A_276 = tpu.vector_load %arg10[%get3A_274, %get3A_275] {strides = array<i32>} : memref<640x16xf32, #tpu.memory_space<vmem>>, vector<1x16xf32>,
      %get3A_277 = vector.shape_cast %get3A_276 : vector<1x16xf32> to vector<16xf32>
      %swap3A_278 = arith.index_cast %add3A_180 : i32 to index
      %swap3A_279 = arith.constant 112 : index
      %swap3A_280 = tpu.vector_load %arg11[%swap3A_278, %swap3A_279] {strides = array<i32>} : memref<80x128xf32, #tpu.memory_space<vmem>>, vector<1x16xf32>,
      %swap3A_281 = vector.shape_cast %swap3A_280 : vector<1x16xf32> to vector<16xf32>
      %swap3A_282 = vector.shape_cast %get3A_277 : vector<16xf32> to vector<1x16xf32>
      tpu.vector_store %arg11[%swap3A_278, %swap3A_279], %swap3A_282 {strides = array<i32>} : memref<80x128xf32, #tpu.memory_space<vmem>>, vector<1x16xf32>,
    }
    %scan3A_173 = arith.constant 80 : i32
    %mul3A_174 = arith.constant 80 : i32
    %mul3A_175 = arith.muli %arg1, %mul3A_174 : i32
    "tpu.region"() ({
      %run_scoped3A = tpu.sem_alloc : memref<!tpu.dma_semaphore, #tpu.memory_space<semaphore_mem>>
      %dma_start3A_176 = arith.constant 0 : i32
      %dma_start3A_177 = tpu.memref_slice %arg4[%arg0, %mul3A_175, %dma_start3A_176] : memref<2x1280x128xf32, #tpu.memory_space<hbm>> -> memref<1x80x128xf32, #tpu.memory_space<hbm>>
      %dma_start3A_178 = tpu.memref_squeeze %dma_start3A_177 : memref<1x80x128xf32, #tpu.memory_space<hbm>> -> memref<80x128xf32, #tpu.memory_space<hbm>>
      %dma_start3A_179 = arith.constant 0 : i32
      %dma_start3A_180 = tpu.memref_slice %arg4[%arg0, %mul3A_175, %dma_start3A_179] : memref<2x1280x128xf32, #tpu.memory_space<hbm>> -> memref<1x80x128xf32, #tpu.memory_space<hbm>>
      %dma_start3A_181 = tpu.memref_squeeze %dma_start3A_180 : memref<1x80x128xf32, #tpu.memory_space<hbm>> -> memref<80x128xf32, #tpu.memory_space<hbm>>
      tpu.enqueue_dma source(%arg11 : memref<80x128xf32, #tpu.memory_space<vmem>>) target(%dma_start3A_181 : memref<80x128xf32, #tpu.memory_space<hbm>>) target_semaphore(%run_scoped3A : memref<!tpu.dma_semaphore, #tpu.memory_space<semaphore_mem>>)
      %dma_wait3A_182 = arith.constant 0 : i32
      %dma_wait3A_183 = tpu.memref_slice %arg4[%arg0, %mul3A_175, %dma_wait3A_182] : memref<2x1280x128xf32, #tpu.memory_space<hbm>> -> memref<1x80x128xf32, #tpu.memory_space<hbm>>
      %dma_wait3A_184 = tpu.memref_squeeze %dma_wait3A_183 : memref<1x80x128xf32, #tpu.memory_space<hbm>> -> memref<80x128xf32, #tpu.memory_space<hbm>>
      %dma_wait3A_185 = arith.constant 0 : i32
      %dma_wait3A_186 = tpu.memref_slice %arg4[%arg0, %mul3A_175, %dma_wait3A_185] : memref<2x1280x128xf32, #tpu.memory_space<hbm>> -> memref<1x80x128xf32, #tpu.memory_space<hbm>>
      %dma_wait3A_187 = tpu.memref_squeeze %dma_wait3A_186 : memref<1x80x128xf32, #tpu.memory_space<hbm>> -> memref<80x128xf32, #tpu.memory_space<hbm>>
      tpu.wait_dma2 semaphore(%run_scoped3A : memref<!tpu.dma_semaphore, #tpu.memory_space<semaphore_mem>>) src(%arg11 : memref<80x128xf32, #tpu.memory_space<vmem>>) dst(%dma_wait3A_187 : memref<80x128xf32, #tpu.memory_space<hbm>>)
      tpu.yield
    }) : () -> ()
    return
  }
}

#map = affine_map<(d0, d1) -> (0, 0)>
#map1 = affine_map<(d0, d1) -> (0, 0, 0)>
module attributes {stable_mosaic.version = 14 : i64} {
  func.func @body(%arg0: i32, %arg1: i32, %arg2: memref<1280x128xf32, #tpu.memory_space<hbm>>, %arg3: memref<2x2560x128xi32, #tpu.memory_space<hbm>>, %arg4: memref<2x1280x128xf32, #tpu.memory_space<hbm>>, %arg5: memref<80x128xi32, #tpu.memory_space<vmem>>, %arg6: memref<80x128xi32, #tpu.memory_space<vmem>>, %arg7: memref<8x128x16xf32, #tpu.memory_space<vmem>>, %arg8: memref<10240x16xf32, #tpu.memory_space<vmem_shared>>, %arg9: memref<10240x16xf32, #tpu.memory_space<vmem_shared>>, %arg10: memref<640x16xf32, #tpu.memory_space<vmem>>, %arg11: memref<80x128xf32, #tpu.memory_space<vmem>>, %arg12: memref<!tpu.dma_semaphore, #tpu.memory_space<semaphore_mem>>, %arg13: memref<!tpu.dma_semaphore, #tpu.memory_space<semaphore_mem>>, %arg14: memref<!tpu.dma_semaphore, #tpu.memory_space<semaphore_mem>>, %arg15: memref<!tpu.dma_semaphore, #tpu.memory_space<semaphore_mem>>, %arg16: memref<!tpu.dma_semaphore, #tpu.memory_space<semaphore_mem>>, %arg17: memref<!tpu.dma_semaphore, #tpu.memory_space<semaphore_mem>>, %arg18: memref<!tpu.dma_semaphore, #tpu.memory_space<semaphore_mem>>, %arg19: memref<!tpu.dma_semaphore, #tpu.memory_space<semaphore_mem>>, %arg20: memref<!tpu.dma_semaphore, #tpu.memory_space<semaphore_mem>>, %arg21: memref<!tpu.dma_semaphore, #tpu.memory_space<semaphore_mem>>, %arg22: memref<!tpu.dma_semaphore, #tpu.memory_space<semaphore_mem>>) attributes {dimension_semantics = [#tpu.dimension_semantics<core_parallel>, #tpu.dimension_semantics<subcore_parallel>], iteration_bounds = array<i64: 2, 16>, scalar_prefetch = 0 : i64, scratch_operands = 18 : i64, tpu.core_type = #tpu.core_type<sc_vector_subcore>, window_params = [{transform_indices = #map}, {transform_indices = #map1}, {transform_indices = #map1}]} {
    %mul3A = arith.constant 2 : i32
    %mul3A_0 = arith.muli %arg1, %mul3A : i32
    %add3A = arith.addi %mul3A_0, %arg0 : i32
    %mul3A_1 = arith.constant 80 : i32
    %mul3A_2 = arith.muli %add3A, %mul3A_1 : i32
    %dma_start3A = arith.constant 1 : i32
    %dma_start3A_3 = arith.constant 0 : i32
    %dma_start3A_4 = tpu.memref_slice %arg3[%dma_start3A, %mul3A_2, %dma_start3A_3] : memref<2x2560x128xi32, #tpu.memory_space<hbm>> -> memref<1x80x128xi32, #tpu.memory_space<hbm>>
    %dma_start3A_5 = tpu.memref_squeeze %dma_start3A_4 : memref<1x80x128xi32, #tpu.memory_space<hbm>> -> memref<80x128xi32, #tpu.memory_space<hbm>>
    %dma_start3A_6 = arith.constant 0 : i32
    %dma_start3A_7 = tpu.memref_slice %arg3[%dma_start3A, %mul3A_2, %dma_start3A_6] : memref<2x2560x128xi32, #tpu.memory_space<hbm>> -> memref<1x80x128xi32, #tpu.memory_space<hbm>>
    %dma_start3A_8 = tpu.memref_squeeze %dma_start3A_7 : memref<1x80x128xi32, #tpu.memory_space<hbm>> -> memref<80x128xi32, #tpu.memory_space<hbm>>
    tpu.enqueue_dma source(%dma_start3A_8 : memref<80x128xi32, #tpu.memory_space<hbm>>) target(%arg6 : memref<80x128xi32, #tpu.memory_space<vmem>>) target_semaphore(%arg12 : memref<!tpu.dma_semaphore, #tpu.memory_space<semaphore_mem>>)
    %mul3A_9 = arith.constant 80 : i32
    %mul3A_10 = arith.muli %add3A, %mul3A_9 : i32
    %dma_start3A_11 = arith.constant 0 : i32
    %dma_start3A_12 = arith.constant 0 : i32
    %dma_start3A_13 = tpu.memref_slice %arg3[%dma_start3A_11, %mul3A_10, %dma_start3A_12] : memref<2x2560x128xi32, #tpu.memory_space<hbm>> -> memref<1x80x128xi32, #tpu.memory_space<hbm>>
    %dma_start3A_14 = tpu.memref_squeeze %dma_start3A_13 : memref<1x80x128xi32, #tpu.memory_space<hbm>> -> memref<80x128xi32, #tpu.memory_space<hbm>>
    %dma_start3A_15 = arith.constant 0 : i32
    %dma_start3A_16 = tpu.memref_slice %arg3[%dma_start3A_11, %mul3A_10, %dma_start3A_15] : memref<2x2560x128xi32, #tpu.memory_space<hbm>> -> memref<1x80x128xi32, #tpu.memory_space<hbm>>
    %dma_start3A_17 = tpu.memref_squeeze %dma_start3A_16 : memref<1x80x128xi32, #tpu.memory_space<hbm>> -> memref<80x128xi32, #tpu.memory_space<hbm>>
    tpu.enqueue_dma source(%dma_start3A_17 : memref<80x128xi32, #tpu.memory_space<hbm>>) target(%arg5 : memref<80x128xi32, #tpu.memory_space<vmem>>) target_semaphore(%arg13 : memref<!tpu.dma_semaphore, #tpu.memory_space<semaphore_mem>>)
    %mul3A_18 = arith.constant 80 : i32
    %mul3A_19 = arith.muli %arg1, %mul3A_18 : i32
    %dma_start3A_20 = arith.constant 0 : i32
    %dma_start3A_21 = tpu.memref_slice %arg2[%mul3A_19, %dma_start3A_20] : memref<1280x128xf32, #tpu.memory_space<hbm>> -> memref<80x128xf32, #tpu.memory_space<hbm>>
    %dma_start3A_22 = arith.constant 0 : i32
    %dma_start3A_23 = tpu.memref_slice %arg2[%mul3A_19, %dma_start3A_22] : memref<1280x128xf32, #tpu.memory_space<hbm>> -> memref<80x128xf32, #tpu.memory_space<hbm>>
    tpu.enqueue_dma source(%dma_start3A_23 : memref<80x128xf32, #tpu.memory_space<hbm>>) target(%arg11 : memref<80x128xf32, #tpu.memory_space<vmem>>) target_semaphore(%arg14 : memref<!tpu.dma_semaphore, #tpu.memory_space<semaphore_mem>>)
    %scan3A = arith.constant 0 : i32
    %scan3A_24 = arith.constant 0 : i32
    %scan3A_25 = arith.constant 128 : i32
    %scan3A_26 = arith.addi %scan3A_24, %scan3A_25 : i32
    %scan3A_27 = arith.constant 1 : i32
    scf.for %scan3A_176 = %scan3A_24 to %scan3A_26 step %scan3A_27  : i32 {
      %mul3A_177 = arith.constant 1 : i32
      %mul3A_178 = arith.muli %scan3A_176, %mul3A_177 : i32
      %add3A_179 = arith.constant 0 : i32
      %add3A_180 = arith.addi %add3A_179, %mul3A_178 : i32
      %broadcast_in_dim3A = arith.constant 0.000000e+00 : f32
      %broadcast_in_dim3A_181 = vector.broadcast %broadcast_in_dim3A : f32 to vector<16xf32>
      %swap3A = arith.constant 0 : i32
      %swap3A_182 = arith.constant 0 : i32
      %swap3A_183 = tpu.memref_slice %arg7[%scan3A, %swap3A, %swap3A_182] : memref<8x128x16xf32, #tpu.memory_space<vmem>> -> memref<1x128x16xf32, #tpu.memory_space<vmem>>
      %swap3A_184 = tpu.memref_squeeze %swap3A_183 : memref<1x128x16xf32, #tpu.memory_space<vmem>> -> memref<128x16xf32, #tpu.memory_space<vmem>>
      %swap3A_185 = arith.index_cast %add3A_180 : i32 to index
      %swap3A_186 = arith.constant 0 : index
      %swap3A_187 = tpu.vector_load %swap3A_184[%swap3A_185, %swap3A_186] {strides = array<i32>} : memref<128x16xf32, #tpu.memory_space<vmem>>, vector<1x16xf32>,
      %swap3A_188 = vector.shape_cast %swap3A_187 : vector<1x16xf32> to vector<16xf32>
      %swap3A_189 = vector.shape_cast %broadcast_in_dim3A_181 : vector<16xf32> to vector<1x16xf32>
      tpu.vector_store %swap3A_184[%swap3A_185, %swap3A_186], %swap3A_189 {strides = array<i32>} : memref<128x16xf32, #tpu.memory_space<vmem>>, vector<1x16xf32>,
    }
    %scan3A_28 = arith.constant 128 : i32
    %scan3A_29 = arith.constant 0 : i32
    %scan3A_30 = arith.constant 0 : i32
    %scan3A_31 = arith.constant 5 : i32
    %scan3A_32 = arith.addi %scan3A_30, %scan3A_31 : i32
    %scan3A_33 = arith.constant 1 : i32
    scf.for %scan3A_176 = %scan3A_30 to %scan3A_32 step %scan3A_33  : i32 {
      %mul3A_177 = arith.constant 1 : i32
      %mul3A_178 = arith.muli %scan3A_176, %mul3A_177 : i32
      %add3A_179 = arith.constant 0 : i32
      %add3A_180 = arith.addi %add3A_179, %mul3A_178 : i32
      %mul3A_181 = arith.constant 640 : i32
      %mul3A_182 = arith.muli %arg1, %mul3A_181 : i32
      %mul3A_183 = arith.constant 128 : i32
      %mul3A_184 = arith.muli %add3A_180, %mul3A_183 : i32
      %add3A_185 = arith.addi %mul3A_182, %mul3A_184 : i32
      "tpu.region"() ({
        %run_scoped3A = tpu.sem_alloc : memref<!tpu.dma_semaphore, #tpu.memory_space<semaphore_mem>>
        %dma_start3A_186 = arith.constant 0 : i32
        %dma_start3A_187 = arith.constant 0 : i32
        %dma_start3A_188 = tpu.memref_slice %arg7[%scan3A_29, %dma_start3A_186, %dma_start3A_187] : memref<8x128x16xf32, #tpu.memory_space<vmem>> -> memref<1x128x16xf32, #tpu.memory_space<vmem>>
        %dma_start3A_189 = tpu.memref_squeeze %dma_start3A_188 : memref<1x128x16xf32, #tpu.memory_space<vmem>> -> memref<128x16xf32, #tpu.memory_space<vmem>>
        %dma_start3A_190 = arith.constant 0 : i32
        %dma_start3A_191 = tpu.memref_slice %arg8[%add3A_185, %dma_start3A_190] : memref<10240x16xf32, #tpu.memory_space<vmem_shared>> -> memref<128x16xf32, #tpu.memory_space<vmem_shared>>
        %dma_start3A_192 = arith.constant 0 : i32
        %dma_start3A_193 = tpu.memref_slice %arg8[%add3A_185, %dma_start3A_192] : memref<10240x16xf32, #tpu.memory_space<vmem_shared>> -> memref<128x16xf32, #tpu.memory_space<vmem_shared>>
        %dma_start3A_194 = arith.constant 0 : i32
        %dma_start3A_195 = arith.constant 0 : i32
        %dma_start3A_196 = tpu.memref_slice %arg7[%scan3A_29, %dma_start3A_194, %dma_start3A_195] : memref<8x128x16xf32, #tpu.memory_space<vmem>> -> memref<1x128x16xf32, #tpu.memory_space<vmem>>
        %dma_start3A_197 = tpu.memref_squeeze %dma_start3A_196 : memref<1x128x16xf32, #tpu.memory_space<vmem>> -> memref<128x16xf32, #tpu.memory_space<vmem>>
        tpu.enqueue_dma source(%dma_start3A_197 : memref<128x16xf32, #tpu.memory_space<vmem>>) target(%dma_start3A_193 : memref<128x16xf32, #tpu.memory_space<vmem_shared>>) target_semaphore(%run_scoped3A : memref<!tpu.dma_semaphore, #tpu.memory_space<semaphore_mem>>)
        %dma_wait3A_198 = arith.constant 0 : i32
        %dma_wait3A_199 = arith.constant 0 : i32
        %dma_wait3A_200 = tpu.memref_slice %arg7[%scan3A_29, %dma_wait3A_198, %dma_wait3A_199] : memref<8x128x16xf32, #tpu.memory_space<vmem>> -> memref<1x128x16xf32, #tpu.memory_space<vmem>>
        %dma_wait3A_201 = tpu.memref_squeeze %dma_wait3A_200 : memref<1x128x16xf32, #tpu.memory_space<vmem>> -> memref<128x16xf32, #tpu.memory_space<vmem>>
        %dma_wait3A_202 = arith.constant 0 : i32
        %dma_wait3A_203 = tpu.memref_slice %arg8[%add3A_185, %dma_wait3A_202] : memref<10240x16xf32, #tpu.memory_space<vmem_shared>> -> memref<128x16xf32, #tpu.memory_space<vmem_shared>>
        %dma_wait3A_204 = arith.constant 0 : i32
        %dma_wait3A_205 = tpu.memref_slice %arg8[%add3A_185, %dma_wait3A_204] : memref<10240x16xf32, #tpu.memory_space<vmem_shared>> -> memref<128x16xf32, #tpu.memory_space<vmem_shared>>
        %dma_wait3A_206 = arith.constant 0 : i32
        %dma_wait3A_207 = arith.constant 0 : i32
        %dma_wait3A_208 = tpu.memref_slice %arg7[%scan3A_29, %dma_wait3A_206, %dma_wait3A_207] : memref<8x128x16xf32, #tpu.memory_space<vmem>> -> memref<1x128x16xf32, #tpu.memory_space<vmem>>
        %dma_wait3A_209 = tpu.memref_squeeze %dma_wait3A_208 : memref<1x128x16xf32, #tpu.memory_space<vmem>> -> memref<128x16xf32, #tpu.memory_space<vmem>>
        tpu.wait_dma2 semaphore(%run_scoped3A : memref<!tpu.dma_semaphore, #tpu.memory_space<semaphore_mem>>) src(%dma_wait3A_209 : memref<128x16xf32, #tpu.memory_space<vmem>>) dst(%dma_wait3A_205 : memref<128x16xf32, #tpu.memory_space<vmem_shared>>)
        tpu.yield
      }) : () -> ()
    }
    %scan3A_34 = arith.constant 5 : i32
    %mul3A_35 = arith.constant 80 : i32
    %mul3A_36 = arith.muli %add3A, %mul3A_35 : i32
    %dma_wait3A = arith.constant 1 : i32
    %dma_wait3A_37 = arith.constant 0 : i32
    %dma_wait3A_38 = tpu.memref_slice %arg3[%dma_wait3A, %mul3A_36, %dma_wait3A_37] : memref<2x2560x128xi32, #tpu.memory_space<hbm>> -> memref<1x80x128xi32, #tpu.memory_space<hbm>>
    %dma_wait3A_39 = tpu.memref_squeeze %dma_wait3A_38 : memref<1x80x128xi32, #tpu.memory_space<hbm>> -> memref<80x128xi32, #tpu.memory_space<hbm>>
    %dma_wait3A_40 = arith.constant 0 : i32
    %dma_wait3A_41 = tpu.memref_slice %arg3[%dma_wait3A, %mul3A_36, %dma_wait3A_40] : memref<2x2560x128xi32, #tpu.memory_space<hbm>> -> memref<1x80x128xi32, #tpu.memory_space<hbm>>
    %dma_wait3A_42 = tpu.memref_squeeze %dma_wait3A_41 : memref<1x80x128xi32, #tpu.memory_space<hbm>> -> memref<80x128xi32, #tpu.memory_space<hbm>>
    tpu.wait_dma2 semaphore(%arg12 : memref<!tpu.dma_semaphore, #tpu.memory_space<semaphore_mem>>) src(%dma_wait3A_42 : memref<80x128xi32, #tpu.memory_space<hbm>>) dst(%arg6 : memref<80x128xi32, #tpu.memory_space<vmem>>)
    %mul3A_43 = arith.constant 80 : i32
    %mul3A_44 = arith.muli %add3A, %mul3A_43 : i32
    %dma_wait3A_45 = arith.constant 0 : i32
    %dma_wait3A_46 = arith.constant 0 : i32
    %dma_wait3A_47 = tpu.memref_slice %arg3[%dma_wait3A_45, %mul3A_44, %dma_wait3A_46] : memref<2x2560x128xi32, #tpu.memory_space<hbm>> -> memref<1x80x128xi32, #tpu.memory_space<hbm>>
    %dma_wait3A_48 = tpu.memref_squeeze %dma_wait3A_47 : memref<1x80x128xi32, #tpu.memory_space<hbm>> -> memref<80x128xi32, #tpu.memory_space<hbm>>
    %dma_wait3A_49 = arith.constant 0 : i32
    %dma_wait3A_50 = tpu.memref_slice %arg3[%dma_wait3A_45, %mul3A_44, %dma_wait3A_49] : memref<2x2560x128xi32, #tpu.memory_space<hbm>> -> memref<1x80x128xi32, #tpu.memory_space<hbm>>
    %dma_wait3A_51 = tpu.memref_squeeze %dma_wait3A_50 : memref<1x80x128xi32, #tpu.memory_space<hbm>> -> memref<80x128xi32, #tpu.memory_space<hbm>>
    tpu.wait_dma2 semaphore(%arg13 : memref<!tpu.dma_semaphore, #tpu.memory_space<semaphore_mem>>) src(%dma_wait3A_51 : memref<80x128xi32, #tpu.memory_space<hbm>>) dst(%arg5 : memref<80x128xi32, #tpu.memory_space<vmem>>)
    %mul3A_52 = arith.constant 80 : i32
    %mul3A_53 = arith.muli %arg1, %mul3A_52 : i32
    %dma_wait3A_54 = arith.constant 0 : i32
    %dma_wait3A_55 = tpu.memref_slice %arg2[%mul3A_53, %dma_wait3A_54] : memref<1280x128xf32, #tpu.memory_space<hbm>> -> memref<80x128xf32, #tpu.memory_space<hbm>>
    %dma_wait3A_56 = arith.constant 0 : i32
    %dma_wait3A_57 = tpu.memref_slice %arg2[%mul3A_53, %dma_wait3A_56] : memref<1280x128xf32, #tpu.memory_space<hbm>> -> memref<80x128xf32, #tpu.memory_space<hbm>>
    tpu.wait_dma2 semaphore(%arg14 : memref<!tpu.dma_semaphore, #tpu.memory_space<semaphore_mem>>) src(%dma_wait3A_57 : memref<80x128xf32, #tpu.memory_space<hbm>>) dst(%arg11 : memref<80x128xf32, #tpu.memory_space<vmem>>)
    %scan3A_58 = arith.constant 0 : i32
    %scan3A_59 = arith.constant 80 : i32
    %scan3A_60 = arith.addi %scan3A_58, %scan3A_59 : i32
    %scan3A_61 = arith.constant 1 : i32
    scf.for %scan3A_176 = %scan3A_58 to %scan3A_60 step %scan3A_61  : i32 {
      %mul3A_177 = arith.constant 1 : i32
      %mul3A_178 = arith.muli %scan3A_176, %mul3A_177 : i32
      %add3A_179 = arith.constant 0 : i32
      %add3A_180 = arith.addi %add3A_179, %mul3A_178 : i32
      %get3A = arith.index_cast %add3A_180 : i32 to index
      %get3A_181 = arith.constant 0 : index
      %get3A_182 = tpu.vector_load %arg11[%get3A, %get3A_181] {strides = array<i32>} : memref<80x128xf32, #tpu.memory_space<vmem>>, vector<1x16xf32>,
      %get3A_183 = vector.shape_cast %get3A_182 : vector<1x16xf32> to vector<16xf32>
      %mul3A_184 = arith.constant 8 : i32
      %mul3A_185 = arith.muli %add3A_180, %mul3A_184 : i32
      %add3A_186 = arith.constant 0 : i32
      %add3A_187 = arith.addi %mul3A_185, %add3A_186 : i32
      %swap3A = arith.index_cast %add3A_187 : i32 to index
      %swap3A_188 = arith.constant 0 : index
      %swap3A_189 = tpu.vector_load %arg10[%swap3A, %swap3A_188] {strides = array<i32>} : memref<640x16xf32, #tpu.memory_space<vmem>>, vector<1x16xf32>,
      %swap3A_190 = vector.shape_cast %swap3A_189 : vector<1x16xf32> to vector<16xf32>
      %swap3A_191 = vector.shape_cast %get3A_183 : vector<16xf32> to vector<1x16xf32>
      tpu.vector_store %arg10[%swap3A, %swap3A_188], %swap3A_191 {strides = array<i32>} : memref<640x16xf32, #tpu.memory_space<vmem>>, vector<1x16xf32>,
      %get3A_192 = arith.index_cast %add3A_180 : i32 to index
      %get3A_193 = arith.constant 16 : index
      %get3A_194 = tpu.vector_load %arg11[%get3A_192, %get3A_193] {strides = array<i32>} : memref<80x128xf32, #tpu.memory_space<vmem>>, vector<1x16xf32>,
      %get3A_195 = vector.shape_cast %get3A_194 : vector<1x16xf32> to vector<16xf32>
      %mul3A_196 = arith.constant 8 : i32
      %mul3A_197 = arith.muli %add3A_180, %mul3A_196 : i32
      %add3A_198 = arith.constant 1 : i32
      %add3A_199 = arith.addi %mul3A_197, %add3A_198 : i32
      %swap3A_200 = arith.index_cast %add3A_199 : i32 to index
      %swap3A_201 = arith.constant 0 : index
      %swap3A_202 = tpu.vector_load %arg10[%swap3A_200, %swap3A_201] {strides = array<i32>} : memref<640x16xf32, #tpu.memory_space<vmem>>, vector<1x16xf32>,
      %swap3A_203 = vector.shape_cast %swap3A_202 : vector<1x16xf32> to vector<16xf32>
      %swap3A_204 = vector.shape_cast %get3A_195 : vector<16xf32> to vector<1x16xf32>
      tpu.vector_store %arg10[%swap3A_200, %swap3A_201], %swap3A_204 {strides = array<i32>} : memref<640x16xf32, #tpu.memory_space<vmem>>, vector<1x16xf32>,
      %get3A_205 = arith.index_cast %add3A_180 : i32 to index
      %get3A_206 = arith.constant 32 : index
      %get3A_207 = tpu.vector_load %arg11[%get3A_205, %get3A_206] {strides = array<i32>} : memref<80x128xf32, #tpu.memory_space<vmem>>, vector<1x16xf32>,
      %get3A_208 = vector.shape_cast %get3A_207 : vector<1x16xf32> to vector<16xf32>
      %mul3A_209 = arith.constant 8 : i32
      %mul3A_210 = arith.muli %add3A_180, %mul3A_209 : i32
      %add3A_211 = arith.constant 2 : i32
      %add3A_212 = arith.addi %mul3A_210, %add3A_211 : i32
      %swap3A_213 = arith.index_cast %add3A_212 : i32 to index
      %swap3A_214 = arith.constant 0 : index
      %swap3A_215 = tpu.vector_load %arg10[%swap3A_213, %swap3A_214] {strides = array<i32>} : memref<640x16xf32, #tpu.memory_space<vmem>>, vector<1x16xf32>,
      %swap3A_216 = vector.shape_cast %swap3A_215 : vector<1x16xf32> to vector<16xf32>
      %swap3A_217 = vector.shape_cast %get3A_208 : vector<16xf32> to vector<1x16xf32>
      tpu.vector_store %arg10[%swap3A_213, %swap3A_214], %swap3A_217 {strides = array<i32>} : memref<640x16xf32, #tpu.memory_space<vmem>>, vector<1x16xf32>,
      %get3A_218 = arith.index_cast %add3A_180 : i32 to index
      %get3A_219 = arith.constant 48 : index
      %get3A_220 = tpu.vector_load %arg11[%get3A_218, %get3A_219] {strides = array<i32>} : memref<80x128xf32, #tpu.memory_space<vmem>>, vector<1x16xf32>,
      %get3A_221 = vector.shape_cast %get3A_220 : vector<1x16xf32> to vector<16xf32>
      %mul3A_222 = arith.constant 8 : i32
      %mul3A_223 = arith.muli %add3A_180, %mul3A_222 : i32
      %add3A_224 = arith.constant 3 : i32
      %add3A_225 = arith.addi %mul3A_223, %add3A_224 : i32
      %swap3A_226 = arith.index_cast %add3A_225 : i32 to index
      %swap3A_227 = arith.constant 0 : index
      %swap3A_228 = tpu.vector_load %arg10[%swap3A_226, %swap3A_227] {strides = array<i32>} : memref<640x16xf32, #tpu.memory_space<vmem>>, vector<1x16xf32>,
      %swap3A_229 = vector.shape_cast %swap3A_228 : vector<1x16xf32> to vector<16xf32>
      %swap3A_230 = vector.shape_cast %get3A_221 : vector<16xf32> to vector<1x16xf32>
      tpu.vector_store %arg10[%swap3A_226, %swap3A_227], %swap3A_230 {strides = array<i32>} : memref<640x16xf32, #tpu.memory_space<vmem>>, vector<1x16xf32>,
      %get3A_231 = arith.index_cast %add3A_180 : i32 to index
      %get3A_232 = arith.constant 64 : index
      %get3A_233 = tpu.vector_load %arg11[%get3A_231, %get3A_232] {strides = array<i32>} : memref<80x128xf32, #tpu.memory_space<vmem>>, vector<1x16xf32>,
      %get3A_234 = vector.shape_cast %get3A_233 : vector<1x16xf32> to vector<16xf32>
      %mul3A_235 = arith.constant 8 : i32
      %mul3A_236 = arith.muli %add3A_180, %mul3A_235 : i32
      %add3A_237 = arith.constant 4 : i32
      %add3A_238 = arith.addi %mul3A_236, %add3A_237 : i32
      %swap3A_239 = arith.index_cast %add3A_238 : i32 to index
      %swap3A_240 = arith.constant 0 : index
      %swap3A_241 = tpu.vector_load %arg10[%swap3A_239, %swap3A_240] {strides = array<i32>} : memref<640x16xf32, #tpu.memory_space<vmem>>, vector<1x16xf32>,
      %swap3A_242 = vector.shape_cast %swap3A_241 : vector<1x16xf32> to vector<16xf32>
      %swap3A_243 = vector.shape_cast %get3A_234 : vector<16xf32> to vector<1x16xf32>
      tpu.vector_store %arg10[%swap3A_239, %swap3A_240], %swap3A_243 {strides = array<i32>} : memref<640x16xf32, #tpu.memory_space<vmem>>, vector<1x16xf32>,
      %get3A_244 = arith.index_cast %add3A_180 : i32 to index
      %get3A_245 = arith.constant 80 : index
      %get3A_246 = tpu.vector_load %arg11[%get3A_244, %get3A_245] {strides = array<i32>} : memref<80x128xf32, #tpu.memory_space<vmem>>, vector<1x16xf32>,
      %get3A_247 = vector.shape_cast %get3A_246 : vector<1x16xf32> to vector<16xf32>
      %mul3A_248 = arith.constant 8 : i32
      %mul3A_249 = arith.muli %add3A_180, %mul3A_248 : i32
      %add3A_250 = arith.constant 5 : i32
      %add3A_251 = arith.addi %mul3A_249, %add3A_250 : i32
      %swap3A_252 = arith.index_cast %add3A_251 : i32 to index
      %swap3A_253 = arith.constant 0 : index
      %swap3A_254 = tpu.vector_load %arg10[%swap3A_252, %swap3A_253] {strides = array<i32>} : memref<640x16xf32, #tpu.memory_space<vmem>>, vector<1x16xf32>,
      %swap3A_255 = vector.shape_cast %swap3A_254 : vector<1x16xf32> to vector<16xf32>
      %swap3A_256 = vector.shape_cast %get3A_247 : vector<16xf32> to vector<1x16xf32>
      tpu.vector_store %arg10[%swap3A_252, %swap3A_253], %swap3A_256 {strides = array<i32>} : memref<640x16xf32, #tpu.memory_space<vmem>>, vector<1x16xf32>,
      %get3A_257 = arith.index_cast %add3A_180 : i32 to index
      %get3A_258 = arith.constant 96 : index
      %get3A_259 = tpu.vector_load %arg11[%get3A_257, %get3A_258] {strides = array<i32>} : memref<80x128xf32, #tpu.memory_space<vmem>>, vector<1x16xf32>,
      %get3A_260 = vector.shape_cast %get3A_259 : vector<1x16xf32> to vector<16xf32>
      %mul3A_261 = arith.constant 8 : i32
      %mul3A_262 = arith.muli %add3A_180, %mul3A_261 : i32
      %add3A_263 = arith.constant 6 : i32
      %add3A_264 = arith.addi %mul3A_262, %add3A_263 : i32
      %swap3A_265 = arith.index_cast %add3A_264 : i32 to index
      %swap3A_266 = arith.constant 0 : index
      %swap3A_267 = tpu.vector_load %arg10[%swap3A_265, %swap3A_266] {strides = array<i32>} : memref<640x16xf32, #tpu.memory_space<vmem>>, vector<1x16xf32>,
      %swap3A_268 = vector.shape_cast %swap3A_267 : vector<1x16xf32> to vector<16xf32>
      %swap3A_269 = vector.shape_cast %get3A_260 : vector<16xf32> to vector<1x16xf32>
      tpu.vector_store %arg10[%swap3A_265, %swap3A_266], %swap3A_269 {strides = array<i32>} : memref<640x16xf32, #tpu.memory_space<vmem>>, vector<1x16xf32>,
      %get3A_270 = arith.index_cast %add3A_180 : i32 to index
      %get3A_271 = arith.constant 112 : index
      %get3A_272 = tpu.vector_load %arg11[%get3A_270, %get3A_271] {strides = array<i32>} : memref<80x128xf32, #tpu.memory_space<vmem>>, vector<1x16xf32>,
      %get3A_273 = vector.shape_cast %get3A_272 : vector<1x16xf32> to vector<16xf32>
      %mul3A_274 = arith.constant 8 : i32
      %mul3A_275 = arith.muli %add3A_180, %mul3A_274 : i32
      %add3A_276 = arith.constant 7 : i32
      %add3A_277 = arith.addi %mul3A_275, %add3A_276 : i32
      %swap3A_278 = arith.index_cast %add3A_277 : i32 to index
      %swap3A_279 = arith.constant 0 : index
      %swap3A_280 = tpu.vector_load %arg10[%swap3A_278, %swap3A_279] {strides = array<i32>} : memref<640x16xf32, #tpu.memory_space<vmem>>, vector<1x16xf32>,
      %swap3A_281 = vector.shape_cast %swap3A_280 : vector<1x16xf32> to vector<16xf32>
      %swap3A_282 = vector.shape_cast %get3A_273 : vector<16xf32> to vector<1x16xf32>
      tpu.vector_store %arg10[%swap3A_278, %swap3A_279], %swap3A_282 {strides = array<i32>} : memref<640x16xf32, #tpu.memory_space<vmem>>, vector<1x16xf32>,
    }
    %scan3A_62 = arith.constant 80 : i32
    %mul3A_63 = arith.constant 640 : i32
    %mul3A_64 = arith.muli %arg1, %mul3A_63 : i32
    "tpu.region"() ({
      %run_scoped3A = tpu.sem_alloc : memref<!tpu.dma_semaphore, #tpu.memory_space<semaphore_mem>>
      %dma_start3A_176 = arith.constant 0 : i32
      %dma_start3A_177 = tpu.memref_slice %arg9[%mul3A_64, %dma_start3A_176] : memref<10240x16xf32, #tpu.memory_space<vmem_shared>> -> memref<640x16xf32, #tpu.memory_space<vmem_shared>>
      %dma_start3A_178 = arith.constant 0 : i32
      %dma_start3A_179 = tpu.memref_slice %arg9[%mul3A_64, %dma_start3A_178] : memref<10240x16xf32, #tpu.memory_space<vmem_shared>> -> memref<640x16xf32, #tpu.memory_space<vmem_shared>>
      tpu.enqueue_dma source(%arg10 : memref<640x16xf32, #tpu.memory_space<vmem>>) target(%dma_start3A_179 : memref<640x16xf32, #tpu.memory_space<vmem_shared>>) target_semaphore(%run_scoped3A : memref<!tpu.dma_semaphore, #tpu.memory_space<semaphore_mem>>)
      %dma_wait3A_180 = arith.constant 0 : i32
      %dma_wait3A_181 = tpu.memref_slice %arg9[%mul3A_64, %dma_wait3A_180] : memref<10240x16xf32, #tpu.memory_space<vmem_shared>> -> memref<640x16xf32, #tpu.memory_space<vmem_shared>>
      %dma_wait3A_182 = arith.constant 0 : i32
      %dma_wait3A_183 = tpu.memref_slice %arg9[%mul3A_64, %dma_wait3A_182] : memref<10240x16xf32, #tpu.memory_space<vmem_shared>> -> memref<640x16xf32, #tpu.memory_space<vmem_shared>>
      tpu.wait_dma2 semaphore(%run_scoped3A : memref<!tpu.dma_semaphore, #tpu.memory_space<semaphore_mem>>) src(%arg10 : memref<640x16xf32, #tpu.memory_space<vmem>>) dst(%dma_wait3A_183 : memref<640x16xf32, #tpu.memory_space<vmem_shared>>)
      tpu.yield
    }) : () -> ()
    %barrier3A = arith.constant 0 : index
    tpu.barrier barrier_id(%barrier3A)
    %dma_start3A_65 = arith.constant 0 : i32
    %dma_start3A_66 = arith.constant 0 : i32
    %dma_start3A_67 = arith.constant 0 : i32
    %dma_start3A_68 = arith.constant 0 : i32
    %dma_start3A_69 = tpu.memref_slice %arg7[%dma_start3A_66, %dma_start3A_67, %dma_start3A_68] : memref<8x128x16xf32, #tpu.memory_space<vmem>> -> memref<1x128x16xf32, #tpu.memory_space<vmem>>
    %dma_start3A_70 = tpu.memref_squeeze %dma_start3A_69 : memref<1x128x16xf32, #tpu.memory_space<vmem>> -> memref<128x16xf32, #tpu.memory_space<vmem>>
    %dma_start3A_71 = arith.constant 0 : i32
    %dma_start3A_72 = tpu.memref_slice %arg5[%dma_start3A_65, %dma_start3A_71] : memref<80x128xi32, #tpu.memory_space<vmem>> -> memref<1x128xi32, #tpu.memory_space<vmem>>
    %dma_start3A_73 = tpu.memref_squeeze %dma_start3A_72 : memref<1x128xi32, #tpu.memory_space<vmem>> -> memref<128xi32, #tpu.memory_space<vmem>>
    %dma_start3A_74 = arith.constant 0 : i32
    %dma_start3A_75 = arith.constant 0 : i32
    %dma_start3A_76 = tpu.memref_slice %arg9[%dma_start3A_74, %dma_start3A_75] : memref<10240x16xf32, #tpu.memory_space<vmem_shared>> -> memref<10240x16xf32, #tpu.memory_space<vmem_shared>>
    tpu.enqueue_indirect_dma source(%dma_start3A_76 : memref<10240x16xf32, #tpu.memory_space<vmem_shared>>) target(%dma_start3A_70 : memref<128x16xf32, #tpu.memory_space<vmem>>) offsets(%dma_start3A_73 : memref<128xi32, #tpu.memory_space<vmem>>) semaphore(%arg15 : memref<!tpu.dma_semaphore, #tpu.memory_space<semaphore_mem>>)
    %dma_start3A_77 = arith.constant 1 : i32
    %dma_start3A_78 = arith.constant 1 : i32
    %dma_start3A_79 = arith.constant 0 : i32
    %dma_start3A_80 = arith.constant 0 : i32
    %dma_start3A_81 = tpu.memref_slice %arg7[%dma_start3A_78, %dma_start3A_79, %dma_start3A_80] : memref<8x128x16xf32, #tpu.memory_space<vmem>> -> memref<1x128x16xf32, #tpu.memory_space<vmem>>
    %dma_start3A_82 = tpu.memref_squeeze %dma_start3A_81 : memref<1x128x16xf32, #tpu.memory_space<vmem>> -> memref<128x16xf32, #tpu.memory_space<vmem>>
    %dma_start3A_83 = arith.constant 0 : i32
    %dma_start3A_84 = tpu.memref_slice %arg5[%dma_start3A_77, %dma_start3A_83] : memref<80x128xi32, #tpu.memory_space<vmem>> -> memref<1x128xi32, #tpu.memory_space<vmem>>
    %dma_start3A_85 = tpu.memref_squeeze %dma_start3A_84 : memref<1x128xi32, #tpu.memory_space<vmem>> -> memref<128xi32, #tpu.memory_space<vmem>>
    %dma_start3A_86 = arith.constant 0 : i32
    %dma_start3A_87 = arith.constant 0 : i32
    %dma_start3A_88 = tpu.memref_slice %arg9[%dma_start3A_86, %dma_start3A_87] : memref<10240x16xf32, #tpu.memory_space<vmem_shared>> -> memref<10240x16xf32, #tpu.memory_space<vmem_shared>>
    tpu.enqueue_indirect_dma source(%dma_start3A_88 : memref<10240x16xf32, #tpu.memory_space<vmem_shared>>) target(%dma_start3A_82 : memref<128x16xf32, #tpu.memory_space<vmem>>) offsets(%dma_start3A_85 : memref<128xi32, #tpu.memory_space<vmem>>) semaphore(%arg16 : memref<!tpu.dma_semaphore, #tpu.memory_space<semaphore_mem>>)
    %dma_start3A_89 = arith.constant 2 : i32
    %dma_start3A_90 = arith.constant 2 : i32
    %dma_start3A_91 = arith.constant 0 : i32
    %dma_start3A_92 = arith.constant 0 : i32
    %dma_start3A_93 = tpu.memref_slice %arg7[%dma_start3A_90, %dma_start3A_91, %dma_start3A_92] : memref<8x128x16xf32, #tpu.memory_space<vmem>> -> memref<1x128x16xf32, #tpu.memory_space<vmem>>
    %dma_start3A_94 = tpu.memref_squeeze %dma_start3A_93 : memref<1x128x16xf32, #tpu.memory_space<vmem>> -> memref<128x16xf32, #tpu.memory_space<vmem>>
    %dma_start3A_95 = arith.constant 0 : i32
    %dma_start3A_96 = tpu.memref_slice %arg5[%dma_start3A_89, %dma_start3A_95] : memref<80x128xi32, #tpu.memory_space<vmem>> -> memref<1x128xi32, #tpu.memory_space<vmem>>
    %dma_start3A_97 = tpu.memref_squeeze %dma_start3A_96 : memref<1x128xi32, #tpu.memory_space<vmem>> -> memref<128xi32, #tpu.memory_space<vmem>>
    %dma_start3A_98 = arith.constant 0 : i32
    %dma_start3A_99 = arith.constant 0 : i32
    %dma_start3A_100 = tpu.memref_slice %arg9[%dma_start3A_98, %dma_start3A_99] : memref<10240x16xf32, #tpu.memory_space<vmem_shared>> -> memref<10240x16xf32, #tpu.memory_space<vmem_shared>>
    tpu.enqueue_indirect_dma source(%dma_start3A_100 : memref<10240x16xf32, #tpu.memory_space<vmem_shared>>) target(%dma_start3A_94 : memref<128x16xf32, #tpu.memory_space<vmem>>) offsets(%dma_start3A_97 : memref<128xi32, #tpu.memory_space<vmem>>) semaphore(%arg17 : memref<!tpu.dma_semaphore, #tpu.memory_space<semaphore_mem>>)
    %dma_start3A_101 = arith.constant 3 : i32
    %dma_start3A_102 = arith.constant 3 : i32
    %dma_start3A_103 = arith.constant 0 : i32
    %dma_start3A_104 = arith.constant 0 : i32
    %dma_start3A_105 = tpu.memref_slice %arg7[%dma_start3A_102, %dma_start3A_103, %dma_start3A_104] : memref<8x128x16xf32, #tpu.memory_space<vmem>> -> memref<1x128x16xf32, #tpu.memory_space<vmem>>
    %dma_start3A_106 = tpu.memref_squeeze %dma_start3A_105 : memref<1x128x16xf32, #tpu.memory_space<vmem>> -> memref<128x16xf32, #tpu.memory_space<vmem>>
    %dma_start3A_107 = arith.constant 0 : i32
    %dma_start3A_108 = tpu.memref_slice %arg5[%dma_start3A_101, %dma_start3A_107] : memref<80x128xi32, #tpu.memory_space<vmem>> -> memref<1x128xi32, #tpu.memory_space<vmem>>
    %dma_start3A_109 = tpu.memref_squeeze %dma_start3A_108 : memref<1x128xi32, #tpu.memory_space<vmem>> -> memref<128xi32, #tpu.memory_space<vmem>>
    %dma_start3A_110 = arith.constant 0 : i32
    %dma_start3A_111 = arith.constant 0 : i32
    %dma_start3A_112 = tpu.memref_slice %arg9[%dma_start3A_110, %dma_start3A_111] : memref<10240x16xf32, #tpu.memory_space<vmem_shared>> -> memref<10240x16xf32, #tpu.memory_space<vmem_shared>>
    tpu.enqueue_indirect_dma source(%dma_start3A_112 : memref<10240x16xf32, #tpu.memory_space<vmem_shared>>) target(%dma_start3A_106 : memref<128x16xf32, #tpu.memory_space<vmem>>) offsets(%dma_start3A_109 : memref<128xi32, #tpu.memory_space<vmem>>) semaphore(%arg18 : memref<!tpu.dma_semaphore, #tpu.memory_space<semaphore_mem>>)
    %dma_start3A_113 = arith.constant 4 : i32
    %dma_start3A_114 = arith.constant 4 : i32
    %dma_start3A_115 = arith.constant 0 : i32
    %dma_start3A_116 = arith.constant 0 : i32
    %dma_start3A_117 = tpu.memref_slice %arg7[%dma_start3A_114, %dma_start3A_115, %dma_start3A_116] : memref<8x128x16xf32, #tpu.memory_space<vmem>> -> memref<1x128x16xf32, #tpu.memory_space<vmem>>
    %dma_start3A_118 = tpu.memref_squeeze %dma_start3A_117 : memref<1x128x16xf32, #tpu.memory_space<vmem>> -> memref<128x16xf32, #tpu.memory_space<vmem>>
    %dma_start3A_119 = arith.constant 0 : i32
    %dma_start3A_120 = tpu.memref_slice %arg5[%dma_start3A_113, %dma_start3A_119] : memref<80x128xi32, #tpu.memory_space<vmem>> -> memref<1x128xi32, #tpu.memory_space<vmem>>
    %dma_start3A_121 = tpu.memref_squeeze %dma_start3A_120 : memref<1x128xi32, #tpu.memory_space<vmem>> -> memref<128xi32, #tpu.memory_space<vmem>>
    %dma_start3A_122 = arith.constant 0 : i32
    %dma_start3A_123 = arith.constant 0 : i32
    %dma_start3A_124 = tpu.memref_slice %arg9[%dma_start3A_122, %dma_start3A_123] : memref<10240x16xf32, #tpu.memory_space<vmem_shared>> -> memref<10240x16xf32, #tpu.memory_space<vmem_shared>>
    tpu.enqueue_indirect_dma source(%dma_start3A_124 : memref<10240x16xf32, #tpu.memory_space<vmem_shared>>) target(%dma_start3A_118 : memref<128x16xf32, #tpu.memory_space<vmem>>) offsets(%dma_start3A_121 : memref<128xi32, #tpu.memory_space<vmem>>) semaphore(%arg19 : memref<!tpu.dma_semaphore, #tpu.memory_space<semaphore_mem>>)
    %dma_start3A_125 = arith.constant 5 : i32
    %dma_start3A_126 = arith.constant 5 : i32
    %dma_start3A_127 = arith.constant 0 : i32
    %dma_start3A_128 = arith.constant 0 : i32
    %dma_start3A_129 = tpu.memref_slice %arg7[%dma_start3A_126, %dma_start3A_127, %dma_start3A_128] : memref<8x128x16xf32, #tpu.memory_space<vmem>> -> memref<1x128x16xf32, #tpu.memory_space<vmem>>
    %dma_start3A_130 = tpu.memref_squeeze %dma_start3A_129 : memref<1x128x16xf32, #tpu.memory_space<vmem>> -> memref<128x16xf32, #tpu.memory_space<vmem>>
    %dma_start3A_131 = arith.constant 0 : i32
    %dma_start3A_132 = tpu.memref_slice %arg5[%dma_start3A_125, %dma_start3A_131] : memref<80x128xi32, #tpu.memory_space<vmem>> -> memref<1x128xi32, #tpu.memory_space<vmem>>
    %dma_start3A_133 = tpu.memref_squeeze %dma_start3A_132 : memref<1x128xi32, #tpu.memory_space<vmem>> -> memref<128xi32, #tpu.memory_space<vmem>>
    %dma_start3A_134 = arith.constant 0 : i32
    %dma_start3A_135 = arith.constant 0 : i32
    %dma_start3A_136 = tpu.memref_slice %arg9[%dma_start3A_134, %dma_start3A_135] : memref<10240x16xf32, #tpu.memory_space<vmem_shared>> -> memref<10240x16xf32, #tpu.memory_space<vmem_shared>>
    tpu.enqueue_indirect_dma source(%dma_start3A_136 : memref<10240x16xf32, #tpu.memory_space<vmem_shared>>) target(%dma_start3A_130 : memref<128x16xf32, #tpu.memory_space<vmem>>) offsets(%dma_start3A_133 : memref<128xi32, #tpu.memory_space<vmem>>) semaphore(%arg20 : memref<!tpu.dma_semaphore, #tpu.memory_space<semaphore_mem>>)
    %dma_start3A_137 = arith.constant 6 : i32
    %dma_start3A_138 = arith.constant 6 : i32
    %dma_start3A_139 = arith.constant 0 : i32
    %dma_start3A_140 = arith.constant 0 : i32
    %dma_start3A_141 = tpu.memref_slice %arg7[%dma_start3A_138, %dma_start3A_139, %dma_start3A_140] : memref<8x128x16xf32, #tpu.memory_space<vmem>> -> memref<1x128x16xf32, #tpu.memory_space<vmem>>
    %dma_start3A_142 = tpu.memref_squeeze %dma_start3A_141 : memref<1x128x16xf32, #tpu.memory_space<vmem>> -> memref<128x16xf32, #tpu.memory_space<vmem>>
    %dma_start3A_143 = arith.constant 0 : i32
    %dma_start3A_144 = tpu.memref_slice %arg5[%dma_start3A_137, %dma_start3A_143] : memref<80x128xi32, #tpu.memory_space<vmem>> -> memref<1x128xi32, #tpu.memory_space<vmem>>
    %dma_start3A_145 = tpu.memref_squeeze %dma_start3A_144 : memref<1x128xi32, #tpu.memory_space<vmem>> -> memref<128xi32, #tpu.memory_space<vmem>>
    %dma_start3A_146 = arith.constant 0 : i32
    %dma_start3A_147 = arith.constant 0 : i32
    %dma_start3A_148 = tpu.memref_slice %arg9[%dma_start3A_146, %dma_start3A_147] : memref<10240x16xf32, #tpu.memory_space<vmem_shared>> -> memref<10240x16xf32, #tpu.memory_space<vmem_shared>>
    tpu.enqueue_indirect_dma source(%dma_start3A_148 : memref<10240x16xf32, #tpu.memory_space<vmem_shared>>) target(%dma_start3A_142 : memref<128x16xf32, #tpu.memory_space<vmem>>) offsets(%dma_start3A_145 : memref<128xi32, #tpu.memory_space<vmem>>) semaphore(%arg21 : memref<!tpu.dma_semaphore, #tpu.memory_space<semaphore_mem>>)
    %dma_start3A_149 = arith.constant 7 : i32
    %dma_start3A_150 = arith.constant 7 : i32
    %dma_start3A_151 = arith.constant 0 : i32
    %dma_start3A_152 = arith.constant 0 : i32
    %dma_start3A_153 = tpu.memref_slice %arg7[%dma_start3A_150, %dma_start3A_151, %dma_start3A_152] : memref<8x128x16xf32, #tpu.memory_space<vmem>> -> memref<1x128x16xf32, #tpu.memory_space<vmem>>
    %dma_start3A_154 = tpu.memref_squeeze %dma_start3A_153 : memref<1x128x16xf32, #tpu.memory_space<vmem>> -> memref<128x16xf32, #tpu.memory_space<vmem>>
    %dma_start3A_155 = arith.constant 0 : i32
    %dma_start3A_156 = tpu.memref_slice %arg5[%dma_start3A_149, %dma_start3A_155] : memref<80x128xi32, #tpu.memory_space<vmem>> -> memref<1x128xi32, #tpu.memory_space<vmem>>
    %dma_start3A_157 = tpu.memref_squeeze %dma_start3A_156 : memref<1x128xi32, #tpu.memory_space<vmem>> -> memref<128xi32, #tpu.memory_space<vmem>>
    %dma_start3A_158 = arith.constant 0 : i32
    %dma_start3A_159 = arith.constant 0 : i32
    %dma_start3A_160 = tpu.memref_slice %arg9[%dma_start3A_158, %dma_start3A_159] : memref<10240x16xf32, #tpu.memory_space<vmem_shared>> -> memref<10240x16xf32, #tpu.memory_space<vmem_shared>>
    tpu.enqueue_indirect_dma source(%dma_start3A_160 : memref<10240x16xf32, #tpu.memory_space<vmem_shared>>) target(%dma_start3A_154 : memref<128x16xf32, #tpu.memory_space<vmem>>) offsets(%dma_start3A_157 : memref<128xi32, #tpu.memory_space<vmem>>) semaphore(%arg22 : memref<!tpu.dma_semaphore, #tpu.memory_space<semaphore_mem>>)
    %scan3A_161 = arith.constant 0 : i32
    %scan3A_162 = arith.constant 10 : i32
    %scan3A_163 = arith.addi %scan3A_161, %scan3A_162 : i32
    %scan3A_164 = arith.constant 1 : i32
    scf.for %scan3A_176 = %scan3A_161 to %scan3A_163 step %scan3A_164  : i32 {
      %mul3A_177 = arith.constant 8 : i32
      %mul3A_178 = arith.muli %scan3A_176, %mul3A_177 : i32
      %add3A_179 = arith.constant 0 : i32
      %add3A_180 = arith.addi %add3A_179, %mul3A_178 : i32
      %dma_wait3A_181 = arith.constant 0 : i32
      %dma_wait3A_182 = arith.constant 0 : i32
      %dma_wait3A_183 = arith.constant 0 : i32
      %dma_wait3A_184 = arith.constant 0 : i32
      %dma_wait3A_185 = tpu.memref_slice %arg7[%dma_wait3A_182, %dma_wait3A_183, %dma_wait3A_184] : memref<8x128x16xf32, #tpu.memory_space<vmem>> -> memref<1x128x16xf32, #tpu.memory_space<vmem>>
      %dma_wait3A_186 = tpu.memref_squeeze %dma_wait3A_185 : memref<1x128x16xf32, #tpu.memory_space<vmem>> -> memref<128x16xf32, #tpu.memory_space<vmem>>
      %dma_wait3A_187 = arith.constant 0 : i32
      %dma_wait3A_188 = tpu.memref_slice %arg5[%dma_wait3A_181, %dma_wait3A_187] : memref<80x128xi32, #tpu.memory_space<vmem>> -> memref<1x128xi32, #tpu.memory_space<vmem>>
      %dma_wait3A_189 = tpu.memref_squeeze %dma_wait3A_188 : memref<1x128xi32, #tpu.memory_space<vmem>> -> memref<128xi32, #tpu.memory_space<vmem>>
      %dma_wait3A_190 = arith.constant 0 : i32
      %dma_wait3A_191 = arith.constant 0 : i32
      %dma_wait3A_192 = tpu.memref_slice %arg9[%dma_wait3A_190, %dma_wait3A_191] : memref<10240x16xf32, #tpu.memory_space<vmem_shared>> -> memref<10240x16xf32, #tpu.memory_space<vmem_shared>>
      tpu.wait_indirect_dma semaphore(%arg15 : memref<!tpu.dma_semaphore, #tpu.memory_space<semaphore_mem>>) src(%dma_wait3A_192 : memref<10240x16xf32, #tpu.memory_space<vmem_shared>>) dst(%dma_wait3A_186 : memref<128x16xf32, #tpu.memory_space<vmem>>)
      %add3A_193 = arith.constant 0 : i32
      %add3A_194 = arith.addi %add3A_180, %add3A_193 : i32
      %run_scoped3A = arith.constant 0 : i32
      "tpu.region"() ({
        %run_scoped3A_369 = tpu.sem_alloc : memref<!tpu.dma_semaphore, #tpu.memory_space<semaphore_mem>>
        %dma_start3A_370 = arith.constant 0 : i32
        %dma_start3A_371 = arith.constant 0 : i32
        %dma_start3A_372 = tpu.memref_slice %arg7[%run_scoped3A, %dma_start3A_370, %dma_start3A_371] : memref<8x128x16xf32, #tpu.memory_space<vmem>> -> memref<1x128x16xf32, #tpu.memory_space<vmem>>
        %dma_start3A_373 = tpu.memref_squeeze %dma_start3A_372 : memref<1x128x16xf32, #tpu.memory_space<vmem>> -> memref<128x16xf32, #tpu.memory_space<vmem>>
        %dma_start3A_374 = arith.constant 0 : i32
        %dma_start3A_375 = tpu.memref_slice %arg6[%add3A_194, %dma_start3A_374] : memref<80x128xi32, #tpu.memory_space<vmem>> -> memref<1x128xi32, #tpu.memory_space<vmem>>
        %dma_start3A_376 = tpu.memref_squeeze %dma_start3A_375 : memref<1x128xi32, #tpu.memory_space<vmem>> -> memref<128xi32, #tpu.memory_space<vmem>>
        %dma_start3A_377 = arith.constant 0 : i32
        %dma_start3A_378 = arith.constant 0 : i32
        %dma_start3A_379 = tpu.memref_slice %arg8[%dma_start3A_377, %dma_start3A_378] : memref<10240x16xf32, #tpu.memory_space<vmem_shared>> -> memref<10240x16xf32, #tpu.memory_space<vmem_shared>>
        tpu.enqueue_indirect_dma source(%dma_start3A_373 : memref<128x16xf32, #tpu.memory_space<vmem>>) target(%dma_start3A_379 : memref<10240x16xf32, #tpu.memory_space<vmem_shared>>) offsets(%dma_start3A_376 : memref<128xi32, #tpu.memory_space<vmem>>) semaphore(%run_scoped3A_369 : memref<!tpu.dma_semaphore, #tpu.memory_space<semaphore_mem>>) {add = true}
        %dma_wait3A_380 = arith.constant 0 : i32
        %dma_wait3A_381 = arith.constant 0 : i32
        %dma_wait3A_382 = tpu.memref_slice %arg7[%run_scoped3A, %dma_wait3A_380, %dma_wait3A_381] : memref<8x128x16xf32, #tpu.memory_space<vmem>> -> memref<1x128x16xf32, #tpu.memory_space<vmem>>
        %dma_wait3A_383 = tpu.memref_squeeze %dma_wait3A_382 : memref<1x128x16xf32, #tpu.memory_space<vmem>> -> memref<128x16xf32, #tpu.memory_space<vmem>>
        %dma_wait3A_384 = arith.constant 0 : i32
        %dma_wait3A_385 = tpu.memref_slice %arg6[%add3A_194, %dma_wait3A_384] : memref<80x128xi32, #tpu.memory_space<vmem>> -> memref<1x128xi32, #tpu.memory_space<vmem>>
        %dma_wait3A_386 = tpu.memref_squeeze %dma_wait3A_385 : memref<1x128xi32, #tpu.memory_space<vmem>> -> memref<128xi32, #tpu.memory_space<vmem>>
        %dma_wait3A_387 = arith.constant 0 : i32
        %dma_wait3A_388 = arith.constant 0 : i32
        %dma_wait3A_389 = tpu.memref_slice %arg8[%dma_wait3A_387, %dma_wait3A_388] : memref<10240x16xf32, #tpu.memory_space<vmem_shared>> -> memref<10240x16xf32, #tpu.memory_space<vmem_shared>>
        tpu.wait_indirect_dma semaphore(%run_scoped3A_369 : memref<!tpu.dma_semaphore, #tpu.memory_space<semaphore_mem>>) src(%dma_wait3A_383 : memref<128x16xf32, #tpu.memory_space<vmem>>) dst(%dma_wait3A_389 : memref<10240x16xf32, #tpu.memory_space<vmem_shared>>)
        tpu.yield
      }) : () -> ()
      %add3A_195 = arith.constant 0 : i32
      %add3A_196 = arith.addi %add3A_180, %add3A_195 : i32
      %add3A_197 = arith.constant 8 : i32
      %add3A_198 = arith.addi %add3A_196, %add3A_197 : i32
      %lt3A = arith.constant 80 : i32
      %lt3A_199 = arith.cmpi slt, %add3A_198, %lt3A : i32
      %convert_element_type3A = arith.extui %lt3A_199 : i1 to i32
      %cond3A = arith.constant 0 : i32
      %cond3A_200 = arith.cmpi ne, %convert_element_type3A, %cond3A : i32
      scf.if %cond3A_200 {
        %dma_start3A_369 = arith.constant 0 : i32
        %dma_start3A_370 = arith.constant 0 : i32
        %dma_start3A_371 = arith.constant 0 : i32
        %dma_start3A_372 = tpu.memref_slice %arg7[%dma_start3A_369, %dma_start3A_370, %dma_start3A_371] : memref<8x128x16xf32, #tpu.memory_space<vmem>> -> memref<1x128x16xf32, #tpu.memory_space<vmem>>
        %dma_start3A_373 = tpu.memref_squeeze %dma_start3A_372 : memref<1x128x16xf32, #tpu.memory_space<vmem>> -> memref<128x16xf32, #tpu.memory_space<vmem>>
        %dma_start3A_374 = arith.constant 0 : i32
        %dma_start3A_375 = tpu.memref_slice %arg5[%add3A_198, %dma_start3A_374] : memref<80x128xi32, #tpu.memory_space<vmem>> -> memref<1x128xi32, #tpu.memory_space<vmem>>
        %dma_start3A_376 = tpu.memref_squeeze %dma_start3A_375 : memref<1x128xi32, #tpu.memory_space<vmem>> -> memref<128xi32, #tpu.memory_space<vmem>>
        %dma_start3A_377 = arith.constant 0 : i32
        %dma_start3A_378 = arith.constant 0 : i32
        %dma_start3A_379 = tpu.memref_slice %arg9[%dma_start3A_377, %dma_start3A_378] : memref<10240x16xf32, #tpu.memory_space<vmem_shared>> -> memref<10240x16xf32, #tpu.memory_space<vmem_shared>>
        tpu.enqueue_indirect_dma source(%dma_start3A_379 : memref<10240x16xf32, #tpu.memory_space<vmem_shared>>) target(%dma_start3A_373 : memref<128x16xf32, #tpu.memory_space<vmem>>) offsets(%dma_start3A_376 : memref<128xi32, #tpu.memory_space<vmem>>) semaphore(%arg15 : memref<!tpu.dma_semaphore, #tpu.memory_space<semaphore_mem>>)
      } else {
      }
      %dma_wait3A_201 = arith.constant 1 : i32
      %dma_wait3A_202 = arith.constant 1 : i32
      %dma_wait3A_203 = arith.constant 0 : i32
      %dma_wait3A_204 = arith.constant 0 : i32
      %dma_wait3A_205 = tpu.memref_slice %arg7[%dma_wait3A_202, %dma_wait3A_203, %dma_wait3A_204] : memref<8x128x16xf32, #tpu.memory_space<vmem>> -> memref<1x128x16xf32, #tpu.memory_space<vmem>>
      %dma_wait3A_206 = tpu.memref_squeeze %dma_wait3A_205 : memref<1x128x16xf32, #tpu.memory_space<vmem>> -> memref<128x16xf32, #tpu.memory_space<vmem>>
      %dma_wait3A_207 = arith.constant 0 : i32
      %dma_wait3A_208 = tpu.memref_slice %arg5[%dma_wait3A_201, %dma_wait3A_207] : memref<80x128xi32, #tpu.memory_space<vmem>> -> memref<1x128xi32, #tpu.memory_space<vmem>>
      %dma_wait3A_209 = tpu.memref_squeeze %dma_wait3A_208 : memref<1x128xi32, #tpu.memory_space<vmem>> -> memref<128xi32, #tpu.memory_space<vmem>>
      %dma_wait3A_210 = arith.constant 0 : i32
      %dma_wait3A_211 = arith.constant 0 : i32
      %dma_wait3A_212 = tpu.memref_slice %arg9[%dma_wait3A_210, %dma_wait3A_211] : memref<10240x16xf32, #tpu.memory_space<vmem_shared>> -> memref<10240x16xf32, #tpu.memory_space<vmem_shared>>
      tpu.wait_indirect_dma semaphore(%arg16 : memref<!tpu.dma_semaphore, #tpu.memory_space<semaphore_mem>>) src(%dma_wait3A_212 : memref<10240x16xf32, #tpu.memory_space<vmem_shared>>) dst(%dma_wait3A_206 : memref<128x16xf32, #tpu.memory_space<vmem>>)
      %add3A_213 = arith.constant 1 : i32
      %add3A_214 = arith.addi %add3A_180, %add3A_213 : i32
      %run_scoped3A_215 = arith.constant 1 : i32
      "tpu.region"() ({
        %run_scoped3A_369 = tpu.sem_alloc : memref<!tpu.dma_semaphore, #tpu.memory_space<semaphore_mem>>
        %dma_start3A_370 = arith.constant 0 : i32
        %dma_start3A_371 = arith.constant 0 : i32
        %dma_start3A_372 = tpu.memref_slice %arg7[%run_scoped3A_215, %dma_start3A_370, %dma_start3A_371] : memref<8x128x16xf32, #tpu.memory_space<vmem>> -> memref<1x128x16xf32, #tpu.memory_space<vmem>>
        %dma_start3A_373 = tpu.memref_squeeze %dma_start3A_372 : memref<1x128x16xf32, #tpu.memory_space<vmem>> -> memref<128x16xf32, #tpu.memory_space<vmem>>
        %dma_start3A_374 = arith.constant 0 : i32
        %dma_start3A_375 = tpu.memref_slice %arg6[%add3A_214, %dma_start3A_374] : memref<80x128xi32, #tpu.memory_space<vmem>> -> memref<1x128xi32, #tpu.memory_space<vmem>>
        %dma_start3A_376 = tpu.memref_squeeze %dma_start3A_375 : memref<1x128xi32, #tpu.memory_space<vmem>> -> memref<128xi32, #tpu.memory_space<vmem>>
        %dma_start3A_377 = arith.constant 0 : i32
        %dma_start3A_378 = arith.constant 0 : i32
        %dma_start3A_379 = tpu.memref_slice %arg8[%dma_start3A_377, %dma_start3A_378] : memref<10240x16xf32, #tpu.memory_space<vmem_shared>> -> memref<10240x16xf32, #tpu.memory_space<vmem_shared>>
        tpu.enqueue_indirect_dma source(%dma_start3A_373 : memref<128x16xf32, #tpu.memory_space<vmem>>) target(%dma_start3A_379 : memref<10240x16xf32, #tpu.memory_space<vmem_shared>>) offsets(%dma_start3A_376 : memref<128xi32, #tpu.memory_space<vmem>>) semaphore(%run_scoped3A_369 : memref<!tpu.dma_semaphore, #tpu.memory_space<semaphore_mem>>) {add = true}
        %dma_wait3A_380 = arith.constant 0 : i32
        %dma_wait3A_381 = arith.constant 0 : i32
        %dma_wait3A_382 = tpu.memref_slice %arg7[%run_scoped3A_215, %dma_wait3A_380, %dma_wait3A_381] : memref<8x128x16xf32, #tpu.memory_space<vmem>> -> memref<1x128x16xf32, #tpu.memory_space<vmem>>
        %dma_wait3A_383 = tpu.memref_squeeze %dma_wait3A_382 : memref<1x128x16xf32, #tpu.memory_space<vmem>> -> memref<128x16xf32, #tpu.memory_space<vmem>>
        %dma_wait3A_384 = arith.constant 0 : i32
        %dma_wait3A_385 = tpu.memref_slice %arg6[%add3A_214, %dma_wait3A_384] : memref<80x128xi32, #tpu.memory_space<vmem>> -> memref<1x128xi32, #tpu.memory_space<vmem>>
        %dma_wait3A_386 = tpu.memref_squeeze %dma_wait3A_385 : memref<1x128xi32, #tpu.memory_space<vmem>> -> memref<128xi32, #tpu.memory_space<vmem>>
        %dma_wait3A_387 = arith.constant 0 : i32
        %dma_wait3A_388 = arith.constant 0 : i32
        %dma_wait3A_389 = tpu.memref_slice %arg8[%dma_wait3A_387, %dma_wait3A_388] : memref<10240x16xf32, #tpu.memory_space<vmem_shared>> -> memref<10240x16xf32, #tpu.memory_space<vmem_shared>>
        tpu.wait_indirect_dma semaphore(%run_scoped3A_369 : memref<!tpu.dma_semaphore, #tpu.memory_space<semaphore_mem>>) src(%dma_wait3A_383 : memref<128x16xf32, #tpu.memory_space<vmem>>) dst(%dma_wait3A_389 : memref<10240x16xf32, #tpu.memory_space<vmem_shared>>)
        tpu.yield
      }) : () -> ()
      %add3A_216 = arith.constant 1 : i32
      %add3A_217 = arith.addi %add3A_180, %add3A_216 : i32
      %add3A_218 = arith.constant 8 : i32
      %add3A_219 = arith.addi %add3A_217, %add3A_218 : i32
      %lt3A_220 = arith.constant 80 : i32
      %lt3A_221 = arith.cmpi slt, %add3A_219, %lt3A_220 : i32
      %convert_element_type3A_222 = arith.extui %lt3A_221 : i1 to i32
      %cond3A_223 = arith.constant 0 : i32
      %cond3A_224 = arith.cmpi ne, %convert_element_type3A_222, %cond3A_223 : i32
      scf.if %cond3A_224 {
        %dma_start3A_369 = arith.constant 1 : i32
        %dma_start3A_370 = arith.constant 0 : i32
        %dma_start3A_371 = arith.constant 0 : i32
        %dma_start3A_372 = tpu.memref_slice %arg7[%dma_start3A_369, %dma_start3A_370, %dma_start3A_371] : memref<8x128x16xf32, #tpu.memory_space<vmem>> -> memref<1x128x16xf32, #tpu.memory_space<vmem>>
        %dma_start3A_373 = tpu.memref_squeeze %dma_start3A_372 : memref<1x128x16xf32, #tpu.memory_space<vmem>> -> memref<128x16xf32, #tpu.memory_space<vmem>>
        %dma_start3A_374 = arith.constant 0 : i32
        %dma_start3A_375 = tpu.memref_slice %arg5[%add3A_219, %dma_start3A_374] : memref<80x128xi32, #tpu.memory_space<vmem>> -> memref<1x128xi32, #tpu.memory_space<vmem>>
        %dma_start3A_376 = tpu.memref_squeeze %dma_start3A_375 : memref<1x128xi32, #tpu.memory_space<vmem>> -> memref<128xi32, #tpu.memory_space<vmem>>
        %dma_start3A_377 = arith.constant 0 : i32
        %dma_start3A_378 = arith.constant 0 : i32
        %dma_start3A_379 = tpu.memref_slice %arg9[%dma_start3A_377, %dma_start3A_378] : memref<10240x16xf32, #tpu.memory_space<vmem_shared>> -> memref<10240x16xf32, #tpu.memory_space<vmem_shared>>
        tpu.enqueue_indirect_dma source(%dma_start3A_379 : memref<10240x16xf32, #tpu.memory_space<vmem_shared>>) target(%dma_start3A_373 : memref<128x16xf32, #tpu.memory_space<vmem>>) offsets(%dma_start3A_376 : memref<128xi32, #tpu.memory_space<vmem>>) semaphore(%arg16 : memref<!tpu.dma_semaphore, #tpu.memory_space<semaphore_mem>>)
      } else {
      }
      %dma_wait3A_225 = arith.constant 2 : i32
      %dma_wait3A_226 = arith.constant 2 : i32
      %dma_wait3A_227 = arith.constant 0 : i32
      %dma_wait3A_228 = arith.constant 0 : i32
      %dma_wait3A_229 = tpu.memref_slice %arg7[%dma_wait3A_226, %dma_wait3A_227, %dma_wait3A_228] : memref<8x128x16xf32, #tpu.memory_space<vmem>> -> memref<1x128x16xf32, #tpu.memory_space<vmem>>
      %dma_wait3A_230 = tpu.memref_squeeze %dma_wait3A_229 : memref<1x128x16xf32, #tpu.memory_space<vmem>> -> memref<128x16xf32, #tpu.memory_space<vmem>>
      %dma_wait3A_231 = arith.constant 0 : i32
      %dma_wait3A_232 = tpu.memref_slice %arg5[%dma_wait3A_225, %dma_wait3A_231] : memref<80x128xi32, #tpu.memory_space<vmem>> -> memref<1x128xi32, #tpu.memory_space<vmem>>
      %dma_wait3A_233 = tpu.memref_squeeze %dma_wait3A_232 : memref<1x128xi32, #tpu.memory_space<vmem>> -> memref<128xi32, #tpu.memory_space<vmem>>
      %dma_wait3A_234 = arith.constant 0 : i32
      %dma_wait3A_235 = arith.constant 0 : i32
      %dma_wait3A_236 = tpu.memref_slice %arg9[%dma_wait3A_234, %dma_wait3A_235] : memref<10240x16xf32, #tpu.memory_space<vmem_shared>> -> memref<10240x16xf32, #tpu.memory_space<vmem_shared>>
      tpu.wait_indirect_dma semaphore(%arg17 : memref<!tpu.dma_semaphore, #tpu.memory_space<semaphore_mem>>) src(%dma_wait3A_236 : memref<10240x16xf32, #tpu.memory_space<vmem_shared>>) dst(%dma_wait3A_230 : memref<128x16xf32, #tpu.memory_space<vmem>>)
      %add3A_237 = arith.constant 2 : i32
      %add3A_238 = arith.addi %add3A_180, %add3A_237 : i32
      %run_scoped3A_239 = arith.constant 2 : i32
      "tpu.region"() ({
        %run_scoped3A_369 = tpu.sem_alloc : memref<!tpu.dma_semaphore, #tpu.memory_space<semaphore_mem>>
        %dma_start3A_370 = arith.constant 0 : i32
        %dma_start3A_371 = arith.constant 0 : i32
        %dma_start3A_372 = tpu.memref_slice %arg7[%run_scoped3A_239, %dma_start3A_370, %dma_start3A_371] : memref<8x128x16xf32, #tpu.memory_space<vmem>> -> memref<1x128x16xf32, #tpu.memory_space<vmem>>
        %dma_start3A_373 = tpu.memref_squeeze %dma_start3A_372 : memref<1x128x16xf32, #tpu.memory_space<vmem>> -> memref<128x16xf32, #tpu.memory_space<vmem>>
        %dma_start3A_374 = arith.constant 0 : i32
        %dma_start3A_375 = tpu.memref_slice %arg6[%add3A_238, %dma_start3A_374] : memref<80x128xi32, #tpu.memory_space<vmem>> -> memref<1x128xi32, #tpu.memory_space<vmem>>
        %dma_start3A_376 = tpu.memref_squeeze %dma_start3A_375 : memref<1x128xi32, #tpu.memory_space<vmem>> -> memref<128xi32, #tpu.memory_space<vmem>>
        %dma_start3A_377 = arith.constant 0 : i32
        %dma_start3A_378 = arith.constant 0 : i32
        %dma_start3A_379 = tpu.memref_slice %arg8[%dma_start3A_377, %dma_start3A_378] : memref<10240x16xf32, #tpu.memory_space<vmem_shared>> -> memref<10240x16xf32, #tpu.memory_space<vmem_shared>>
        tpu.enqueue_indirect_dma source(%dma_start3A_373 : memref<128x16xf32, #tpu.memory_space<vmem>>) target(%dma_start3A_379 : memref<10240x16xf32, #tpu.memory_space<vmem_shared>>) offsets(%dma_start3A_376 : memref<128xi32, #tpu.memory_space<vmem>>) semaphore(%run_scoped3A_369 : memref<!tpu.dma_semaphore, #tpu.memory_space<semaphore_mem>>) {add = true}
        %dma_wait3A_380 = arith.constant 0 : i32
        %dma_wait3A_381 = arith.constant 0 : i32
        %dma_wait3A_382 = tpu.memref_slice %arg7[%run_scoped3A_239, %dma_wait3A_380, %dma_wait3A_381] : memref<8x128x16xf32, #tpu.memory_space<vmem>> -> memref<1x128x16xf32, #tpu.memory_space<vmem>>
        %dma_wait3A_383 = tpu.memref_squeeze %dma_wait3A_382 : memref<1x128x16xf32, #tpu.memory_space<vmem>> -> memref<128x16xf32, #tpu.memory_space<vmem>>
        %dma_wait3A_384 = arith.constant 0 : i32
        %dma_wait3A_385 = tpu.memref_slice %arg6[%add3A_238, %dma_wait3A_384] : memref<80x128xi32, #tpu.memory_space<vmem>> -> memref<1x128xi32, #tpu.memory_space<vmem>>
        %dma_wait3A_386 = tpu.memref_squeeze %dma_wait3A_385 : memref<1x128xi32, #tpu.memory_space<vmem>> -> memref<128xi32, #tpu.memory_space<vmem>>
        %dma_wait3A_387 = arith.constant 0 : i32
        %dma_wait3A_388 = arith.constant 0 : i32
        %dma_wait3A_389 = tpu.memref_slice %arg8[%dma_wait3A_387, %dma_wait3A_388] : memref<10240x16xf32, #tpu.memory_space<vmem_shared>> -> memref<10240x16xf32, #tpu.memory_space<vmem_shared>>
        tpu.wait_indirect_dma semaphore(%run_scoped3A_369 : memref<!tpu.dma_semaphore, #tpu.memory_space<semaphore_mem>>) src(%dma_wait3A_383 : memref<128x16xf32, #tpu.memory_space<vmem>>) dst(%dma_wait3A_389 : memref<10240x16xf32, #tpu.memory_space<vmem_shared>>)
        tpu.yield
      }) : () -> ()
      %add3A_240 = arith.constant 2 : i32
      %add3A_241 = arith.addi %add3A_180, %add3A_240 : i32
      %add3A_242 = arith.constant 8 : i32
      %add3A_243 = arith.addi %add3A_241, %add3A_242 : i32
      %lt3A_244 = arith.constant 80 : i32
      %lt3A_245 = arith.cmpi slt, %add3A_243, %lt3A_244 : i32
      %convert_element_type3A_246 = arith.extui %lt3A_245 : i1 to i32
      %cond3A_247 = arith.constant 0 : i32
      %cond3A_248 = arith.cmpi ne, %convert_element_type3A_246, %cond3A_247 : i32
      scf.if %cond3A_248 {
        %dma_start3A_369 = arith.constant 2 : i32
        %dma_start3A_370 = arith.constant 0 : i32
        %dma_start3A_371 = arith.constant 0 : i32
        %dma_start3A_372 = tpu.memref_slice %arg7[%dma_start3A_369, %dma_start3A_370, %dma_start3A_371] : memref<8x128x16xf32, #tpu.memory_space<vmem>> -> memref<1x128x16xf32, #tpu.memory_space<vmem>>
        %dma_start3A_373 = tpu.memref_squeeze %dma_start3A_372 : memref<1x128x16xf32, #tpu.memory_space<vmem>> -> memref<128x16xf32, #tpu.memory_space<vmem>>
        %dma_start3A_374 = arith.constant 0 : i32
        %dma_start3A_375 = tpu.memref_slice %arg5[%add3A_243, %dma_start3A_374] : memref<80x128xi32, #tpu.memory_space<vmem>> -> memref<1x128xi32, #tpu.memory_space<vmem>>
        %dma_start3A_376 = tpu.memref_squeeze %dma_start3A_375 : memref<1x128xi32, #tpu.memory_space<vmem>> -> memref<128xi32, #tpu.memory_space<vmem>>
        %dma_start3A_377 = arith.constant 0 : i32
        %dma_start3A_378 = arith.constant 0 : i32
        %dma_start3A_379 = tpu.memref_slice %arg9[%dma_start3A_377, %dma_start3A_378] : memref<10240x16xf32, #tpu.memory_space<vmem_shared>> -> memref<10240x16xf32, #tpu.memory_space<vmem_shared>>
        tpu.enqueue_indirect_dma source(%dma_start3A_379 : memref<10240x16xf32, #tpu.memory_space<vmem_shared>>) target(%dma_start3A_373 : memref<128x16xf32, #tpu.memory_space<vmem>>) offsets(%dma_start3A_376 : memref<128xi32, #tpu.memory_space<vmem>>) semaphore(%arg17 : memref<!tpu.dma_semaphore, #tpu.memory_space<semaphore_mem>>)
      } else {
      }
      %dma_wait3A_249 = arith.constant 3 : i32
      %dma_wait3A_250 = arith.constant 3 : i32
      %dma_wait3A_251 = arith.constant 0 : i32
      %dma_wait3A_252 = arith.constant 0 : i32
      %dma_wait3A_253 = tpu.memref_slice %arg7[%dma_wait3A_250, %dma_wait3A_251, %dma_wait3A_252] : memref<8x128x16xf32, #tpu.memory_space<vmem>> -> memref<1x128x16xf32, #tpu.memory_space<vmem>>
      %dma_wait3A_254 = tpu.memref_squeeze %dma_wait3A_253 : memref<1x128x16xf32, #tpu.memory_space<vmem>> -> memref<128x16xf32, #tpu.memory_space<vmem>>
      %dma_wait3A_255 = arith.constant 0 : i32
      %dma_wait3A_256 = tpu.memref_slice %arg5[%dma_wait3A_249, %dma_wait3A_255] : memref<80x128xi32, #tpu.memory_space<vmem>> -> memref<1x128xi32, #tpu.memory_space<vmem>>
      %dma_wait3A_257 = tpu.memref_squeeze %dma_wait3A_256 : memref<1x128xi32, #tpu.memory_space<vmem>> -> memref<128xi32, #tpu.memory_space<vmem>>
      %dma_wait3A_258 = arith.constant 0 : i32
      %dma_wait3A_259 = arith.constant 0 : i32
      %dma_wait3A_260 = tpu.memref_slice %arg9[%dma_wait3A_258, %dma_wait3A_259] : memref<10240x16xf32, #tpu.memory_space<vmem_shared>> -> memref<10240x16xf32, #tpu.memory_space<vmem_shared>>
      tpu.wait_indirect_dma semaphore(%arg18 : memref<!tpu.dma_semaphore, #tpu.memory_space<semaphore_mem>>) src(%dma_wait3A_260 : memref<10240x16xf32, #tpu.memory_space<vmem_shared>>) dst(%dma_wait3A_254 : memref<128x16xf32, #tpu.memory_space<vmem>>)
      %add3A_261 = arith.constant 3 : i32
      %add3A_262 = arith.addi %add3A_180, %add3A_261 : i32
      %run_scoped3A_263 = arith.constant 3 : i32
      "tpu.region"() ({
        %run_scoped3A_369 = tpu.sem_alloc : memref<!tpu.dma_semaphore, #tpu.memory_space<semaphore_mem>>
        %dma_start3A_370 = arith.constant 0 : i32
        %dma_start3A_371 = arith.constant 0 : i32
        %dma_start3A_372 = tpu.memref_slice %arg7[%run_scoped3A_263, %dma_start3A_370, %dma_start3A_371] : memref<8x128x16xf32, #tpu.memory_space<vmem>> -> memref<1x128x16xf32, #tpu.memory_space<vmem>>
        %dma_start3A_373 = tpu.memref_squeeze %dma_start3A_372 : memref<1x128x16xf32, #tpu.memory_space<vmem>> -> memref<128x16xf32, #tpu.memory_space<vmem>>
        %dma_start3A_374 = arith.constant 0 : i32
        %dma_start3A_375 = tpu.memref_slice %arg6[%add3A_262, %dma_start3A_374] : memref<80x128xi32, #tpu.memory_space<vmem>> -> memref<1x128xi32, #tpu.memory_space<vmem>>
        %dma_start3A_376 = tpu.memref_squeeze %dma_start3A_375 : memref<1x128xi32, #tpu.memory_space<vmem>> -> memref<128xi32, #tpu.memory_space<vmem>>
        %dma_start3A_377 = arith.constant 0 : i32
        %dma_start3A_378 = arith.constant 0 : i32
        %dma_start3A_379 = tpu.memref_slice %arg8[%dma_start3A_377, %dma_start3A_378] : memref<10240x16xf32, #tpu.memory_space<vmem_shared>> -> memref<10240x16xf32, #tpu.memory_space<vmem_shared>>
        tpu.enqueue_indirect_dma source(%dma_start3A_373 : memref<128x16xf32, #tpu.memory_space<vmem>>) target(%dma_start3A_379 : memref<10240x16xf32, #tpu.memory_space<vmem_shared>>) offsets(%dma_start3A_376 : memref<128xi32, #tpu.memory_space<vmem>>) semaphore(%run_scoped3A_369 : memref<!tpu.dma_semaphore, #tpu.memory_space<semaphore_mem>>) {add = true}
        %dma_wait3A_380 = arith.constant 0 : i32
        %dma_wait3A_381 = arith.constant 0 : i32
        %dma_wait3A_382 = tpu.memref_slice %arg7[%run_scoped3A_263, %dma_wait3A_380, %dma_wait3A_381] : memref<8x128x16xf32, #tpu.memory_space<vmem>> -> memref<1x128x16xf32, #tpu.memory_space<vmem>>
        %dma_wait3A_383 = tpu.memref_squeeze %dma_wait3A_382 : memref<1x128x16xf32, #tpu.memory_space<vmem>> -> memref<128x16xf32, #tpu.memory_space<vmem>>
        %dma_wait3A_384 = arith.constant 0 : i32
        %dma_wait3A_385 = tpu.memref_slice %arg6[%add3A_262, %dma_wait3A_384] : memref<80x128xi32, #tpu.memory_space<vmem>> -> memref<1x128xi32, #tpu.memory_space<vmem>>
        %dma_wait3A_386 = tpu.memref_squeeze %dma_wait3A_385 : memref<1x128xi32, #tpu.memory_space<vmem>> -> memref<128xi32, #tpu.memory_space<vmem>>
        %dma_wait3A_387 = arith.constant 0 : i32
        %dma_wait3A_388 = arith.constant 0 : i32
        %dma_wait3A_389 = tpu.memref_slice %arg8[%dma_wait3A_387, %dma_wait3A_388] : memref<10240x16xf32, #tpu.memory_space<vmem_shared>> -> memref<10240x16xf32, #tpu.memory_space<vmem_shared>>
        tpu.wait_indirect_dma semaphore(%run_scoped3A_369 : memref<!tpu.dma_semaphore, #tpu.memory_space<semaphore_mem>>) src(%dma_wait3A_383 : memref<128x16xf32, #tpu.memory_space<vmem>>) dst(%dma_wait3A_389 : memref<10240x16xf32, #tpu.memory_space<vmem_shared>>)
        tpu.yield
      }) : () -> ()
      %add3A_264 = arith.constant 3 : i32
      %add3A_265 = arith.addi %add3A_180, %add3A_264 : i32
      %add3A_266 = arith.constant 8 : i32
      %add3A_267 = arith.addi %add3A_265, %add3A_266 : i32
      %lt3A_268 = arith.constant 80 : i32
      %lt3A_269 = arith.cmpi slt, %add3A_267, %lt3A_268 : i32
      %convert_element_type3A_270 = arith.extui %lt3A_269 : i1 to i32
      %cond3A_271 = arith.constant 0 : i32
      %cond3A_272 = arith.cmpi ne, %convert_element_type3A_270, %cond3A_271 : i32
      scf.if %cond3A_272 {
        %dma_start3A_369 = arith.constant 3 : i32
        %dma_start3A_370 = arith.constant 0 : i32
        %dma_start3A_371 = arith.constant 0 : i32
        %dma_start3A_372 = tpu.memref_slice %arg7[%dma_start3A_369, %dma_start3A_370, %dma_start3A_371] : memref<8x128x16xf32, #tpu.memory_space<vmem>> -> memref<1x128x16xf32, #tpu.memory_space<vmem>>
        %dma_start3A_373 = tpu.memref_squeeze %dma_start3A_372 : memref<1x128x16xf32, #tpu.memory_space<vmem>> -> memref<128x16xf32, #tpu.memory_space<vmem>>
        %dma_start3A_374 = arith.constant 0 : i32
        %dma_start3A_375 = tpu.memref_slice %arg5[%add3A_267, %dma_start3A_374] : memref<80x128xi32, #tpu.memory_space<vmem>> -> memref<1x128xi32, #tpu.memory_space<vmem>>
        %dma_start3A_376 = tpu.memref_squeeze %dma_start3A_375 : memref<1x128xi32, #tpu.memory_space<vmem>> -> memref<128xi32, #tpu.memory_space<vmem>>
        %dma_start3A_377 = arith.constant 0 : i32
        %dma_start3A_378 = arith.constant 0 : i32
        %dma_start3A_379 = tpu.memref_slice %arg9[%dma_start3A_377, %dma_start3A_378] : memref<10240x16xf32, #tpu.memory_space<vmem_shared>> -> memref<10240x16xf32, #tpu.memory_space<vmem_shared>>
        tpu.enqueue_indirect_dma source(%dma_start3A_379 : memref<10240x16xf32, #tpu.memory_space<vmem_shared>>) target(%dma_start3A_373 : memref<128x16xf32, #tpu.memory_space<vmem>>) offsets(%dma_start3A_376 : memref<128xi32, #tpu.memory_space<vmem>>) semaphore(%arg18 : memref<!tpu.dma_semaphore, #tpu.memory_space<semaphore_mem>>)
      } else {
      }
      %dma_wait3A_273 = arith.constant 4 : i32
      %dma_wait3A_274 = arith.constant 4 : i32
      %dma_wait3A_275 = arith.constant 0 : i32
      %dma_wait3A_276 = arith.constant 0 : i32
      %dma_wait3A_277 = tpu.memref_slice %arg7[%dma_wait3A_274, %dma_wait3A_275, %dma_wait3A_276] : memref<8x128x16xf32, #tpu.memory_space<vmem>> -> memref<1x128x16xf32, #tpu.memory_space<vmem>>
      %dma_wait3A_278 = tpu.memref_squeeze %dma_wait3A_277 : memref<1x128x16xf32, #tpu.memory_space<vmem>> -> memref<128x16xf32, #tpu.memory_space<vmem>>
      %dma_wait3A_279 = arith.constant 0 : i32
      %dma_wait3A_280 = tpu.memref_slice %arg5[%dma_wait3A_273, %dma_wait3A_279] : memref<80x128xi32, #tpu.memory_space<vmem>> -> memref<1x128xi32, #tpu.memory_space<vmem>>
      %dma_wait3A_281 = tpu.memref_squeeze %dma_wait3A_280 : memref<1x128xi32, #tpu.memory_space<vmem>> -> memref<128xi32, #tpu.memory_space<vmem>>
      %dma_wait3A_282 = arith.constant 0 : i32
      %dma_wait3A_283 = arith.constant 0 : i32
      %dma_wait3A_284 = tpu.memref_slice %arg9[%dma_wait3A_282, %dma_wait3A_283] : memref<10240x16xf32, #tpu.memory_space<vmem_shared>> -> memref<10240x16xf32, #tpu.memory_space<vmem_shared>>
      tpu.wait_indirect_dma semaphore(%arg19 : memref<!tpu.dma_semaphore, #tpu.memory_space<semaphore_mem>>) src(%dma_wait3A_284 : memref<10240x16xf32, #tpu.memory_space<vmem_shared>>) dst(%dma_wait3A_278 : memref<128x16xf32, #tpu.memory_space<vmem>>)
      %add3A_285 = arith.constant 4 : i32
      %add3A_286 = arith.addi %add3A_180, %add3A_285 : i32
      %run_scoped3A_287 = arith.constant 4 : i32
      "tpu.region"() ({
        %run_scoped3A_369 = tpu.sem_alloc : memref<!tpu.dma_semaphore, #tpu.memory_space<semaphore_mem>>
        %dma_start3A_370 = arith.constant 0 : i32
        %dma_start3A_371 = arith.constant 0 : i32
        %dma_start3A_372 = tpu.memref_slice %arg7[%run_scoped3A_287, %dma_start3A_370, %dma_start3A_371] : memref<8x128x16xf32, #tpu.memory_space<vmem>> -> memref<1x128x16xf32, #tpu.memory_space<vmem>>
        %dma_start3A_373 = tpu.memref_squeeze %dma_start3A_372 : memref<1x128x16xf32, #tpu.memory_space<vmem>> -> memref<128x16xf32, #tpu.memory_space<vmem>>
        %dma_start3A_374 = arith.constant 0 : i32
        %dma_start3A_375 = tpu.memref_slice %arg6[%add3A_286, %dma_start3A_374] : memref<80x128xi32, #tpu.memory_space<vmem>> -> memref<1x128xi32, #tpu.memory_space<vmem>>
        %dma_start3A_376 = tpu.memref_squeeze %dma_start3A_375 : memref<1x128xi32, #tpu.memory_space<vmem>> -> memref<128xi32, #tpu.memory_space<vmem>>
        %dma_start3A_377 = arith.constant 0 : i32
        %dma_start3A_378 = arith.constant 0 : i32
        %dma_start3A_379 = tpu.memref_slice %arg8[%dma_start3A_377, %dma_start3A_378] : memref<10240x16xf32, #tpu.memory_space<vmem_shared>> -> memref<10240x16xf32, #tpu.memory_space<vmem_shared>>
        tpu.enqueue_indirect_dma source(%dma_start3A_373 : memref<128x16xf32, #tpu.memory_space<vmem>>) target(%dma_start3A_379 : memref<10240x16xf32, #tpu.memory_space<vmem_shared>>) offsets(%dma_start3A_376 : memref<128xi32, #tpu.memory_space<vmem>>) semaphore(%run_scoped3A_369 : memref<!tpu.dma_semaphore, #tpu.memory_space<semaphore_mem>>) {add = true}
        %dma_wait3A_380 = arith.constant 0 : i32
        %dma_wait3A_381 = arith.constant 0 : i32
        %dma_wait3A_382 = tpu.memref_slice %arg7[%run_scoped3A_287, %dma_wait3A_380, %dma_wait3A_381] : memref<8x128x16xf32, #tpu.memory_space<vmem>> -> memref<1x128x16xf32, #tpu.memory_space<vmem>>
        %dma_wait3A_383 = tpu.memref_squeeze %dma_wait3A_382 : memref<1x128x16xf32, #tpu.memory_space<vmem>> -> memref<128x16xf32, #tpu.memory_space<vmem>>
        %dma_wait3A_384 = arith.constant 0 : i32
        %dma_wait3A_385 = tpu.memref_slice %arg6[%add3A_286, %dma_wait3A_384] : memref<80x128xi32, #tpu.memory_space<vmem>> -> memref<1x128xi32, #tpu.memory_space<vmem>>
        %dma_wait3A_386 = tpu.memref_squeeze %dma_wait3A_385 : memref<1x128xi32, #tpu.memory_space<vmem>> -> memref<128xi32, #tpu.memory_space<vmem>>
        %dma_wait3A_387 = arith.constant 0 : i32
        %dma_wait3A_388 = arith.constant 0 : i32
        %dma_wait3A_389 = tpu.memref_slice %arg8[%dma_wait3A_387, %dma_wait3A_388] : memref<10240x16xf32, #tpu.memory_space<vmem_shared>> -> memref<10240x16xf32, #tpu.memory_space<vmem_shared>>
        tpu.wait_indirect_dma semaphore(%run_scoped3A_369 : memref<!tpu.dma_semaphore, #tpu.memory_space<semaphore_mem>>) src(%dma_wait3A_383 : memref<128x16xf32, #tpu.memory_space<vmem>>) dst(%dma_wait3A_389 : memref<10240x16xf32, #tpu.memory_space<vmem_shared>>)
        tpu.yield
      }) : () -> ()
      %add3A_288 = arith.constant 4 : i32
      %add3A_289 = arith.addi %add3A_180, %add3A_288 : i32
      %add3A_290 = arith.constant 8 : i32
      %add3A_291 = arith.addi %add3A_289, %add3A_290 : i32
      %lt3A_292 = arith.constant 80 : i32
      %lt3A_293 = arith.cmpi slt, %add3A_291, %lt3A_292 : i32
      %convert_element_type3A_294 = arith.extui %lt3A_293 : i1 to i32
      %cond3A_295 = arith.constant 0 : i32
      %cond3A_296 = arith.cmpi ne, %convert_element_type3A_294, %cond3A_295 : i32
      scf.if %cond3A_296 {
        %dma_start3A_369 = arith.constant 4 : i32
        %dma_start3A_370 = arith.constant 0 : i32
        %dma_start3A_371 = arith.constant 0 : i32
        %dma_start3A_372 = tpu.memref_slice %arg7[%dma_start3A_369, %dma_start3A_370, %dma_start3A_371] : memref<8x128x16xf32, #tpu.memory_space<vmem>> -> memref<1x128x16xf32, #tpu.memory_space<vmem>>
        %dma_start3A_373 = tpu.memref_squeeze %dma_start3A_372 : memref<1x128x16xf32, #tpu.memory_space<vmem>> -> memref<128x16xf32, #tpu.memory_space<vmem>>
        %dma_start3A_374 = arith.constant 0 : i32
        %dma_start3A_375 = tpu.memref_slice %arg5[%add3A_291, %dma_start3A_374] : memref<80x128xi32, #tpu.memory_space<vmem>> -> memref<1x128xi32, #tpu.memory_space<vmem>>
        %dma_start3A_376 = tpu.memref_squeeze %dma_start3A_375 : memref<1x128xi32, #tpu.memory_space<vmem>> -> memref<128xi32, #tpu.memory_space<vmem>>
        %dma_start3A_377 = arith.constant 0 : i32
        %dma_start3A_378 = arith.constant 0 : i32
        %dma_start3A_379 = tpu.memref_slice %arg9[%dma_start3A_377, %dma_start3A_378] : memref<10240x16xf32, #tpu.memory_space<vmem_shared>> -> memref<10240x16xf32, #tpu.memory_space<vmem_shared>>
        tpu.enqueue_indirect_dma source(%dma_start3A_379 : memref<10240x16xf32, #tpu.memory_space<vmem_shared>>) target(%dma_start3A_373 : memref<128x16xf32, #tpu.memory_space<vmem>>) offsets(%dma_start3A_376 : memref<128xi32, #tpu.memory_space<vmem>>) semaphore(%arg19 : memref<!tpu.dma_semaphore, #tpu.memory_space<semaphore_mem>>)
      } else {
      }
      %dma_wait3A_297 = arith.constant 5 : i32
      %dma_wait3A_298 = arith.constant 5 : i32
      %dma_wait3A_299 = arith.constant 0 : i32
      %dma_wait3A_300 = arith.constant 0 : i32
      %dma_wait3A_301 = tpu.memref_slice %arg7[%dma_wait3A_298, %dma_wait3A_299, %dma_wait3A_300] : memref<8x128x16xf32, #tpu.memory_space<vmem>> -> memref<1x128x16xf32, #tpu.memory_space<vmem>>
      %dma_wait3A_302 = tpu.memref_squeeze %dma_wait3A_301 : memref<1x128x16xf32, #tpu.memory_space<vmem>> -> memref<128x16xf32, #tpu.memory_space<vmem>>
      %dma_wait3A_303 = arith.constant 0 : i32
      %dma_wait3A_304 = tpu.memref_slice %arg5[%dma_wait3A_297, %dma_wait3A_303] : memref<80x128xi32, #tpu.memory_space<vmem>> -> memref<1x128xi32, #tpu.memory_space<vmem>>
      %dma_wait3A_305 = tpu.memref_squeeze %dma_wait3A_304 : memref<1x128xi32, #tpu.memory_space<vmem>> -> memref<128xi32, #tpu.memory_space<vmem>>
      %dma_wait3A_306 = arith.constant 0 : i32
      %dma_wait3A_307 = arith.constant 0 : i32
      %dma_wait3A_308 = tpu.memref_slice %arg9[%dma_wait3A_306, %dma_wait3A_307] : memref<10240x16xf32, #tpu.memory_space<vmem_shared>> -> memref<10240x16xf32, #tpu.memory_space<vmem_shared>>
      tpu.wait_indirect_dma semaphore(%arg20 : memref<!tpu.dma_semaphore, #tpu.memory_space<semaphore_mem>>) src(%dma_wait3A_308 : memref<10240x16xf32, #tpu.memory_space<vmem_shared>>) dst(%dma_wait3A_302 : memref<128x16xf32, #tpu.memory_space<vmem>>)
      %add3A_309 = arith.constant 5 : i32
      %add3A_310 = arith.addi %add3A_180, %add3A_309 : i32
      %run_scoped3A_311 = arith.constant 5 : i32
      "tpu.region"() ({
        %run_scoped3A_369 = tpu.sem_alloc : memref<!tpu.dma_semaphore, #tpu.memory_space<semaphore_mem>>
        %dma_start3A_370 = arith.constant 0 : i32
        %dma_start3A_371 = arith.constant 0 : i32
        %dma_start3A_372 = tpu.memref_slice %arg7[%run_scoped3A_311, %dma_start3A_370, %dma_start3A_371] : memref<8x128x16xf32, #tpu.memory_space<vmem>> -> memref<1x128x16xf32, #tpu.memory_space<vmem>>
        %dma_start3A_373 = tpu.memref_squeeze %dma_start3A_372 : memref<1x128x16xf32, #tpu.memory_space<vmem>> -> memref<128x16xf32, #tpu.memory_space<vmem>>
        %dma_start3A_374 = arith.constant 0 : i32
        %dma_start3A_375 = tpu.memref_slice %arg6[%add3A_310, %dma_start3A_374] : memref<80x128xi32, #tpu.memory_space<vmem>> -> memref<1x128xi32, #tpu.memory_space<vmem>>
        %dma_start3A_376 = tpu.memref_squeeze %dma_start3A_375 : memref<1x128xi32, #tpu.memory_space<vmem>> -> memref<128xi32, #tpu.memory_space<vmem>>
        %dma_start3A_377 = arith.constant 0 : i32
        %dma_start3A_378 = arith.constant 0 : i32
        %dma_start3A_379 = tpu.memref_slice %arg8[%dma_start3A_377, %dma_start3A_378] : memref<10240x16xf32, #tpu.memory_space<vmem_shared>> -> memref<10240x16xf32, #tpu.memory_space<vmem_shared>>
        tpu.enqueue_indirect_dma source(%dma_start3A_373 : memref<128x16xf32, #tpu.memory_space<vmem>>) target(%dma_start3A_379 : memref<10240x16xf32, #tpu.memory_space<vmem_shared>>) offsets(%dma_start3A_376 : memref<128xi32, #tpu.memory_space<vmem>>) semaphore(%run_scoped3A_369 : memref<!tpu.dma_semaphore, #tpu.memory_space<semaphore_mem>>) {add = true}
        %dma_wait3A_380 = arith.constant 0 : i32
        %dma_wait3A_381 = arith.constant 0 : i32
        %dma_wait3A_382 = tpu.memref_slice %arg7[%run_scoped3A_311, %dma_wait3A_380, %dma_wait3A_381] : memref<8x128x16xf32, #tpu.memory_space<vmem>> -> memref<1x128x16xf32, #tpu.memory_space<vmem>>
        %dma_wait3A_383 = tpu.memref_squeeze %dma_wait3A_382 : memref<1x128x16xf32, #tpu.memory_space<vmem>> -> memref<128x16xf32, #tpu.memory_space<vmem>>
        %dma_wait3A_384 = arith.constant 0 : i32
        %dma_wait3A_385 = tpu.memref_slice %arg6[%add3A_310, %dma_wait3A_384] : memref<80x128xi32, #tpu.memory_space<vmem>> -> memref<1x128xi32, #tpu.memory_space<vmem>>
        %dma_wait3A_386 = tpu.memref_squeeze %dma_wait3A_385 : memref<1x128xi32, #tpu.memory_space<vmem>> -> memref<128xi32, #tpu.memory_space<vmem>>
        %dma_wait3A_387 = arith.constant 0 : i32
        %dma_wait3A_388 = arith.constant 0 : i32
        %dma_wait3A_389 = tpu.memref_slice %arg8[%dma_wait3A_387, %dma_wait3A_388] : memref<10240x16xf32, #tpu.memory_space<vmem_shared>> -> memref<10240x16xf32, #tpu.memory_space<vmem_shared>>
        tpu.wait_indirect_dma semaphore(%run_scoped3A_369 : memref<!tpu.dma_semaphore, #tpu.memory_space<semaphore_mem>>) src(%dma_wait3A_383 : memref<128x16xf32, #tpu.memory_space<vmem>>) dst(%dma_wait3A_389 : memref<10240x16xf32, #tpu.memory_space<vmem_shared>>)
        tpu.yield
      }) : () -> ()
      %add3A_312 = arith.constant 5 : i32
      %add3A_313 = arith.addi %add3A_180, %add3A_312 : i32
      %add3A_314 = arith.constant 8 : i32
      %add3A_315 = arith.addi %add3A_313, %add3A_314 : i32
      %lt3A_316 = arith.constant 80 : i32
      %lt3A_317 = arith.cmpi slt, %add3A_315, %lt3A_316 : i32
      %convert_element_type3A_318 = arith.extui %lt3A_317 : i1 to i32
      %cond3A_319 = arith.constant 0 : i32
      %cond3A_320 = arith.cmpi ne, %convert_element_type3A_318, %cond3A_319 : i32
      scf.if %cond3A_320 {
        %dma_start3A_369 = arith.constant 5 : i32
        %dma_start3A_370 = arith.constant 0 : i32
        %dma_start3A_371 = arith.constant 0 : i32
        %dma_start3A_372 = tpu.memref_slice %arg7[%dma_start3A_369, %dma_start3A_370, %dma_start3A_371] : memref<8x128x16xf32, #tpu.memory_space<vmem>> -> memref<1x128x16xf32, #tpu.memory_space<vmem>>
        %dma_start3A_373 = tpu.memref_squeeze %dma_start3A_372 : memref<1x128x16xf32, #tpu.memory_space<vmem>> -> memref<128x16xf32, #tpu.memory_space<vmem>>
        %dma_start3A_374 = arith.constant 0 : i32
        %dma_start3A_375 = tpu.memref_slice %arg5[%add3A_315, %dma_start3A_374] : memref<80x128xi32, #tpu.memory_space<vmem>> -> memref<1x128xi32, #tpu.memory_space<vmem>>
        %dma_start3A_376 = tpu.memref_squeeze %dma_start3A_375 : memref<1x128xi32, #tpu.memory_space<vmem>> -> memref<128xi32, #tpu.memory_space<vmem>>
        %dma_start3A_377 = arith.constant 0 : i32
        %dma_start3A_378 = arith.constant 0 : i32
        %dma_start3A_379 = tpu.memref_slice %arg9[%dma_start3A_377, %dma_start3A_378] : memref<10240x16xf32, #tpu.memory_space<vmem_shared>> -> memref<10240x16xf32, #tpu.memory_space<vmem_shared>>
        tpu.enqueue_indirect_dma source(%dma_start3A_379 : memref<10240x16xf32, #tpu.memory_space<vmem_shared>>) target(%dma_start3A_373 : memref<128x16xf32, #tpu.memory_space<vmem>>) offsets(%dma_start3A_376 : memref<128xi32, #tpu.memory_space<vmem>>) semaphore(%arg20 : memref<!tpu.dma_semaphore, #tpu.memory_space<semaphore_mem>>)
      } else {
      }
      %dma_wait3A_321 = arith.constant 6 : i32
      %dma_wait3A_322 = arith.constant 6 : i32
      %dma_wait3A_323 = arith.constant 0 : i32
      %dma_wait3A_324 = arith.constant 0 : i32
      %dma_wait3A_325 = tpu.memref_slice %arg7[%dma_wait3A_322, %dma_wait3A_323, %dma_wait3A_324] : memref<8x128x16xf32, #tpu.memory_space<vmem>> -> memref<1x128x16xf32, #tpu.memory_space<vmem>>
      %dma_wait3A_326 = tpu.memref_squeeze %dma_wait3A_325 : memref<1x128x16xf32, #tpu.memory_space<vmem>> -> memref<128x16xf32, #tpu.memory_space<vmem>>
      %dma_wait3A_327 = arith.constant 0 : i32
      %dma_wait3A_328 = tpu.memref_slice %arg5[%dma_wait3A_321, %dma_wait3A_327] : memref<80x128xi32, #tpu.memory_space<vmem>> -> memref<1x128xi32, #tpu.memory_space<vmem>>
      %dma_wait3A_329 = tpu.memref_squeeze %dma_wait3A_328 : memref<1x128xi32, #tpu.memory_space<vmem>> -> memref<128xi32, #tpu.memory_space<vmem>>
      %dma_wait3A_330 = arith.constant 0 : i32
      %dma_wait3A_331 = arith.constant 0 : i32
      %dma_wait3A_332 = tpu.memref_slice %arg9[%dma_wait3A_330, %dma_wait3A_331] : memref<10240x16xf32, #tpu.memory_space<vmem_shared>> -> memref<10240x16xf32, #tpu.memory_space<vmem_shared>>
      tpu.wait_indirect_dma semaphore(%arg21 : memref<!tpu.dma_semaphore, #tpu.memory_space<semaphore_mem>>) src(%dma_wait3A_332 : memref<10240x16xf32, #tpu.memory_space<vmem_shared>>) dst(%dma_wait3A_326 : memref<128x16xf32, #tpu.memory_space<vmem>>)
      %add3A_333 = arith.constant 6 : i32
      %add3A_334 = arith.addi %add3A_180, %add3A_333 : i32
      %run_scoped3A_335 = arith.constant 6 : i32
      "tpu.region"() ({
        %run_scoped3A_369 = tpu.sem_alloc : memref<!tpu.dma_semaphore, #tpu.memory_space<semaphore_mem>>
        %dma_start3A_370 = arith.constant 0 : i32
        %dma_start3A_371 = arith.constant 0 : i32
        %dma_start3A_372 = tpu.memref_slice %arg7[%run_scoped3A_335, %dma_start3A_370, %dma_start3A_371] : memref<8x128x16xf32, #tpu.memory_space<vmem>> -> memref<1x128x16xf32, #tpu.memory_space<vmem>>
        %dma_start3A_373 = tpu.memref_squeeze %dma_start3A_372 : memref<1x128x16xf32, #tpu.memory_space<vmem>> -> memref<128x16xf32, #tpu.memory_space<vmem>>
        %dma_start3A_374 = arith.constant 0 : i32
        %dma_start3A_375 = tpu.memref_slice %arg6[%add3A_334, %dma_start3A_374] : memref<80x128xi32, #tpu.memory_space<vmem>> -> memref<1x128xi32, #tpu.memory_space<vmem>>
        %dma_start3A_376 = tpu.memref_squeeze %dma_start3A_375 : memref<1x128xi32, #tpu.memory_space<vmem>> -> memref<128xi32, #tpu.memory_space<vmem>>
        %dma_start3A_377 = arith.constant 0 : i32
        %dma_start3A_378 = arith.constant 0 : i32
        %dma_start3A_379 = tpu.memref_slice %arg8[%dma_start3A_377, %dma_start3A_378] : memref<10240x16xf32, #tpu.memory_space<vmem_shared>> -> memref<10240x16xf32, #tpu.memory_space<vmem_shared>>
        tpu.enqueue_indirect_dma source(%dma_start3A_373 : memref<128x16xf32, #tpu.memory_space<vmem>>) target(%dma_start3A_379 : memref<10240x16xf32, #tpu.memory_space<vmem_shared>>) offsets(%dma_start3A_376 : memref<128xi32, #tpu.memory_space<vmem>>) semaphore(%run_scoped3A_369 : memref<!tpu.dma_semaphore, #tpu.memory_space<semaphore_mem>>) {add = true}
        %dma_wait3A_380 = arith.constant 0 : i32
        %dma_wait3A_381 = arith.constant 0 : i32
        %dma_wait3A_382 = tpu.memref_slice %arg7[%run_scoped3A_335, %dma_wait3A_380, %dma_wait3A_381] : memref<8x128x16xf32, #tpu.memory_space<vmem>> -> memref<1x128x16xf32, #tpu.memory_space<vmem>>
        %dma_wait3A_383 = tpu.memref_squeeze %dma_wait3A_382 : memref<1x128x16xf32, #tpu.memory_space<vmem>> -> memref<128x16xf32, #tpu.memory_space<vmem>>
        %dma_wait3A_384 = arith.constant 0 : i32
        %dma_wait3A_385 = tpu.memref_slice %arg6[%add3A_334, %dma_wait3A_384] : memref<80x128xi32, #tpu.memory_space<vmem>> -> memref<1x128xi32, #tpu.memory_space<vmem>>
        %dma_wait3A_386 = tpu.memref_squeeze %dma_wait3A_385 : memref<1x128xi32, #tpu.memory_space<vmem>> -> memref<128xi32, #tpu.memory_space<vmem>>
        %dma_wait3A_387 = arith.constant 0 : i32
        %dma_wait3A_388 = arith.constant 0 : i32
        %dma_wait3A_389 = tpu.memref_slice %arg8[%dma_wait3A_387, %dma_wait3A_388] : memref<10240x16xf32, #tpu.memory_space<vmem_shared>> -> memref<10240x16xf32, #tpu.memory_space<vmem_shared>>
        tpu.wait_indirect_dma semaphore(%run_scoped3A_369 : memref<!tpu.dma_semaphore, #tpu.memory_space<semaphore_mem>>) src(%dma_wait3A_383 : memref<128x16xf32, #tpu.memory_space<vmem>>) dst(%dma_wait3A_389 : memref<10240x16xf32, #tpu.memory_space<vmem_shared>>)
        tpu.yield
      }) : () -> ()
      %add3A_336 = arith.constant 6 : i32
      %add3A_337 = arith.addi %add3A_180, %add3A_336 : i32
      %add3A_338 = arith.constant 8 : i32
      %add3A_339 = arith.addi %add3A_337, %add3A_338 : i32
      %lt3A_340 = arith.constant 80 : i32
      %lt3A_341 = arith.cmpi slt, %add3A_339, %lt3A_340 : i32
      %convert_element_type3A_342 = arith.extui %lt3A_341 : i1 to i32
      %cond3A_343 = arith.constant 0 : i32
      %cond3A_344 = arith.cmpi ne, %convert_element_type3A_342, %cond3A_343 : i32
      scf.if %cond3A_344 {
        %dma_start3A_369 = arith.constant 6 : i32
        %dma_start3A_370 = arith.constant 0 : i32
        %dma_start3A_371 = arith.constant 0 : i32
        %dma_start3A_372 = tpu.memref_slice %arg7[%dma_start3A_369, %dma_start3A_370, %dma_start3A_371] : memref<8x128x16xf32, #tpu.memory_space<vmem>> -> memref<1x128x16xf32, #tpu.memory_space<vmem>>
        %dma_start3A_373 = tpu.memref_squeeze %dma_start3A_372 : memref<1x128x16xf32, #tpu.memory_space<vmem>> -> memref<128x16xf32, #tpu.memory_space<vmem>>
        %dma_start3A_374 = arith.constant 0 : i32
        %dma_start3A_375 = tpu.memref_slice %arg5[%add3A_339, %dma_start3A_374] : memref<80x128xi32, #tpu.memory_space<vmem>> -> memref<1x128xi32, #tpu.memory_space<vmem>>
        %dma_start3A_376 = tpu.memref_squeeze %dma_start3A_375 : memref<1x128xi32, #tpu.memory_space<vmem>> -> memref<128xi32, #tpu.memory_space<vmem>>
        %dma_start3A_377 = arith.constant 0 : i32
        %dma_start3A_378 = arith.constant 0 : i32
        %dma_start3A_379 = tpu.memref_slice %arg9[%dma_start3A_377, %dma_start3A_378] : memref<10240x16xf32, #tpu.memory_space<vmem_shared>> -> memref<10240x16xf32, #tpu.memory_space<vmem_shared>>
        tpu.enqueue_indirect_dma source(%dma_start3A_379 : memref<10240x16xf32, #tpu.memory_space<vmem_shared>>) target(%dma_start3A_373 : memref<128x16xf32, #tpu.memory_space<vmem>>) offsets(%dma_start3A_376 : memref<128xi32, #tpu.memory_space<vmem>>) semaphore(%arg21 : memref<!tpu.dma_semaphore, #tpu.memory_space<semaphore_mem>>)
      } else {
      }
      %dma_wait3A_345 = arith.constant 7 : i32
      %dma_wait3A_346 = arith.constant 7 : i32
      %dma_wait3A_347 = arith.constant 0 : i32
      %dma_wait3A_348 = arith.constant 0 : i32
      %dma_wait3A_349 = tpu.memref_slice %arg7[%dma_wait3A_346, %dma_wait3A_347, %dma_wait3A_348] : memref<8x128x16xf32, #tpu.memory_space<vmem>> -> memref<1x128x16xf32, #tpu.memory_space<vmem>>
      %dma_wait3A_350 = tpu.memref_squeeze %dma_wait3A_349 : memref<1x128x16xf32, #tpu.memory_space<vmem>> -> memref<128x16xf32, #tpu.memory_space<vmem>>
      %dma_wait3A_351 = arith.constant 0 : i32
      %dma_wait3A_352 = tpu.memref_slice %arg5[%dma_wait3A_345, %dma_wait3A_351] : memref<80x128xi32, #tpu.memory_space<vmem>> -> memref<1x128xi32, #tpu.memory_space<vmem>>
      %dma_wait3A_353 = tpu.memref_squeeze %dma_wait3A_352 : memref<1x128xi32, #tpu.memory_space<vmem>> -> memref<128xi32, #tpu.memory_space<vmem>>
      %dma_wait3A_354 = arith.constant 0 : i32
      %dma_wait3A_355 = arith.constant 0 : i32
      %dma_wait3A_356 = tpu.memref_slice %arg9[%dma_wait3A_354, %dma_wait3A_355] : memref<10240x16xf32, #tpu.memory_space<vmem_shared>> -> memref<10240x16xf32, #tpu.memory_space<vmem_shared>>
      tpu.wait_indirect_dma semaphore(%arg22 : memref<!tpu.dma_semaphore, #tpu.memory_space<semaphore_mem>>) src(%dma_wait3A_356 : memref<10240x16xf32, #tpu.memory_space<vmem_shared>>) dst(%dma_wait3A_350 : memref<128x16xf32, #tpu.memory_space<vmem>>)
      %add3A_357 = arith.constant 7 : i32
      %add3A_358 = arith.addi %add3A_180, %add3A_357 : i32
      %run_scoped3A_359 = arith.constant 7 : i32
      "tpu.region"() ({
        %run_scoped3A_369 = tpu.sem_alloc : memref<!tpu.dma_semaphore, #tpu.memory_space<semaphore_mem>>
        %dma_start3A_370 = arith.constant 0 : i32
        %dma_start3A_371 = arith.constant 0 : i32
        %dma_start3A_372 = tpu.memref_slice %arg7[%run_scoped3A_359, %dma_start3A_370, %dma_start3A_371] : memref<8x128x16xf32, #tpu.memory_space<vmem>> -> memref<1x128x16xf32, #tpu.memory_space<vmem>>
        %dma_start3A_373 = tpu.memref_squeeze %dma_start3A_372 : memref<1x128x16xf32, #tpu.memory_space<vmem>> -> memref<128x16xf32, #tpu.memory_space<vmem>>
        %dma_start3A_374 = arith.constant 0 : i32
        %dma_start3A_375 = tpu.memref_slice %arg6[%add3A_358, %dma_start3A_374] : memref<80x128xi32, #tpu.memory_space<vmem>> -> memref<1x128xi32, #tpu.memory_space<vmem>>
        %dma_start3A_376 = tpu.memref_squeeze %dma_start3A_375 : memref<1x128xi32, #tpu.memory_space<vmem>> -> memref<128xi32, #tpu.memory_space<vmem>>
        %dma_start3A_377 = arith.constant 0 : i32
        %dma_start3A_378 = arith.constant 0 : i32
        %dma_start3A_379 = tpu.memref_slice %arg8[%dma_start3A_377, %dma_start3A_378] : memref<10240x16xf32, #tpu.memory_space<vmem_shared>> -> memref<10240x16xf32, #tpu.memory_space<vmem_shared>>
        tpu.enqueue_indirect_dma source(%dma_start3A_373 : memref<128x16xf32, #tpu.memory_space<vmem>>) target(%dma_start3A_379 : memref<10240x16xf32, #tpu.memory_space<vmem_shared>>) offsets(%dma_start3A_376 : memref<128xi32, #tpu.memory_space<vmem>>) semaphore(%run_scoped3A_369 : memref<!tpu.dma_semaphore, #tpu.memory_space<semaphore_mem>>) {add = true}
        %dma_wait3A_380 = arith.constant 0 : i32
        %dma_wait3A_381 = arith.constant 0 : i32
        %dma_wait3A_382 = tpu.memref_slice %arg7[%run_scoped3A_359, %dma_wait3A_380, %dma_wait3A_381] : memref<8x128x16xf32, #tpu.memory_space<vmem>> -> memref<1x128x16xf32, #tpu.memory_space<vmem>>
        %dma_wait3A_383 = tpu.memref_squeeze %dma_wait3A_382 : memref<1x128x16xf32, #tpu.memory_space<vmem>> -> memref<128x16xf32, #tpu.memory_space<vmem>>
        %dma_wait3A_384 = arith.constant 0 : i32
        %dma_wait3A_385 = tpu.memref_slice %arg6[%add3A_358, %dma_wait3A_384] : memref<80x128xi32, #tpu.memory_space<vmem>> -> memref<1x128xi32, #tpu.memory_space<vmem>>
        %dma_wait3A_386 = tpu.memref_squeeze %dma_wait3A_385 : memref<1x128xi32, #tpu.memory_space<vmem>> -> memref<128xi32, #tpu.memory_space<vmem>>
        %dma_wait3A_387 = arith.constant 0 : i32
        %dma_wait3A_388 = arith.constant 0 : i32
        %dma_wait3A_389 = tpu.memref_slice %arg8[%dma_wait3A_387, %dma_wait3A_388] : memref<10240x16xf32, #tpu.memory_space<vmem_shared>> -> memref<10240x16xf32, #tpu.memory_space<vmem_shared>>
        tpu.wait_indirect_dma semaphore(%run_scoped3A_369 : memref<!tpu.dma_semaphore, #tpu.memory_space<semaphore_mem>>) src(%dma_wait3A_383 : memref<128x16xf32, #tpu.memory_space<vmem>>) dst(%dma_wait3A_389 : memref<10240x16xf32, #tpu.memory_space<vmem_shared>>)
        tpu.yield
      }) : () -> ()
      %add3A_360 = arith.constant 7 : i32
      %add3A_361 = arith.addi %add3A_180, %add3A_360 : i32
      %add3A_362 = arith.constant 8 : i32
      %add3A_363 = arith.addi %add3A_361, %add3A_362 : i32
      %lt3A_364 = arith.constant 80 : i32
      %lt3A_365 = arith.cmpi slt, %add3A_363, %lt3A_364 : i32
      %convert_element_type3A_366 = arith.extui %lt3A_365 : i1 to i32
      %cond3A_367 = arith.constant 0 : i32
      %cond3A_368 = arith.cmpi ne, %convert_element_type3A_366, %cond3A_367 : i32
      scf.if %cond3A_368 {
        %dma_start3A_369 = arith.constant 7 : i32
        %dma_start3A_370 = arith.constant 0 : i32
        %dma_start3A_371 = arith.constant 0 : i32
        %dma_start3A_372 = tpu.memref_slice %arg7[%dma_start3A_369, %dma_start3A_370, %dma_start3A_371] : memref<8x128x16xf32, #tpu.memory_space<vmem>> -> memref<1x128x16xf32, #tpu.memory_space<vmem>>
        %dma_start3A_373 = tpu.memref_squeeze %dma_start3A_372 : memref<1x128x16xf32, #tpu.memory_space<vmem>> -> memref<128x16xf32, #tpu.memory_space<vmem>>
        %dma_start3A_374 = arith.constant 0 : i32
        %dma_start3A_375 = tpu.memref_slice %arg5[%add3A_363, %dma_start3A_374] : memref<80x128xi32, #tpu.memory_space<vmem>> -> memref<1x128xi32, #tpu.memory_space<vmem>>
        %dma_start3A_376 = tpu.memref_squeeze %dma_start3A_375 : memref<1x128xi32, #tpu.memory_space<vmem>> -> memref<128xi32, #tpu.memory_space<vmem>>
        %dma_start3A_377 = arith.constant 0 : i32
        %dma_start3A_378 = arith.constant 0 : i32
        %dma_start3A_379 = tpu.memref_slice %arg9[%dma_start3A_377, %dma_start3A_378] : memref<10240x16xf32, #tpu.memory_space<vmem_shared>> -> memref<10240x16xf32, #tpu.memory_space<vmem_shared>>
        tpu.enqueue_indirect_dma source(%dma_start3A_379 : memref<10240x16xf32, #tpu.memory_space<vmem_shared>>) target(%dma_start3A_373 : memref<128x16xf32, #tpu.memory_space<vmem>>) offsets(%dma_start3A_376 : memref<128xi32, #tpu.memory_space<vmem>>) semaphore(%arg22 : memref<!tpu.dma_semaphore, #tpu.memory_space<semaphore_mem>>)
      } else {
      }
    }
    %scan3A_165 = arith.constant 10 : i32
    %barrier3A_166 = arith.constant 0 : index
    tpu.barrier barrier_id(%barrier3A_166)
    %mul3A_167 = arith.constant 640 : i32
    %mul3A_168 = arith.muli %arg1, %mul3A_167 : i32
    "tpu.region"() ({
      %run_scoped3A = tpu.sem_alloc : memref<!tpu.dma_semaphore, #tpu.memory_space<semaphore_mem>>
      %dma_start3A_176 = arith.constant 0 : i32
      %dma_start3A_177 = tpu.memref_slice %arg8[%mul3A_168, %dma_start3A_176] : memref<10240x16xf32, #tpu.memory_space<vmem_shared>> -> memref<640x16xf32, #tpu.memory_space<vmem_shared>>
      %dma_start3A_178 = arith.constant 0 : i32
      %dma_start3A_179 = tpu.memref_slice %arg8[%mul3A_168, %dma_start3A_178] : memref<10240x16xf32, #tpu.memory_space<vmem_shared>> -> memref<640x16xf32, #tpu.memory_space<vmem_shared>>
      tpu.enqueue_dma source(%dma_start3A_179 : memref<640x16xf32, #tpu.memory_space<vmem_shared>>) target(%arg10 : memref<640x16xf32, #tpu.memory_space<vmem>>) target_semaphore(%run_scoped3A : memref<!tpu.dma_semaphore, #tpu.memory_space<semaphore_mem>>)
      %dma_wait3A_180 = arith.constant 0 : i32
      %dma_wait3A_181 = tpu.memref_slice %arg8[%mul3A_168, %dma_wait3A_180] : memref<10240x16xf32, #tpu.memory_space<vmem_shared>> -> memref<640x16xf32, #tpu.memory_space<vmem_shared>>
      %dma_wait3A_182 = arith.constant 0 : i32
      %dma_wait3A_183 = tpu.memref_slice %arg8[%mul3A_168, %dma_wait3A_182] : memref<10240x16xf32, #tpu.memory_space<vmem_shared>> -> memref<640x16xf32, #tpu.memory_space<vmem_shared>>
      tpu.wait_dma2 semaphore(%run_scoped3A : memref<!tpu.dma_semaphore, #tpu.memory_space<semaphore_mem>>) src(%dma_wait3A_183 : memref<640x16xf32, #tpu.memory_space<vmem_shared>>) dst(%arg10 : memref<640x16xf32, #tpu.memory_space<vmem>>)
      tpu.yield
    }) : () -> ()
    %scan3A_169 = arith.constant 0 : i32
    %scan3A_170 = arith.constant 80 : i32
    %scan3A_171 = arith.addi %scan3A_169, %scan3A_170 : i32
    %scan3A_172 = arith.constant 1 : i32
    scf.for %scan3A_176 = %scan3A_169 to %scan3A_171 step %scan3A_172  : i32 {
      %mul3A_177 = arith.constant 1 : i32
      %mul3A_178 = arith.muli %scan3A_176, %mul3A_177 : i32
      %add3A_179 = arith.constant 0 : i32
      %add3A_180 = arith.addi %add3A_179, %mul3A_178 : i32
      %mul3A_181 = arith.constant 8 : i32
      %mul3A_182 = arith.muli %add3A_180, %mul3A_181 : i32
      %add3A_183 = arith.constant 0 : i32
      %add3A_184 = arith.addi %mul3A_182, %add3A_183 : i32
      %get3A = arith.index_cast %add3A_184 : i32 to index
      %get3A_185 = arith.constant 0 : index
      %get3A_186 = tpu.vector_load %arg10[%get3A, %get3A_185] {strides = array<i32>} : memref<640x16xf32, #tpu.memory_space<vmem>>, vector<1x16xf32>,
      %get3A_187 = vector.shape_cast %get3A_186 : vector<1x16xf32> to vector<16xf32>
      %swap3A = arith.index_cast %add3A_180 : i32 to index
      %swap3A_188 = arith.constant 0 : index
      %swap3A_189 = tpu.vector_load %arg11[%swap3A, %swap3A_188] {strides = array<i32>} : memref<80x128xf32, #tpu.memory_space<vmem>>, vector<1x16xf32>,
      %swap3A_190 = vector.shape_cast %swap3A_189 : vector<1x16xf32> to vector<16xf32>
      %swap3A_191 = vector.shape_cast %get3A_187 : vector<16xf32> to vector<1x16xf32>
      tpu.vector_store %arg11[%swap3A, %swap3A_188], %swap3A_191 {strides = array<i32>} : memref<80x128xf32, #tpu.memory_space<vmem>>, vector<1x16xf32>,
      %mul3A_192 = arith.constant 8 : i32
      %mul3A_193 = arith.muli %add3A_180, %mul3A_192 : i32
      %add3A_194 = arith.constant 1 : i32
      %add3A_195 = arith.addi %mul3A_193, %add3A_194 : i32
      %get3A_196 = arith.index_cast %add3A_195 : i32 to index
      %get3A_197 = arith.constant 0 : index
      %get3A_198 = tpu.vector_load %arg10[%get3A_196, %get3A_197] {strides = array<i32>} : memref<640x16xf32, #tpu.memory_space<vmem>>, vector<1x16xf32>,
      %get3A_199 = vector.shape_cast %get3A_198 : vector<1x16xf32> to vector<16xf32>
      %swap3A_200 = arith.index_cast %add3A_180 : i32 to index
      %swap3A_201 = arith.constant 16 : index
      %swap3A_202 = tpu.vector_load %arg11[%swap3A_200, %swap3A_201] {strides = array<i32>} : memref<80x128xf32, #tpu.memory_space<vmem>>, vector<1x16xf32>,
      %swap3A_203 = vector.shape_cast %swap3A_202 : vector<1x16xf32> to vector<16xf32>
      %swap3A_204 = vector.shape_cast %get3A_199 : vector<16xf32> to vector<1x16xf32>
      tpu.vector_store %arg11[%swap3A_200, %swap3A_201], %swap3A_204 {strides = array<i32>} : memref<80x128xf32, #tpu.memory_space<vmem>>, vector<1x16xf32>,
      %mul3A_205 = arith.constant 8 : i32
      %mul3A_206 = arith.muli %add3A_180, %mul3A_205 : i32
      %add3A_207 = arith.constant 2 : i32
      %add3A_208 = arith.addi %mul3A_206, %add3A_207 : i32
      %get3A_209 = arith.index_cast %add3A_208 : i32 to index
      %get3A_210 = arith.constant 0 : index
      %get3A_211 = tpu.vector_load %arg10[%get3A_209, %get3A_210] {strides = array<i32>} : memref<640x16xf32, #tpu.memory_space<vmem>>, vector<1x16xf32>,
      %get3A_212 = vector.shape_cast %get3A_211 : vector<1x16xf32> to vector<16xf32>
      %swap3A_213 = arith.index_cast %add3A_180 : i32 to index
      %swap3A_214 = arith.constant 32 : index
      %swap3A_215 = tpu.vector_load %arg11[%swap3A_213, %swap3A_214] {strides = array<i32>} : memref<80x128xf32, #tpu.memory_space<vmem>>, vector<1x16xf32>,
      %swap3A_216 = vector.shape_cast %swap3A_215 : vector<1x16xf32> to vector<16xf32>
      %swap3A_217 = vector.shape_cast %get3A_212 : vector<16xf32> to vector<1x16xf32>
      tpu.vector_store %arg11[%swap3A_213, %swap3A_214], %swap3A_217 {strides = array<i32>} : memref<80x128xf32, #tpu.memory_space<vmem>>, vector<1x16xf32>,
      %mul3A_218 = arith.constant 8 : i32
      %mul3A_219 = arith.muli %add3A_180, %mul3A_218 : i32
      %add3A_220 = arith.constant 3 : i32
      %add3A_221 = arith.addi %mul3A_219, %add3A_220 : i32
      %get3A_222 = arith.index_cast %add3A_221 : i32 to index
      %get3A_223 = arith.constant 0 : index
      %get3A_224 = tpu.vector_load %arg10[%get3A_222, %get3A_223] {strides = array<i32>} : memref<640x16xf32, #tpu.memory_space<vmem>>, vector<1x16xf32>,
      %get3A_225 = vector.shape_cast %get3A_224 : vector<1x16xf32> to vector<16xf32>
      %swap3A_226 = arith.index_cast %add3A_180 : i32 to index
      %swap3A_227 = arith.constant 48 : index
      %swap3A_228 = tpu.vector_load %arg11[%swap3A_226, %swap3A_227] {strides = array<i32>} : memref<80x128xf32, #tpu.memory_space<vmem>>, vector<1x16xf32>,
      %swap3A_229 = vector.shape_cast %swap3A_228 : vector<1x16xf32> to vector<16xf32>
      %swap3A_230 = vector.shape_cast %get3A_225 : vector<16xf32> to vector<1x16xf32>
      tpu.vector_store %arg11[%swap3A_226, %swap3A_227], %swap3A_230 {strides = array<i32>} : memref<80x128xf32, #tpu.memory_space<vmem>>, vector<1x16xf32>,
      %mul3A_231 = arith.constant 8 : i32
      %mul3A_232 = arith.muli %add3A_180, %mul3A_231 : i32
      %add3A_233 = arith.constant 4 : i32
      %add3A_234 = arith.addi %mul3A_232, %add3A_233 : i32
      %get3A_235 = arith.index_cast %add3A_234 : i32 to index
      %get3A_236 = arith.constant 0 : index
      %get3A_237 = tpu.vector_load %arg10[%get3A_235, %get3A_236] {strides = array<i32>} : memref<640x16xf32, #tpu.memory_space<vmem>>, vector<1x16xf32>,
      %get3A_238 = vector.shape_cast %get3A_237 : vector<1x16xf32> to vector<16xf32>
      %swap3A_239 = arith.index_cast %add3A_180 : i32 to index
      %swap3A_240 = arith.constant 64 : index
      %swap3A_241 = tpu.vector_load %arg11[%swap3A_239, %swap3A_240] {strides = array<i32>} : memref<80x128xf32, #tpu.memory_space<vmem>>, vector<1x16xf32>,
      %swap3A_242 = vector.shape_cast %swap3A_241 : vector<1x16xf32> to vector<16xf32>
      %swap3A_243 = vector.shape_cast %get3A_238 : vector<16xf32> to vector<1x16xf32>
      tpu.vector_store %arg11[%swap3A_239, %swap3A_240], %swap3A_243 {strides = array<i32>} : memref<80x128xf32, #tpu.memory_space<vmem>>, vector<1x16xf32>,
      %mul3A_244 = arith.constant 8 : i32
      %mul3A_245 = arith.muli %add3A_180, %mul3A_244 : i32
      %add3A_246 = arith.constant 5 : i32
      %add3A_247 = arith.addi %mul3A_245, %add3A_246 : i32
      %get3A_248 = arith.index_cast %add3A_247 : i32 to index
      %get3A_249 = arith.constant 0 : index
      %get3A_250 = tpu.vector_load %arg10[%get3A_248, %get3A_249] {strides = array<i32>} : memref<640x16xf32, #tpu.memory_space<vmem>>, vector<1x16xf32>,
      %get3A_251 = vector.shape_cast %get3A_250 : vector<1x16xf32> to vector<16xf32>
      %swap3A_252 = arith.index_cast %add3A_180 : i32 to index
      %swap3A_253 = arith.constant 80 : index
      %swap3A_254 = tpu.vector_load %arg11[%swap3A_252, %swap3A_253] {strides = array<i32>} : memref<80x128xf32, #tpu.memory_space<vmem>>, vector<1x16xf32>,
      %swap3A_255 = vector.shape_cast %swap3A_254 : vector<1x16xf32> to vector<16xf32>
      %swap3A_256 = vector.shape_cast %get3A_251 : vector<16xf32> to vector<1x16xf32>
      tpu.vector_store %arg11[%swap3A_252, %swap3A_253], %swap3A_256 {strides = array<i32>} : memref<80x128xf32, #tpu.memory_space<vmem>>, vector<1x16xf32>,
      %mul3A_257 = arith.constant 8 : i32
      %mul3A_258 = arith.muli %add3A_180, %mul3A_257 : i32
      %add3A_259 = arith.constant 6 : i32
      %add3A_260 = arith.addi %mul3A_258, %add3A_259 : i32
      %get3A_261 = arith.index_cast %add3A_260 : i32 to index
      %get3A_262 = arith.constant 0 : index
      %get3A_263 = tpu.vector_load %arg10[%get3A_261, %get3A_262] {strides = array<i32>} : memref<640x16xf32, #tpu.memory_space<vmem>>, vector<1x16xf32>,
      %get3A_264 = vector.shape_cast %get3A_263 : vector<1x16xf32> to vector<16xf32>
      %swap3A_265 = arith.index_cast %add3A_180 : i32 to index
      %swap3A_266 = arith.constant 96 : index
      %swap3A_267 = tpu.vector_load %arg11[%swap3A_265, %swap3A_266] {strides = array<i32>} : memref<80x128xf32, #tpu.memory_space<vmem>>, vector<1x16xf32>,
      %swap3A_268 = vector.shape_cast %swap3A_267 : vector<1x16xf32> to vector<16xf32>
      %swap3A_269 = vector.shape_cast %get3A_264 : vector<16xf32> to vector<1x16xf32>
      tpu.vector_store %arg11[%swap3A_265, %swap3A_266], %swap3A_269 {strides = array<i32>} : memref<80x128xf32, #tpu.memory_space<vmem>>, vector<1x16xf32>,
      %mul3A_270 = arith.constant 8 : i32
      %mul3A_271 = arith.muli %add3A_180, %mul3A_270 : i32
      %add3A_272 = arith.constant 7 : i32
      %add3A_273 = arith.addi %mul3A_271, %add3A_272 : i32
      %get3A_274 = arith.index_cast %add3A_273 : i32 to index
      %get3A_275 = arith.constant 0 : index
      %get3A_276 = tpu.vector_load %arg10[%get3A_274, %get3A_275] {strides = array<i32>} : memref<640x16xf32, #tpu.memory_space<vmem>>, vector<1x16xf32>,
      %get3A_277 = vector.shape_cast %get3A_276 : vector<1x16xf32> to vector<16xf32>
      %swap3A_278 = arith.index_cast %add3A_180 : i32 to index
      %swap3A_279 = arith.constant 112 : index
      %swap3A_280 = tpu.vector_load %arg11[%swap3A_278, %swap3A_279] {strides = array<i32>} : memref<80x128xf32, #tpu.memory_space<vmem>>, vector<1x16xf32>,
      %swap3A_281 = vector.shape_cast %swap3A_280 : vector<1x16xf32> to vector<16xf32>
      %swap3A_282 = vector.shape_cast %get3A_277 : vector<16xf32> to vector<1x16xf32>
      tpu.vector_store %arg11[%swap3A_278, %swap3A_279], %swap3A_282 {strides = array<i32>} : memref<80x128xf32, #tpu.memory_space<vmem>>, vector<1x16xf32>,
    }
    %scan3A_173 = arith.constant 80 : i32
    %mul3A_174 = arith.constant 80 : i32
    %mul3A_175 = arith.muli %arg1, %mul3A_174 : i32
    "tpu.region"() ({
      %run_scoped3A = tpu.sem_alloc : memref<!tpu.dma_semaphore, #tpu.memory_space<semaphore_mem>>
      %dma_start3A_176 = arith.constant 0 : i32
      %dma_start3A_177 = tpu.memref_slice %arg4[%arg0, %mul3A_175, %dma_start3A_176] : memref<2x1280x128xf32, #tpu.memory_space<hbm>> -> memref<1x80x128xf32, #tpu.memory_space<hbm>>
      %dma_start3A_178 = tpu.memref_squeeze %dma_start3A_177 : memref<1x80x128xf32, #tpu.memory_space<hbm>> -> memref<80x128xf32, #tpu.memory_space<hbm>>
      %dma_start3A_179 = arith.constant 0 : i32
      %dma_start3A_180 = tpu.memref_slice %arg4[%arg0, %mul3A_175, %dma_start3A_179] : memref<2x1280x128xf32, #tpu.memory_space<hbm>> -> memref<1x80x128xf32, #tpu.memory_space<hbm>>
      %dma_start3A_181 = tpu.memref_squeeze %dma_start3A_180 : memref<1x80x128xf32, #tpu.memory_space<hbm>> -> memref<80x128xf32, #tpu.memory_space<hbm>>
      tpu.enqueue_dma source(%arg11 : memref<80x128xf32, #tpu.memory_space<vmem>>) target(%dma_start3A_181 : memref<80x128xf32, #tpu.memory_space<hbm>>) target_semaphore(%run_scoped3A : memref<!tpu.dma_semaphore, #tpu.memory_space<semaphore_mem>>)
      %dma_wait3A_182 = arith.constant 0 : i32
      %dma_wait3A_183 = tpu.memref_slice %arg4[%arg0, %mul3A_175, %dma_wait3A_182] : memref<2x1280x128xf32, #tpu.memory_space<hbm>> -> memref<1x80x128xf32, #tpu.memory_space<hbm>>
      %dma_wait3A_184 = tpu.memref_squeeze %dma_wait3A_183 : memref<1x80x128xf32, #tpu.memory_space<hbm>> -> memref<80x128xf32, #tpu.memory_space<hbm>>
      %dma_wait3A_185 = arith.constant 0 : i32
      %dma_wait3A_186 = tpu.memref_slice %arg4[%arg0, %mul3A_175, %dma_wait3A_185] : memref<2x1280x128xf32, #tpu.memory_space<hbm>> -> memref<1x80x128xf32, #tpu.memory_space<hbm>>
      %dma_wait3A_187 = tpu.memref_squeeze %dma_wait3A_186 : memref<1x80x128xf32, #tpu.memory_space<hbm>> -> memref<80x128xf32, #tpu.memory_space<hbm>>
      tpu.wait_dma2 semaphore(%run_scoped3A : memref<!tpu.dma_semaphore, #tpu.memory_space<semaphore_mem>>) src(%arg11 : memref<80x128xf32, #tpu.memory_space<vmem>>) dst(%dma_wait3A_187 : memref<80x128xf32, #tpu.memory_space<hbm>>)
      tpu.yield
    }) : () -> ()
    return
  }
}

module attributes {stable_mosaic.version = 14 : i64} {
  func.func @mm(%arg0: memref<1250x1024xf32, #tpu.memory_space<vmem>>, %arg1: memref<1024x128xf32, #tpu.memory_space<vmem>>, %arg2: memref<1280x128xf32, #tpu.memory_space<vmem>>) attributes {dimension_semantics = [], scalar_prefetch = 0 : i64, scratch_operands = 0 : i64, tpu.core_type = #tpu.core_type<tc>} {
    %get3A = arith.constant 0 : index
    %get3A_0 = arith.constant 0 : index
    %get3A_1 = vector.load %arg0[%get3A, %get3A_0] : memref<1250x1024xf32, #tpu.memory_space<vmem>>, vector<1250x1024xf32>
    %get3A_2 = arith.constant 0 : index
    %get3A_3 = arith.constant 0 : index
    %get3A_4 = vector.load %arg1[%get3A_2, %get3A_3] : memref<1024x128xf32, #tpu.memory_space<vmem>>, vector<1024x128xf32>
    %dot_general3A = arith.constant dense<0.000000e+00> : vector<1250x128xf32>
    %dot_general3A_5 = tpu.matmul %get3A_1, %get3A_4, %dot_general3A {dimension_numbers = #tpu.dot_dimension_numbers<[1], [0], [0], [1], [0, 0, 1, 1], [], []>, transpose_lhs_hint = false} : vector<1250x1024xf32>, vector<1024x128xf32>, vector<1250x128xf32> -> vector<1250x128xf32>
    %jit3A = arith.constant 0 : i32
    %convert_element_type3A = arith.sitofp %jit3A : i32 to f32
    %pad3A = vector.broadcast %convert_element_type3A : f32 to vector<30x128xf32>
    %pad3A_6 = tpu.concatenate %dot_general3A_5, %pad3A in 0 : vector<1250x128xf32>, vector<30x128xf32> -> vector<1280x128xf32>
    %swap3A = arith.constant 0 : index
    %swap3A_7 = arith.constant 0 : index
    %swap3A_8 = vector.load %arg2[%swap3A, %swap3A_7] : memref<1280x128xf32, #tpu.memory_space<vmem>>, vector<1280x128xf32>
    tpu.vector_store %arg2[%swap3A, %swap3A_7], %pad3A_6 {strides = array<i32>} : memref<1280x128xf32, #tpu.memory_space<vmem>>, vector<1280x128xf32>,
    return
  }
}

module attributes {stable_mosaic.version = 14 : i64} {
  func.func @body(%arg0: memref<10000x16xf32, #tpu.memory_space<vmem>>, %arg1: memref<16x40xf32, #tpu.memory_space<vmem>>, %arg2: memref<40xf32, #tpu.memory_space<vmem>>, %arg3: memref<10000x40xf32, #tpu.memory_space<vmem>>) attributes {dimension_semantics = [], scalar_prefetch = 0 : i64, scratch_operands = 0 : i64, tpu.core_type = #tpu.core_type<tc>} {
    %get3A = arith.constant 0 : index
    %get3A_0 = arith.constant 0 : index
    %get3A_1 = vector.load %arg0[%get3A, %get3A_0] : memref<10000x16xf32, #tpu.memory_space<vmem>>, vector<10000x16xf32>
    %get3A_2 = arith.constant 0 : index
    %get3A_3 = arith.constant 0 : index
    %get3A_4 = vector.load %arg1[%get3A_2, %get3A_3] : memref<16x40xf32, #tpu.memory_space<vmem>>, vector<16x40xf32>
    %dot_general3A = arith.constant dense<0.000000e+00> : vector<10000x40xf32>
    %dot_general3A_5 = tpu.matmul %get3A_1, %get3A_4, %dot_general3A {dimension_numbers = #tpu.dot_dimension_numbers<[1], [0], [0], [1], [0, 0, 1, 1], [], []>, transpose_lhs_hint = false} : vector<10000x16xf32>, vector<16x40xf32>, vector<10000x40xf32> -> vector<10000x40xf32>
    %get3A_6 = arith.constant 0 : index
    %get3A_7 = vector.load %arg2[%get3A_6] : memref<40xf32, #tpu.memory_space<vmem>>, vector<40xf32>
    %broadcast_in_dim3A = vector.shape_cast %get3A_7 : vector<40xf32> to vector<1x40xf32>
    %add3A = vector.broadcast %broadcast_in_dim3A : vector<1x40xf32> to vector<10000x40xf32>
    %add3A_8 = arith.addf %dot_general3A_5, %add3A : vector<10000x40xf32>
    %reduce_max3A = arith.constant dense<0xFF800000> : vector<10000xf32>
    %reduce_max3A_9 = vector.multi_reduction <maximumf>, %add3A_8, %reduce_max3A [1] : vector<10000x40xf32> to vector<10000xf32>
    %broadcast_in_dim3A_10 = vector.shape_cast %reduce_max3A_9 : vector<10000xf32> to vector<10000x1xf32>
    %sub3A = vector.broadcast %broadcast_in_dim3A_10 : vector<10000x1xf32> to vector<10000x40xf32>
    %sub3A_11 = arith.subf %add3A_8, %sub3A : vector<10000x40xf32>
    %exp3A = math.exp %sub3A_11 : vector<10000x40xf32>
    %reduce_sum3A = arith.constant dense<0.000000e+00> : vector<10000xf32>
    %reduce_sum3A_12 = vector.multi_reduction <add>, %exp3A, %reduce_sum3A [1] : vector<10000x40xf32> to vector<10000xf32>
    %broadcast_in_dim3A_13 = vector.shape_cast %reduce_sum3A_12 : vector<10000xf32> to vector<10000x1xf32>
    %log3A = math.log %broadcast_in_dim3A_13 : vector<10000x1xf32>
    %sub3A_14 = vector.broadcast %log3A : vector<10000x1xf32> to vector<10000x40xf32>
    %sub3A_15 = arith.subf %sub3A_11, %sub3A_14 : vector<10000x40xf32>
    %swap3A = arith.constant 0 : index
    %swap3A_16 = arith.constant 0 : index
    %swap3A_17 = vector.load %arg3[%swap3A, %swap3A_16] : memref<10000x40xf32, #tpu.memory_space<vmem>>, vector<10000x40xf32>
    tpu.vector_store %arg3[%swap3A, %swap3A_16], %sub3A_15 {strides = array<i32>} : memref<10000x40xf32, #tpu.memory_space<vmem>>, vector<10000x40xf32>,
    return
  }
}

</mosaic_0001>

<sc_bundles>
// kernel: kernel.10.cloned.1.call-start
scs
__scs_entry_jumppad:
0x0: {  	(pc) =	sbr.rel $0x88, $3  }
0x1: {  	(tag) =	ssettag $0x0;
	lr =	simm.s32 $0x1  }
0x2: {  	[smem:$0x3F9B] =	sst lr;
	_ =	strace $0xD0000000  }
0x3: {  	_ = 	snop  }
0x4: {  	_ = 	snop  }
0x5: {  	_ = 	snop  }
0x6: {  	_ = 	snop  }
0x7: {  	_ = 	snop  }
__scs_overlays_trampoline_lowered:
0x8: {  	[smem:$0x3FAA] =	sst s0  }
0x9: {  	[smem:$0x3FAB] =	sst s1  }
0xa: {  	[smem:$0x3FAC] =	sst s2  }
0xb: {  	[smem:$0x3FAD] =	sst s3  }
0xc: {  	[smem:$0x3FAE] =	sst s4  }
0xd: {  	[smem:$0x3FAF] =	sst s5  }
0xe: {  	[smem:$0x3FB0] =	sst s6  }
0xf: {  	[smem:$0x3FB1] =	sst s7  }
0x10: {  	[smem:$0x3FB2] =	sst s8  }
0x11: {  	[smem:$0x3FB3] =	sst s9;
	s0 =	simm.s32 @!p0 $0x0  }
0x12: {  	s1 =	sld [smem:$0x3F99];
	s0 =	simm.s32 @p0 $0x1  }
0x13: {  	[smem:$0x3FB4] =	sst s0;
	s0 =	simm.s32 @!p1 $0x0  }
0x14: {  	s2 =	sld [smem:$0x3F98];
	s0 =	simm.s32 @p1 $0x1  }
0x15: {  	[smem:$0x3FB5] =	sst s0;
	s0 =	simm.s32 @!p2 $0x0  }
0x16: {  	s3 =	sld [smem:$0x3FDB];
	s0 =	simm.s32 @p2 $0x1  }
0x17: {  	s4 =	simm.s32 $0x1BF5;
	[smem:$0x3FB7] =	sst s0  }
0x18: {  	s0 =	sld [smem:$0x3F9A];
	_ =	swait.ge [sflag:s4], $0x0  }
0x19: {  	s7 =	sld [smem:$0x3F9B]  }
0x1a: {  	s8 =	sadd.s32 $0xFFFFE003, lr  }
0x1b: {  	s9 =	sadd.s32 $0xFFFFFEF7, lr;
	s5 =	simm.s32 $0xFFFFFFFF;
	p2 =	slt.u32 s8, $0xFFFFF086  }
0x1c: {  	p1 =	slt.u32 s9, $0xF7A;
	s5 =	simm.s32 @!p2 $0x0  }
0x1d: {  	s5 =	simm.s32 @p1 $0x1;
	p0 =	seq.s32 s7, s2  }
0x1e: {  	s7 =	smul.u32 @!p0 $0xF7A, s2;
	p2 =	seq.s32 @!p0 s5, $0x0  }
0x1f: {  	s9 =	smul.u32 $0xF7A, s1;
	s8 =	simm.s32 @!p0 $0x1BF5;
	p2 =	por !p2, p0  }
0x20: {  	[sflag:s8] =	ssyncset.s32 @!p0 $0xFFFFF086;
	s6 =	sadd.s32 @!p0 s3, s7;
	s7 =	simm.s32 @!p0 $0x108  }
0x21: {  	s3 =	sadd.s32 s3, s9;
	s6 =	sadd.s32 @!p0 $0x88, s6;
	s7 =	simm.s32 @p2 $0x1082  }
0x22: {  	[simem:s7], [sflag:s8] =	dma.local @!p0 [hbm:s6], $0xF7A  }
0x23: {  	s9 =	sor.u32 $0xD0000000, s2;
	s6 =	simm.s32 $0x108;
	_ =	swait.ge @!p0 [sflag:s8], $0x0  }
0x24: {  	s3 =	sadd.s32 $0x88, s3;
	s6 =	simm.s32 @!p1 $0x1082;
	[sflag:s4] =	ssyncset.s32 $0xFFFFF086  }
0x25: {  	[simem:s6], [sflag:s4] =	dma.local [hbm:s3], $0xF7A  }
0x26: {  	[smem:$0x3F9B] =	sst s1;
	(tag) =	ssettag s2;
	_ =	strace s9  }
0x27: {  	s1 =	sld [smem:$0x3FAB]  }
0x28: {  	s2 =	sld [smem:$0x3FAC]  }
0x29: {  	s4 =	sld [smem:$0x3FAE]  }
0x2a: {  	p0 =	seq.s32 s5, $0x0;
	s5 =	sld [smem:$0x3FAF]  }
0x2b: {  	s6 =	sld [smem:$0x3FB0]  }
0x2c: {  	s7 =	sld [smem:$0x3FB1]  }
0x2d: {  	s3 =	simm.s32 $0x108;
	s8 =	sld [smem:$0x3FB2]  }
0x2e: {  	s3 =	simm.s32 @!p0 $0x1082;
	s9 =	sld [smem:$0x3FB3]  }
0x2f: {  	lr =	sadd.s32 s0, s3;
	s0 =	sld [smem:$0x3FAA]  }
0x30: {  	s3 =	sld [smem:$0x3FAD]  }
0x31: {  	[smem:$0x3FB6] =	sst s10  }
0x32: {  	s10 =	sld [smem:$0x3FB4];
	_ =	sdelay $0x3  }
0x33: {  	p0 =	seq.s32 s10, $0x1;
	s10 =	sld [smem:$0x3FB6];
	_ =	sdelay $0x3  }
0x34: {  	[smem:$0x3FB6] =	sst s10  }
0x35: {  	s10 =	sld [smem:$0x3FB5];
	_ =	sdelay $0x3  }
0x36: {  	p1 =	seq.s32 s10, $0x1;
	s10 =	sld [smem:$0x3FB6];
	_ =	sdelay $0x3  }
0x37: {  	[smem:$0x3FB6] =	sst s10  }
0x38: {  	s10 =	sld [smem:$0x3FB7]  }
0x39: {  	_ = 	snop;
	(pc) =	sbr.ind lr, $3  }
0x3a: {  	_ = 	snop  }
0x3b: {  	_ = 	snop  }
0x3c: {  	p2 =	seq.s32 s10, $0x1;
	s10 =	sld [smem:$0x3FB6]  }
0x3d: {  	_ =	shalt  }
0x3e: {  	_ =	shalt  }
0x3f: {  	_ =	shalt  }
0x40: {  	_ =	shalt  }
0x41: {  	_ =	shalt  }
0x42: {  	_ =	shalt  }
0x43: {  	_ =	shalt  }
0x44: {  	_ =	shalt  }
0x45: {  	_ =	shalt  }
0x46: {  	_ =	shalt  }
0x47: {  	_ =	shalt  }
0x48: {  	_ =	shalt  }
0x49: {  	_ =	shalt  }
0x4a: {  	_ =	shalt  }
0x4b: {  	_ =	shalt  }
0x4c: {  	_ =	shalt  }
0x4d: {  	_ =	shalt  }
0x4e: {  	_ =	shalt  }
0x4f: {  	_ =	shalt  }
0x50: {  	_ =	shalt  }
0x51: {  	_ =	shalt  }
0x52: {  	_ =	shalt  }
0x53: {  	_ =	shalt  }
0x54: {  	_ =	shalt  }
0x55: {  	_ =	shalt  }
0x56: {  	_ =	shalt  }
0x57: {  	_ =	shalt  }
0x58: {  	_ =	shalt  }
0x59: {  	_ =	shalt  }
0x5a: {  	_ =	shalt  }
0x5b: {  	_ =	shalt  }
0x5c: {  	_ =	shalt  }
0x5d: {  	_ =	shalt  }
0x5e: {  	_ =	shalt  }
0x5f: {  	_ =	shalt  }
0x60: {  	_ =	shalt  }
0x61: {  	_ =	shalt  }
0x62: {  	_ =	shalt  }
0x63: {  	_ =	shalt  }
0x64: {  	_ =	shalt  }
0x65: {  	_ =	shalt  }
0x66: {  	_ =	shalt  }
0x67: {  	_ =	shalt  }
0x68: {  	_ =	shalt  }
0x69: {  	_ =	shalt  }
0x6a: {  	_ =	shalt  }
0x6b: {  	_ =	shalt  }
0x6c: {  	_ =	shalt  }
0x6d: {  	_ =	shalt  }
0x6e: {  	_ =	shalt  }
0x6f: {  	_ =	shalt  }
0x70: {  	_ =	shalt  }
0x71: {  	_ =	shalt  }
0x72: {  	_ =	shalt  }
0x73: {  	_ =	shalt  }
0x74: {  	_ =	shalt  }
0x75: {  	_ =	shalt  }
0x76: {  	_ =	shalt  }
0x77: {  	_ =	shalt  }
0x78: {  	_ =	shalt  }
0x79: {  	_ =	shalt  }
0x7a: {  	_ =	shalt  }
0x7b: {  	_ =	shalt  }
0x7c: {  	_ =	shalt  }
0x7d: {  	_ =	shalt  }
0x7e: {  	_ =	shalt  }
0x7f: {  	_ =	shalt  }
0x80: {  	_ =	shalt  }
0x81: {  	_ =	shalt  }
0x82: {  	_ =	shalt  }
0x83: {  	_ =	shalt  }
0x84: {  	_ =	shalt  }
0x85: {  	_ =	shalt  }
0x86: {  	_ =	shalt  }
0x87: {  	_ =	shalt  }
.Lfunc_end0:
.L_simem_size_0:
called_computation.1_lowered:
.L_overlay_start_0:
0x88: {  	s2 =	sld [smem:$0x3FD9]  }
0x89: {  	s3 =	sld [smem:$0x3FFE];
	_ =	sdelay $0x1  }
0x8a: {  	s1 =	srdreg.scid  }
0x8b: {  	s0 =	sand.u32 $0x1, s1  }
0x8c: {  	s17 =	sshll.u32 s0, $0xA;
	s2 =	sadd.s32 s3, s2  }
0x8d: {  	s2 =	sadd.s32 s2, s17  }
0x8e: {  	[smem:$0x3FC2] =	sst s2  }
0x8f: {  	_ = 	snop  }
0x90: {  	s2 =	sld [smem:$0x3FD0];
	(tm) =	ssettm $0x1  }
0x91: {  	s18 =	sld [smem:$0x3FFB];
	_ =	sdelay $0x3  }
0x92: {  	_ =	strace s18  }
0x93: {  	s3 =	sld [smem:$0x3FFC];
	_ =	sdelay $0x3  }
0x94: {  	_ =	strace s3  }
0x95: {  	s3 =	sld [smem:$0x3FFD];
	_ =	sdelay $0x3  }
0x96: {  	_ =	strace s3  }
0x97: {  	_ =	strace $0x8FFFFFFF  }
0x98: {  	s19 =	sld [smem:$0x3FDB];
	_ =	sdelay $0x1  }
0x99: {  	s4 =	simm.s32 $_scs_section_size  }
0x9a: {  	s5 =	simm.s32 $_size__tile_overlayer_lowered;
	s6 =	simm.s32 $_tile_overlayer_lowered  }
0x9b: {  	s22 =	simm.s32 $0x1BFF;
	s21 =	sshll.u32 s6, $0x1;
	s3 =	sadd.s32 s4, s19  }
0x9c: {  	s7 =	simm.s32 $0x0;
	s20 =	sshll.u32 s5, $0x1;
	s5 =	sadd.s32 s21, s3  }
0x9d: {  	[timem:s7], [sflag:s22] =	dma.local [hbm:s5], s20  }
0x9e: {  	_ =	swait.ge [sflag:s22], s20  }
0x9f: {  	s4 =	ssub.s32 $0x0, s20;
	[sflag:s22] =	ssyncset.done $0x0  }
0xa0: {  	[sflag:s22] =	ssyncadd.s32 s4;
	_ =	sdelay $0x1  }
0xa1: {  	s23 =	simm.s32 $0x1B8B  }
0xa2: {  	_ =	swait.ge [sflag:s23], $0x1  }
0xa3: {  	[sflag:s23] =	ssyncset.done $0x0  }
0xa4: {  	s25 =	simm.s32 $0x1B8E;
	s24 =	sld [smem:$0x3FFE];
	[sflag:s23] =	ssyncadd.s32 $0xFFFFFFFF  }
0xa5: {  	s26 =	simm.s32 $execute0_lowered;
	[smem:$0x3FD2] =	sst s25  }
0xa6: {  	s5 =	sshll.u32 s26, $0x1;
	_ =	strace $0x80000049;
	[dreg:$0x1] =	wrdreg $0xFFFFFFFF  }
0xa7: {  	s28 =	simm.s32 $_size_execute0_lowered;
	s3 =	sadd.s32 s3, s5;
	[dreg:$0x0] =	wrdreg $0x0  }
0xa8: {  	s5 =	sshll.u32 s28, $0x1;
	[dreg:$0x2] =	wrdreg s3  }
0xa9: {  	[dreg:$0x3] =	wrdreg s5  }
0xaa: {  	[dreg:$0x4] =	wrdreg $0xC0  }
0xab: {  	_ =	task [dreg:s7], $0x5FFFF  }
0xac: {  	[dreg:$0x1] =	wrdreg $0xFFFFFFFF  }
0xad: {  	[dreg:$0x0] =	wrdreg $0x60  }
0xae: {  	[dreg:$0x2] =	wrdreg s24  }
0xaf: {  	[dreg:$0x3] =	wrdreg s2  }
0xb0: {  	[dreg:$0x4] =	wrdreg $0x90000  }
0xb1: {  	[dreg:$0x5] =	wrdreg $0xB8000  }
0xb2: {  	[dreg:$0x6] =	wrdreg $0x9  }
0xb3: {  	_ =	task.clear_ibuf [dreg:s7], $0x7FFFF;
	_ =	strace $0x90000049  }
0xb4: {  	s29 =	simm.s32 $0x9;
	_ =	strace $0x8000004B  }
0xb5: {  	_ =	swait.ge [sflag:s29], $0x1  }
0xb6: {  	[sflag:s29] =	ssyncadd.s32 $0xFFFFFFFF  }
0xb7: {  	_ =	strace $0x9000004B  }
0xb8: {  	_ =	sfence  }
0xb9: {  	s30 =	sld [smem:$0x0];
	_ =	sdelay $0x2  }
0xba: {  	s31 =	sshll.u32 s1, $0xD;
	s1 =	sshrl.u32 s1, $0x2  }
0xbb: {  	s3 =	sand.u32 $0x4000, s31;
	s1 =	sadd.s32 s1, s30  }
0xbc: {  	s0 =	sor.u32 s3, s0;
	s1 =	sshll.u32 s1, $0x11  }
0xbd: {  	s0 =	sor.u32 s1, s0  }
0xbe: {  	s0 =	sadd.s32 $0x8F2B, s0  }
0xbf: {  	[sflag:s0] =	ssyncadd.remote.s32 $0x1  }
0xc0: {  	_ =	sfence.sel $0xFFFF  }
0xc1: {  	[dreg:$0x0] =	wrdreg $0xFFFFFFFF;
	(pc) =	sbr.abs _section_cstart, $3  }
0xc2: {  	[dreg:$0x1] =	wrdreg $0xFFFFFFFF  }
0xc3: {  	_ =	task.clear_ibuf [dreg:s7], $0x2FFFF;
	_ =	strace $0x9FFFFFFF  }
0xc4: {  	(tm) =	ssettm $0x7FFFFFFF  }
0xc5: {  	_ =	shalt  }
tec
execute0_lowered:
.L_overlay_start_1:
0x0: {  	(tag) =	ssettag $0x1  }
0x1: {  	s0 =	rddreg [dreg:$0x0]  }
0x2: {  	s1 =	rddreg [dreg:$0x1]  }
0x3: {  	s2 =	rddreg [dreg:$0x2]  }
0x4: {  	s3 =	rddreg [dreg:$0x3]  }
0x5: {  	s10 =	stileid.u32;
	s4 =	srdreg.scid;
	s29 =	simm.s32 $0x6000  }
0x6: {  	s30 =	simm.s32 $0x8000;
	s28 =	simm.s32 $0x8;
	s31 =	simm.s32 $0xA  }
0x7: {  	s5 =	sand.u32 $0x1, s4;
	s6 =	sshll.u32 s10, $0x1;
	s7 =	smul.u32 $0x2800, s10  }
0x8: {  	s4 =	simm.s32 $0x0;
	s10 =	smul.u32 $0xA000, s10;
	s6 =	sor.u32 s5, s6  }
0x9: {  	[smem:$0x7FF] =	sst s4;
	s9 =	ssub.s32 $0x2, s5;
	s5 =	smul.u32 $0x28000, s5  }
0xa: {  	s6 =	smul.u32 $0x2800, s6;
	_ =	strace $0x8000004A;
	s8 =	sshrl.u32 s7, $0x3  }
0xb: {  	s11 =	sshrl.u32 s9, $0x1;
	s18 =	sshrl.u32 s10, $0x2;
	s20 =	sadd.s32 s7, s3  }
0xc: {  	s21 =	sadd.s32 s7, s2;
	s10 =	simm.s32 $0x10800;
	s9 =	ssub.s32 s9, s11  }
0xd: {  	s5 =	sadd.s32 s7, s5;
	[dreg:$0x8] =	wrdreg s20;
	s6 =	sshrl.u32 s6, $0x3  }
0xe: {  	[dreg:$0x9] =	wrdreg s21;
	s22 =	smax.u32 s9, $0x1;
	s6 =	sadd.s32 s6, s0  }
0xf: {  	s20 =	simm.s32 $0xC;
	[dreg:$0xb] =	wrdreg s22;
	s17 =	sadd.s32 $0xC200, s6  }
0x10: {  	s0 =	sadd.s32 s8, s0;
	s6 =	sadd.s32 $0x2200, s6;
	[dreg:$0x5] =	wrdreg s17  }
0x11: {  	s8 =	sadd.s32 s18, s2;
	s0 =	sadd.s32 $0x16200, s0;
	[dreg:$0x6] =	wrdreg s6  }
0x12: {  	s21 =	simm.s32 $0x1;
	s23 =	sadd.s32 $0x800, s8;
	[dreg:$0x7] =	wrdreg s0  }
0x13: {  	s19 =	sshrl.u32 s5, $0x3;
	s24 =	sadd.s32 $0x1000, s8;
	[dreg:$0xc] =	wrdreg s23  }
0x14: {  	s5 =	simm.s32 $0xB;
	s25 =	sadd.s32 $0x1800, s8;
	[dreg:$0xd] =	wrdreg s24  }
0x15: {  	s22 =	simm.s32 $0x2;
	s26 =	sadd.s32 $0x2000, s8;
	[dreg:$0xe] =	wrdreg s25  }
0x16: {  	s0 =	sadd.s32 s1, s19;
	[dreg:$0xf] =	wrdreg s26;
	s19 =	simm.s32 $0x5000  }
0x17: {  	s23 =	simm.s32 $0x3;
	s24 =	simm.s32 $0xE000;
	s25 =	simm.s32 $0x80  }
0x18: {  	s1 =	simm.s32 $0x7000;
	s17 =	simm.s32 $0x4;
	s26 =	simm.s32 $0x6  }
0x19: {  	v0 =	vimm.f32 $0.0e+00;
	s6 =	simm.s32 $0x0;
	[dreg:$0xa] =	wrdreg s0;
	s0 =	simm.s32 $0x8800  }
.LBB2_1:
0x1a: {  	s7 =	rddreg [dreg:$0x5];
	s9 =	simm.s32 $0x2800  }
0x1b: {  	[tilespmem:s9], [sflag:$0x1] =	stream.linear.gather [hbm4b:s7+s4], $0x2800, $0x38;
	[tilespmem:$0x13000] =	vst v63  }
0x1c: {  	s16 =	rddreg [dreg:$0x6]  }
0x1d: {  	[tilespmem:s4], [sflag:$0x2] =	stream.linear.gather [hbm4b:s16+s4], $0x2800, $0x38;
	[tilespmem:$0x13000] =	vst v63  }
0x1e: {  	s18 =	rddreg [dreg:$0x7];
	s7 =	simm.s32 $0x40;
	s9 =	simm.s32 $0x0  }
0x1f: {  	[tilespmem:s10], [sflag:$0x3] =	stream.linear.gather [hbm4b:s18+s4], $0x2800, $0x38;
	[tilespmem:$0x13000] =	vst v63  }
.LBB2_2:
0x20: {  	p0 =	sne.s32 s7, $0x1FC0;
	[tilespmem:s9+$0x5000] =	vst v0;
	s9 =	smov.u32 s7;
	s7 =	sadd.s32 $0x40, s7  }
.Ltmp0:
0x21: {  	(pc) =	sbr.rel @p0 .LBB2_2-.Ltmp0, $2  }
0x22: {  	_ =	sdelay $0x2  }
0x23: {  	s9 =	sshra.s32 s9, $0x2  }
0x24: {  	[tilespmem:s9+$0x5000] =	vst v0  }
0x25: {  	[spmem:s8] =	stream.linear.scatter [tilespmem:s19], [sflag:$0xC], $0x800, $0x38;
	[tilespmem:$0x13000] =	vst v63  }
0x26: {  	_ =	swait.ge [sflag:s20], $0x800  }
0x27: {  	[sflag:s20] =	ssyncset.done $0x0  }
0x28: {  	s7 =	rddreg [dreg:$0xc];
	[sflag:s20] =	ssyncadd.s32 $0xFFFFF800  }
0x29: {  	[spmem:s7] =	stream.linear.scatter [tilespmem:s19], [sflag:$0xC], $0x800, $0x38;
	[tilespmem:$0x13000] =	vst v63  }
0x2a: {  	_ =	swait.ge [sflag:s20], $0x800  }
0x2b: {  	[sflag:s20] =	ssyncset.done $0x0  }
0x2c: {  	s15 =	rddreg [dreg:$0xd];
	[sflag:s20] =	ssyncadd.s32 $0xFFFFF800  }
0x2d: {  	[spmem:s15] =	stream.linear.scatter [tilespmem:s19], [sflag:$0xC], $0x800, $0x38;
	[tilespmem:$0x13000] =	vst v63  }
0x2e: {  	_ =	swait.ge [sflag:s20], $0x800  }
0x2f: {  	[sflag:s20] =	ssyncset.done $0x0  }
0x30: {  	s16 =	rddreg [dreg:$0xe];
	[sflag:s20] =	ssyncadd.s32 $0xFFFFF800  }
0x31: {  	[spmem:s16] =	stream.linear.scatter [tilespmem:s19], [sflag:$0xC], $0x800, $0x38;
	[tilespmem:$0x13000] =	vst v63  }
0x32: {  	_ =	swait.ge [sflag:s20], $0x800  }
0x33: {  	[sflag:s20] =	ssyncset.done $0x0  }
0x34: {  	s18 =	rddreg [dreg:$0xf];
	[sflag:s20] =	ssyncadd.s32 $0xFFFFF800  }
0x35: {  	[spmem:s18] =	stream.linear.scatter [tilespmem:s19], [sflag:$0xC], $0x800, $0x38;
	[tilespmem:$0x13000] =	vst v63  }
0x36: {  	_ =	swait.ge [sflag:s20], $0x800  }
0x37: {  	[sflag:s20] =	ssyncset.done $0x0  }
0x38: {  	[sflag:s20] =	ssyncadd.s32 $0xFFFFF800  }
0x39: {  	_ =	swait.ge [sflag:s21], $0x2800  }
0x3a: {  	[sflag:s21] =	ssyncset.done $0x0  }
0x3b: {  	[sflag:s21] =	ssyncadd.s32 $0xFFFFD800  }
0x3c: {  	_ =	swait.ge [sflag:s22], $0x2800  }
0x3d: {  	[sflag:s22] =	ssyncset.done $0x0  }
0x3e: {  	[sflag:s22] =	ssyncadd.s32 $0xFFFFD800  }
0x3f: {  	_ =	swait.ge [sflag:s23], $0x2800  }
0x40: {  	[sflag:s23] =	ssyncset.done $0x0  }
0x41: {  	s7 =	simm.s32 $0x0;
	[sflag:s23] =	ssyncadd.s32 $0xFFFFD800  }
0x42: {  	v4 =	vld [tilespmem:s7+$0x10870]  }
0x43: {  	v5 =	vld [tilespmem:s7+$0x10800]  }
0x44: {  	v6 =	vld [tilespmem:s7+$0x10810]  }
0x45: {  	v3 =	vld [tilespmem:s7+$0x10820]  }
0x46: {  	v1 =	vld [tilespmem:s7+$0x10830]  }
0x47: {  	v2 =	vld [tilespmem:s7+$0x10840];
	[tilespmem:s7+$0xE070] =	vst v4  }
0x48: {  	[tilespmem:s7+$0xE000] =	vst v5;
	v4 =	vld [tilespmem:s7+$0x10850]  }
0x49: {  	s9 =	simm.s32 $0x80;
	s10 =	simm.s32 $0x400;
	[tilespmem:s7+$0xE010] =	vst v6;
	v5 =	vld [tilespmem:s7+$0x10860]  }
.LBB2_4:
0x4a: {  	p0 =	sne.s32 s10, $0x9E00;
	v6 =	vld [tilespmem:s9+$0x10870];
	[tilespmem:s7+$0xE020] =	vst v3  }
0x4b: {  	v7 =	vld [tilespmem:s9+$0x10800];
	[tilespmem:s7+$0xE030] =	vst v1  }
0x4c: {  	v8 =	vld [tilespmem:s9+$0x10810];
	[tilespmem:s7+$0xE040] =	vst v2  }
.Ltmp1:
0x4d: {  	v3 =	vld [tilespmem:s9+$0x10820];
	[tilespmem:s7+$0xE050] =	vst v4;
	(pc) =	sbr.rel @p0 .LBB2_4-.Ltmp1, $4  }
0x4e: {  	v1 =	vld [tilespmem:s9+$0x10830];
	[tilespmem:s7+$0xE060] =	vst v5;
	s7 =	smov.u32 s9  }
0x4f: {  	v2 =	vld [tilespmem:s7+$0x10840];
	[tilespmem:s7+$0xE070] =	vst v6  }
0x50: {  	[tilespmem:s7+$0xE000] =	vst v7;
	v4 =	vld [tilespmem:s7+$0x10850]  }
0x51: {  	s9 =	sshra.s32 s10, $0x2;
	s10 =	sadd.s32 $0x200, s10;
	[tilespmem:s7+$0xE010] =	vst v8;
	v5 =	vld [tilespmem:s7+$0x10860]  }
0x52: {  	v6 =	vld [tilespmem:s9+$0x10870];
	[tilespmem:s7+$0xE020] =	vst v3  }
0x53: {  	v3 =	vld [tilespmem:s9+$0x10800];
	[tilespmem:s7+$0xE030] =	vst v1  }
0x54: {  	v1 =	vld [tilespmem:s9+$0x10810];
	[tilespmem:s7+$0xE040] =	vst v2  }
0x55: {  	v2 =	vld [tilespmem:s9+$0x10820];
	[tilespmem:s7+$0xE050] =	vst v4  }
0x56: {  	v4 =	vld [tilespmem:s9+$0x10830];
	[tilespmem:s7+$0xE060] =	vst v5  }
0x57: {  	v5 =	vld [tilespmem:s9+$0x10840];
	[tilespmem:s9+$0xE070] =	vst v6  }
0x58: {  	[tilespmem:s9+$0xE000] =	vst v3;
	v3 =	vld [tilespmem:s9+$0x10850]  }
0x59: {  	[tilespmem:s9+$0xE010] =	vst v1;
	v1 =	vld [tilespmem:s9+$0x10860]  }
0x5a: {  	[tilespmem:s9+$0xE020] =	vst v2  }
0x5b: {  	[tilespmem:s9+$0xE030] =	vst v4  }
0x5c: {  	[tilespmem:s9+$0xE040] =	vst v5  }
0x5d: {  	[tilespmem:s9+$0xE050] =	vst v3  }
0x5e: {  	[tilespmem:s9+$0xE060] =	vst v1;
	s9 =	rddreg [dreg:$0x8]  }
0x5f: {  	[spmem:s9] =	stream.linear.scatter [tilespmem:s24], [sflag:$0xC], $0x2800, $0x38;
	[tilespmem:$0x13000] =	vst v63  }
0x60: {  	_ =	swait.ge [sflag:s20], $0x2800  }
0x61: {  	[sflag:s20] =	ssyncset.done $0x0  }
0x62: {  	[sflag:s20] =	ssyncadd.s32 $0xFFFFD800  }
0x63: {  	s7 =	simm.s32 $0x0;
	[bflag:$0x0] =	sbarrier.arrive $0xFFFF  }
0x64: {  	[tilespmem:s19], [sflag:$0x4] =	stream.indirect.gather [spmem:s3], $0x10, s7, s25, $0xb8;
	[tilespmem:$0x13000] =	vst v63  }
0x65: {  	s10 =	simm.s32 $0x5800  }
0x66: {  	[tilespmem:s10], [sflag:$0x5] =	stream.indirect.gather [spmem:s3], $0x10, s25, s25, $0xb8;
	[tilespmem:$0x13000] =	vst v63  }
0x67: {  	s11 =	simm.s32 $0x100  }
0x68: {  	[tilespmem:s29], [sflag:$0x6] =	stream.indirect.gather [spmem:s3], $0x10, s11, s25, $0xb8;
	[tilespmem:$0x13000] =	vst v63  }
0x69: {  	s12 =	simm.s32 $0x180;
	s10 =	simm.s32 $0x6800  }
0x6a: {  	[tilespmem:s10], [sflag:$0x7] =	stream.indirect.gather [spmem:s3], $0x10, s12, s25, $0xb8;
	[tilespmem:$0x13000] =	vst v63  }
0x6b: {  	s13 =	simm.s32 $0x200  }
0x6c: {  	[tilespmem:s1], [sflag:$0x8] =	stream.indirect.gather [spmem:s3], $0x10, s13, s25, $0xb8;
	[tilespmem:$0x13000] =	vst v63  }
0x6d: {  	s14 =	simm.s32 $0x280;
	s15 =	simm.s32 $0x7800  }
0x6e: {  	[tilespmem:s15], [sflag:$0x9] =	stream.indirect.gather [spmem:s3], $0x10, s14, s25, $0xb8;
	[tilespmem:$0x13000] =	vst v63  }
0x6f: {  	s16 =	simm.s32 $0x300  }
0x70: {  	[tilespmem:s30], [sflag:$0xA] =	stream.indirect.gather [spmem:s3], $0x10, s16, s25, $0xb8;
	[tilespmem:$0x13000] =	vst v63  }
0x71: {  	s18 =	simm.s32 $0x380  }
0x72: {  	[tilespmem:s0], [sflag:$0xB] =	stream.indirect.gather [spmem:s3], $0x10, s18, s25, $0xb8;
	[tilespmem:$0x13000] =	vst v63  }
.LBB2_6:
0x73: {  	_ =	swait.ge [sflag:s17], $0x800  }
0x74: {  	s9 =	sshra.s32 s7, $0x2;
	[sflag:s17] =	ssyncset.done $0x0  }
0x75: {  	s10 =	sadd.s32 $0x2800, s9;
	[sflag:s17] =	ssyncadd.s32 $0xFFFFF800  }
0x76: {  	[spmem:s2] =	stream.indirect.scatter.add.f32 [tilespmem:s19], [sflag:$0xC], $0x10, s10, s25, $0xb8;
	[tilespmem:$0x13000] =	vst v63  }
0x77: {  	_ =	swait.ge [sflag:s20], $0x800  }
0x78: {  	p0 =	seq.s32 s7, $0x9000;
	[sflag:s20] =	ssyncset.done $0x0  }
0x79: {  	s10 =	simm.s32 @p0 $0x5;
	[sflag:s20] =	ssyncadd.s32 $0xFFFFF800  }
0x7a: {  	s18 =	sshra.s32 @p0 s7, $0x2;
	_ =	swait.ge @p0 [sflag:s10], $0x800  }
0x7b: {  	s12 =	simm.s32 @p0 $0x80;
	s11 =	simm.s32 @p0 $0x5800;
	[sflag:s10] =	ssyncset.done @p0 $0x0  }
0x7c: {  	s13 =	simm.s32 @p0 $0xC;
	[sflag:s10] =	ssyncadd.s32 @p0 $0xFFFFF800;
	s10 =	sadd.s32 @p0 $0x2880, s18  }
0x7d: {  	[spmem:s2] =	stream.indirect.scatter.add.f32 @p0 [tilespmem:s11], [sflag:$0xC], $0x10, s10, s12, $0xb8;
	[tilespmem:$0x13000] =	vst v63  }
0x7e: {  	_ =	swait.ge @p0 [sflag:s13], $0x800  }
0x7f: {  	s15 =	simm.s32 @!p0 $0x5000;
	s10 =	sshra.s32 @!p0 s7, $0x2;
	[sflag:s13] =	ssyncset.done @p0 $0x0  }
0x80: {  	s11 =	simm.s32 @!p0 $0x80;
	s14 =	sadd.s32 @!p0 $0x400, s10;
	[sflag:s13] =	ssyncadd.s32 @p0 $0xFFFFF800  }
0x81: {  	[tilespmem:s15], [sflag:$0x4] =	stream.indirect.gather @!p0 [spmem:s3], $0x10, s14, s11, $0xb8;
	[tilespmem:$0x13000] =	vst v63  }
0x82: {  	s14 =	simm.s32 @!p0 $0x5  }
0x83: {  	_ =	swait.ge @!p0 [sflag:s14], $0x800  }
0x84: {  	[sflag:s14] =	ssyncset.done @!p0 $0x0  }
0x85: {  	s15 =	simm.s32 @!p0 $0x5800;
	[sflag:s14] =	ssyncadd.s32 @!p0 $0xFFFFF800;
	s14 =	sadd.s32 @!p0 $0x2880, s10  }
0x86: {  	[spmem:s2] =	stream.indirect.scatter.add.f32 @!p0 [tilespmem:s15], [sflag:$0xC], $0x10, s14, s11, $0xb8;
	[tilespmem:$0x13000] =	vst v63  }
0x87: {  	s14 =	simm.s32 @!p0 $0xC  }
0x88: {  	_ =	swait.ge @!p0 [sflag:s14], $0x800  }
0x89: {  	[sflag:s14] =	ssyncset.done @!p0 $0x0  }
0x8a: {  	s16 =	sadd.s32 @!p0 $0x480, s10;
	[sflag:s14] =	ssyncadd.s32 @!p0 $0xFFFFF800  }
0x8b: {  	[tilespmem:s15], [sflag:$0x5] =	stream.indirect.gather @!p0 [spmem:s3], $0x10, s16, s11, $0xb8;
	[tilespmem:$0x13000] =	vst v63  }
0x8c: {  	_ =	swait.ge [sflag:s26], $0x800  }
0x8d: {  	[sflag:s26] =	ssyncset.done $0x0  }
0x8e: {  	s16 =	sadd.s32 $0x2900, s9;
	[sflag:s26] =	ssyncadd.s32 $0xFFFFF800  }
0x8f: {  	[spmem:s2] =	stream.indirect.scatter.add.f32 [tilespmem:s29], [sflag:$0xC], $0x10, s16, s25, $0xb8;
	[tilespmem:$0x13000] =	vst v63  }
0x90: {  	_ =	swait.ge [sflag:s20], $0x800  }
0x91: {  	[sflag:s20] =	ssyncset.done $0x0  }
0x92: {  	s15 =	simm.s32 @p0 $0x7;
	[sflag:s20] =	ssyncadd.s32 $0xFFFFF800  }
0x93: {  	_ =	swait.ge @p0 [sflag:s15], $0x800  }
0x94: {  	[sflag:s15] =	ssyncset.done @p0 $0x0  }
0x95: {  	s16 =	simm.s32 @p0 $0x6800;
	[sflag:s15] =	ssyncadd.s32 @p0 $0xFFFFF800;
	s15 =	sadd.s32 @p0 $0x2980, s18  }
0x96: {  	[spmem:s2] =	stream.indirect.scatter.add.f32 @p0 [tilespmem:s16], [sflag:$0xC], $0x10, s15, s12, $0xb8;
	[tilespmem:$0x13000] =	vst v63  }
0x97: {  	_ =	swait.ge @p0 [sflag:s13], $0x800  }
0x98: {  	[sflag:s13] =	ssyncset.done @p0 $0x0  }
0x99: {  	s15 =	sadd.s32 @!p0 $0x500, s10;
	s16 =	simm.s32 @!p0 $0x6000;
	[sflag:s13] =	ssyncadd.s32 @p0 $0xFFFFF800  }
0x9a: {  	[tilespmem:s16], [sflag:$0x6] =	stream.indirect.gather @!p0 [spmem:s3], $0x10, s15, s11, $0xb8;
	[tilespmem:$0x13000] =	vst v63  }
0x9b: {  	s15 =	simm.s32 @!p0 $0x7  }
0x9c: {  	_ =	swait.ge @!p0 [sflag:s15], $0x800  }
0x9d: {  	[sflag:s15] =	ssyncset.done @!p0 $0x0  }
0x9e: {  	s16 =	simm.s32 @!p0 $0x6800;
	[sflag:s15] =	ssyncadd.s32 @!p0 $0xFFFFF800;
	s15 =	sadd.s32 @!p0 $0x2980, s10  }
0x9f: {  	[spmem:s2] =	stream.indirect.scatter.add.f32 @!p0 [tilespmem:s16], [sflag:$0xC], $0x10, s15, s11, $0xb8;
	[tilespmem:$0x13000] =	vst v63  }
0xa0: {  	_ =	swait.ge @!p0 [sflag:s14], $0x800  }
0xa1: {  	[sflag:s14] =	ssyncset.done @!p0 $0x0  }
0xa2: {  	s15 =	sadd.s32 @!p0 $0x580, s10;
	[sflag:s14] =	ssyncadd.s32 @!p0 $0xFFFFF800  }
0xa3: {  	[tilespmem:s16], [sflag:$0x7] =	stream.indirect.gather @!p0 [spmem:s3], $0x10, s15, s11, $0xb8;
	[tilespmem:$0x13000] =	vst v63  }
0xa4: {  	_ =	swait.ge [sflag:s28], $0x800  }
0xa5: {  	[sflag:s28] =	ssyncset.done $0x0  }
0xa6: {  	s16 =	sadd.s32 $0x2A00, s9;
	[sflag:s28] =	ssyncadd.s32 $0xFFFFF800  }
0xa7: {  	[spmem:s2] =	stream.indirect.scatter.add.f32 [tilespmem:s1], [sflag:$0xC], $0x10, s16, s25, $0xb8;
	[tilespmem:$0x13000] =	vst v63  }
0xa8: {  	_ =	swait.ge [sflag:s20], $0x800  }
0xa9: {  	[sflag:s20] =	ssyncset.done $0x0  }
0xaa: {  	s15 =	simm.s32 @p0 $0x9;
	[sflag:s20] =	ssyncadd.s32 $0xFFFFF800  }
0xab: {  	_ =	swait.ge @p0 [sflag:s15], $0x800  }
0xac: {  	[sflag:s15] =	ssyncset.done @p0 $0x0  }
0xad: {  	s16 =	simm.s32 @p0 $0x7800;
	[sflag:s15] =	ssyncadd.s32 @p0 $0xFFFFF800;
	s15 =	sadd.s32 @p0 $0x2A80, s18  }
0xae: {  	[spmem:s2] =	stream.indirect.scatter.add.f32 @p0 [tilespmem:s16], [sflag:$0xC], $0x10, s15, s12, $0xb8;
	[tilespmem:$0x13000] =	vst v63  }
0xaf: {  	_ =	swait.ge @p0 [sflag:s13], $0x800  }
0xb0: {  	[sflag:s13] =	ssyncset.done @p0 $0x0  }
0xb1: {  	s12 =	sadd.s32 @!p0 $0x600, s10;
	[sflag:s13] =	ssyncadd.s32 @p0 $0xFFFFF800;
	s13 =	simm.s32 @!p0 $0x7000  }
0xb2: {  	[tilespmem:s13], [sflag:$0x8] =	stream.indirect.gather @!p0 [spmem:s3], $0x10, s12, s11, $0xb8;
	[tilespmem:$0x13000] =	vst v63  }
0xb3: {  	s12 =	simm.s32 @!p0 $0x9  }
0xb4: {  	_ =	swait.ge @!p0 [sflag:s12], $0x800  }
0xb5: {  	[sflag:s12] =	ssyncset.done @!p0 $0x0  }
0xb6: {  	s13 =	simm.s32 @!p0 $0x7800;
	[sflag:s12] =	ssyncadd.s32 @!p0 $0xFFFFF800;
	s12 =	sadd.s32 @!p0 $0x2A80, s10  }
0xb7: {  	[spmem:s2] =	stream.indirect.scatter.add.f32 @!p0 [tilespmem:s13], [sflag:$0xC], $0x10, s12, s11, $0xb8;
	[tilespmem:$0x13000] =	vst v63  }
0xb8: {  	_ =	swait.ge @!p0 [sflag:s14], $0x800  }
0xb9: {  	[sflag:s14] =	ssyncset.done @!p0 $0x0  }
0xba: {  	s10 =	sadd.s32 @!p0 $0x680, s10;
	[sflag:s14] =	ssyncadd.s32 @!p0 $0xFFFFF800  }
0xbb: {  	[tilespmem:s13], [sflag:$0x9] =	stream.indirect.gather @!p0 [spmem:s3], $0x10, s10, s11, $0xb8;
	[tilespmem:$0x13000] =	vst v63  }
0xbc: {  	_ =	swait.ge [sflag:s31], $0x800  }
0xbd: {  	[sflag:s31] =	ssyncset.done $0x0  }
.Ltmp2:
0xbe: {  	s18 =	sadd.s32 $0x2B00, s9;
	[sflag:s31] =	ssyncadd.s32 $0xFFFFF800;
	(pc) =	sbr.rel @p0 .LBB2_8-.Ltmp2, $4  }
0xbf: {  	[spmem:s2] =	stream.indirect.scatter.add.f32 [tilespmem:s30], [sflag:$0xC], $0x10, s18, s25, $0xb8;
	[tilespmem:$0x13000] =	vst v63  }
0xc0: {  	_ =	swait.ge [sflag:s20], $0x800  }
0xc1: {  	[sflag:s20] =	ssyncset.done $0x0  }
0xc2: {  	s10 =	sadd.s32 $0x2B80, s9;
	[sflag:s20] =	ssyncadd.s32 $0xFFFFF800  }
0xc3: {  	s11 =	sadd.s32 $0x700, s9  }
0xc4: {  	[tilespmem:s30], [sflag:$0xA] =	stream.indirect.gather [spmem:s3], $0x10, s11, s25, $0xb8;
	[tilespmem:$0x13000] =	vst v63  }
0xc5: {  	_ =	swait.ge [sflag:s5], $0x800  }
0xc6: {  	[sflag:s5] =	ssyncset.done $0x0  }
0xc7: {  	[sflag:s5] =	ssyncadd.s32 $0xFFFFF800  }
0xc8: {  	[spmem:s2] =	stream.indirect.scatter.add.f32 [tilespmem:s0], [sflag:$0xC], $0x10, s10, s25, $0xb8;
	[tilespmem:$0x13000] =	vst v63  }
.Ltmp3:
0xc9: {  	_ = 	snop;
	(pc) =	sbr.rel .LBB2_6-.Ltmp3, $4  }
0xca: {  	_ =	swait.ge [sflag:s20], $0x800  }
0xcb: {  	[sflag:s20] =	ssyncset.done $0x0  }
0xcc: {  	s18 =	sadd.s32 $0x780, s9;
	s7 =	sadd.s32 $0x1000, s7;
	[sflag:s20] =	ssyncadd.s32 $0xFFFFF800  }
0xcd: {  	[tilespmem:s0], [sflag:$0xB] =	stream.indirect.gather [spmem:s3], $0x10, s18, s25, $0xb8;
	[tilespmem:$0x13000] =	vst v63  }
.LBB2_8:
0xce: {  	_ =	swait.ge [sflag:s5], $0x800  }
0xcf: {  	[sflag:s5] =	ssyncset.done $0x0  }
0xd0: {  	[sflag:s5] =	ssyncadd.s32 $0xFFFFF800  }
0xd1: {  	[spmem:s2] =	stream.indirect.scatter.add.f32 [tilespmem:s0], [sflag:$0xC], $0x10, s10, s25, $0xb8;
	[tilespmem:$0x13000] =	vst v63  }
0xd2: {  	_ =	swait.ge [sflag:s20], $0x800  }
0xd3: {  	[sflag:s20] =	ssyncset.done $0x0  }
0xd4: {  	[sflag:s20] =	ssyncadd.s32 $0xFFFFF800  }
0xd5: {  	[bflag:$0x0] =	sbarrier.arrive $0xFFFF  }
0xd6: {  	s7 =	rddreg [dreg:$0x9]  }
0xd7: {  	[tilespmem:s24], [sflag:$0xC] =	stream.linear.gather [spmem:s7], $0x2800, $0x38;
	[tilespmem:$0x13000] =	vst v63  }
0xd8: {  	_ =	swait.ge [sflag:s20], $0x2800  }
0xd9: {  	[sflag:s20] =	ssyncset.done $0x0  }
0xda: {  	s7 =	simm.s32 $0x0;
	[sflag:s20] =	ssyncadd.s32 $0xFFFFD800  }
0xdb: {  	v4 =	vld [tilespmem:s7+$0xE070]  }
0xdc: {  	v5 =	vld [tilespmem:s7+$0xE000]  }
0xdd: {  	v6 =	vld [tilespmem:s7+$0xE010]  }
0xde: {  	v3 =	vld [tilespmem:s7+$0xE020]  }
0xdf: {  	v1 =	vld [tilespmem:s7+$0xE030]  }
0xe0: {  	v2 =	vld [tilespmem:s7+$0xE040];
	[tilespmem:s7+$0x10870] =	vst v4  }
0xe1: {  	[tilespmem:s7+$0x10800] =	vst v5;
	v4 =	vld [tilespmem:s7+$0xE050]  }
0xe2: {  	s9 =	simm.s32 $0x80;
	s10 =	simm.s32 $0x400;
	[tilespmem:s7+$0x10810] =	vst v6;
	v5 =	vld [tilespmem:s7+$0xE060]  }
.LBB2_9:
0xe3: {  	p0 =	sne.s32 s10, $0x9E00;
	v6 =	vld [tilespmem:s9+$0xE070];
	[tilespmem:s7+$0x10820] =	vst v3  }
0xe4: {  	v7 =	vld [tilespmem:s9+$0xE000];
	[tilespmem:s7+$0x10830] =	vst v1  }
0xe5: {  	v8 =	vld [tilespmem:s9+$0xE010];
	[tilespmem:s7+$0x10840] =	vst v2  }
.Ltmp4:
0xe6: {  	v3 =	vld [tilespmem:s9+$0xE020];
	[tilespmem:s7+$0x10850] =	vst v4;
	(pc) =	sbr.rel @p0 .LBB2_9-.Ltmp4, $4  }
0xe7: {  	v1 =	vld [tilespmem:s9+$0xE030];
	[tilespmem:s7+$0x10860] =	vst v5;
	s7 =	smov.u32 s9  }
0xe8: {  	v2 =	vld [tilespmem:s7+$0xE040];
	[tilespmem:s7+$0x10870] =	vst v6  }
0xe9: {  	[tilespmem:s7+$0x10800] =	vst v7;
	v4 =	vld [tilespmem:s7+$0xE050]  }
0xea: {  	s9 =	sshra.s32 s10, $0x2;
	s10 =	sadd.s32 $0x200, s10;
	[tilespmem:s7+$0x10810] =	vst v8;
	v5 =	vld [tilespmem:s7+$0xE060]  }
0xeb: {  	v6 =	vld [tilespmem:s9+$0xE070];
	[tilespmem:s7+$0x10820] =	vst v3  }
0xec: {  	v3 =	vld [tilespmem:s9+$0xE000];
	[tilespmem:s7+$0x10830] =	vst v1  }
0xed: {  	v1 =	vld [tilespmem:s9+$0xE010];
	[tilespmem:s7+$0x10840] =	vst v2  }
0xee: {  	v2 =	vld [tilespmem:s9+$0xE020];
	[tilespmem:s7+$0x10850] =	vst v4  }
0xef: {  	v4 =	vld [tilespmem:s9+$0xE030];
	[tilespmem:s7+$0x10860] =	vst v5  }
0xf0: {  	v5 =	vld [tilespmem:s9+$0xE040];
	[tilespmem:s9+$0x10870] =	vst v6  }
0xf1: {  	[tilespmem:s9+$0x10800] =	vst v3;
	v3 =	vld [tilespmem:s9+$0xE050]  }
0xf2: {  	[tilespmem:s9+$0x10810] =	vst v1;
	v1 =	vld [tilespmem:s9+$0xE060]  }
0xf3: {  	[tilespmem:s9+$0x10820] =	vst v2  }
0xf4: {  	[tilespmem:s9+$0x10830] =	vst v4  }
0xf5: {  	[tilespmem:s9+$0x10840] =	vst v5  }
0xf6: {  	[tilespmem:s9+$0x10850] =	vst v3  }
0xf7: {  	s16 =	rddreg [dreg:$0xa];
	s10 =	simm.s32 $0x10800;
	[tilespmem:s9+$0x10860] =	vst v1  }
0xf8: {  	[hbm4b:s16+s4] =	stream.linear.scatter [tilespmem:s10], [sflag:$0xC], $0x2800, $0x38;
	[tilespmem:$0x13000] =	vst v63  }
0xf9: {  	_ =	swait.ge [sflag:s20], $0x2800  }
0xfa: {  	s6 =	sadd.s32 $0x1, s6;
	s18 =	rddreg [dreg:$0xb]  }
0xfb: {  	p0 =	sne.s32 s6, s18  }
.Ltmp5:
0xfc: {  	_ = 	snop;
	(pc) =	sbr.rel @p0 .LBB2_1-.Ltmp5, $3  }
0xfd: {  	_ =	sdelay $0x1  }
0xfe: {  	[sflag:s20] =	ssyncset.done $0x0  }
0xff: {  	[sflag:s20] =	ssyncadd.s32 $0xFFFFD800  }
0x100: {  	_ =	sfence.sel $0x180000  }
0x101: {  	[bflag:$0x0] =	sbarrier.arrive $0xFFFF  }
0x102: {  	_ =	strace $0x9000004A  }
0x103: {  	s0 =	stileid.u32;
	[bflag:$0x2] =	sbarrier.arrive $0xFFFF  }
0x104: {  	p0 =	sne.s32 s0, $0x0;
	s0 =	rddreg [dreg:$0x4]  }
0x105: {  	s0 =	sadd.s32 @!p0 $0x100000, s0  }
0x106: {  	[sflag:s0] =	ssyncadd.tile.s32 @!p0 $0x1;
	_ =	shalt  }
.Lfunc_end2:
_tile_overlayer_lowered:
.L_overlay_start_2:
0x107: {  	(tag) =	ssettag $0x2  }
0x108: {  	s0 =	rddreg [dreg:$0x0];
	s2 =	stileid.u32  }
0x109: {  	s1 =	rddreg [dreg:$0x1];
	p0 =	sne.s32 s2, $0x0  }
0x10a: {  	s3 =	rddreg [dreg:$0x2];
	[bflag:$0x3] =	sbarrier.arrive $0xFFFF;
	s2 =	simm.s32 @!p0 $0x1C0C  }
0x10b: {  	[timem:s3], [sflag:s2] =	dma.local @!p0 [hbm:s0], s1  }
0x10c: {  	s0 =	simm.s32 @!p0 $0xC  }
0x10d: {  	_ =	swait.ge @!p0 [sflag:s0], s1  }
0x10e: {  	s1 =	ssub.s32 @!p0 $0x0, s1;
	[sflag:s0] =	ssyncset.done @!p0 $0x0  }
0x10f: {  	[sflag:s0] =	ssyncadd.s32 @!p0 s1  }
0x110: {  	[bflag:$0x3] =	sbarrier.arrive $0xFFFF  }
0x111: {  	_ =	shalt  }

// kernel: kernel.13.cloned.1.call-start
scs
__scs_entry_jumppad:
0x0: {  	(pc) =	sbr.rel $0x88, $3  }
0x1: {  	(tag) =	ssettag $0x0;
	lr =	simm.s32 $0x1  }
0x2: {  	[smem:$0x3F9B] =	sst lr;
	_ =	strace $0xD0000000  }
0x3: {  	_ = 	snop  }
0x4: {  	_ = 	snop  }
0x5: {  	_ = 	snop  }
0x6: {  	_ = 	snop  }
0x7: {  	_ = 	snop  }
__scs_overlays_trampoline_lowered:
0x8: {  	[smem:$0x3FAA] =	sst s0  }
0x9: {  	[smem:$0x3FAB] =	sst s1  }
0xa: {  	[smem:$0x3FAC] =	sst s2  }
0xb: {  	[smem:$0x3FAD] =	sst s3  }
0xc: {  	[smem:$0x3FAE] =	sst s4  }
0xd: {  	[smem:$0x3FAF] =	sst s5  }
0xe: {  	[smem:$0x3FB0] =	sst s6  }
0xf: {  	[smem:$0x3FB1] =	sst s7  }
0x10: {  	[smem:$0x3FB2] =	sst s8  }
0x11: {  	[smem:$0x3FB3] =	sst s9;
	s0 =	simm.s32 @!p0 $0x0  }
0x12: {  	s1 =	sld [smem:$0x3F99];
	s0 =	simm.s32 @p0 $0x1  }
0x13: {  	[smem:$0x3FB4] =	sst s0;
	s0 =	simm.s32 @!p1 $0x0  }
0x14: {  	s2 =	sld [smem:$0x3F98];
	s0 =	simm.s32 @p1 $0x1  }
0x15: {  	[smem:$0x3FB5] =	sst s0;
	s0 =	simm.s32 @!p2 $0x0  }
0x16: {  	s3 =	sld [smem:$0x3FDB];
	s0 =	simm.s32 @p2 $0x1  }
0x17: {  	s4 =	simm.s32 $0x1BF5;
	[smem:$0x3FB7] =	sst s0  }
0x18: {  	s0 =	sld [smem:$0x3F9A];
	_ =	swait.ge [sflag:s4], $0x0  }
0x19: {  	s7 =	sld [smem:$0x3F9B]  }
0x1a: {  	s8 =	sadd.s32 $0xFFFFE003, lr  }
0x1b: {  	s9 =	sadd.s32 $0xFFFFFEF7, lr;
	s5 =	simm.s32 $0xFFFFFFFF;
	p2 =	slt.u32 s8, $0xFFFFF086  }
0x1c: {  	p1 =	slt.u32 s9, $0xF7A;
	s5 =	simm.s32 @!p2 $0x0  }
0x1d: {  	s5 =	simm.s32 @p1 $0x1;
	p0 =	seq.s32 s7, s2  }
0x1e: {  	s7 =	smul.u32 @!p0 $0xF7A, s2;
	p2 =	seq.s32 @!p0 s5, $0x0  }
0x1f: {  	s9 =	smul.u32 $0xF7A, s1;
	s8 =	simm.s32 @!p0 $0x1BF5;
	p2 =	por !p2, p0  }
0x20: {  	[sflag:s8] =	ssyncset.s32 @!p0 $0xFFFFF086;
	s6 =	sadd.s32 @!p0 s3, s7;
	s7 =	simm.s32 @!p0 $0x108  }
0x21: {  	s3 =	sadd.s32 s3, s9;
	s6 =	sadd.s32 @!p0 $0x88, s6;
	s7 =	simm.s32 @p2 $0x1082  }
0x22: {  	[simem:s7], [sflag:s8] =	dma.local @!p0 [hbm:s6], $0xF7A  }
0x23: {  	s9 =	sor.u32 $0xD0000000, s2;
	s6 =	simm.s32 $0x108;
	_ =	swait.ge @!p0 [sflag:s8], $0x0  }
0x24: {  	s3 =	sadd.s32 $0x88, s3;
	s6 =	simm.s32 @!p1 $0x1082;
	[sflag:s4] =	ssyncset.s32 $0xFFFFF086  }
0x25: {  	[simem:s6], [sflag:s4] =	dma.local [hbm:s3], $0xF7A  }
0x26: {  	[smem:$0x3F9B] =	sst s1;
	(tag) =	ssettag s2;
	_ =	strace s9  }
0x27: {  	s1 =	sld [smem:$0x3FAB]  }
0x28: {  	s2 =	sld [smem:$0x3FAC]  }
0x29: {  	s4 =	sld [smem:$0x3FAE]  }
0x2a: {  	p0 =	seq.s32 s5, $0x0;
	s5 =	sld [smem:$0x3FAF]  }
0x2b: {  	s6 =	sld [smem:$0x3FB0]  }
0x2c: {  	s7 =	sld [smem:$0x3FB1]  }
0x2d: {  	s3 =	simm.s32 $0x108;
	s8 =	sld [smem:$0x3FB2]  }
0x2e: {  	s3 =	simm.s32 @!p0 $0x1082;
	s9 =	sld [smem:$0x3FB3]  }
0x2f: {  	lr =	sadd.s32 s0, s3;
	s0 =	sld [smem:$0x3FAA]  }
0x30: {  	s3 =	sld [smem:$0x3FAD]  }
0x31: {  	[smem:$0x3FB6] =	sst s10  }
0x32: {  	s10 =	sld [smem:$0x3FB4];
	_ =	sdelay $0x3  }
0x33: {  	p0 =	seq.s32 s10, $0x1;
	s10 =	sld [smem:$0x3FB6];
	_ =	sdelay $0x3  }
0x34: {  	[smem:$0x3FB6] =	sst s10  }
0x35: {  	s10 =	sld [smem:$0x3FB5];
	_ =	sdelay $0x3  }
0x36: {  	p1 =	seq.s32 s10, $0x1;
	s10 =	sld [smem:$0x3FB6];
	_ =	sdelay $0x3  }
0x37: {  	[smem:$0x3FB6] =	sst s10  }
0x38: {  	s10 =	sld [smem:$0x3FB7]  }
0x39: {  	_ = 	snop;
	(pc) =	sbr.ind lr, $3  }
0x3a: {  	_ = 	snop  }
0x3b: {  	_ = 	snop  }
0x3c: {  	p2 =	seq.s32 s10, $0x1;
	s10 =	sld [smem:$0x3FB6]  }
0x3d: {  	_ =	shalt  }
0x3e: {  	_ =	shalt  }
0x3f: {  	_ =	shalt  }
0x40: {  	_ =	shalt  }
0x41: {  	_ =	shalt  }
0x42: {  	_ =	shalt  }
0x43: {  	_ =	shalt  }
0x44: {  	_ =	shalt  }
0x45: {  	_ =	shalt  }
0x46: {  	_ =	shalt  }
0x47: {  	_ =	shalt  }
0x48: {  	_ =	shalt  }
0x49: {  	_ =	shalt  }
0x4a: {  	_ =	shalt  }
0x4b: {  	_ =	shalt  }
0x4c: {  	_ =	shalt  }
0x4d: {  	_ =	shalt  }
0x4e: {  	_ =	shalt  }
0x4f: {  	_ =	shalt  }
0x50: {  	_ =	shalt  }
0x51: {  	_ =	shalt  }
0x52: {  	_ =	shalt  }
0x53: {  	_ =	shalt  }
0x54: {  	_ =	shalt  }
0x55: {  	_ =	shalt  }
0x56: {  	_ =	shalt  }
0x57: {  	_ =	shalt  }
0x58: {  	_ =	shalt  }
0x59: {  	_ =	shalt  }
0x5a: {  	_ =	shalt  }
0x5b: {  	_ =	shalt  }
0x5c: {  	_ =	shalt  }
0x5d: {  	_ =	shalt  }
0x5e: {  	_ =	shalt  }
0x5f: {  	_ =	shalt  }
0x60: {  	_ =	shalt  }
0x61: {  	_ =	shalt  }
0x62: {  	_ =	shalt  }
0x63: {  	_ =	shalt  }
0x64: {  	_ =	shalt  }
0x65: {  	_ =	shalt  }
0x66: {  	_ =	shalt  }
0x67: {  	_ =	shalt  }
0x68: {  	_ =	shalt  }
0x69: {  	_ =	shalt  }
0x6a: {  	_ =	shalt  }
0x6b: {  	_ =	shalt  }
0x6c: {  	_ =	shalt  }
0x6d: {  	_ =	shalt  }
0x6e: {  	_ =	shalt  }
0x6f: {  	_ =	shalt  }
0x70: {  	_ =	shalt  }
0x71: {  	_ =	shalt  }
0x72: {  	_ =	shalt  }
0x73: {  	_ =	shalt  }
0x74: {  	_ =	shalt  }
0x75: {  	_ =	shalt  }
0x76: {  	_ =	shalt  }
0x77: {  	_ =	shalt  }
0x78: {  	_ =	shalt  }
0x79: {  	_ =	shalt  }
0x7a: {  	_ =	shalt  }
0x7b: {  	_ =	shalt  }
0x7c: {  	_ =	shalt  }
0x7d: {  	_ =	shalt  }
0x7e: {  	_ =	shalt  }
0x7f: {  	_ =	shalt  }
0x80: {  	_ =	shalt  }
0x81: {  	_ =	shalt  }
0x82: {  	_ =	shalt  }
0x83: {  	_ =	shalt  }
0x84: {  	_ =	shalt  }
0x85: {  	_ =	shalt  }
0x86: {  	_ =	shalt  }
0x87: {  	_ =	shalt  }
.Lfunc_end0:
.L_simem_size_0:
called_computation.2_lowered:
.L_overlay_start_0:
0x88: {  	s2 =	sld [smem:$0x3FD9]  }
0x89: {  	s3 =	sld [smem:$0x3FFE];
	_ =	sdelay $0x1  }
0x8a: {  	s1 =	srdreg.scid  }
0x8b: {  	s0 =	sand.u32 $0x1, s1  }
0x8c: {  	s17 =	sshll.u32 s0, $0xA;
	s2 =	sadd.s32 s3, s2  }
0x8d: {  	s2 =	sadd.s32 s2, s17  }
0x8e: {  	[smem:$0x3FC2] =	sst s2  }
0x8f: {  	_ = 	snop  }
0x90: {  	s2 =	sld [smem:$0x3FD0];
	(tm) =	ssettm $0x1  }
0x91: {  	s18 =	sld [smem:$0x3FFB];
	_ =	sdelay $0x3  }
0x92: {  	_ =	strace s18  }
0x93: {  	s3 =	sld [smem:$0x3FFC];
	_ =	sdelay $0x3  }
0x94: {  	_ =	strace s3  }
0x95: {  	s3 =	sld [smem:$0x3FFD];
	_ =	sdelay $0x3  }
0x96: {  	_ =	strace s3  }
0x97: {  	_ =	strace $0x8FFFFFFF  }
0x98: {  	s19 =	sld [smem:$0x3FDB];
	_ =	sdelay $0x1  }
0x99: {  	s4 =	simm.s32 $_scs_section_size  }
0x9a: {  	s5 =	simm.s32 $_size__tile_overlayer_lowered;
	s6 =	simm.s32 $_tile_overlayer_lowered  }
0x9b: {  	s22 =	simm.s32 $0x1BFF;
	s21 =	sshll.u32 s6, $0x1;
	s3 =	sadd.s32 s4, s19  }
0x9c: {  	s7 =	simm.s32 $0x0;
	s20 =	sshll.u32 s5, $0x1;
	s5 =	sadd.s32 s21, s3  }
0x9d: {  	[timem:s7], [sflag:s22] =	dma.local [hbm:s5], s20  }
0x9e: {  	_ =	swait.ge [sflag:s22], s20  }
0x9f: {  	s4 =	ssub.s32 $0x0, s20;
	[sflag:s22] =	ssyncset.done $0x0  }
0xa0: {  	[sflag:s22] =	ssyncadd.s32 s4;
	_ =	sdelay $0x1  }
0xa1: {  	s23 =	simm.s32 $0x1B8B  }
0xa2: {  	_ =	swait.ge [sflag:s23], $0x1  }
0xa3: {  	[sflag:s23] =	ssyncset.done $0x0  }
0xa4: {  	s25 =	simm.s32 $0x1B8E;
	s24 =	sld [smem:$0x3FFE];
	[sflag:s23] =	ssyncadd.s32 $0xFFFFFFFF  }
0xa5: {  	s26 =	simm.s32 $execute0_lowered;
	[smem:$0x3FD2] =	sst s25  }
0xa6: {  	s5 =	sshll.u32 s26, $0x1;
	_ =	strace $0x8000004C;
	[dreg:$0x1] =	wrdreg $0xFFFFFFFF  }
0xa7: {  	s28 =	simm.s32 $_size_execute0_lowered;
	s3 =	sadd.s32 s3, s5;
	[dreg:$0x0] =	wrdreg $0x0  }
0xa8: {  	s5 =	sshll.u32 s28, $0x1;
	[dreg:$0x2] =	wrdreg s3  }
0xa9: {  	[dreg:$0x3] =	wrdreg s5  }
0xaa: {  	[dreg:$0x4] =	wrdreg $0xC0  }
0xab: {  	_ =	task [dreg:s7], $0x5FFFF  }
0xac: {  	[dreg:$0x1] =	wrdreg $0xFFFFFFFF  }
0xad: {  	[dreg:$0x0] =	wrdreg $0x60  }
0xae: {  	[dreg:$0x2] =	wrdreg s24  }
0xaf: {  	[dreg:$0x3] =	wrdreg s2  }
0xb0: {  	[dreg:$0x4] =	wrdreg $0x90000  }
0xb1: {  	[dreg:$0x5] =	wrdreg $0xB8000  }
0xb2: {  	[dreg:$0x6] =	wrdreg $0x9  }
0xb3: {  	_ =	task.clear_ibuf [dreg:s7], $0x7FFFF;
	_ =	strace $0x9000004C  }
0xb4: {  	s29 =	simm.s32 $0x9;
	_ =	strace $0x8000004E  }
0xb5: {  	_ =	swait.ge [sflag:s29], $0x1  }
0xb6: {  	[sflag:s29] =	ssyncadd.s32 $0xFFFFFFFF  }
0xb7: {  	_ =	strace $0x9000004E  }
0xb8: {  	_ =	sfence  }
0xb9: {  	s30 =	sld [smem:$0x0];
	_ =	sdelay $0x2  }
0xba: {  	s31 =	sshll.u32 s1, $0xD;
	s1 =	sshrl.u32 s1, $0x2  }
0xbb: {  	s3 =	sand.u32 $0x4000, s31;
	s1 =	sadd.s32 s1, s30  }
0xbc: {  	s0 =	sor.u32 s3, s0;
	s1 =	sshll.u32 s1, $0x11  }
0xbd: {  	s0 =	sor.u32 s1, s0  }
0xbe: {  	s0 =	sadd.s32 $0x8F2B, s0  }
0xbf: {  	[sflag:s0] =	ssyncadd.remote.s32 $0x1  }
0xc0: {  	_ =	sfence.sel $0xFFFF  }
0xc1: {  	[dreg:$0x0] =	wrdreg $0xFFFFFFFF;
	(pc) =	sbr.abs _section_cstart, $3  }
0xc2: {  	[dreg:$0x1] =	wrdreg $0xFFFFFFFF  }
0xc3: {  	_ =	task.clear_ibuf [dreg:s7], $0x2FFFF;
	_ =	strace $0x9FFFFFFF  }
0xc4: {  	(tm) =	ssettm $0x7FFFFFFF  }
0xc5: {  	_ =	shalt  }
tec
execute0_lowered:
.L_overlay_start_1:
0x0: {  	(tag) =	ssettag $0x1  }
0x1: {  	s0 =	rddreg [dreg:$0x0]  }
0x2: {  	s1 =	rddreg [dreg:$0x1]  }
0x3: {  	s2 =	rddreg [dreg:$0x2]  }
0x4: {  	s3 =	rddreg [dreg:$0x3]  }
0x5: {  	s10 =	stileid.u32;
	s4 =	srdreg.scid;
	s29 =	simm.s32 $0x6000  }
0x6: {  	s30 =	simm.s32 $0x8000;
	s28 =	simm.s32 $0x8;
	s31 =	simm.s32 $0xA  }
0x7: {  	s5 =	sand.u32 $0x1, s4;
	s6 =	sshll.u32 s10, $0x1;
	s7 =	smul.u32 $0x2800, s10  }
0x8: {  	s4 =	simm.s32 $0x0;
	s10 =	smul.u32 $0xA000, s10;
	s6 =	sor.u32 s5, s6  }
0x9: {  	[smem:$0x7FF] =	sst s4;
	s9 =	ssub.s32 $0x2, s5;
	s5 =	smul.u32 $0x28000, s5  }
0xa: {  	s6 =	smul.u32 $0x2800, s6;
	_ =	strace $0x8000004D;
	s8 =	sshrl.u32 s7, $0x3  }
0xb: {  	s11 =	sshrl.u32 s9, $0x1;
	s18 =	sshrl.u32 s10, $0x2;
	s20 =	sadd.s32 s7, s3  }
0xc: {  	s21 =	sadd.s32 s7, s2;
	s10 =	simm.s32 $0x10800;
	s9 =	ssub.s32 s9, s11  }
0xd: {  	s5 =	sadd.s32 s7, s5;
	[dreg:$0x8] =	wrdreg s20;
	s6 =	sshrl.u32 s6, $0x3  }
0xe: {  	[dreg:$0x9] =	wrdreg s21;
	s22 =	smax.u32 s9, $0x1;
	s6 =	sadd.s32 s6, s0  }
0xf: {  	s20 =	simm.s32 $0xC;
	[dreg:$0xb] =	wrdreg s22;
	s17 =	sadd.s32 $0xC200, s6  }
0x10: {  	s0 =	sadd.s32 s8, s0;
	s6 =	sadd.s32 $0x2200, s6;
	[dreg:$0x5] =	wrdreg s17  }
0x11: {  	s8 =	sadd.s32 s18, s2;
	s0 =	sadd.s32 $0x16200, s0;
	[dreg:$0x6] =	wrdreg s6  }
0x12: {  	s21 =	simm.s32 $0x1;
	s23 =	sadd.s32 $0x800, s8;
	[dreg:$0x7] =	wrdreg s0  }
0x13: {  	s19 =	sshrl.u32 s5, $0x3;
	s24 =	sadd.s32 $0x1000, s8;
	[dreg:$0xc] =	wrdreg s23  }
0x14: {  	s5 =	simm.s32 $0xB;
	s25 =	sadd.s32 $0x1800, s8;
	[dreg:$0xd] =	wrdreg s24  }
0x15: {  	s22 =	simm.s32 $0x2;
	s26 =	sadd.s32 $0x2000, s8;
	[dreg:$0xe] =	wrdreg s25  }
0x16: {  	s0 =	sadd.s32 s1, s19;
	[dreg:$0xf] =	wrdreg s26;
	s19 =	simm.s32 $0x5000  }
0x17: {  	s23 =	simm.s32 $0x3;
	s24 =	simm.s32 $0xE000;
	s25 =	simm.s32 $0x80  }
0x18: {  	s1 =	simm.s32 $0x7000;
	s17 =	simm.s32 $0x4;
	s26 =	simm.s32 $0x6  }
0x19: {  	v0 =	vimm.f32 $0.0e+00;
	s6 =	simm.s32 $0x0;
	[dreg:$0xa] =	wrdreg s0;
	s0 =	simm.s32 $0x8800  }
.LBB2_1:
0x1a: {  	s7 =	rddreg [dreg:$0x5];
	s9 =	simm.s32 $0x2800  }
0x1b: {  	[tilespmem:s9], [sflag:$0x1] =	stream.linear.gather [hbm4b:s7+s4], $0x2800, $0x38;
	[tilespmem:$0x13000] =	vst v63  }
0x1c: {  	s16 =	rddreg [dreg:$0x6]  }
0x1d: {  	[tilespmem:s4], [sflag:$0x2] =	stream.linear.gather [hbm4b:s16+s4], $0x2800, $0x38;
	[tilespmem:$0x13000] =	vst v63  }
0x1e: {  	s18 =	rddreg [dreg:$0x7];
	s7 =	simm.s32 $0x40;
	s9 =	simm.s32 $0x0  }
0x1f: {  	[tilespmem:s10], [sflag:$0x3] =	stream.linear.gather [hbm4b:s18+s4], $0x2800, $0x38;
	[tilespmem:$0x13000] =	vst v63  }
.LBB2_2:
0x20: {  	p0 =	sne.s32 s7, $0x1FC0;
	[tilespmem:s9+$0x5000] =	vst v0;
	s9 =	smov.u32 s7;
	s7 =	sadd.s32 $0x40, s7  }
.Ltmp0:
0x21: {  	(pc) =	sbr.rel @p0 .LBB2_2-.Ltmp0, $2  }
0x22: {  	_ =	sdelay $0x2  }
0x23: {  	s9 =	sshra.s32 s9, $0x2  }
0x24: {  	[tilespmem:s9+$0x5000] =	vst v0  }
0x25: {  	[spmem:s8] =	stream.linear.scatter [tilespmem:s19], [sflag:$0xC], $0x800, $0x38;
	[tilespmem:$0x13000] =	vst v63  }
0x26: {  	_ =	swait.ge [sflag:s20], $0x800  }
0x27: {  	[sflag:s20] =	ssyncset.done $0x0  }
0x28: {  	s7 =	rddreg [dreg:$0xc];
	[sflag:s20] =	ssyncadd.s32 $0xFFFFF800  }
0x29: {  	[spmem:s7] =	stream.linear.scatter [tilespmem:s19], [sflag:$0xC], $0x800, $0x38;
	[tilespmem:$0x13000] =	vst v63  }
0x2a: {  	_ =	swait.ge [sflag:s20], $0x800  }
0x2b: {  	[sflag:s20] =	ssyncset.done $0x0  }
0x2c: {  	s15 =	rddreg [dreg:$0xd];
	[sflag:s20] =	ssyncadd.s32 $0xFFFFF800  }
0x2d: {  	[spmem:s15] =	stream.linear.scatter [tilespmem:s19], [sflag:$0xC], $0x800, $0x38;
	[tilespmem:$0x13000] =	vst v63  }
0x2e: {  	_ =	swait.ge [sflag:s20], $0x800  }
0x2f: {  	[sflag:s20] =	ssyncset.done $0x0  }
0x30: {  	s16 =	rddreg [dreg:$0xe];
	[sflag:s20] =	ssyncadd.s32 $0xFFFFF800  }
0x31: {  	[spmem:s16] =	stream.linear.scatter [tilespmem:s19], [sflag:$0xC], $0x800, $0x38;
	[tilespmem:$0x13000] =	vst v63  }
0x32: {  	_ =	swait.ge [sflag:s20], $0x800  }
0x33: {  	[sflag:s20] =	ssyncset.done $0x0  }
0x34: {  	s18 =	rddreg [dreg:$0xf];
	[sflag:s20] =	ssyncadd.s32 $0xFFFFF800  }
0x35: {  	[spmem:s18] =	stream.linear.scatter [tilespmem:s19], [sflag:$0xC], $0x800, $0x38;
	[tilespmem:$0x13000] =	vst v63  }
0x36: {  	_ =	swait.ge [sflag:s20], $0x800  }
0x37: {  	[sflag:s20] =	ssyncset.done $0x0  }
0x38: {  	[sflag:s20] =	ssyncadd.s32 $0xFFFFF800  }
0x39: {  	_ =	swait.ge [sflag:s21], $0x2800  }
0x3a: {  	[sflag:s21] =	ssyncset.done $0x0  }
0x3b: {  	[sflag:s21] =	ssyncadd.s32 $0xFFFFD800  }
0x3c: {  	_ =	swait.ge [sflag:s22], $0x2800  }
0x3d: {  	[sflag:s22] =	ssyncset.done $0x0  }
0x3e: {  	[sflag:s22] =	ssyncadd.s32 $0xFFFFD800  }
0x3f: {  	_ =	swait.ge [sflag:s23], $0x2800  }
0x40: {  	[sflag:s23] =	ssyncset.done $0x0  }
0x41: {  	s7 =	simm.s32 $0x0;
	[sflag:s23] =	ssyncadd.s32 $0xFFFFD800  }
0x42: {  	v4 =	vld [tilespmem:s7+$0x10870]  }
0x43: {  	v5 =	vld [tilespmem:s7+$0x10800]  }
0x44: {  	v6 =	vld [tilespmem:s7+$0x10810]  }
0x45: {  	v3 =	vld [tilespmem:s7+$0x10820]  }
0x46: {  	v1 =	vld [tilespmem:s7+$0x10830]  }
0x47: {  	v2 =	vld [tilespmem:s7+$0x10840];
	[tilespmem:s7+$0xE070] =	vst v4  }
0x48: {  	[tilespmem:s7+$0xE000] =	vst v5;
	v4 =	vld [tilespmem:s7+$0x10850]  }
0x49: {  	s9 =	simm.s32 $0x80;
	s10 =	simm.s32 $0x400;
	[tilespmem:s7+$0xE010] =	vst v6;
	v5 =	vld [tilespmem:s7+$0x10860]  }
.LBB2_4:
0x4a: {  	p0 =	sne.s32 s10, $0x9E00;
	v6 =	vld [tilespmem:s9+$0x10870];
	[tilespmem:s7+$0xE020] =	vst v3  }
0x4b: {  	v7 =	vld [tilespmem:s9+$0x10800];
	[tilespmem:s7+$0xE030] =	vst v1  }
0x4c: {  	v8 =	vld [tilespmem:s9+$0x10810];
	[tilespmem:s7+$0xE040] =	vst v2  }
.Ltmp1:
0x4d: {  	v3 =	vld [tilespmem:s9+$0x10820];
	[tilespmem:s7+$0xE050] =	vst v4;
	(pc) =	sbr.rel @p0 .LBB2_4-.Ltmp1, $4  }
0x4e: {  	v1 =	vld [tilespmem:s9+$0x10830];
	[tilespmem:s7+$0xE060] =	vst v5;
	s7 =	smov.u32 s9  }
0x4f: {  	v2 =	vld [tilespmem:s7+$0x10840];
	[tilespmem:s7+$0xE070] =	vst v6  }
0x50: {  	[tilespmem:s7+$0xE000] =	vst v7;
	v4 =	vld [tilespmem:s7+$0x10850]  }
0x51: {  	s9 =	sshra.s32 s10, $0x2;
	s10 =	sadd.s32 $0x200, s10;
	[tilespmem:s7+$0xE010] =	vst v8;
	v5 =	vld [tilespmem:s7+$0x10860]  }
0x52: {  	v6 =	vld [tilespmem:s9+$0x10870];
	[tilespmem:s7+$0xE020] =	vst v3  }
0x53: {  	v3 =	vld [tilespmem:s9+$0x10800];
	[tilespmem:s7+$0xE030] =	vst v1  }
0x54: {  	v1 =	vld [tilespmem:s9+$0x10810];
	[tilespmem:s7+$0xE040] =	vst v2  }
0x55: {  	v2 =	vld [tilespmem:s9+$0x10820];
	[tilespmem:s7+$0xE050] =	vst v4  }
0x56: {  	v4 =	vld [tilespmem:s9+$0x10830];
	[tilespmem:s7+$0xE060] =	vst v5  }
0x57: {  	v5 =	vld [tilespmem:s9+$0x10840];
	[tilespmem:s9+$0xE070] =	vst v6  }
0x58: {  	[tilespmem:s9+$0xE000] =	vst v3;
	v3 =	vld [tilespmem:s9+$0x10850]  }
0x59: {  	[tilespmem:s9+$0xE010] =	vst v1;
	v1 =	vld [tilespmem:s9+$0x10860]  }
0x5a: {  	[tilespmem:s9+$0xE020] =	vst v2  }
0x5b: {  	[tilespmem:s9+$0xE030] =	vst v4  }
0x5c: {  	[tilespmem:s9+$0xE040] =	vst v5  }
0x5d: {  	[tilespmem:s9+$0xE050] =	vst v3  }
0x5e: {  	[tilespmem:s9+$0xE060] =	vst v1;
	s9 =	rddreg [dreg:$0x8]  }
0x5f: {  	[spmem:s9] =	stream.linear.scatter [tilespmem:s24], [sflag:$0xC], $0x2800, $0x38;
	[tilespmem:$0x13000] =	vst v63  }
0x60: {  	_ =	swait.ge [sflag:s20], $0x2800  }
0x61: {  	[sflag:s20] =	ssyncset.done $0x0  }
0x62: {  	[sflag:s20] =	ssyncadd.s32 $0xFFFFD800  }
0x63: {  	s7 =	simm.s32 $0x0;
	[bflag:$0x0] =	sbarrier.arrive $0xFFFF  }
0x64: {  	[tilespmem:s19], [sflag:$0x4] =	stream.indirect.gather [spmem:s3], $0x10, s7, s25, $0xb8;
	[tilespmem:$0x13000] =	vst v63  }
0x65: {  	s10 =	simm.s32 $0x5800  }
0x66: {  	[tilespmem:s10], [sflag:$0x5] =	stream.indirect.gather [spmem:s3], $0x10, s25, s25, $0xb8;
	[tilespmem:$0x13000] =	vst v63  }
0x67: {  	s11 =	simm.s32 $0x100  }
0x68: {  	[tilespmem:s29], [sflag:$0x6] =	stream.indirect.gather [spmem:s3], $0x10, s11, s25, $0xb8;
	[tilespmem:$0x13000] =	vst v63  }
0x69: {  	s12 =	simm.s32 $0x180;
	s10 =	simm.s32 $0x6800  }
0x6a: {  	[tilespmem:s10], [sflag:$0x7] =	stream.indirect.gather [spmem:s3], $0x10, s12, s25, $0xb8;
	[tilespmem:$0x13000] =	vst v63  }
0x6b: {  	s13 =	simm.s32 $0x200  }
0x6c: {  	[tilespmem:s1], [sflag:$0x8] =	stream.indirect.gather [spmem:s3], $0x10, s13, s25, $0xb8;
	[tilespmem:$0x13000] =	vst v63  }
0x6d: {  	s14 =	simm.s32 $0x280;
	s15 =	simm.s32 $0x7800  }
0x6e: {  	[tilespmem:s15], [sflag:$0x9] =	stream.indirect.gather [spmem:s3], $0x10, s14, s25, $0xb8;
	[tilespmem:$0x13000] =	vst v63  }
0x6f: {  	s16 =	simm.s32 $0x300  }
0x70: {  	[tilespmem:s30], [sflag:$0xA] =	stream.indirect.gather [spmem:s3], $0x10, s16, s25, $0xb8;
	[tilespmem:$0x13000] =	vst v63  }
0x71: {  	s18 =	simm.s32 $0x380  }
0x72: {  	[tilespmem:s0], [sflag:$0xB] =	stream.indirect.gather [spmem:s3], $0x10, s18, s25, $0xb8;
	[tilespmem:$0x13000] =	vst v63  }
.LBB2_6:
0x73: {  	_ =	swait.ge [sflag:s17], $0x800  }
0x74: {  	s9 =	sshra.s32 s7, $0x2;
	[sflag:s17] =	ssyncset.done $0x0  }
0x75: {  	s10 =	sadd.s32 $0x2800, s9;
	[sflag:s17] =	ssyncadd.s32 $0xFFFFF800  }
0x76: {  	[spmem:s2] =	stream.indirect.scatter.add.f32 [tilespmem:s19], [sflag:$0xC], $0x10, s10, s25, $0xb8;
	[tilespmem:$0x13000] =	vst v63  }
0x77: {  	_ =	swait.ge [sflag:s20], $0x800  }
0x78: {  	p0 =	seq.s32 s7, $0x9000;
	[sflag:s20] =	ssyncset.done $0x0  }
0x79: {  	s10 =	simm.s32 @p0 $0x5;
	[sflag:s20] =	ssyncadd.s32 $0xFFFFF800  }
0x7a: {  	s18 =	sshra.s32 @p0 s7, $0x2;
	_ =	swait.ge @p0 [sflag:s10], $0x800  }
0x7b: {  	s12 =	simm.s32 @p0 $0x80;
	s11 =	simm.s32 @p0 $0x5800;
	[sflag:s10] =	ssyncset.done @p0 $0x0  }
0x7c: {  	s13 =	simm.s32 @p0 $0xC;
	[sflag:s10] =	ssyncadd.s32 @p0 $0xFFFFF800;
	s10 =	sadd.s32 @p0 $0x2880, s18  }
0x7d: {  	[spmem:s2] =	stream.indirect.scatter.add.f32 @p0 [tilespmem:s11], [sflag:$0xC], $0x10, s10, s12, $0xb8;
	[tilespmem:$0x13000] =	vst v63  }
0x7e: {  	_ =	swait.ge @p0 [sflag:s13], $0x800  }
0x7f: {  	s15 =	simm.s32 @!p0 $0x5000;
	s10 =	sshra.s32 @!p0 s7, $0x2;
	[sflag:s13] =	ssyncset.done @p0 $0x0  }
0x80: {  	s11 =	simm.s32 @!p0 $0x80;
	s14 =	sadd.s32 @!p0 $0x400, s10;
	[sflag:s13] =	ssyncadd.s32 @p0 $0xFFFFF800  }
0x81: {  	[tilespmem:s15], [sflag:$0x4] =	stream.indirect.gather @!p0 [spmem:s3], $0x10, s14, s11, $0xb8;
	[tilespmem:$0x13000] =	vst v63  }
0x82: {  	s14 =	simm.s32 @!p0 $0x5  }
0x83: {  	_ =	swait.ge @!p0 [sflag:s14], $0x800  }
0x84: {  	[sflag:s14] =	ssyncset.done @!p0 $0x0  }
0x85: {  	s15 =	simm.s32 @!p0 $0x5800;
	[sflag:s14] =	ssyncadd.s32 @!p0 $0xFFFFF800;
	s14 =	sadd.s32 @!p0 $0x2880, s10  }
0x86: {  	[spmem:s2] =	stream.indirect.scatter.add.f32 @!p0 [tilespmem:s15], [sflag:$0xC], $0x10, s14, s11, $0xb8;
	[tilespmem:$0x13000] =	vst v63  }
0x87: {  	s14 =	simm.s32 @!p0 $0xC  }
0x88: {  	_ =	swait.ge @!p0 [sflag:s14], $0x800  }
0x89: {  	[sflag:s14] =	ssyncset.done @!p0 $0x0  }
0x8a: {  	s16 =	sadd.s32 @!p0 $0x480, s10;
	[sflag:s14] =	ssyncadd.s32 @!p0 $0xFFFFF800  }
0x8b: {  	[tilespmem:s15], [sflag:$0x5] =	stream.indirect.gather @!p0 [spmem:s3], $0x10, s16, s11, $0xb8;
	[tilespmem:$0x13000] =	vst v63  }
0x8c: {  	_ =	swait.ge [sflag:s26], $0x800  }
0x8d: {  	[sflag:s26] =	ssyncset.done $0x0  }
0x8e: {  	s16 =	sadd.s32 $0x2900, s9;
	[sflag:s26] =	ssyncadd.s32 $0xFFFFF800  }
0x8f: {  	[spmem:s2] =	stream.indirect.scatter.add.f32 [tilespmem:s29], [sflag:$0xC], $0x10, s16, s25, $0xb8;
	[tilespmem:$0x13000] =	vst v63  }
0x90: {  	_ =	swait.ge [sflag:s20], $0x800  }
0x91: {  	[sflag:s20] =	ssyncset.done $0x0  }
0x92: {  	s15 =	simm.s32 @p0 $0x7;
	[sflag:s20] =	ssyncadd.s32 $0xFFFFF800  }
0x93: {  	_ =	swait.ge @p0 [sflag:s15], $0x800  }
0x94: {  	[sflag:s15] =	ssyncset.done @p0 $0x0  }
0x95: {  	s16 =	simm.s32 @p0 $0x6800;
	[sflag:s15] =	ssyncadd.s32 @p0 $0xFFFFF800;
	s15 =	sadd.s32 @p0 $0x2980, s18  }
0x96: {  	[spmem:s2] =	stream.indirect.scatter.add.f32 @p0 [tilespmem:s16], [sflag:$0xC], $0x10, s15, s12, $0xb8;
	[tilespmem:$0x13000] =	vst v63  }
0x97: {  	_ =	swait.ge @p0 [sflag:s13], $0x800  }
0x98: {  	[sflag:s13] =	ssyncset.done @p0 $0x0  }
0x99: {  	s15 =	sadd.s32 @!p0 $0x500, s10;
	s16 =	simm.s32 @!p0 $0x6000;
	[sflag:s13] =	ssyncadd.s32 @p0 $0xFFFFF800  }
0x9a: {  	[tilespmem:s16], [sflag:$0x6] =	stream.indirect.gather @!p0 [spmem:s3], $0x10, s15, s11, $0xb8;
	[tilespmem:$0x13000] =	vst v63  }
0x9b: {  	s15 =	simm.s32 @!p0 $0x7  }
0x9c: {  	_ =	swait.ge @!p0 [sflag:s15], $0x800  }
0x9d: {  	[sflag:s15] =	ssyncset.done @!p0 $0x0  }
0x9e: {  	s16 =	simm.s32 @!p0 $0x6800;
	[sflag:s15] =	ssyncadd.s32 @!p0 $0xFFFFF800;
	s15 =	sadd.s32 @!p0 $0x2980, s10  }
0x9f: {  	[spmem:s2] =	stream.indirect.scatter.add.f32 @!p0 [tilespmem:s16], [sflag:$0xC], $0x10, s15, s11, $0xb8;
	[tilespmem:$0x13000] =	vst v63  }
0xa0: {  	_ =	swait.ge @!p0 [sflag:s14], $0x800  }
0xa1: {  	[sflag:s14] =	ssyncset.done @!p0 $0x0  }
0xa2: {  	s15 =	sadd.s32 @!p0 $0x580, s10;
	[sflag:s14] =	ssyncadd.s32 @!p0 $0xFFFFF800  }
0xa3: {  	[tilespmem:s16], [sflag:$0x7] =	stream.indirect.gather @!p0 [spmem:s3], $0x10, s15, s11, $0xb8;
	[tilespmem:$0x13000] =	vst v63  }
0xa4: {  	_ =	swait.ge [sflag:s28], $0x800  }
0xa5: {  	[sflag:s28] =	ssyncset.done $0x0  }
0xa6: {  	s16 =	sadd.s32 $0x2A00, s9;
	[sflag:s28] =	ssyncadd.s32 $0xFFFFF800  }
0xa7: {  	[spmem:s2] =	stream.indirect.scatter.add.f32 [tilespmem:s1], [sflag:$0xC], $0x10, s16, s25, $0xb8;
	[tilespmem:$0x13000] =	vst v63  }
0xa8: {  	_ =	swait.ge [sflag:s20], $0x800  }
0xa9: {  	[sflag:s20] =	ssyncset.done $0x0  }
0xaa: {  	s15 =	simm.s32 @p0 $0x9;
	[sflag:s20] =	ssyncadd.s32 $0xFFFFF800  }
0xab: {  	_ =	swait.ge @p0 [sflag:s15], $0x800  }
0xac: {  	[sflag:s15] =	ssyncset.done @p0 $0x0  }
0xad: {  	s16 =	simm.s32 @p0 $0x7800;
	[sflag:s15] =	ssyncadd.s32 @p0 $0xFFFFF800;
	s15 =	sadd.s32 @p0 $0x2A80, s18  }
0xae: {  	[spmem:s2] =	stream.indirect.scatter.add.f32 @p0 [tilespmem:s16], [sflag:$0xC], $0x10, s15, s12, $0xb8;
	[tilespmem:$0x13000] =	vst v63  }
0xaf: {  	_ =	swait.ge @p0 [sflag:s13], $0x800  }
0xb0: {  	[sflag:s13] =	ssyncset.done @p0 $0x0  }
0xb1: {  	s12 =	sadd.s32 @!p0 $0x600, s10;
	[sflag:s13] =	ssyncadd.s32 @p0 $0xFFFFF800;
	s13 =	simm.s32 @!p0 $0x7000  }
0xb2: {  	[tilespmem:s13], [sflag:$0x8] =	stream.indirect.gather @!p0 [spmem:s3], $0x10, s12, s11, $0xb8;
	[tilespmem:$0x13000] =	vst v63  }
0xb3: {  	s12 =	simm.s32 @!p0 $0x9  }
0xb4: {  	_ =	swait.ge @!p0 [sflag:s12], $0x800  }
0xb5: {  	[sflag:s12] =	ssyncset.done @!p0 $0x0  }
0xb6: {  	s13 =	simm.s32 @!p0 $0x7800;
	[sflag:s12] =	ssyncadd.s32 @!p0 $0xFFFFF800;
	s12 =	sadd.s32 @!p0 $0x2A80, s10  }
0xb7: {  	[spmem:s2] =	stream.indirect.scatter.add.f32 @!p0 [tilespmem:s13], [sflag:$0xC], $0x10, s12, s11, $0xb8;
	[tilespmem:$0x13000] =	vst v63  }
0xb8: {  	_ =	swait.ge @!p0 [sflag:s14], $0x800  }
0xb9: {  	[sflag:s14] =	ssyncset.done @!p0 $0x0  }
0xba: {  	s10 =	sadd.s32 @!p0 $0x680, s10;
	[sflag:s14] =	ssyncadd.s32 @!p0 $0xFFFFF800  }
0xbb: {  	[tilespmem:s13], [sflag:$0x9] =	stream.indirect.gather @!p0 [spmem:s3], $0x10, s10, s11, $0xb8;
	[tilespmem:$0x13000] =	vst v63  }
0xbc: {  	_ =	swait.ge [sflag:s31], $0x800  }
0xbd: {  	[sflag:s31] =	ssyncset.done $0x0  }
.Ltmp2:
0xbe: {  	s18 =	sadd.s32 $0x2B00, s9;
	[sflag:s31] =	ssyncadd.s32 $0xFFFFF800;
	(pc) =	sbr.rel @p0 .LBB2_8-.Ltmp2, $4  }
0xbf: {  	[spmem:s2] =	stream.indirect.scatter.add.f32 [tilespmem:s30], [sflag:$0xC], $0x10, s18, s25, $0xb8;
	[tilespmem:$0x13000] =	vst v63  }
0xc0: {  	_ =	swait.ge [sflag:s20], $0x800  }
0xc1: {  	[sflag:s20] =	ssyncset.done $0x0  }
0xc2: {  	s10 =	sadd.s32 $0x2B80, s9;
	[sflag:s20] =	ssyncadd.s32 $0xFFFFF800  }
0xc3: {  	s11 =	sadd.s32 $0x700, s9  }
0xc4: {  	[tilespmem:s30], [sflag:$0xA] =	stream.indirect.gather [spmem:s3], $0x10, s11, s25, $0xb8;
	[tilespmem:$0x13000] =	vst v63  }
0xc5: {  	_ =	swait.ge [sflag:s5], $0x800  }
0xc6: {  	[sflag:s5] =	ssyncset.done $0x0  }
0xc7: {  	[sflag:s5] =	ssyncadd.s32 $0xFFFFF800  }
0xc8: {  	[spmem:s2] =	stream.indirect.scatter.add.f32 [tilespmem:s0], [sflag:$0xC], $0x10, s10, s25, $0xb8;
	[tilespmem:$0x13000] =	vst v63  }
.Ltmp3:
0xc9: {  	_ = 	snop;
	(pc) =	sbr.rel .LBB2_6-.Ltmp3, $4  }
0xca: {  	_ =	swait.ge [sflag:s20], $0x800  }
0xcb: {  	[sflag:s20] =	ssyncset.done $0x0  }
0xcc: {  	s18 =	sadd.s32 $0x780, s9;
	s7 =	sadd.s32 $0x1000, s7;
	[sflag:s20] =	ssyncadd.s32 $0xFFFFF800  }
0xcd: {  	[tilespmem:s0], [sflag:$0xB] =	stream.indirect.gather [spmem:s3], $0x10, s18, s25, $0xb8;
	[tilespmem:$0x13000] =	vst v63  }
.LBB2_8:
0xce: {  	_ =	swait.ge [sflag:s5], $0x800  }
0xcf: {  	[sflag:s5] =	ssyncset.done $0x0  }
0xd0: {  	[sflag:s5] =	ssyncadd.s32 $0xFFFFF800  }
0xd1: {  	[spmem:s2] =	stream.indirect.scatter.add.f32 [tilespmem:s0], [sflag:$0xC], $0x10, s10, s25, $0xb8;
	[tilespmem:$0x13000] =	vst v63  }
0xd2: {  	_ =	swait.ge [sflag:s20], $0x800  }
0xd3: {  	[sflag:s20] =	ssyncset.done $0x0  }
0xd4: {  	[sflag:s20] =	ssyncadd.s32 $0xFFFFF800  }
0xd5: {  	[bflag:$0x0] =	sbarrier.arrive $0xFFFF  }
0xd6: {  	s7 =	rddreg [dreg:$0x9]  }
0xd7: {  	[tilespmem:s24], [sflag:$0xC] =	stream.linear.gather [spmem:s7], $0x2800, $0x38;
	[tilespmem:$0x13000] =	vst v63  }
0xd8: {  	_ =	swait.ge [sflag:s20], $0x2800  }
0xd9: {  	[sflag:s20] =	ssyncset.done $0x0  }
0xda: {  	s7 =	simm.s32 $0x0;
	[sflag:s20] =	ssyncadd.s32 $0xFFFFD800  }
0xdb: {  	v4 =	vld [tilespmem:s7+$0xE070]  }
0xdc: {  	v5 =	vld [tilespmem:s7+$0xE000]  }
0xdd: {  	v6 =	vld [tilespmem:s7+$0xE010]  }
0xde: {  	v3 =	vld [tilespmem:s7+$0xE020]  }
0xdf: {  	v1 =	vld [tilespmem:s7+$0xE030]  }
0xe0: {  	v2 =	vld [tilespmem:s7+$0xE040];
	[tilespmem:s7+$0x10870] =	vst v4  }
0xe1: {  	[tilespmem:s7+$0x10800] =	vst v5;
	v4 =	vld [tilespmem:s7+$0xE050]  }
0xe2: {  	s9 =	simm.s32 $0x80;
	s10 =	simm.s32 $0x400;
	[tilespmem:s7+$0x10810] =	vst v6;
	v5 =	vld [tilespmem:s7+$0xE060]  }
.LBB2_9:
0xe3: {  	p0 =	sne.s32 s10, $0x9E00;
	v6 =	vld [tilespmem:s9+$0xE070];
	[tilespmem:s7+$0x10820] =	vst v3  }
0xe4: {  	v7 =	vld [tilespmem:s9+$0xE000];
	[tilespmem:s7+$0x10830] =	vst v1  }
0xe5: {  	v8 =	vld [tilespmem:s9+$0xE010];
	[tilespmem:s7+$0x10840] =	vst v2  }
.Ltmp4:
0xe6: {  	v3 =	vld [tilespmem:s9+$0xE020];
	[tilespmem:s7+$0x10850] =	vst v4;
	(pc) =	sbr.rel @p0 .LBB2_9-.Ltmp4, $4  }
0xe7: {  	v1 =	vld [tilespmem:s9+$0xE030];
	[tilespmem:s7+$0x10860] =	vst v5;
	s7 =	smov.u32 s9  }
0xe8: {  	v2 =	vld [tilespmem:s7+$0xE040];
	[tilespmem:s7+$0x10870] =	vst v6  }
0xe9: {  	[tilespmem:s7+$0x10800] =	vst v7;
	v4 =	vld [tilespmem:s7+$0xE050]  }
0xea: {  	s9 =	sshra.s32 s10, $0x2;
	s10 =	sadd.s32 $0x200, s10;
	[tilespmem:s7+$0x10810] =	vst v8;
	v5 =	vld [tilespmem:s7+$0xE060]  }
0xeb: {  	v6 =	vld [tilespmem:s9+$0xE070];
	[tilespmem:s7+$0x10820] =	vst v3  }
0xec: {  	v3 =	vld [tilespmem:s9+$0xE000];
	[tilespmem:s7+$0x10830] =	vst v1  }
0xed: {  	v1 =	vld [tilespmem:s9+$0xE010];
	[tilespmem:s7+$0x10840] =	vst v2  }
0xee: {  	v2 =	vld [tilespmem:s9+$0xE020];
	[tilespmem:s7+$0x10850] =	vst v4  }
0xef: {  	v4 =	vld [tilespmem:s9+$0xE030];
	[tilespmem:s7+$0x10860] =	vst v5  }
0xf0: {  	v5 =	vld [tilespmem:s9+$0xE040];
	[tilespmem:s9+$0x10870] =	vst v6  }
0xf1: {  	[tilespmem:s9+$0x10800] =	vst v3;
	v3 =	vld [tilespmem:s9+$0xE050]  }
0xf2: {  	[tilespmem:s9+$0x10810] =	vst v1;
	v1 =	vld [tilespmem:s9+$0xE060]  }
0xf3: {  	[tilespmem:s9+$0x10820] =	vst v2  }
0xf4: {  	[tilespmem:s9+$0x10830] =	vst v4  }
0xf5: {  	[tilespmem:s9+$0x10840] =	vst v5  }
0xf6: {  	[tilespmem:s9+$0x10850] =	vst v3  }
0xf7: {  	s16 =	rddreg [dreg:$0xa];
	s10 =	simm.s32 $0x10800;
	[tilespmem:s9+$0x10860] =	vst v1  }
0xf8: {  	[hbm4b:s16+s4] =	stream.linear.scatter [tilespmem:s10], [sflag:$0xC], $0x2800, $0x38;
	[tilespmem:$0x13000] =	vst v63  }
0xf9: {  	_ =	swait.ge [sflag:s20], $0x2800  }
0xfa: {  	s6 =	sadd.s32 $0x1, s6;
	s18 =	rddreg [dreg:$0xb]  }
0xfb: {  	p0 =	sne.s32 s6, s18  }
.Ltmp5:
0xfc: {  	_ = 	snop;
	(pc) =	sbr.rel @p0 .LBB2_1-.Ltmp5, $3  }
0xfd: {  	_ =	sdelay $0x1  }
0xfe: {  	[sflag:s20] =	ssyncset.done $0x0  }
0xff: {  	[sflag:s20] =	ssyncadd.s32 $0xFFFFD800  }
0x100: {  	_ =	sfence.sel $0x180000  }
0x101: {  	[bflag:$0x0] =	sbarrier.arrive $0xFFFF  }
0x102: {  	_ =	strace $0x9000004D  }
0x103: {  	s0 =	stileid.u32;
	[bflag:$0x2] =	sbarrier.arrive $0xFFFF  }
0x104: {  	p0 =	sne.s32 s0, $0x0;
	s0 =	rddreg [dreg:$0x4]  }
0x105: {  	s0 =	sadd.s32 @!p0 $0x100000, s0  }
0x106: {  	[sflag:s0] =	ssyncadd.tile.s32 @!p0 $0x1;
	_ =	shalt  }
.Lfunc_end2:
_tile_overlayer_lowered:
.L_overlay_start_2:
0x107: {  	(tag) =	ssettag $0x2  }
0x108: {  	s0 =	rddreg [dreg:$0x0];
	s2 =	stileid.u32  }
0x109: {  	s1 =	rddreg [dreg:$0x1];
	p0 =	sne.s32 s2, $0x0  }
0x10a: {  	s3 =	rddreg [dreg:$0x2];
	[bflag:$0x3] =	sbarrier.arrive $0xFFFF;
	s2 =	simm.s32 @!p0 $0x1C0C  }
0x10b: {  	[timem:s3], [sflag:s2] =	dma.local @!p0 [hbm:s0], s1  }
0x10c: {  	s0 =	simm.s32 @!p0 $0xC  }
0x10d: {  	_ =	swait.ge @!p0 [sflag:s0], s1  }
0x10e: {  	s1 =	ssub.s32 @!p0 $0x0, s1;
	[sflag:s0] =	ssyncset.done @!p0 $0x0  }
0x10f: {  	[sflag:s0] =	ssyncadd.s32 @!p0 s1  }
0x110: {  	[bflag:$0x3] =	sbarrier.arrive $0xFFFF  }
0x111: {  	_ =	shalt  }

// kernel: kernel.7.cloned.1.call-start
scs
__scs_entry_jumppad:
0x0: {  	(pc) =	sbr.rel $0x88, $3  }
0x1: {  	(tag) =	ssettag $0x0;
	lr =	simm.s32 $0x1  }
0x2: {  	[smem:$0x3F9B] =	sst lr;
	_ =	strace $0xD0000000  }
0x3: {  	_ = 	snop  }
0x4: {  	_ = 	snop  }
0x5: {  	_ = 	snop  }
0x6: {  	_ = 	snop  }
0x7: {  	_ = 	snop  }
__scs_overlays_trampoline_lowered:
0x8: {  	[smem:$0x3FAA] =	sst s0  }
0x9: {  	[smem:$0x3FAB] =	sst s1  }
0xa: {  	[smem:$0x3FAC] =	sst s2  }
0xb: {  	[smem:$0x3FAD] =	sst s3  }
0xc: {  	[smem:$0x3FAE] =	sst s4  }
0xd: {  	[smem:$0x3FAF] =	sst s5  }
0xe: {  	[smem:$0x3FB0] =	sst s6  }
0xf: {  	[smem:$0x3FB1] =	sst s7  }
0x10: {  	[smem:$0x3FB2] =	sst s8  }
0x11: {  	[smem:$0x3FB3] =	sst s9;
	s0 =	simm.s32 @!p0 $0x0  }
0x12: {  	s1 =	sld [smem:$0x3F99];
	s0 =	simm.s32 @p0 $0x1  }
0x13: {  	[smem:$0x3FB4] =	sst s0;
	s0 =	simm.s32 @!p1 $0x0  }
0x14: {  	s2 =	sld [smem:$0x3F98];
	s0 =	simm.s32 @p1 $0x1  }
0x15: {  	[smem:$0x3FB5] =	sst s0;
	s0 =	simm.s32 @!p2 $0x0  }
0x16: {  	s3 =	sld [smem:$0x3FDB];
	s0 =	simm.s32 @p2 $0x1  }
0x17: {  	s4 =	simm.s32 $0x1BF5;
	[smem:$0x3FB7] =	sst s0  }
0x18: {  	s0 =	sld [smem:$0x3F9A];
	_ =	swait.ge [sflag:s4], $0x0  }
0x19: {  	s7 =	sld [smem:$0x3F9B]  }
0x1a: {  	s8 =	sadd.s32 $0xFFFFE003, lr  }
0x1b: {  	s9 =	sadd.s32 $0xFFFFFEF7, lr;
	s5 =	simm.s32 $0xFFFFFFFF;
	p2 =	slt.u32 s8, $0xFFFFF086  }
0x1c: {  	p1 =	slt.u32 s9, $0xF7A;
	s5 =	simm.s32 @!p2 $0x0  }
0x1d: {  	s5 =	simm.s32 @p1 $0x1;
	p0 =	seq.s32 s7, s2  }
0x1e: {  	s7 =	smul.u32 @!p0 $0xF7A, s2;
	p2 =	seq.s32 @!p0 s5, $0x0  }
0x1f: {  	s9 =	smul.u32 $0xF7A, s1;
	s8 =	simm.s32 @!p0 $0x1BF5;
	p2 =	por !p2, p0  }
0x20: {  	[sflag:s8] =	ssyncset.s32 @!p0 $0xFFFFF086;
	s6 =	sadd.s32 @!p0 s3, s7;
	s7 =	simm.s32 @!p0 $0x108  }
0x21: {  	s3 =	sadd.s32 s3, s9;
	s6 =	sadd.s32 @!p0 $0x88, s6;
	s7 =	simm.s32 @p2 $0x1082  }
0x22: {  	[simem:s7], [sflag:s8] =	dma.local @!p0 [hbm:s6], $0xF7A  }
0x23: {  	s9 =	sor.u32 $0xD0000000, s2;
	s6 =	simm.s32 $0x108;
	_ =	swait.ge @!p0 [sflag:s8], $0x0  }
0x24: {  	s3 =	sadd.s32 $0x88, s3;
	s6 =	simm.s32 @!p1 $0x1082;
	[sflag:s4] =	ssyncset.s32 $0xFFFFF086  }
0x25: {  	[simem:s6], [sflag:s4] =	dma.local [hbm:s3], $0xF7A  }
0x26: {  	[smem:$0x3F9B] =	sst s1;
	(tag) =	ssettag s2;
	_ =	strace s9  }
0x27: {  	s1 =	sld [smem:$0x3FAB]  }
0x28: {  	s2 =	sld [smem:$0x3FAC]  }
0x29: {  	s4 =	sld [smem:$0x3FAE]  }
0x2a: {  	p0 =	seq.s32 s5, $0x0;
	s5 =	sld [smem:$0x3FAF]  }
0x2b: {  	s6 =	sld [smem:$0x3FB0]  }
0x2c: {  	s7 =	sld [smem:$0x3FB1]  }
0x2d: {  	s3 =	simm.s32 $0x108;
	s8 =	sld [smem:$0x3FB2]  }
0x2e: {  	s3 =	simm.s32 @!p0 $0x1082;
	s9 =	sld [smem:$0x3FB3]  }
0x2f: {  	lr =	sadd.s32 s0, s3;
	s0 =	sld [smem:$0x3FAA]  }
0x30: {  	s3 =	sld [smem:$0x3FAD]  }
0x31: {  	[smem:$0x3FB6] =	sst s10  }
0x32: {  	s10 =	sld [smem:$0x3FB4];
	_ =	sdelay $0x3  }
0x33: {  	p0 =	seq.s32 s10, $0x1;
	s10 =	sld [smem:$0x3FB6];
	_ =	sdelay $0x3  }
0x34: {  	[smem:$0x3FB6] =	sst s10  }
0x35: {  	s10 =	sld [smem:$0x3FB5];
	_ =	sdelay $0x3  }
0x36: {  	p1 =	seq.s32 s10, $0x1;
	s10 =	sld [smem:$0x3FB6];
	_ =	sdelay $0x3  }
0x37: {  	[smem:$0x3FB6] =	sst s10  }
0x38: {  	s10 =	sld [smem:$0x3FB7]  }
0x39: {  	_ = 	snop;
	(pc) =	sbr.ind lr, $3  }
0x3a: {  	_ = 	snop  }
0x3b: {  	_ = 	snop  }
0x3c: {  	p2 =	seq.s32 s10, $0x1;
	s10 =	sld [smem:$0x3FB6]  }
0x3d: {  	_ =	shalt  }
0x3e: {  	_ =	shalt  }
0x3f: {  	_ =	shalt  }
0x40: {  	_ =	shalt  }
0x41: {  	_ =	shalt  }
0x42: {  	_ =	shalt  }
0x43: {  	_ =	shalt  }
0x44: {  	_ =	shalt  }
0x45: {  	_ =	shalt  }
0x46: {  	_ =	shalt  }
0x47: {  	_ =	shalt  }
0x48: {  	_ =	shalt  }
0x49: {  	_ =	shalt  }
0x4a: {  	_ =	shalt  }
0x4b: {  	_ =	shalt  }
0x4c: {  	_ =	shalt  }
0x4d: {  	_ =	shalt  }
0x4e: {  	_ =	shalt  }
0x4f: {  	_ =	shalt  }
0x50: {  	_ =	shalt  }
0x51: {  	_ =	shalt  }
0x52: {  	_ =	shalt  }
0x53: {  	_ =	shalt  }
0x54: {  	_ =	shalt  }
0x55: {  	_ =	shalt  }
0x56: {  	_ =	shalt  }
0x57: {  	_ =	shalt  }
0x58: {  	_ =	shalt  }
0x59: {  	_ =	shalt  }
0x5a: {  	_ =	shalt  }
0x5b: {  	_ =	shalt  }
0x5c: {  	_ =	shalt  }
0x5d: {  	_ =	shalt  }
0x5e: {  	_ =	shalt  }
0x5f: {  	_ =	shalt  }
0x60: {  	_ =	shalt  }
0x61: {  	_ =	shalt  }
0x62: {  	_ =	shalt  }
0x63: {  	_ =	shalt  }
0x64: {  	_ =	shalt  }
0x65: {  	_ =	shalt  }
0x66: {  	_ =	shalt  }
0x67: {  	_ =	shalt  }
0x68: {  	_ =	shalt  }
0x69: {  	_ =	shalt  }
0x6a: {  	_ =	shalt  }
0x6b: {  	_ =	shalt  }
0x6c: {  	_ =	shalt  }
0x6d: {  	_ =	shalt  }
0x6e: {  	_ =	shalt  }
0x6f: {  	_ =	shalt  }
0x70: {  	_ =	shalt  }
0x71: {  	_ =	shalt  }
0x72: {  	_ =	shalt  }
0x73: {  	_ =	shalt  }
0x74: {  	_ =	shalt  }
0x75: {  	_ =	shalt  }
0x76: {  	_ =	shalt  }
0x77: {  	_ =	shalt  }
0x78: {  	_ =	shalt  }
0x79: {  	_ =	shalt  }
0x7a: {  	_ =	shalt  }
0x7b: {  	_ =	shalt  }
0x7c: {  	_ =	shalt  }
0x7d: {  	_ =	shalt  }
0x7e: {  	_ =	shalt  }
0x7f: {  	_ =	shalt  }
0x80: {  	_ =	shalt  }
0x81: {  	_ =	shalt  }
0x82: {  	_ =	shalt  }
0x83: {  	_ =	shalt  }
0x84: {  	_ =	shalt  }
0x85: {  	_ =	shalt  }
0x86: {  	_ =	shalt  }
0x87: {  	_ =	shalt  }
.Lfunc_end0:
.L_simem_size_0:
called_computation_lowered:
.L_overlay_start_0:
0x88: {  	s2 =	sld [smem:$0x3FD9]  }
0x89: {  	s3 =	sld [smem:$0x3FFE];
	_ =	sdelay $0x1  }
0x8a: {  	s1 =	srdreg.scid  }
0x8b: {  	s0 =	sand.u32 $0x1, s1  }
0x8c: {  	s17 =	sshll.u32 s0, $0xA;
	s2 =	sadd.s32 s3, s2  }
0x8d: {  	s2 =	sadd.s32 s2, s17  }
0x8e: {  	[smem:$0x3FC2] =	sst s2  }
0x8f: {  	_ = 	snop  }
0x90: {  	s2 =	sld [smem:$0x3FD0];
	(tm) =	ssettm $0x1  }
0x91: {  	s18 =	sld [smem:$0x3FFB];
	_ =	sdelay $0x3  }
0x92: {  	_ =	strace s18  }
0x93: {  	s3 =	sld [smem:$0x3FFC];
	_ =	sdelay $0x3  }
0x94: {  	_ =	strace s3  }
0x95: {  	s3 =	sld [smem:$0x3FFD];
	_ =	sdelay $0x3  }
0x96: {  	_ =	strace s3  }
0x97: {  	_ =	strace $0x8FFFFFFF  }
0x98: {  	s19 =	sld [smem:$0x3FDB];
	_ =	sdelay $0x1  }
0x99: {  	s4 =	simm.s32 $_scs_section_size  }
0x9a: {  	s5 =	simm.s32 $_size__tile_overlayer_lowered;
	s6 =	simm.s32 $_tile_overlayer_lowered  }
0x9b: {  	s22 =	simm.s32 $0x1BFF;
	s21 =	sshll.u32 s6, $0x1;
	s3 =	sadd.s32 s4, s19  }
0x9c: {  	s7 =	simm.s32 $0x0;
	s20 =	sshll.u32 s5, $0x1;
	s5 =	sadd.s32 s21, s3  }
0x9d: {  	[timem:s7], [sflag:s22] =	dma.local [hbm:s5], s20  }
0x9e: {  	_ =	swait.ge [sflag:s22], s20  }
0x9f: {  	s4 =	ssub.s32 $0x0, s20;
	[sflag:s22] =	ssyncset.done $0x0  }
0xa0: {  	[sflag:s22] =	ssyncadd.s32 s4;
	_ =	sdelay $0x1  }
0xa1: {  	s23 =	simm.s32 $0x1B8B  }
0xa2: {  	_ =	swait.ge [sflag:s23], $0x1  }
0xa3: {  	[sflag:s23] =	ssyncset.done $0x0  }
0xa4: {  	s25 =	simm.s32 $0x1B8E;
	s24 =	sld [smem:$0x3FFE];
	[sflag:s23] =	ssyncadd.s32 $0xFFFFFFFF  }
0xa5: {  	s26 =	simm.s32 $execute0_lowered;
	[smem:$0x3FD2] =	sst s25  }
0xa6: {  	s5 =	sshll.u32 s26, $0x1;
	_ =	strace $0x80000046;
	[dreg:$0x1] =	wrdreg $0xFFFFFFFF  }
0xa7: {  	s28 =	simm.s32 $_size_execute0_lowered;
	s3 =	sadd.s32 s3, s5;
	[dreg:$0x0] =	wrdreg $0x0  }
0xa8: {  	s5 =	sshll.u32 s28, $0x1;
	[dreg:$0x2] =	wrdreg s3  }
0xa9: {  	[dreg:$0x3] =	wrdreg s5  }
0xaa: {  	[dreg:$0x4] =	wrdreg $0xC0  }
0xab: {  	_ =	task [dreg:s7], $0x5FFFF  }
0xac: {  	[dreg:$0x1] =	wrdreg $0xFFFFFFFF  }
0xad: {  	[dreg:$0x0] =	wrdreg $0x60  }
0xae: {  	[dreg:$0x2] =	wrdreg s24  }
0xaf: {  	[dreg:$0x3] =	wrdreg s2  }
0xb0: {  	[dreg:$0x4] =	wrdreg $0x30000  }
0xb1: {  	[dreg:$0x5] =	wrdreg $0x9  }
0xb2: {  	_ =	task.clear_ibuf [dreg:s7], $0x6FFFF;
	_ =	strace $0x90000046  }
0xb3: {  	s29 =	simm.s32 $0x9;
	_ =	strace $0x80000048  }
0xb4: {  	_ =	swait.ge [sflag:s29], $0x1  }
0xb5: {  	[sflag:s29] =	ssyncadd.s32 $0xFFFFFFFF  }
0xb6: {  	_ =	strace $0x90000048  }
0xb7: {  	_ =	sfence  }
0xb8: {  	s30 =	sld [smem:$0x0];
	_ =	sdelay $0x2  }
0xb9: {  	s31 =	sshll.u32 s1, $0xD;
	s1 =	sshrl.u32 s1, $0x2  }
0xba: {  	s3 =	sand.u32 $0x4000, s31;
	s1 =	sadd.s32 s1, s30  }
0xbb: {  	s0 =	sor.u32 s3, s0;
	s1 =	sshll.u32 s1, $0x11  }
0xbc: {  	s0 =	sor.u32 s1, s0  }
0xbd: {  	s0 =	sadd.s32 $0x8F2B, s0  }
0xbe: {  	[sflag:s0] =	ssyncadd.remote.s32 $0x1  }
0xbf: {  	_ =	sfence.sel $0xFFFF  }
0xc0: {  	[dreg:$0x0] =	wrdreg $0xFFFFFFFF;
	(pc) =	sbr.abs _section_cstart, $3  }
0xc1: {  	[dreg:$0x1] =	wrdreg $0xFFFFFFFF  }
0xc2: {  	_ =	task.clear_ibuf [dreg:s7], $0x2FFFF;
	_ =	strace $0x9FFFFFFF  }
0xc3: {  	(tm) =	ssettm $0x7FFFFFFF  }
tec
execute0_lowered:
.L_overlay_start_1:
0x0: {  	(tag) =	ssettag $0x1  }
0x1: {  	s4 =	rddreg [dreg:$0x0];
	s1 =	srdreg.scid  }
0x2: {  	s0 =	stileid.u32;
	s6 =	rddreg [dreg:$0x1]  }
0x3: {  	s2 =	rddreg [dreg:$0x2];
	s3 =	simm.s32 $0x0;
	s12 =	simm.s32 $0x2800  }
0x4: {  	s13 =	simm.s32 $0x3;
	s14 =	simm.s32 $0x1;
	s15 =	simm.s32 $0x80  }
0x5: {  	s16 =	simm.s32 $0x2;
	s17 =	simm.s32 $0x5800;
	s18 =	simm.s32 $0x8000  }
0x6: {  	s19 =	simm.s32 $0x0;
	s5 =	sand.u32 $0x1, s1;
	s9 =	smul.u32 $0x2800, s0  }
0x7: {  	s29 =	sshll.u32 s0, $0x1;
	s1 =	rddreg [dreg:$0x3];
	s11 =	smul.u32 $0xA000, s0  }
0x8: {  	s7 =	sor.u32 s5, s29;
	s8 =	smul.u32 $0x28000, s5;
	s5 =	ssub.s32 $0x2, s5  }
0x9: {  	[smem:$0x7FF] =	sst s3;
	s7 =	smul.u32 $0x2800, s7;
	s10 =	sshrl.u32 s5, $0x1  }
0xa: {  	_ =	strace $0x80000047;
	s31 =	sshrl.u32 s11, $0x2;
	s10 =	ssub.s32 s5, s10  }
0xb: {  	s30 =	sadd.s32 s9, s8;
	s5 =	sadd.s32 s31, s2;
	s7 =	sshrl.u32 s7, $0x3  }
0xc: {  	s8 =	sshrl.u32 s30, $0x3;
	s9 =	sadd.s32 $0x1000, s5;
	s11 =	sadd.s32 $0x2000, s5  }
0xd: {  	s4 =	sadd.s32 s4, s7;
	s6 =	sadd.s32 s6, s8;
	s7 =	smax.u32 s10, $0x1  }
0xe: {  	v0 =	vimm.f32 $0.0e+00;
	v1 =	vimm.f32 $1.000000000e+00;
	s8 =	sadd.s32 $0x800, s5;
	s10 =	sadd.s32 $0x1800, s5;
	s4 =	sadd.s32 $0xC200, s4  }
.LBB2_1:
0xf: {  	[tilespmem:s3], [sflag:$0x1] =	stream.linear.gather [hbm4b:s4+s3], $0x2800, $0x38;
	[tilespmem:$0xA800] =	vst v63  }
0x10: {  	s20 =	simm.s32 $0x40;
	s21 =	simm.s32 $0x0  }
.LBB2_2:
0x11: {  	p0 =	sne.s32 s20, $0x1FC0;
	[tilespmem:s21+$0x2800] =	vst v0;
	s21 =	smov.u32 s20;
	s20 =	sadd.s32 $0x40, s20  }
.Ltmp0:
0x12: {  	(pc) =	sbr.rel @p0 .LBB2_2-.Ltmp0, $2  }
0x13: {  	_ =	sdelay $0x2  }
0x14: {  	s21 =	sshra.s32 s21, $0x2  }
0x15: {  	[tilespmem:s21+$0x2800] =	vst v0  }
0x16: {  	[spmem:s5] =	stream.linear.scatter [tilespmem:s12], [sflag:$0x3], $0x800, $0x38;
	[tilespmem:$0xA800] =	vst v63  }
0x17: {  	_ =	swait.ge [sflag:s13], $0x800  }
0x18: {  	[sflag:s13] =	ssyncset.done $0x0  }
0x19: {  	[sflag:s13] =	ssyncadd.s32 $0xFFFFF800  }
0x1a: {  	[spmem:s8] =	stream.linear.scatter [tilespmem:s12], [sflag:$0x3], $0x800, $0x38;
	[tilespmem:$0xA800] =	vst v63  }
0x1b: {  	_ =	swait.ge [sflag:s13], $0x800  }
0x1c: {  	[sflag:s13] =	ssyncset.done $0x0  }
0x1d: {  	[sflag:s13] =	ssyncadd.s32 $0xFFFFF800  }
0x1e: {  	[spmem:s9] =	stream.linear.scatter [tilespmem:s12], [sflag:$0x3], $0x800, $0x38;
	[tilespmem:$0xA800] =	vst v63  }
0x1f: {  	_ =	swait.ge [sflag:s13], $0x800  }
0x20: {  	[sflag:s13] =	ssyncset.done $0x0  }
0x21: {  	[sflag:s13] =	ssyncadd.s32 $0xFFFFF800  }
0x22: {  	[spmem:s10] =	stream.linear.scatter [tilespmem:s12], [sflag:$0x3], $0x800, $0x38;
	[tilespmem:$0xA800] =	vst v63  }
0x23: {  	_ =	swait.ge [sflag:s13], $0x800  }
0x24: {  	[sflag:s13] =	ssyncset.done $0x0  }
0x25: {  	[sflag:s13] =	ssyncadd.s32 $0xFFFFF800  }
0x26: {  	[spmem:s11] =	stream.linear.scatter [tilespmem:s12], [sflag:$0x3], $0x800, $0x38;
	[tilespmem:$0xA800] =	vst v63  }
0x27: {  	_ =	swait.ge [sflag:s13], $0x800  }
0x28: {  	[sflag:s13] =	ssyncset.done $0x0  }
0x29: {  	s20 =	simm.s32 $0x40;
	s21 =	simm.s32 $0x0;
	[sflag:s13] =	ssyncadd.s32 $0xFFFFF800  }
.LBB2_4:
0x2a: {  	p0 =	sne.s32 s20, $0x1FC0;
	[tilespmem:s21+$0x2800] =	vst v1;
	s21 =	smov.u32 s20;
	s20 =	sadd.s32 $0x40, s20  }
.Ltmp1:
0x2b: {  	(pc) =	sbr.rel @p0 .LBB2_4-.Ltmp1, $2  }
0x2c: {  	_ =	sdelay $0x2  }
0x2d: {  	s21 =	sshra.s32 s21, $0x2  }
0x2e: {  	[tilespmem:s21+$0x2800] =	vst v1  }
0x2f: {  	_ =	swait.ge [sflag:s14], $0x2800  }
0x30: {  	[sflag:s14] =	ssyncset.done $0x0  }
0x31: {  	p0 =	por $0x1, $0x1;
	[sflag:s14] =	ssyncadd.s32 $0xFFFFD800  }
0x32: {  	s20 =	simm.s32 $0x0;
	s22 =	simm.s32 @!p0 $0x2;
	[bflag:$0x0] =	sbarrier.arrive $0xFFFF  }
0x33: {  	[spmem:s2] =	stream.indirect.scatter.add.f32 [tilespmem:s12], [sflag:$0x2], $0x10, s20, s15, $0xb8;
	[tilespmem:$0xA800] =	vst v63  }
0x34: {  	_ =	swait.ge @!p0 [sflag:s22], $0x800  }
0x35: {  	s21 =	simm.s32 $0x1;
	[sflag:s22] =	ssyncset.done @!p0 $0x0  }
.LBB2_6:
0x36: {  	[sflag:s22] =	ssyncadd.s32 @!p0 $0xFFFFF800  }
0x37: {  	s20 =	sadd.s32 $0x80, s20;
	s22 =	smov.u32 s21;
	s21 =	sadd.s32 $0x1, s21  }
0x38: {  	p1 =	sne.s32 s21, $0x50  }
0x39: {  	[spmem:s2] =	stream.indirect.scatter.add.f32 [tilespmem:s12], [sflag:$0x2], $0x10, s20, s15, $0xb8;
	[tilespmem:$0xA800] =	vst v63  }
.Ltmp2:
0x3a: {  	_ = 	snop;
	(pc) =	sbr.rel @p1 .LBB2_6-.Ltmp2, $4  }
0x3b: {  	p0 =	slt.u32 s22, $0x10  }
0x3c: {  	s22 =	simm.s32 @!p0 $0x2  }
0x3d: {  	_ =	swait.ge @!p0 [sflag:s22], $0x800  }
0x3e: {  	[sflag:s22] =	ssyncset.done @!p0 $0x0  }
0x3f: {  	[sflag:s22] =	ssyncadd.s32 @!p0 $0xFFFFF800  }
0x40: {  	_ =	swait.ge [sflag:s16], $0x800  }
0x41: {  	[sflag:s16] =	ssyncset.done $0x0  }
0x42: {  	[sflag:s16] =	ssyncadd.s32 $0xFFFFF800  }
0x43: {  	_ =	swait.ge [sflag:s16], $0x800  }
0x44: {  	[sflag:s16] =	ssyncset.done $0x0  }
0x45: {  	[sflag:s16] =	ssyncadd.s32 $0xFFFFF800  }
0x46: {  	_ =	swait.ge [sflag:s16], $0x800  }
0x47: {  	[sflag:s16] =	ssyncset.done $0x0  }
0x48: {  	[sflag:s16] =	ssyncadd.s32 $0xFFFFF800  }
0x49: {  	_ =	swait.ge [sflag:s16], $0x800  }
0x4a: {  	[sflag:s16] =	ssyncset.done $0x0  }
0x4b: {  	[sflag:s16] =	ssyncadd.s32 $0xFFFFF800  }
0x4c: {  	_ =	swait.ge [sflag:s16], $0x800  }
0x4d: {  	[sflag:s16] =	ssyncset.done $0x0  }
0x4e: {  	[sflag:s16] =	ssyncadd.s32 $0xFFFFF800  }
0x4f: {  	_ =	swait.ge [sflag:s16], $0x800  }
0x50: {  	[sflag:s16] =	ssyncset.done $0x0  }
0x51: {  	[sflag:s16] =	ssyncadd.s32 $0xFFFFF800  }
0x52: {  	_ =	swait.ge [sflag:s16], $0x800  }
0x53: {  	[sflag:s16] =	ssyncset.done $0x0  }
0x54: {  	[sflag:s16] =	ssyncadd.s32 $0xFFFFF800  }
0x55: {  	_ =	swait.ge [sflag:s16], $0x800  }
0x56: {  	[sflag:s16] =	ssyncset.done $0x0  }
0x57: {  	[sflag:s16] =	ssyncadd.s32 $0xFFFFF800  }
0x58: {  	_ =	swait.ge [sflag:s16], $0x800  }
0x59: {  	[sflag:s16] =	ssyncset.done $0x0  }
0x5a: {  	[sflag:s16] =	ssyncadd.s32 $0xFFFFF800  }
0x5b: {  	_ =	swait.ge [sflag:s16], $0x800  }
0x5c: {  	[sflag:s16] =	ssyncset.done $0x0  }
0x5d: {  	[sflag:s16] =	ssyncadd.s32 $0xFFFFF800  }
0x5e: {  	_ =	swait.ge [sflag:s16], $0x800  }
0x5f: {  	[sflag:s16] =	ssyncset.done $0x0  }
0x60: {  	[sflag:s16] =	ssyncadd.s32 $0xFFFFF800  }
0x61: {  	_ =	swait.ge [sflag:s16], $0x800  }
0x62: {  	[sflag:s16] =	ssyncset.done $0x0  }
0x63: {  	[sflag:s16] =	ssyncadd.s32 $0xFFFFF800  }
0x64: {  	_ =	swait.ge [sflag:s16], $0x800  }
0x65: {  	[sflag:s16] =	ssyncset.done $0x0  }
0x66: {  	[sflag:s16] =	ssyncadd.s32 $0xFFFFF800  }
0x67: {  	_ =	swait.ge [sflag:s16], $0x800  }
0x68: {  	[sflag:s16] =	ssyncset.done $0x0  }
0x69: {  	[sflag:s16] =	ssyncadd.s32 $0xFFFFF800  }
0x6a: {  	_ =	swait.ge [sflag:s16], $0x800  }
0x6b: {  	[sflag:s16] =	ssyncset.done $0x0  }
0x6c: {  	[sflag:s16] =	ssyncadd.s32 $0xFFFFF800  }
0x6d: {  	_ =	swait.ge [sflag:s16], $0x800  }
0x6e: {  	[sflag:s16] =	ssyncset.done $0x0  }
0x6f: {  	[sflag:s16] =	ssyncadd.s32 $0xFFFFF800  }
0x70: {  	[bflag:$0x0] =	sbarrier.arrive $0xFFFF  }
0x71: {  	[tilespmem:s17], [sflag:$0x3] =	stream.linear.gather [spmem:s5], $0x2800, $0x38;
	[tilespmem:$0xA800] =	vst v63  }
0x72: {  	_ =	swait.ge [sflag:s13], $0x2800  }
0x73: {  	[sflag:s13] =	ssyncset.done $0x0  }
0x74: {  	s20 =	simm.s32 $0x0;
	[sflag:s13] =	ssyncadd.s32 $0xFFFFD800  }
0x75: {  	v5 =	vld [tilespmem:s20+$0x5870]  }
0x76: {  	v6 =	vld [tilespmem:s20+$0x5800]  }
0x77: {  	v7 =	vld [tilespmem:s20+$0x5810]  }
0x78: {  	v4 =	vld [tilespmem:s20+$0x5820]  }
0x79: {  	v2 =	vld [tilespmem:s20+$0x5830]  }
0x7a: {  	v3 =	vld [tilespmem:s20+$0x5840];
	[tilespmem:s20+$0x8070] =	vst v5  }
0x7b: {  	[tilespmem:s20+$0x8000] =	vst v6;
	v5 =	vld [tilespmem:s20+$0x5850]  }
0x7c: {  	s21 =	simm.s32 $0x80;
	s22 =	simm.s32 $0x400;
	[tilespmem:s20+$0x8010] =	vst v7;
	v6 =	vld [tilespmem:s20+$0x5860]  }
.LBB2_8:
0x7d: {  	p0 =	sne.s32 s22, $0x9E00;
	v7 =	vld [tilespmem:s21+$0x5870];
	[tilespmem:s20+$0x8020] =	vst v4  }
0x7e: {  	v8 =	vld [tilespmem:s21+$0x5800];
	[tilespmem:s20+$0x8030] =	vst v2  }
0x7f: {  	v9 =	vld [tilespmem:s21+$0x5810];
	[tilespmem:s20+$0x8040] =	vst v3  }
.Ltmp3:
0x80: {  	v4 =	vld [tilespmem:s21+$0x5820];
	[tilespmem:s20+$0x8050] =	vst v5;
	(pc) =	sbr.rel @p0 .LBB2_8-.Ltmp3, $4  }
0x81: {  	v2 =	vld [tilespmem:s21+$0x5830];
	[tilespmem:s20+$0x8060] =	vst v6;
	s20 =	smov.u32 s21  }
0x82: {  	v3 =	vld [tilespmem:s20+$0x5840];
	[tilespmem:s20+$0x8070] =	vst v7  }
0x83: {  	[tilespmem:s20+$0x8000] =	vst v8;
	v5 =	vld [tilespmem:s20+$0x5850]  }
0x84: {  	s21 =	sshra.s32 s22, $0x2;
	s22 =	sadd.s32 $0x200, s22;
	[tilespmem:s20+$0x8010] =	vst v9;
	v6 =	vld [tilespmem:s20+$0x5860]  }
0x85: {  	v7 =	vld [tilespmem:s21+$0x5870];
	[tilespmem:s20+$0x8020] =	vst v4  }
0x86: {  	v4 =	vld [tilespmem:s21+$0x5800];
	[tilespmem:s20+$0x8030] =	vst v2  }
0x87: {  	v2 =	vld [tilespmem:s21+$0x5810];
	[tilespmem:s20+$0x8040] =	vst v3  }
0x88: {  	v3 =	vld [tilespmem:s21+$0x5820];
	[tilespmem:s20+$0x8050] =	vst v5  }
0x89: {  	v5 =	vld [tilespmem:s21+$0x5830];
	[tilespmem:s20+$0x8060] =	vst v6  }
0x8a: {  	v6 =	vld [tilespmem:s21+$0x5840];
	[tilespmem:s21+$0x8070] =	vst v7  }
0x8b: {  	v63 =	vld [tilespmem:s21+$0x5850];
	[tilespmem:s21+$0x8000] =	vst v4  }
0x8c: {  	[tilespmem:s21+$0x8010] =	vst v2;
	v2 =	vld [tilespmem:s21+$0x5860]  }
0x8d: {  	[tilespmem:s21+$0x8020] =	vst v3  }
0x8e: {  	[tilespmem:s21+$0x8030] =	vst v5  }
0x8f: {  	s19 =	sadd.s32 $0x1, s19;
	[tilespmem:s21+$0x8040] =	vst v6  }
0x90: {  	p0 =	sne.s32 s19, s7;
	[tilespmem:s21+$0x8050] =	vst v63  }
.Ltmp4:
0x91: {  	[tilespmem:s21+$0x8060] =	vst v2;
	(pc) =	sbr.rel @p0 .LBB2_1-.Ltmp4, $4  }
0x92: {  	[hbm4b:s6+s3] =	stream.linear.scatter [tilespmem:s18], [sflag:$0x3], $0x2800, $0x38;
	[tilespmem:$0xA800] =	vst v63  }
0x93: {  	_ =	swait.ge [sflag:s13], $0x2800  }
0x94: {  	[sflag:s13] =	ssyncset.done $0x0  }
0x95: {  	[sflag:s13] =	ssyncadd.s32 $0xFFFFD800  }
0x96: {  	_ =	sfence.sel $0x180000  }
0x97: {  	[bflag:$0x0] =	sbarrier.arrive $0xFFFF  }
0x98: {  	p0 =	sne.s32 s0, $0x0;
	_ =	strace $0x90000047  }
0x99: {  	s0 =	sadd.s32 @!p0 $0x100000, s1;
	[bflag:$0x2] =	sbarrier.arrive $0xFFFF  }
0x9a: {  	[sflag:s0] =	ssyncadd.tile.s32 @!p0 $0x1;
	_ =	shalt  }
.Lfunc_end2:
_tile_overlayer_lowered:
.L_overlay_start_2:
0x9b: {  	(tag) =	ssettag $0x2  }
0x9c: {  	s0 =	rddreg [dreg:$0x0];
	s2 =	stileid.u32  }
0x9d: {  	s1 =	rddreg [dreg:$0x1];
	p0 =	sne.s32 s2, $0x0  }
0x9e: {  	s3 =	rddreg [dreg:$0x2];
	[bflag:$0x3] =	sbarrier.arrive $0xFFFF;
	s2 =	simm.s32 @!p0 $0x1C03  }
0x9f: {  	[timem:s3], [sflag:s2] =	dma.local @!p0 [hbm:s0], s1  }
0xa0: {  	s0 =	simm.s32 @!p0 $0x3  }
0xa1: {  	_ =	swait.ge @!p0 [sflag:s0], s1  }
0xa2: {  	s1 =	ssub.s32 @!p0 $0x0, s1;
	[sflag:s0] =	ssyncset.done @!p0 $0x0  }
0xa3: {  	[sflag:s0] =	ssyncadd.s32 @!p0 s1  }
0xa4: {  	[bflag:$0x3] =	sbarrier.arrive $0xFFFF  }
0xa5: {  	_ =	shalt  }

</sc_bundles>
